<compile_context>
chip_gen: v7x
topology: tpu7x:2x2x1
jax: 0.10.2.dev20260603
libtpu: 0.0.44.dev20260713+nightly
codegen_flags: <defaults>
</compile_context>

<pallas_src>
import functools

import jax
import jax.numpy as jnp
from jax import lax
from jax.experimental import pallas as pl
from jax.experimental.pallas import tpu as pltpu
from jax.experimental.pallas import tpu_sc as plsc

N_NODES = 10000
N_EDGES = 320000
D = 128
HID = 256
DEG_W = 16

NC = 2
NS = 16
NW = NC * NS
E_PER_W = N_EDGES // NW
CHUNK = 80
STAGE_E = 2000
N_STAGES = E_PER_W // STAGE_E
SCH = STAGE_E // CHUNK
ROWS_PER_TILE = 624
TAIL_ROW0 = NS * ROWS_PER_TILE
TAIL_ROWS = N_NODES - TAIL_ROW0
ZROWS = 8
BLK = 1024
NBLK = -(-N_NODES // BLK)
DEG_PAD = NBLK * BLK

_MESH = plsc.VectorSubcoreMesh(
    core_axis_name="c", subcore_axis_name="s", num_cores=NC, num_subcores=NS
)


def _fill_rows(ref, nrows, ncols, value):
  vec = jnp.full((16,), value, jnp.float32)

  def body(r, _):
    for k in range(ncols // 16):
      ref[r, pl.ds(k * 16, 16)] = vec
    return 0

  lax.fori_loop(0, nrows, body, 0)


def _make_agg(with_deg):

  def body(x_hbm, src_hbm, dst_hbm, *rest):
    if with_deg:
      (out_hbm, deg_hbm, accum, src_stage0, dst_stage0, src_stage1,
       dst_stage1, dv0, dv1, dv2, rows0, rows1, rows2, deg_local, zero_v,
       gsem0, gsem1, gsem2, ssem0, ssem1, ssem2, isem0, isem1) = rest
    else:
      (out_hbm, accum, src_stage0, dst_stage0, src_stage1,
       dst_stage1, dv0, dv1, dv2, rows0, rows1, rows2, zero_v,
       gsem0, gsem1, gsem2, ssem0, ssem1, ssem2, isem0, isem1) = rest
    c = lax.axis_index("c")
    s = lax.axis_index("s")
    wid = (c * NS + s).astype(jnp.int32)
    row0 = s * ROWS_PER_TILE
    e0 = wid * E_PER_W

    sstages = (src_stage0, src_stage1)
    dstages = (dst_stage0, dst_stage1)
    isems = (isem0, isem1)

    def start_stage_load(st, sb):
      sbase = e0 + st * STAGE_E
      pltpu.async_copy(src_hbm.at[pl.ds(sbase, STAGE_E)], sstages[sb],
                       isems[sb])
      pltpu.async_copy(dst_hbm.at[pl.ds(sbase, STAGE_E)], dstages[sb],
                       isems[sb])

    def wait_stage_load(sb):
      pltpu.make_async_copy(src_hbm.at[pl.ds(0, STAGE_E)], sstages[sb],
                            isems[sb]).wait()
      pltpu.make_async_copy(dst_hbm.at[pl.ds(0, STAGE_E)], dstages[sb],
                            isems[sb]).wait()

    start_stage_load(0, 0)

    _fill_rows(zero_v, ZROWS, D, 0.0)
    if with_deg:
      zvec = jnp.zeros((16,), jnp.float32)

      def zdl(i, _):
        deg_local[0, pl.ds(i * 16, 16)] = zvec
        return 0

      lax.fori_loop(0, DEG_PAD // 16, zdl, 0)

    def zloop(i, _):
      pltpu.async_copy(zero_v, accum.at[pl.ds(row0 + i * ZROWS, ZROWS)],
                       gsem0)
      return 0

    lax.fori_loop(0, ROWS_PER_TILE // ZROWS, zloop, 0)

    @pl.when(s == NS - 1)
    def _zero_tail():
      for h in range(TAIL_ROWS // ZROWS):
        pltpu.async_copy(
            zero_v, accum.at[pl.ds(TAIL_ROW0 + h * ZROWS, ZROWS)], gsem0
        )

    def zdrain(i, _):
      pltpu.make_async_copy(
          zero_v, accum.at[pl.ds(row0, ZROWS)], gsem0
      ).wait()
      return 0

    lax.fori_loop(0, ROWS_PER_TILE // ZROWS, zdrain, 0)

    @pl.when(s == NS - 1)
    def _zdrain_tail():
      for h in range(TAIL_ROWS // ZROWS):
        pltpu.make_async_copy(
            zero_v, accum.at[pl.ds(TAIL_ROW0 + h * ZROWS, ZROWS)], gsem0
        ).wait()

    plsc.subcore_barrier()

    dvs = (dv0, dv1, dv2)
    rows = (rows0, rows1, rows2)
    gsems = (gsem0, gsem1, gsem2)
    ssems = (ssem0, ssem1, ssem2)

    def make_set_window(dst_stage):
      def set_window(k, b):
        for t in range(CHUNK // 16):
          off = k * CHUNK + t * 16
          dvs[b][pl.ds(t * 16, 16)] = dst_stage[pl.ds(off, 16)]
      return set_window

    def make_start_gather(src_stage, set_window):
      def start_gather(k, b):
        set_window(k, b)
        pltpu.async_copy(
            x_hbm.at[src_stage.at[pl.ds(k * CHUNK, CHUNK)]], rows[b],
            gsems[b]
        )
      return start_gather

    def wait_gather(b):
      pltpu.make_async_copy(
          x_hbm.at[pl.ds(0, CHUNK)], rows[b], gsems[b]
      ).wait()

    def wait_scatter(b):
      pltpu.make_async_copy(rows[b], accum.at[dvs[b]], ssems[b]).wait()

    def consume(b):
      if with_deg:
        one16 = jnp.ones((16,), jnp.float32)
        zrow = jnp.zeros((16,), jnp.int32)
        for kk in range(CHUNK // 16):
          dvec = dvs[b][pl.ds(kk * 16, 16)]
          plsc.addupdate_scatter(deg_local, [zrow, dvec], one16)
      wait_gather(b)
      pltpu.async_copy(rows[b], accum.at[dvs[b]], ssems[b], add=True)

    def run_stage(sb, st):
      set_window = make_set_window(dstages[sb])
      start_gather = make_start_gather(sstages[sb], set_window)

      def full_body(k, b, first):
        if not first:
          wait_scatter(b)
        start_gather(k, b)
        consume((b + 1) % 3)

      wait_stage_load(sb)

      @pl.when(st < N_STAGES - 1)
      def _prefetch():
        start_stage_load(st + 1, 1 - sb)

      start_gather(0, 0)
      start_gather(1, 1)
      full_body(2, 2, True)

      def trip_body(t, _):
        kb = 3 + 3 * t
        full_body(kb, 0, False)
        full_body(kb + 1, 1, False)
        full_body(kb + 2, 2, False)
        return 0

      lax.fori_loop(0, (SCH - 4) // 3, trip_body, 0)
      full_body(SCH - 1, (SCH - 1) % 3, False)
      consume((SCH - 2) % 3)
      consume((SCH - 1) % 3)
      for b in range(3):
        wait_scatter(b)

    def stage_pair(p, _):
      run_stage(0, 2 * p)
      run_stage(1, 2 * p + 1)
      return 0

    lax.fori_loop(0, N_STAGES // 2, stage_pair, 0)
    if N_STAGES % 2:
      run_stage(0, N_STAGES - 1)
    plsc.subcore_barrier()

    pltpu.sync_copy(
        accum.at[pl.ds(row0, ROWS_PER_TILE)],
        out_hbm.at[c, pl.ds(row0, ROWS_PER_TILE)],
    )
    if with_deg:
      pltpu.sync_copy(deg_local, deg_hbm.at[wid])

    @pl.when(s == NS - 1)
    def _copy_tail():
      pltpu.sync_copy(
          accum.at[pl.ds(TAIL_ROW0, TAIL_ROWS)],
          out_hbm.at[c, pl.ds(TAIL_ROW0, TAIL_ROWS)],
      )

  out_type = [jax.ShapeDtypeStruct((NC, N_NODES, D), jnp.float32)]
  if with_deg:
    out_type.append(jax.ShapeDtypeStruct((NW, 1, DEG_PAD), jnp.float32))
  scratch = [
      pltpu.VMEM_SHARED((N_NODES, D), jnp.float32),
  ]
  scratch += [pltpu.VMEM((STAGE_E,), jnp.int32)] * 4
  scratch += [pltpu.VMEM((CHUNK,), jnp.int32)] * 3
  scratch += [pltpu.VMEM((CHUNK, D), jnp.float32)] * 3
  if with_deg:
    scratch.append(pltpu.VMEM((1, DEG_PAD), jnp.float32))
  scratch.append(pltpu.VMEM((ZROWS, D), jnp.float32))
  scratch += [pltpu.SemaphoreType.DMA] * 8

  return pl.kernel(
      body,
      out_type=tuple(out_type),
      mesh=_MESH,
      scratch_types=tuple(scratch),
      name="sage_agg_deg" if with_deg else "sage_agg",
      compiler_params=pltpu.CompilerParams(needs_layout_passes=False),
  )


_agg_with_deg = _make_agg(True)
_agg_plain = _make_agg(False)


def _hself_body(x_ref, ws1_ref, b1_ref, hs_ref):
  hs_ref[...] = x_ref[...] @ ws1_ref[...] + b1_ref[...]


_hself = pl.pallas_call(
    _hself_body,
    grid=(NBLK,),
    in_specs=[
        pl.BlockSpec((BLK, D), lambda i: (i, 0)),
        pl.BlockSpec((D, HID), lambda i: (0, 0)),
        pl.BlockSpec((1, HID), lambda i: (0, 0)),
    ],
    out_specs=pl.BlockSpec((BLK, HID), lambda i: (i, 0)),
    out_shape=jax.ShapeDtypeStruct((N_NODES, HID), jnp.float32),
)


def _mlp_body(hs_ref, s1a_ref, s1b_ref, degp_ref, wn1_ref,
              ws2_ref, wn2_ref, b2_ref, z2_ref, self2_ref, inv_ref):
  deg = jnp.sum(degp_ref[:, 0, :], axis=0)[:, None]
  inv = 1.0 / jnp.maximum(deg, 1.0)
  hn = (s1a_ref[...] + s1b_ref[...]) * inv
  h = jnp.maximum(hs_ref[...] + hn @ wn1_ref[...], 0.0)
  z2_ref[...] = h @ wn2_ref[...]
  self2_ref[...] = h @ ws2_ref[...] + b2_ref[...]
  inv_ref[...] = jnp.broadcast_to(inv, (BLK, DEG_W))


def _row_spec(cols):
  return pl.BlockSpec((BLK, cols), lambda i: (i, 0))


def _full_spec(r, c):
  return pl.BlockSpec((r, c), lambda i: (0, 0))


_mlp = pl.pallas_call(
    _mlp_body,
    grid=(NBLK,),
    in_specs=[
        pl.BlockSpec((BLK, HID), lambda i: (i, 0)),
        _row_spec(D), _row_spec(D),
        pl.BlockSpec((NW, 1, BLK), lambda i: (0, 0, i)),
        _full_spec(D, HID),
        _full_spec(HID, D), _full_spec(HID, D), _full_spec(1, D),
    ],
    out_specs=[_row_spec(D), _row_spec(D), _row_spec(DEG_W)],
    out_shape=[
        jax.ShapeDtypeStruct((N_NODES, D), jnp.float32),
        jax.ShapeDtypeStruct((N_NODES, D), jnp.float32),
        jax.ShapeDtypeStruct((N_NODES, DEG_W), jnp.float32),
    ],
)


def _fin_body(self2_ref, s2a_ref, s2b_ref, inv_ref, out_ref):
  out_ref[...] = (
      self2_ref[...]
      + (s2a_ref[...] + s2b_ref[...]) * inv_ref[...][:, :1]
  )


_fin = pl.pallas_call(
    _fin_body,
    grid=(NBLK,),
    in_specs=[_row_spec(D), _row_spec(D), _row_spec(D), _row_spec(DEG_W)],
    out_specs=_row_spec(D),
    out_shape=jax.ShapeDtypeStruct((N_NODES, D), jnp.float32),
)


def kernel(features, edge_index, W_self1, W_neigh1, b1, W_self2, W_neigh2,
           b2):
  src = edge_index[0].astype(jnp.int32)
  dst = edge_index[1].astype(jnp.int32)

  hs = _hself(features, W_self1, b1.reshape(1, HID))
  s1p, degp = _agg_with_deg(features, src, dst)
  z2, self2, inv = _mlp(
      hs, s1p[0], s1p[1], degp,
      W_neigh1, W_self2, W_neigh2, b2.reshape(1, D),
  )
  (s2p,) = _agg_plain(z2, src, dst)
  return _fin(self2, s2p[0], s2p[1], inv)

# --- scband reference (transcript-rebuilt; emitter-appended) ---
"""Pipeline reference for scband-your-gnnmodel-39943195852813 (READ-ONLY COPY).

The authoritative reference and input builder live on the scoring server;
editing this copy changes nothing except your own understanding.
"""

import jax, jax.numpy as jnp
import numpy as np

N_NODES = 10000
N_EDGES = 320000
IN_SIZE = 128
HID_SIZE = 256
OUT_SIZE = 128


def setup_inputs(seed: int = 0) -> dict:
    key = jax.random.key(seed)
    ks = jax.random.split(key, 8)
    features = jax.random.normal(ks[0], (N_NODES, IN_SIZE), dtype=jnp.float32)
    edge_index = jax.random.randint(ks[1], (2, N_EDGES), 0, N_NODES, dtype=jnp.int64)
    s1 = 1.0 / np.sqrt(IN_SIZE)
    s2 = 1.0 / np.sqrt(HID_SIZE)
    W_self1 = jax.random.uniform(ks[2], (IN_SIZE, HID_SIZE), jnp.float32, -s1, s1)
    W_neigh1 = jax.random.uniform(ks[3], (IN_SIZE, HID_SIZE), jnp.float32, -s1, s1)
    b1 = jnp.zeros((HID_SIZE,), dtype=jnp.float32)
    W_self2 = jax.random.uniform(ks[4], (HID_SIZE, OUT_SIZE), jnp.float32, -s2, s2)
    W_neigh2 = jax.random.uniform(ks[5], (HID_SIZE, OUT_SIZE), jnp.float32, -s2, s2)
    b2 = jnp.zeros((OUT_SIZE,), dtype=jnp.float32)
    return {
        "features": features,
        "edge_index": edge_index,
        "W_self1": W_self1,
        "W_neigh1": W_neigh1,
        "b1": b1,
        "W_self2": W_self2,
        "W_neigh2": W_neigh2,
        "b2": b2,
    }


def _sage_mean_layer(x, edge_index, W_self, W_neigh, b):
    src = edge_index[0]
    dst = edge_index[1]
    msgs = jnp.take(x, src, axis=0)
    summed = jax.ops.segment_sum(msgs, dst, num_segments=N_NODES)
    deg = jax.ops.segment_sum(jnp.ones((msgs.shape[0],), dtype=x.dtype), dst, num_segments=N_NODES)
    h_neigh = summed / jnp.clip(deg, 1.0, None)[:, None]
    return x @ W_self + h_neigh @ W_neigh + b


def reference(features, edge_index, W_self1, W_neigh1, b1, W_self2, W_neigh2, b2):
    # Layer 1: SAGEConv(mean) with relu activation
    h = _sage_mean_layer(features, edge_index, W_self1, W_neigh1, b1)
    h = jax.nn.relu(h)
    # Dropout is identity in eval mode
    # Layer 2: SAGEConv(mean), no activation
    out = _sage_mean_layer(h, edge_index, W_self2, W_neigh2, b2)
    return out

if __name__ == "__main__":
    import jax
    _d = setup_inputs()
    print(jax.jit(kernel)(*tuple(_d.values())))

</pallas_src>

<mosaic_0001>
#map = affine_map<(d0, d1) -> (0, 0)>
#map1 = affine_map<(d0, d1) -> (0)>
#map2 = affine_map<(d0, d1) -> (0, 0, 0)>
module attributes {stable_mosaic.version = 14 : i64} {
  func.func @sage_agg(%arg0: i32, %arg1: i32, %arg2: memref<10000x128xf32, #tpu.memory_space<hbm>>, %arg3: memref<320000xi32, #tpu.memory_space<hbm>>, %arg4: memref<320000xi32, #tpu.memory_space<hbm>>, %arg5: memref<2x10000x128xf32, #tpu.memory_space<hbm>>, %arg6: memref<10000x128xf32, #tpu.memory_space<vmem_shared>>, %arg7: memref<2000xi32, #tpu.memory_space<vmem>>, %arg8: memref<2000xi32, #tpu.memory_space<vmem>>, %arg9: memref<2000xi32, #tpu.memory_space<vmem>>, %arg10: memref<2000xi32, #tpu.memory_space<vmem>>, %arg11: memref<80xi32, #tpu.memory_space<vmem>>, %arg12: memref<80xi32, #tpu.memory_space<vmem>>, %arg13: memref<80xi32, #tpu.memory_space<vmem>>, %arg14: memref<80x128xf32, #tpu.memory_space<vmem>>, %arg15: memref<80x128xf32, #tpu.memory_space<vmem>>, %arg16: memref<80x128xf32, #tpu.memory_space<vmem>>, %arg17: memref<8x128xf32, #tpu.memory_space<vmem>>, %arg18: memref<!tpu.dma_semaphore, #tpu.memory_space<semaphore_mem>>, %arg19: memref<!tpu.dma_semaphore, #tpu.memory_space<semaphore_mem>>, %arg20: memref<!tpu.dma_semaphore, #tpu.memory_space<semaphore_mem>>, %arg21: memref<!tpu.dma_semaphore, #tpu.memory_space<semaphore_mem>>, %arg22: memref<!tpu.dma_semaphore, #tpu.memory_space<semaphore_mem>>, %arg23: memref<!tpu.dma_semaphore, #tpu.memory_space<semaphore_mem>>, %arg24: memref<!tpu.dma_semaphore, #tpu.memory_space<semaphore_mem>>, %arg25: memref<!tpu.dma_semaphore, #tpu.memory_space<semaphore_mem>>) attributes {dimension_semantics = [#tpu.dimension_semantics<core_parallel>, #tpu.dimension_semantics<subcore_parallel>], iteration_bounds = array<i64: 2, 16>, scalar_prefetch = 0 : i64, scratch_operands = 20 : i64, tpu.core_type = #tpu.core_type<sc_vector_subcore>, window_params = [{transform_indices = #map}, {transform_indices = #map1}, {transform_indices = #map1}, {transform_indices = #map2}]} {
    %mul3A = arith.constant 16 : i32
    %mul3A_0 = arith.muli %arg0, %mul3A : i32
    %add3A = arith.addi %mul3A_0, %arg1 : i32
    %mul3A_1 = arith.constant 624 : i32
    %mul3A_2 = arith.muli %arg1, %mul3A_1 : i32
    %mul3A_3 = arith.constant 10000 : i32
    %mul3A_4 = arith.muli %add3A, %mul3A_3 : i32
    %add3A_5 = arith.constant 0 : i32
    %add3A_6 = arith.addi %mul3A_4, %add3A_5 : i32
    %dma_start3A = tpu.memref_slice %arg3[%add3A_6] : memref<320000xi32, #tpu.memory_space<hbm>> -> memref<2000xi32, #tpu.memory_space<hbm>>
    %dma_start3A_7 = tpu.memref_slice %arg3[%add3A_6] : memref<320000xi32, #tpu.memory_space<hbm>> -> memref<2000xi32, #tpu.memory_space<hbm>>
    tpu.enqueue_dma source(%dma_start3A_7 : memref<2000xi32, #tpu.memory_space<hbm>>) target(%arg7 : memref<2000xi32, #tpu.memory_space<vmem>>) target_semaphore(%arg24 : memref<!tpu.dma_semaphore, #tpu.memory_space<semaphore_mem>>)
    %dma_start3A_8 = tpu.memref_slice %arg4[%add3A_6] : memref<320000xi32, #tpu.memory_space<hbm>> -> memref<2000xi32, #tpu.memory_space<hbm>>
    %dma_start3A_9 = tpu.memref_slice %arg4[%add3A_6] : memref<320000xi32, #tpu.memory_space<hbm>> -> memref<2000xi32, #tpu.memory_space<hbm>>
    tpu.enqueue_dma source(%dma_start3A_9 : memref<2000xi32, #tpu.memory_space<hbm>>) target(%arg8 : memref<2000xi32, #tpu.memory_space<vmem>>) target_semaphore(%arg24 : memref<!tpu.dma_semaphore, #tpu.memory_space<semaphore_mem>>)
    %broadcast_in_dim3A = arith.constant 0.000000e+00 : f32
    %broadcast_in_dim3A_10 = vector.broadcast %broadcast_in_dim3A : f32 to vector<16xf32>
    %scan3A = arith.constant 0 : i32
    %scan3A_11 = arith.constant 0 : i32
    %scan3A_12 = arith.constant 8 : i32
    %scan3A_13 = arith.addi %scan3A_11, %scan3A_12 : i32
    %scan3A_14 = arith.constant 1 : i32
    %scan3A_15 = scf.for %scan3A_211 = %scan3A_11 to %scan3A_13 step %scan3A_14 iter_args(%scan3A_212 = %scan3A) -> (i32)  : i32 {
      %swap3A_213 = arith.index_cast %scan3A_211 : i32 to index
      %swap3A_214 = arith.constant 0 : index
      %swap3A_215 = tpu.vector_load %arg17[%swap3A_213, %swap3A_214] {strides = array<i32>} : memref<8x128xf32, #tpu.memory_space<vmem>>, vector<16xf32>,
      tpu.vector_store %arg17[%swap3A_213, %swap3A_214], %broadcast_in_dim3A_10 {strides = array<i32>} : memref<8x128xf32, #tpu.memory_space<vmem>>, vector<16xf32>,
      %swap3A_216 = arith.index_cast %scan3A_211 : i32 to index
      %swap3A_217 = arith.constant 16 : index
      %swap3A_218 = tpu.vector_load %arg17[%swap3A_216, %swap3A_217] {strides = array<i32>} : memref<8x128xf32, #tpu.memory_space<vmem>>, vector<16xf32>,
      tpu.vector_store %arg17[%swap3A_216, %swap3A_217], %broadcast_in_dim3A_10 {strides = array<i32>} : memref<8x128xf32, #tpu.memory_space<vmem>>, vector<16xf32>,
      %swap3A_219 = arith.index_cast %scan3A_211 : i32 to index
      %swap3A_220 = arith.constant 32 : index
      %swap3A_221 = tpu.vector_load %arg17[%swap3A_219, %swap3A_220] {strides = array<i32>} : memref<8x128xf32, #tpu.memory_space<vmem>>, vector<16xf32>,
      tpu.vector_store %arg17[%swap3A_219, %swap3A_220], %broadcast_in_dim3A_10 {strides = array<i32>} : memref<8x128xf32, #tpu.memory_space<vmem>>, vector<16xf32>,
      %swap3A_222 = arith.index_cast %scan3A_211 : i32 to index
      %swap3A_223 = arith.constant 48 : index
      %swap3A_224 = tpu.vector_load %arg17[%swap3A_222, %swap3A_223] {strides = array<i32>} : memref<8x128xf32, #tpu.memory_space<vmem>>, vector<16xf32>,
      tpu.vector_store %arg17[%swap3A_222, %swap3A_223], %broadcast_in_dim3A_10 {strides = array<i32>} : memref<8x128xf32, #tpu.memory_space<vmem>>, vector<16xf32>,
      %swap3A_225 = arith.index_cast %scan3A_211 : i32 to index
      %swap3A_226 = arith.constant 64 : index
      %swap3A_227 = tpu.vector_load %arg17[%swap3A_225, %swap3A_226] {strides = array<i32>} : memref<8x128xf32, #tpu.memory_space<vmem>>, vector<16xf32>,
      tpu.vector_store %arg17[%swap3A_225, %swap3A_226], %broadcast_in_dim3A_10 {strides = array<i32>} : memref<8x128xf32, #tpu.memory_space<vmem>>, vector<16xf32>,
      %swap3A_228 = arith.index_cast %scan3A_211 : i32 to index
      %swap3A_229 = arith.constant 80 : index
      %swap3A_230 = tpu.vector_load %arg17[%swap3A_228, %swap3A_229] {strides = array<i32>} : memref<8x128xf32, #tpu.memory_space<vmem>>, vector<16xf32>,
      tpu.vector_store %arg17[%swap3A_228, %swap3A_229], %broadcast_in_dim3A_10 {strides = array<i32>} : memref<8x128xf32, #tpu.memory_space<vmem>>, vector<16xf32>,
      %swap3A_231 = arith.index_cast %scan3A_211 : i32 to index
      %swap3A_232 = arith.constant 96 : index
      %swap3A_233 = tpu.vector_load %arg17[%swap3A_231, %swap3A_232] {strides = array<i32>} : memref<8x128xf32, #tpu.memory_space<vmem>>, vector<16xf32>,
      tpu.vector_store %arg17[%swap3A_231, %swap3A_232], %broadcast_in_dim3A_10 {strides = array<i32>} : memref<8x128xf32, #tpu.memory_space<vmem>>, vector<16xf32>,
      %swap3A_234 = arith.index_cast %scan3A_211 : i32 to index
      %swap3A_235 = arith.constant 112 : index
      %swap3A_236 = tpu.vector_load %arg17[%swap3A_234, %swap3A_235] {strides = array<i32>} : memref<8x128xf32, #tpu.memory_space<vmem>>, vector<16xf32>,
      tpu.vector_store %arg17[%swap3A_234, %swap3A_235], %broadcast_in_dim3A_10 {strides = array<i32>} : memref<8x128xf32, #tpu.memory_space<vmem>>, vector<16xf32>,
      %scan3A_237 = arith.constant 0 : i32
      scf.yield %scan3A_237 : i32
    }
    %scan3A_16 = arith.constant 8 : i32
    %scan3A_17 = arith.constant 0 : i32
    %scan3A_18 = arith.constant 0 : i32
    %scan3A_19 = arith.constant 78 : i32
    %scan3A_20 = arith.addi %scan3A_18, %scan3A_19 : i32
    %scan3A_21 = arith.constant 1 : i32
    %scan3A_22 = scf.for %scan3A_211 = %scan3A_18 to %scan3A_20 step %scan3A_21 iter_args(%scan3A_212 = %scan3A_17) -> (i32)  : i32 {
      %mul3A_213 = arith.constant 8 : i32
      %mul3A_214 = arith.muli %scan3A_211, %mul3A_213 : i32
      %add3A_215 = arith.addi %mul3A_2, %mul3A_214 : i32
      %dma_start3A_216 = arith.constant 0 : i32
      %dma_start3A_217 = tpu.memref_slice %arg6[%add3A_215, %dma_start3A_216] : memref<10000x128xf32, #tpu.memory_space<vmem_shared>> -> memref<8x128xf32, #tpu.memory_space<vmem_shared>>
      %dma_start3A_218 = arith.constant 0 : i32
      %dma_start3A_219 = tpu.memref_slice %arg6[%add3A_215, %dma_start3A_218] : memref<10000x128xf32, #tpu.memory_space<vmem_shared>> -> memref<8x128xf32, #tpu.memory_space<vmem_shared>>
      tpu.enqueue_dma source(%arg17 : memref<8x128xf32, #tpu.memory_space<vmem>>) target(%dma_start3A_219 : memref<8x128xf32, #tpu.memory_space<vmem_shared>>) target_semaphore(%arg18 : memref<!tpu.dma_semaphore, #tpu.memory_space<semaphore_mem>>)
      %scan3A_220 = arith.constant 0 : i32
      scf.yield %scan3A_220 : i32
    }
    %scan3A_23 = arith.constant 78 : i32
    %eq3A = arith.constant 15 : i32
    %eq3A_24 = arith.cmpi eq, %arg1, %eq3A : i32
    %convert_element_type3A = arith.extui %eq3A_24 : i1 to i32
    %cond3A = arith.constant 0 : i32
    %cond3A_25 = arith.cmpi ne, %convert_element_type3A, %cond3A : i32
    scf.if %cond3A_25 {
      %dma_start3A_211 = arith.constant 9984 : i32
      %dma_start3A_212 = arith.constant 0 : i32
      %dma_start3A_213 = tpu.memref_slice %arg6[%dma_start3A_211, %dma_start3A_212] : memref<10000x128xf32, #tpu.memory_space<vmem_shared>> -> memref<8x128xf32, #tpu.memory_space<vmem_shared>>
      %dma_start3A_214 = arith.constant 9984 : i32
      %dma_start3A_215 = arith.constant 0 : i32
      %dma_start3A_216 = tpu.memref_slice %arg6[%dma_start3A_214, %dma_start3A_215] : memref<10000x128xf32, #tpu.memory_space<vmem_shared>> -> memref<8x128xf32, #tpu.memory_space<vmem_shared>>
      tpu.enqueue_dma source(%arg17 : memref<8x128xf32, #tpu.memory_space<vmem>>) target(%dma_start3A_216 : memref<8x128xf32, #tpu.memory_space<vmem_shared>>) target_semaphore(%arg18 : memref<!tpu.dma_semaphore, #tpu.memory_space<semaphore_mem>>)
      %dma_start3A_217 = arith.constant 9992 : i32
      %dma_start3A_218 = arith.constant 0 : i32
      %dma_start3A_219 = tpu.memref_slice %arg6[%dma_start3A_217, %dma_start3A_218] : memref<10000x128xf32, #tpu.memory_space<vmem_shared>> -> memref<8x128xf32, #tpu.memory_space<vmem_shared>>
      %dma_start3A_220 = arith.constant 9992 : i32
      %dma_start3A_221 = arith.constant 0 : i32
      %dma_start3A_222 = tpu.memref_slice %arg6[%dma_start3A_220, %dma_start3A_221] : memref<10000x128xf32, #tpu.memory_space<vmem_shared>> -> memref<8x128xf32, #tpu.memory_space<vmem_shared>>
      tpu.enqueue_dma source(%arg17 : memref<8x128xf32, #tpu.memory_space<vmem>>) target(%dma_start3A_222 : memref<8x128xf32, #tpu.memory_space<vmem_shared>>) target_semaphore(%arg18 : memref<!tpu.dma_semaphore, #tpu.memory_space<semaphore_mem>>)
    } else {
    }
    %scan3A_26 = arith.constant 0 : i32
    %scan3A_27 = arith.constant 0 : i32
    %scan3A_28 = arith.constant 78 : i32
    %scan3A_29 = arith.addi %scan3A_27, %scan3A_28 : i32
    %scan3A_30 = arith.constant 1 : i32
    %scan3A_31 = scf.for %scan3A_211 = %scan3A_27 to %scan3A_29 step %scan3A_30 iter_args(%scan3A_212 = %scan3A_26) -> (i32)  : i32 {
      %dma_wait3A_213 = arith.constant 0 : i32
      %dma_wait3A_214 = tpu.memref_slice %arg6[%mul3A_2, %dma_wait3A_213] : memref<10000x128xf32, #tpu.memory_space<vmem_shared>> -> memref<8x128xf32, #tpu.memory_space<vmem_shared>>
      %dma_wait3A_215 = arith.constant 0 : i32
      %dma_wait3A_216 = tpu.memref_slice %arg6[%mul3A_2, %dma_wait3A_215] : memref<10000x128xf32, #tpu.memory_space<vmem_shared>> -> memref<8x128xf32, #tpu.memory_space<vmem_shared>>
      tpu.wait_dma2 semaphore(%arg18 : memref<!tpu.dma_semaphore, #tpu.memory_space<semaphore_mem>>) src(%arg17 : memref<8x128xf32, #tpu.memory_space<vmem>>) dst(%dma_wait3A_216 : memref<8x128xf32, #tpu.memory_space<vmem_shared>>)
      %scan3A_217 = arith.constant 0 : i32
      scf.yield %scan3A_217 : i32
    }
    %scan3A_32 = arith.constant 78 : i32
    %eq3A_33 = arith.constant 15 : i32
    %eq3A_34 = arith.cmpi eq, %arg1, %eq3A_33 : i32
    %convert_element_type3A_35 = arith.extui %eq3A_34 : i1 to i32
    %cond3A_36 = arith.constant 0 : i32
    %cond3A_37 = arith.cmpi ne, %convert_element_type3A_35, %cond3A_36 : i32
    scf.if %cond3A_37 {
      %dma_wait3A_211 = arith.constant 9984 : i32
      %dma_wait3A_212 = arith.constant 0 : i32
      %dma_wait3A_213 = tpu.memref_slice %arg6[%dma_wait3A_211, %dma_wait3A_212] : memref<10000x128xf32, #tpu.memory_space<vmem_shared>> -> memref<8x128xf32, #tpu.memory_space<vmem_shared>>
      %dma_wait3A_214 = arith.constant 9984 : i32
      %dma_wait3A_215 = arith.constant 0 : i32
      %dma_wait3A_216 = tpu.memref_slice %arg6[%dma_wait3A_214, %dma_wait3A_215] : memref<10000x128xf32, #tpu.memory_space<vmem_shared>> -> memref<8x128xf32, #tpu.memory_space<vmem_shared>>
      tpu.wait_dma2 semaphore(%arg18 : memref<!tpu.dma_semaphore, #tpu.memory_space<semaphore_mem>>) src(%arg17 : memref<8x128xf32, #tpu.memory_space<vmem>>) dst(%dma_wait3A_216 : memref<8x128xf32, #tpu.memory_space<vmem_shared>>)
      %dma_wait3A_217 = arith.constant 9992 : i32
      %dma_wait3A_218 = arith.constant 0 : i32
      %dma_wait3A_219 = tpu.memref_slice %arg6[%dma_wait3A_217, %dma_wait3A_218] : memref<10000x128xf32, #tpu.memory_space<vmem_shared>> -> memref<8x128xf32, #tpu.memory_space<vmem_shared>>
      %dma_wait3A_220 = arith.constant 9992 : i32
      %dma_wait3A_221 = arith.constant 0 : i32
      %dma_wait3A_222 = tpu.memref_slice %arg6[%dma_wait3A_220, %dma_wait3A_221] : memref<10000x128xf32, #tpu.memory_space<vmem_shared>> -> memref<8x128xf32, #tpu.memory_space<vmem_shared>>
      tpu.wait_dma2 semaphore(%arg18 : memref<!tpu.dma_semaphore, #tpu.memory_space<semaphore_mem>>) src(%arg17 : memref<8x128xf32, #tpu.memory_space<vmem>>) dst(%dma_wait3A_222 : memref<8x128xf32, #tpu.memory_space<vmem_shared>>)
    } else {
    }
    %barrier3A = arith.constant 0 : index
    tpu.barrier barrier_id(%barrier3A)
    %scan3A_38 = arith.constant 0 : i32
    %scan3A_39 = arith.constant 0 : i32
    %scan3A_40 = arith.constant 2 : i32
    %scan3A_41 = arith.addi %scan3A_39, %scan3A_40 : i32
    %scan3A_42 = arith.constant 1 : i32
    %scan3A_43 = scf.for %scan3A_211 = %scan3A_39 to %scan3A_41 step %scan3A_42 iter_args(%scan3A_212 = %scan3A_38) -> (i32)  : i32 {
      %mul3A_213 = arith.constant 2 : i32
      %mul3A_214 = arith.muli %mul3A_213, %scan3A_211 : i32
      %dma_wait3A_215 = arith.constant 0 : i32
      %dma_wait3A_216 = tpu.memref_slice %arg3[%dma_wait3A_215] : memref<320000xi32, #tpu.memory_space<hbm>> -> memref<2000xi32, #tpu.memory_space<hbm>>
      %dma_wait3A_217 = arith.constant 0 : i32
      %dma_wait3A_218 = tpu.memref_slice %arg3[%dma_wait3A_217] : memref<320000xi32, #tpu.memory_space<hbm>> -> memref<2000xi32, #tpu.memory_space<hbm>>
      tpu.wait_dma2 semaphore(%arg24 : memref<!tpu.dma_semaphore, #tpu.memory_space<semaphore_mem>>) src(%dma_wait3A_218 : memref<2000xi32, #tpu.memory_space<hbm>>) dst(%arg7 : memref<2000xi32, #tpu.memory_space<vmem>>)
      %dma_wait3A_219 = arith.constant 0 : i32
      %dma_wait3A_220 = tpu.memref_slice %arg4[%dma_wait3A_219] : memref<320000xi32, #tpu.memory_space<hbm>> -> memref<2000xi32, #tpu.memory_space<hbm>>
      %dma_wait3A_221 = arith.constant 0 : i32
      %dma_wait3A_222 = tpu.memref_slice %arg4[%dma_wait3A_221] : memref<320000xi32, #tpu.memory_space<hbm>> -> memref<2000xi32, #tpu.memory_space<hbm>>
      tpu.wait_dma2 semaphore(%arg24 : memref<!tpu.dma_semaphore, #tpu.memory_space<semaphore_mem>>) src(%dma_wait3A_222 : memref<2000xi32, #tpu.memory_space<hbm>>) dst(%arg8 : memref<2000xi32, #tpu.memory_space<vmem>>)
      %lt3A = arith.constant 4 : i32
      %lt3A_223 = arith.cmpi slt, %mul3A_214, %lt3A : i32
      %convert_element_type3A_224 = arith.extui %lt3A_223 : i1 to i32
      %cond3A_225 = arith.constant 0 : i32
      %cond3A_226 = arith.cmpi ne, %convert_element_type3A_224, %cond3A_225 : i32
      scf.if %cond3A_226 {
        %add3A_555 = arith.constant 1 : i32
        %add3A_556 = arith.addi %mul3A_214, %add3A_555 : i32
        %mul3A_557 = arith.constant 2000 : i32
        %mul3A_558 = arith.muli %add3A_556, %mul3A_557 : i32
        %add3A_559 = arith.addi %mul3A_4, %mul3A_558 : i32
        %dma_start3A_560 = tpu.memref_slice %arg3[%add3A_559] : memref<320000xi32, #tpu.memory_space<hbm>> -> memref<2000xi32, #tpu.memory_space<hbm>>
        %dma_start3A_561 = tpu.memref_slice %arg3[%add3A_559] : memref<320000xi32, #tpu.memory_space<hbm>> -> memref<2000xi32, #tpu.memory_space<hbm>>
        tpu.enqueue_dma source(%dma_start3A_561 : memref<2000xi32, #tpu.memory_space<hbm>>) target(%arg9 : memref<2000xi32, #tpu.memory_space<vmem>>) target_semaphore(%arg25 : memref<!tpu.dma_semaphore, #tpu.memory_space<semaphore_mem>>)
        %dma_start3A_562 = tpu.memref_slice %arg4[%add3A_559] : memref<320000xi32, #tpu.memory_space<hbm>> -> memref<2000xi32, #tpu.memory_space<hbm>>
        %dma_start3A_563 = tpu.memref_slice %arg4[%add3A_559] : memref<320000xi32, #tpu.memory_space<hbm>> -> memref<2000xi32, #tpu.memory_space<hbm>>
        tpu.enqueue_dma source(%dma_start3A_563 : memref<2000xi32, #tpu.memory_space<hbm>>) target(%arg10 : memref<2000xi32, #tpu.memory_space<vmem>>) target_semaphore(%arg25 : memref<!tpu.dma_semaphore, #tpu.memory_space<semaphore_mem>>)
      } else {
      }
      %get3A_227 = arith.constant 0 : index
      %get3A_228 = tpu.vector_load %arg8[%get3A_227] {strides = array<i32>} : memref<2000xi32, #tpu.memory_space<vmem>>, vector<16xi32>,
      %swap3A_229 = arith.constant 0 : index
      %swap3A_230 = tpu.vector_load %arg11[%swap3A_229] {strides = array<i32>} : memref<80xi32, #tpu.memory_space<vmem>>, vector<16xi32>,
      tpu.vector_store %arg11[%swap3A_229], %get3A_228 {strides = array<i32>} : memref<80xi32, #tpu.memory_space<vmem>>, vector<16xi32>,
      %get3A_231 = arith.constant 16 : index
      %get3A_232 = tpu.vector_load %arg8[%get3A_231] {strides = array<i32>} : memref<2000xi32, #tpu.memory_space<vmem>>, vector<16xi32>,
      %swap3A_233 = arith.constant 16 : index
      %swap3A_234 = tpu.vector_load %arg11[%swap3A_233] {strides = array<i32>} : memref<80xi32, #tpu.memory_space<vmem>>, vector<16xi32>,
      tpu.vector_store %arg11[%swap3A_233], %get3A_232 {strides = array<i32>} : memref<80xi32, #tpu.memory_space<vmem>>, vector<16xi32>,
      %get3A_235 = arith.constant 32 : index
      %get3A_236 = tpu.vector_load %arg8[%get3A_235] {strides = array<i32>} : memref<2000xi32, #tpu.memory_space<vmem>>, vector<16xi32>,
      %swap3A_237 = arith.constant 32 : index
      %swap3A_238 = tpu.vector_load %arg11[%swap3A_237] {strides = array<i32>} : memref<80xi32, #tpu.memory_space<vmem>>, vector<16xi32>,
      tpu.vector_store %arg11[%swap3A_237], %get3A_236 {strides = array<i32>} : memref<80xi32, #tpu.memory_space<vmem>>, vector<16xi32>,
      %get3A_239 = arith.constant 48 : index
      %get3A_240 = tpu.vector_load %arg8[%get3A_239] {strides = array<i32>} : memref<2000xi32, #tpu.memory_space<vmem>>, vector<16xi32>,
      %swap3A_241 = arith.constant 48 : index
      %swap3A_242 = tpu.vector_load %arg11[%swap3A_241] {strides = array<i32>} : memref<80xi32, #tpu.memory_space<vmem>>, vector<16xi32>,
      tpu.vector_store %arg11[%swap3A_241], %get3A_240 {strides = array<i32>} : memref<80xi32, #tpu.memory_space<vmem>>, vector<16xi32>,
      %get3A_243 = arith.constant 64 : index
      %get3A_244 = tpu.vector_load %arg8[%get3A_243] {strides = array<i32>} : memref<2000xi32, #tpu.memory_space<vmem>>, vector<16xi32>,
      %swap3A_245 = arith.constant 64 : index
      %swap3A_246 = tpu.vector_load %arg11[%swap3A_245] {strides = array<i32>} : memref<80xi32, #tpu.memory_space<vmem>>, vector<16xi32>,
      tpu.vector_store %arg11[%swap3A_245], %get3A_244 {strides = array<i32>} : memref<80xi32, #tpu.memory_space<vmem>>, vector<16xi32>,
      %dma_start3A_247 = arith.constant 0 : i32
      %dma_start3A_248 = tpu.memref_slice %arg7[%dma_start3A_247] : memref<2000xi32, #tpu.memory_space<vmem>> -> memref<80xi32, #tpu.memory_space<vmem>>
      %dma_start3A_249 = arith.constant 0 : i32
      %dma_start3A_250 = arith.constant 0 : i32
      %dma_start3A_251 = tpu.memref_slice %arg2[%dma_start3A_249, %dma_start3A_250] : memref<10000x128xf32, #tpu.memory_space<hbm>> -> memref<10000x128xf32, #tpu.memory_space<hbm>>
      tpu.enqueue_indirect_dma source(%dma_start3A_251 : memref<10000x128xf32, #tpu.memory_space<hbm>>) target(%arg14 : memref<80x128xf32, #tpu.memory_space<vmem>>) offsets(%dma_start3A_248 : memref<80xi32, #tpu.memory_space<vmem>>) semaphore(%arg18 : memref<!tpu.dma_semaphore, #tpu.memory_space<semaphore_mem>>)
      %get3A_252 = arith.constant 80 : index
      %get3A_253 = tpu.vector_load %arg8[%get3A_252] {strides = array<i32>} : memref<2000xi32, #tpu.memory_space<vmem>>, vector<16xi32>,
      %swap3A_254 = arith.constant 0 : index
      %swap3A_255 = tpu.vector_load %arg12[%swap3A_254] {strides = array<i32>} : memref<80xi32, #tpu.memory_space<vmem>>, vector<16xi32>,
      tpu.vector_store %arg12[%swap3A_254], %get3A_253 {strides = array<i32>} : memref<80xi32, #tpu.memory_space<vmem>>, vector<16xi32>,
      %get3A_256 = arith.constant 96 : index
      %get3A_257 = tpu.vector_load %arg8[%get3A_256] {strides = array<i32>} : memref<2000xi32, #tpu.memory_space<vmem>>, vector<16xi32>,
      %swap3A_258 = arith.constant 16 : index
      %swap3A_259 = tpu.vector_load %arg12[%swap3A_258] {strides = array<i32>} : memref<80xi32, #tpu.memory_space<vmem>>, vector<16xi32>,
      tpu.vector_store %arg12[%swap3A_258], %get3A_257 {strides = array<i32>} : memref<80xi32, #tpu.memory_space<vmem>>, vector<16xi32>,
      %get3A_260 = arith.constant 112 : index
      %get3A_261 = tpu.vector_load %arg8[%get3A_260] {strides = array<i32>} : memref<2000xi32, #tpu.memory_space<vmem>>, vector<16xi32>,
      %swap3A_262 = arith.constant 32 : index
      %swap3A_263 = tpu.vector_load %arg12[%swap3A_262] {strides = array<i32>} : memref<80xi32, #tpu.memory_space<vmem>>, vector<16xi32>,
      tpu.vector_store %arg12[%swap3A_262], %get3A_261 {strides = array<i32>} : memref<80xi32, #tpu.memory_space<vmem>>, vector<16xi32>,
      %get3A_264 = arith.constant 128 : index
      %get3A_265 = tpu.vector_load %arg8[%get3A_264] {strides = array<i32>} : memref<2000xi32, #tpu.memory_space<vmem>>, vector<16xi32>,
      %swap3A_266 = arith.constant 48 : index
      %swap3A_267 = tpu.vector_load %arg12[%swap3A_266] {strides = array<i32>} : memref<80xi32, #tpu.memory_space<vmem>>, vector<16xi32>,
      tpu.vector_store %arg12[%swap3A_266], %get3A_265 {strides = array<i32>} : memref<80xi32, #tpu.memory_space<vmem>>, vector<16xi32>,
      %get3A_268 = arith.constant 144 : index
      %get3A_269 = tpu.vector_load %arg8[%get3A_268] {strides = array<i32>} : memref<2000xi32, #tpu.memory_space<vmem>>, vector<16xi32>,
      %swap3A_270 = arith.constant 64 : index
      %swap3A_271 = tpu.vector_load %arg12[%swap3A_270] {strides = array<i32>} : memref<80xi32, #tpu.memory_space<vmem>>, vector<16xi32>,
      tpu.vector_store %arg12[%swap3A_270], %get3A_269 {strides = array<i32>} : memref<80xi32, #tpu.memory_space<vmem>>, vector<16xi32>,
      %dma_start3A_272 = arith.constant 80 : i32
      %dma_start3A_273 = tpu.memref_slice %arg7[%dma_start3A_272] : memref<2000xi32, #tpu.memory_space<vmem>> -> memref<80xi32, #tpu.memory_space<vmem>>
      %dma_start3A_274 = arith.constant 0 : i32
      %dma_start3A_275 = arith.constant 0 : i32
      %dma_start3A_276 = tpu.memref_slice %arg2[%dma_start3A_274, %dma_start3A_275] : memref<10000x128xf32, #tpu.memory_space<hbm>> -> memref<10000x128xf32, #tpu.memory_space<hbm>>
      tpu.enqueue_indirect_dma source(%dma_start3A_276 : memref<10000x128xf32, #tpu.memory_space<hbm>>) target(%arg15 : memref<80x128xf32, #tpu.memory_space<vmem>>) offsets(%dma_start3A_273 : memref<80xi32, #tpu.memory_space<vmem>>) semaphore(%arg19 : memref<!tpu.dma_semaphore, #tpu.memory_space<semaphore_mem>>)
      %get3A_277 = arith.constant 160 : index
      %get3A_278 = tpu.vector_load %arg8[%get3A_277] {strides = array<i32>} : memref<2000xi32, #tpu.memory_space<vmem>>, vector<16xi32>,
      %swap3A_279 = arith.constant 0 : index
      %swap3A_280 = tpu.vector_load %arg13[%swap3A_279] {strides = array<i32>} : memref<80xi32, #tpu.memory_space<vmem>>, vector<16xi32>,
      tpu.vector_store %arg13[%swap3A_279], %get3A_278 {strides = array<i32>} : memref<80xi32, #tpu.memory_space<vmem>>, vector<16xi32>,
      %get3A_281 = arith.constant 176 : index
      %get3A_282 = tpu.vector_load %arg8[%get3A_281] {strides = array<i32>} : memref<2000xi32, #tpu.memory_space<vmem>>, vector<16xi32>,
      %swap3A_283 = arith.constant 16 : index
      %swap3A_284 = tpu.vector_load %arg13[%swap3A_283] {strides = array<i32>} : memref<80xi32, #tpu.memory_space<vmem>>, vector<16xi32>,
      tpu.vector_store %arg13[%swap3A_283], %get3A_282 {strides = array<i32>} : memref<80xi32, #tpu.memory_space<vmem>>, vector<16xi32>,
      %get3A_285 = arith.constant 192 : index
      %get3A_286 = tpu.vector_load %arg8[%get3A_285] {strides = array<i32>} : memref<2000xi32, #tpu.memory_space<vmem>>, vector<16xi32>,
      %swap3A_287 = arith.constant 32 : index
      %swap3A_288 = tpu.vector_load %arg13[%swap3A_287] {strides = array<i32>} : memref<80xi32, #tpu.memory_space<vmem>>, vector<16xi32>,
      tpu.vector_store %arg13[%swap3A_287], %get3A_286 {strides = array<i32>} : memref<80xi32, #tpu.memory_space<vmem>>, vector<16xi32>,
      %get3A_289 = arith.constant 208 : index
      %get3A_290 = tpu.vector_load %arg8[%get3A_289] {strides = array<i32>} : memref<2000xi32, #tpu.memory_space<vmem>>, vector<16xi32>,
      %swap3A_291 = arith.constant 48 : index
      %swap3A_292 = tpu.vector_load %arg13[%swap3A_291] {strides = array<i32>} : memref<80xi32, #tpu.memory_space<vmem>>, vector<16xi32>,
      tpu.vector_store %arg13[%swap3A_291], %get3A_290 {strides = array<i32>} : memref<80xi32, #tpu.memory_space<vmem>>, vector<16xi32>,
      %get3A_293 = arith.constant 224 : index
      %get3A_294 = tpu.vector_load %arg8[%get3A_293] {strides = array<i32>} : memref<2000xi32, #tpu.memory_space<vmem>>, vector<16xi32>,
      %swap3A_295 = arith.constant 64 : index
      %swap3A_296 = tpu.vector_load %arg13[%swap3A_295] {strides = array<i32>} : memref<80xi32, #tpu.memory_space<vmem>>, vector<16xi32>,
      tpu.vector_store %arg13[%swap3A_295], %get3A_294 {strides = array<i32>} : memref<80xi32, #tpu.memory_space<vmem>>, vector<16xi32>,
      %dma_start3A_297 = arith.constant 160 : i32
      %dma_start3A_298 = tpu.memref_slice %arg7[%dma_start3A_297] : memref<2000xi32, #tpu.memory_space<vmem>> -> memref<80xi32, #tpu.memory_space<vmem>>
      %dma_start3A_299 = arith.constant 0 : i32
      %dma_start3A_300 = arith.constant 0 : i32
      %dma_start3A_301 = tpu.memref_slice %arg2[%dma_start3A_299, %dma_start3A_300] : memref<10000x128xf32, #tpu.memory_space<hbm>> -> memref<10000x128xf32, #tpu.memory_space<hbm>>
      tpu.enqueue_indirect_dma source(%dma_start3A_301 : memref<10000x128xf32, #tpu.memory_space<hbm>>) target(%arg16 : memref<80x128xf32, #tpu.memory_space<vmem>>) offsets(%dma_start3A_298 : memref<80xi32, #tpu.memory_space<vmem>>) semaphore(%arg20 : memref<!tpu.dma_semaphore, #tpu.memory_space<semaphore_mem>>)
      %dma_wait3A_302 = arith.constant 0 : i32
      %dma_wait3A_303 = arith.constant 0 : i32
      %dma_wait3A_304 = tpu.memref_slice %arg2[%dma_wait3A_302, %dma_wait3A_303] : memref<10000x128xf32, #tpu.memory_space<hbm>> -> memref<80x128xf32, #tpu.memory_space<hbm>>
      %dma_wait3A_305 = arith.constant 0 : i32
      %dma_wait3A_306 = arith.constant 0 : i32
      %dma_wait3A_307 = tpu.memref_slice %arg2[%dma_wait3A_305, %dma_wait3A_306] : memref<10000x128xf32, #tpu.memory_space<hbm>> -> memref<80x128xf32, #tpu.memory_space<hbm>>
      tpu.wait_dma2 semaphore(%arg18 : memref<!tpu.dma_semaphore, #tpu.memory_space<semaphore_mem>>) src(%dma_wait3A_307 : memref<80x128xf32, #tpu.memory_space<hbm>>) dst(%arg14 : memref<80x128xf32, #tpu.memory_space<vmem>>)
      %dma_start3A_308 = arith.constant 0 : i32
      %dma_start3A_309 = arith.constant 0 : i32
      %dma_start3A_310 = tpu.memref_slice %arg6[%dma_start3A_308, %dma_start3A_309] : memref<10000x128xf32, #tpu.memory_space<vmem_shared>> -> memref<10000x128xf32, #tpu.memory_space<vmem_shared>>
      tpu.enqueue_indirect_dma source(%arg14 : memref<80x128xf32, #tpu.memory_space<vmem>>) target(%dma_start3A_310 : memref<10000x128xf32, #tpu.memory_space<vmem_shared>>) offsets(%arg11 : memref<80xi32, #tpu.memory_space<vmem>>) semaphore(%arg21 : memref<!tpu.dma_semaphore, #tpu.memory_space<semaphore_mem>>) {add = true}
      %scan3A_311 = arith.constant 0 : i32
      %scan3A_312 = arith.constant 0 : i32
      %scan3A_313 = arith.constant 7 : i32
      %scan3A_314 = arith.addi %scan3A_312, %scan3A_313 : i32
      %scan3A_315 = arith.constant 1 : i32
      %scan3A_316 = scf.for %scan3A_555 = %scan3A_312 to %scan3A_314 step %scan3A_315 iter_args(%scan3A_556 = %scan3A_311) -> (i32)  : i32 {
        %mul3A_557 = arith.constant 3 : i32
        %mul3A_558 = arith.muli %mul3A_557, %scan3A_555 : i32
        %add3A_559 = arith.constant 3 : i32
        %add3A_560 = arith.addi %add3A_559, %mul3A_558 : i32
        %dma_wait3A_561 = arith.constant 0 : i32
        %dma_wait3A_562 = arith.constant 0 : i32
        %dma_wait3A_563 = tpu.memref_slice %arg6[%dma_wait3A_561, %dma_wait3A_562] : memref<10000x128xf32, #tpu.memory_space<vmem_shared>> -> memref<10000x128xf32, #tpu.memory_space<vmem_shared>>
        tpu.wait_indirect_dma semaphore(%arg21 : memref<!tpu.dma_semaphore, #tpu.memory_space<semaphore_mem>>) src(%arg14 : memref<80x128xf32, #tpu.memory_space<vmem>>) dst(%dma_wait3A_563 : memref<10000x128xf32, #tpu.memory_space<vmem_shared>>)
        %mul3A_564 = arith.constant 80 : i32
        %mul3A_565 = arith.muli %add3A_560, %mul3A_564 : i32
        %add3A_566 = arith.constant 0 : i32
        %add3A_567 = arith.addi %mul3A_565, %add3A_566 : i32
        %get3A_568 = arith.index_cast %add3A_567 : i32 to index
        %get3A_569 = tpu.vector_load %arg8[%get3A_568] {strides = array<i32>} : memref<2000xi32, #tpu.memory_space<vmem>>, vector<16xi32>,
        %swap3A_570 = arith.constant 0 : index
        %swap3A_571 = tpu.vector_load %arg11[%swap3A_570] {strides = array<i32>} : memref<80xi32, #tpu.memory_space<vmem>>, vector<16xi32>,
        tpu.vector_store %arg11[%swap3A_570], %get3A_569 {strides = array<i32>} : memref<80xi32, #tpu.memory_space<vmem>>, vector<16xi32>,
        %mul3A_572 = arith.constant 80 : i32
        %mul3A_573 = arith.muli %add3A_560, %mul3A_572 : i32
        %add3A_574 = arith.constant 16 : i32
        %add3A_575 = arith.addi %mul3A_573, %add3A_574 : i32
        %get3A_576 = arith.index_cast %add3A_575 : i32 to index
        %get3A_577 = tpu.vector_load %arg8[%get3A_576] {strides = array<i32>} : memref<2000xi32, #tpu.memory_space<vmem>>, vector<16xi32>,
        %swap3A_578 = arith.constant 16 : index
        %swap3A_579 = tpu.vector_load %arg11[%swap3A_578] {strides = array<i32>} : memref<80xi32, #tpu.memory_space<vmem>>, vector<16xi32>,
        tpu.vector_store %arg11[%swap3A_578], %get3A_577 {strides = array<i32>} : memref<80xi32, #tpu.memory_space<vmem>>, vector<16xi32>,
        %mul3A_580 = arith.constant 80 : i32
        %mul3A_581 = arith.muli %add3A_560, %mul3A_580 : i32
        %add3A_582 = arith.constant 32 : i32
        %add3A_583 = arith.addi %mul3A_581, %add3A_582 : i32
        %get3A_584 = arith.index_cast %add3A_583 : i32 to index
        %get3A_585 = tpu.vector_load %arg8[%get3A_584] {strides = array<i32>} : memref<2000xi32, #tpu.memory_space<vmem>>, vector<16xi32>,
        %swap3A_586 = arith.constant 32 : index
        %swap3A_587 = tpu.vector_load %arg11[%swap3A_586] {strides = array<i32>} : memref<80xi32, #tpu.memory_space<vmem>>, vector<16xi32>,
        tpu.vector_store %arg11[%swap3A_586], %get3A_585 {strides = array<i32>} : memref<80xi32, #tpu.memory_space<vmem>>, vector<16xi32>,
        %mul3A_588 = arith.constant 80 : i32
        %mul3A_589 = arith.muli %add3A_560, %mul3A_588 : i32
        %add3A_590 = arith.constant 48 : i32
        %add3A_591 = arith.addi %mul3A_589, %add3A_590 : i32
        %get3A_592 = arith.index_cast %add3A_591 : i32 to index
        %get3A_593 = tpu.vector_load %arg8[%get3A_592] {strides = array<i32>} : memref<2000xi32, #tpu.memory_space<vmem>>, vector<16xi32>,
        %swap3A_594 = arith.constant 48 : index
        %swap3A_595 = tpu.vector_load %arg11[%swap3A_594] {strides = array<i32>} : memref<80xi32, #tpu.memory_space<vmem>>, vector<16xi32>,
        tpu.vector_store %arg11[%swap3A_594], %get3A_593 {strides = array<i32>} : memref<80xi32, #tpu.memory_space<vmem>>, vector<16xi32>,
        %mul3A_596 = arith.constant 80 : i32
        %mul3A_597 = arith.muli %add3A_560, %mul3A_596 : i32
        %add3A_598 = arith.constant 64 : i32
        %add3A_599 = arith.addi %mul3A_597, %add3A_598 : i32
        %get3A_600 = arith.index_cast %add3A_599 : i32 to index
        %get3A_601 = tpu.vector_load %arg8[%get3A_600] {strides = array<i32>} : memref<2000xi32, #tpu.memory_space<vmem>>, vector<16xi32>,
        %swap3A_602 = arith.constant 64 : index
        %swap3A_603 = tpu.vector_load %arg11[%swap3A_602] {strides = array<i32>} : memref<80xi32, #tpu.memory_space<vmem>>, vector<16xi32>,
        tpu.vector_store %arg11[%swap3A_602], %get3A_601 {strides = array<i32>} : memref<80xi32, #tpu.memory_space<vmem>>, vector<16xi32>,
        %mul3A_604 = arith.constant 80 : i32
        %mul3A_605 = arith.muli %add3A_560, %mul3A_604 : i32
        %dma_start3A_606 = tpu.memref_slice %arg7[%mul3A_605] : memref<2000xi32, #tpu.memory_space<vmem>> -> memref<80xi32, #tpu.memory_space<vmem>>
        %dma_start3A_607 = arith.constant 0 : i32
        %dma_start3A_608 = arith.constant 0 : i32
        %dma_start3A_609 = tpu.memref_slice %arg2[%dma_start3A_607, %dma_start3A_608] : memref<10000x128xf32, #tpu.memory_space<hbm>> -> memref<10000x128xf32, #tpu.memory_space<hbm>>
        tpu.enqueue_indirect_dma source(%dma_start3A_609 : memref<10000x128xf32, #tpu.memory_space<hbm>>) target(%arg14 : memref<80x128xf32, #tpu.memory_space<vmem>>) offsets(%dma_start3A_606 : memref<80xi32, #tpu.memory_space<vmem>>) semaphore(%arg18 : memref<!tpu.dma_semaphore, #tpu.memory_space<semaphore_mem>>)
        %dma_wait3A_610 = arith.constant 0 : i32
        %dma_wait3A_611 = arith.constant 0 : i32
        %dma_wait3A_612 = tpu.memref_slice %arg2[%dma_wait3A_610, %dma_wait3A_611] : memref<10000x128xf32, #tpu.memory_space<hbm>> -> memref<80x128xf32, #tpu.memory_space<hbm>>
        %dma_wait3A_613 = arith.constant 0 : i32
        %dma_wait3A_614 = arith.constant 0 : i32
        %dma_wait3A_615 = tpu.memref_slice %arg2[%dma_wait3A_613, %dma_wait3A_614] : memref<10000x128xf32, #tpu.memory_space<hbm>> -> memref<80x128xf32, #tpu.memory_space<hbm>>
        tpu.wait_dma2 semaphore(%arg19 : memref<!tpu.dma_semaphore, #tpu.memory_space<semaphore_mem>>) src(%dma_wait3A_615 : memref<80x128xf32, #tpu.memory_space<hbm>>) dst(%arg15 : memref<80x128xf32, #tpu.memory_space<vmem>>)
        %dma_start3A_616 = arith.constant 0 : i32
        %dma_start3A_617 = arith.constant 0 : i32
        %dma_start3A_618 = tpu.memref_slice %arg6[%dma_start3A_616, %dma_start3A_617] : memref<10000x128xf32, #tpu.memory_space<vmem_shared>> -> memref<10000x128xf32, #tpu.memory_space<vmem_shared>>
        tpu.enqueue_indirect_dma source(%arg15 : memref<80x128xf32, #tpu.memory_space<vmem>>) target(%dma_start3A_618 : memref<10000x128xf32, #tpu.memory_space<vmem_shared>>) offsets(%arg12 : memref<80xi32, #tpu.memory_space<vmem>>) semaphore(%arg22 : memref<!tpu.dma_semaphore, #tpu.memory_space<semaphore_mem>>) {add = true}
        %add3A_619 = arith.constant 1 : i32
        %add3A_620 = arith.addi %add3A_560, %add3A_619 : i32
        %dma_wait3A_621 = arith.constant 0 : i32
        %dma_wait3A_622 = arith.constant 0 : i32
        %dma_wait3A_623 = tpu.memref_slice %arg6[%dma_wait3A_621, %dma_wait3A_622] : memref<10000x128xf32, #tpu.memory_space<vmem_shared>> -> memref<10000x128xf32, #tpu.memory_space<vmem_shared>>
        tpu.wait_indirect_dma semaphore(%arg22 : memref<!tpu.dma_semaphore, #tpu.memory_space<semaphore_mem>>) src(%arg15 : memref<80x128xf32, #tpu.memory_space<vmem>>) dst(%dma_wait3A_623 : memref<10000x128xf32, #tpu.memory_space<vmem_shared>>)
        %mul3A_624 = arith.constant 80 : i32
        %mul3A_625 = arith.muli %add3A_620, %mul3A_624 : i32
        %add3A_626 = arith.constant 0 : i32
        %add3A_627 = arith.addi %mul3A_625, %add3A_626 : i32
        %get3A_628 = arith.index_cast %add3A_627 : i32 to index
        %get3A_629 = tpu.vector_load %arg8[%get3A_628] {strides = array<i32>} : memref<2000xi32, #tpu.memory_space<vmem>>, vector<16xi32>,
        %swap3A_630 = arith.constant 0 : index
        %swap3A_631 = tpu.vector_load %arg12[%swap3A_630] {strides = array<i32>} : memref<80xi32, #tpu.memory_space<vmem>>, vector<16xi32>,
        tpu.vector_store %arg12[%swap3A_630], %get3A_629 {strides = array<i32>} : memref<80xi32, #tpu.memory_space<vmem>>, vector<16xi32>,
        %mul3A_632 = arith.constant 80 : i32
        %mul3A_633 = arith.muli %add3A_620, %mul3A_632 : i32
        %add3A_634 = arith.constant 16 : i32
        %add3A_635 = arith.addi %mul3A_633, %add3A_634 : i32
        %get3A_636 = arith.index_cast %add3A_635 : i32 to index
        %get3A_637 = tpu.vector_load %arg8[%get3A_636] {strides = array<i32>} : memref<2000xi32, #tpu.memory_space<vmem>>, vector<16xi32>,
        %swap3A_638 = arith.constant 16 : index
        %swap3A_639 = tpu.vector_load %arg12[%swap3A_638] {strides = array<i32>} : memref<80xi32, #tpu.memory_space<vmem>>, vector<16xi32>,
        tpu.vector_store %arg12[%swap3A_638], %get3A_637 {strides = array<i32>} : memref<80xi32, #tpu.memory_space<vmem>>, vector<16xi32>,
        %mul3A_640 = arith.constant 80 : i32
        %mul3A_641 = arith.muli %add3A_620, %mul3A_640 : i32
        %add3A_642 = arith.constant 32 : i32
        %add3A_643 = arith.addi %mul3A_641, %add3A_642 : i32
        %get3A_644 = arith.index_cast %add3A_643 : i32 to index
        %get3A_645 = tpu.vector_load %arg8[%get3A_644] {strides = array<i32>} : memref<2000xi32, #tpu.memory_space<vmem>>, vector<16xi32>,
        %swap3A_646 = arith.constant 32 : index
        %swap3A_647 = tpu.vector_load %arg12[%swap3A_646] {strides = array<i32>} : memref<80xi32, #tpu.memory_space<vmem>>, vector<16xi32>,
        tpu.vector_store %arg12[%swap3A_646], %get3A_645 {strides = array<i32>} : memref<80xi32, #tpu.memory_space<vmem>>, vector<16xi32>,
        %mul3A_648 = arith.constant 80 : i32
        %mul3A_649 = arith.muli %add3A_620, %mul3A_648 : i32
        %add3A_650 = arith.constant 48 : i32
        %add3A_651 = arith.addi %mul3A_649, %add3A_650 : i32
        %get3A_652 = arith.index_cast %add3A_651 : i32 to index
        %get3A_653 = tpu.vector_load %arg8[%get3A_652] {strides = array<i32>} : memref<2000xi32, #tpu.memory_space<vmem>>, vector<16xi32>,
        %swap3A_654 = arith.constant 48 : index
        %swap3A_655 = tpu.vector_load %arg12[%swap3A_654] {strides = array<i32>} : memref<80xi32, #tpu.memory_space<vmem>>, vector<16xi32>,
        tpu.vector_store %arg12[%swap3A_654], %get3A_653 {strides = array<i32>} : memref<80xi32, #tpu.memory_space<vmem>>, vector<16xi32>,
        %mul3A_656 = arith.constant 80 : i32
        %mul3A_657 = arith.muli %add3A_620, %mul3A_656 : i32
        %add3A_658 = arith.constant 64 : i32
        %add3A_659 = arith.addi %mul3A_657, %add3A_658 : i32
        %get3A_660 = arith.index_cast %add3A_659 : i32 to index
        %get3A_661 = tpu.vector_load %arg8[%get3A_660] {strides = array<i32>} : memref<2000xi32, #tpu.memory_space<vmem>>, vector<16xi32>,
        %swap3A_662 = arith.constant 64 : index
        %swap3A_663 = tpu.vector_load %arg12[%swap3A_662] {strides = array<i32>} : memref<80xi32, #tpu.memory_space<vmem>>, vector<16xi32>,
        tpu.vector_store %arg12[%swap3A_662], %get3A_661 {strides = array<i32>} : memref<80xi32, #tpu.memory_space<vmem>>, vector<16xi32>,
        %mul3A_664 = arith.constant 80 : i32
        %mul3A_665 = arith.muli %add3A_620, %mul3A_664 : i32
        %dma_start3A_666 = tpu.memref_slice %arg7[%mul3A_665] : memref<2000xi32, #tpu.memory_space<vmem>> -> memref<80xi32, #tpu.memory_space<vmem>>
        %dma_start3A_667 = arith.constant 0 : i32
        %dma_start3A_668 = arith.constant 0 : i32
        %dma_start3A_669 = tpu.memref_slice %arg2[%dma_start3A_667, %dma_start3A_668] : memref<10000x128xf32, #tpu.memory_space<hbm>> -> memref<10000x128xf32, #tpu.memory_space<hbm>>
        tpu.enqueue_indirect_dma source(%dma_start3A_669 : memref<10000x128xf32, #tpu.memory_space<hbm>>) target(%arg15 : memref<80x128xf32, #tpu.memory_space<vmem>>) offsets(%dma_start3A_666 : memref<80xi32, #tpu.memory_space<vmem>>) semaphore(%arg19 : memref<!tpu.dma_semaphore, #tpu.memory_space<semaphore_mem>>)
        %dma_wait3A_670 = arith.constant 0 : i32
        %dma_wait3A_671 = arith.constant 0 : i32
        %dma_wait3A_672 = tpu.memref_slice %arg2[%dma_wait3A_670, %dma_wait3A_671] : memref<10000x128xf32, #tpu.memory_space<hbm>> -> memref<80x128xf32, #tpu.memory_space<hbm>>
        %dma_wait3A_673 = arith.constant 0 : i32
        %dma_wait3A_674 = arith.constant 0 : i32
        %dma_wait3A_675 = tpu.memref_slice %arg2[%dma_wait3A_673, %dma_wait3A_674] : memref<10000x128xf32, #tpu.memory_space<hbm>> -> memref<80x128xf32, #tpu.memory_space<hbm>>
        tpu.wait_dma2 semaphore(%arg20 : memref<!tpu.dma_semaphore, #tpu.memory_space<semaphore_mem>>) src(%dma_wait3A_675 : memref<80x128xf32, #tpu.memory_space<hbm>>) dst(%arg16 : memref<80x128xf32, #tpu.memory_space<vmem>>)
        %dma_start3A_676 = arith.constant 0 : i32
        %dma_start3A_677 = arith.constant 0 : i32
        %dma_start3A_678 = tpu.memref_slice %arg6[%dma_start3A_676, %dma_start3A_677] : memref<10000x128xf32, #tpu.memory_space<vmem_shared>> -> memref<10000x128xf32, #tpu.memory_space<vmem_shared>>
        tpu.enqueue_indirect_dma source(%arg16 : memref<80x128xf32, #tpu.memory_space<vmem>>) target(%dma_start3A_678 : memref<10000x128xf32, #tpu.memory_space<vmem_shared>>) offsets(%arg13 : memref<80xi32, #tpu.memory_space<vmem>>) semaphore(%arg23 : memref<!tpu.dma_semaphore, #tpu.memory_space<semaphore_mem>>) {add = true}
        %add3A_679 = arith.constant 2 : i32
        %add3A_680 = arith.addi %add3A_560, %add3A_679 : i32
        %dma_wait3A_681 = arith.constant 0 : i32
        %dma_wait3A_682 = arith.constant 0 : i32
        %dma_wait3A_683 = tpu.memref_slice %arg6[%dma_wait3A_681, %dma_wait3A_682] : memref<10000x128xf32, #tpu.memory_space<vmem_shared>> -> memref<10000x128xf32, #tpu.memory_space<vmem_shared>>
        tpu.wait_indirect_dma semaphore(%arg23 : memref<!tpu.dma_semaphore, #tpu.memory_space<semaphore_mem>>) src(%arg16 : memref<80x128xf32, #tpu.memory_space<vmem>>) dst(%dma_wait3A_683 : memref<10000x128xf32, #tpu.memory_space<vmem_shared>>)
        %mul3A_684 = arith.constant 80 : i32
        %mul3A_685 = arith.muli %add3A_680, %mul3A_684 : i32
        %add3A_686 = arith.constant 0 : i32
        %add3A_687 = arith.addi %mul3A_685, %add3A_686 : i32
        %get3A_688 = arith.index_cast %add3A_687 : i32 to index
        %get3A_689 = tpu.vector_load %arg8[%get3A_688] {strides = array<i32>} : memref<2000xi32, #tpu.memory_space<vmem>>, vector<16xi32>,
        %swap3A_690 = arith.constant 0 : index
        %swap3A_691 = tpu.vector_load %arg13[%swap3A_690] {strides = array<i32>} : memref<80xi32, #tpu.memory_space<vmem>>, vector<16xi32>,
        tpu.vector_store %arg13[%swap3A_690], %get3A_689 {strides = array<i32>} : memref<80xi32, #tpu.memory_space<vmem>>, vector<16xi32>,
        %mul3A_692 = arith.constant 80 : i32
        %mul3A_693 = arith.muli %add3A_680, %mul3A_692 : i32
        %add3A_694 = arith.constant 16 : i32
        %add3A_695 = arith.addi %mul3A_693, %add3A_694 : i32
        %get3A_696 = arith.index_cast %add3A_695 : i32 to index
        %get3A_697 = tpu.vector_load %arg8[%get3A_696] {strides = array<i32>} : memref<2000xi32, #tpu.memory_space<vmem>>, vector<16xi32>,
        %swap3A_698 = arith.constant 16 : index
        %swap3A_699 = tpu.vector_load %arg13[%swap3A_698] {strides = array<i32>} : memref<80xi32, #tpu.memory_space<vmem>>, vector<16xi32>,
        tpu.vector_store %arg13[%swap3A_698], %get3A_697 {strides = array<i32>} : memref<80xi32, #tpu.memory_space<vmem>>, vector<16xi32>,
        %mul3A_700 = arith.constant 80 : i32
        %mul3A_701 = arith.muli %add3A_680, %mul3A_700 : i32
        %add3A_702 = arith.constant 32 : i32
        %add3A_703 = arith.addi %mul3A_701, %add3A_702 : i32
        %get3A_704 = arith.index_cast %add3A_703 : i32 to index
        %get3A_705 = tpu.vector_load %arg8[%get3A_704] {strides = array<i32>} : memref<2000xi32, #tpu.memory_space<vmem>>, vector<16xi32>,
        %swap3A_706 = arith.constant 32 : index
        %swap3A_707 = tpu.vector_load %arg13[%swap3A_706] {strides = array<i32>} : memref<80xi32, #tpu.memory_space<vmem>>, vector<16xi32>,
        tpu.vector_store %arg13[%swap3A_706], %get3A_705 {strides = array<i32>} : memref<80xi32, #tpu.memory_space<vmem>>, vector<16xi32>,
        %mul3A_708 = arith.constant 80 : i32
        %mul3A_709 = arith.muli %add3A_680, %mul3A_708 : i32
        %add3A_710 = arith.constant 48 : i32
        %add3A_711 = arith.addi %mul3A_709, %add3A_710 : i32
        %get3A_712 = arith.index_cast %add3A_711 : i32 to index
        %get3A_713 = tpu.vector_load %arg8[%get3A_712] {strides = array<i32>} : memref<2000xi32, #tpu.memory_space<vmem>>, vector<16xi32>,
        %swap3A_714 = arith.constant 48 : index
        %swap3A_715 = tpu.vector_load %arg13[%swap3A_714] {strides = array<i32>} : memref<80xi32, #tpu.memory_space<vmem>>, vector<16xi32>,
        tpu.vector_store %arg13[%swap3A_714], %get3A_713 {strides = array<i32>} : memref<80xi32, #tpu.memory_space<vmem>>, vector<16xi32>,
        %mul3A_716 = arith.constant 80 : i32
        %mul3A_717 = arith.muli %add3A_680, %mul3A_716 : i32
        %add3A_718 = arith.constant 64 : i32
        %add3A_719 = arith.addi %mul3A_717, %add3A_718 : i32
        %get3A_720 = arith.index_cast %add3A_719 : i32 to index
        %get3A_721 = tpu.vector_load %arg8[%get3A_720] {strides = array<i32>} : memref<2000xi32, #tpu.memory_space<vmem>>, vector<16xi32>,
        %swap3A_722 = arith.constant 64 : index
        %swap3A_723 = tpu.vector_load %arg13[%swap3A_722] {strides = array<i32>} : memref<80xi32, #tpu.memory_space<vmem>>, vector<16xi32>,
        tpu.vector_store %arg13[%swap3A_722], %get3A_721 {strides = array<i32>} : memref<80xi32, #tpu.memory_space<vmem>>, vector<16xi32>,
        %mul3A_724 = arith.constant 80 : i32
        %mul3A_725 = arith.muli %add3A_680, %mul3A_724 : i32
        %dma_start3A_726 = tpu.memref_slice %arg7[%mul3A_725] : memref<2000xi32, #tpu.memory_space<vmem>> -> memref<80xi32, #tpu.memory_space<vmem>>
        %dma_start3A_727 = arith.constant 0 : i32
        %dma_start3A_728 = arith.constant 0 : i32
        %dma_start3A_729 = tpu.memref_slice %arg2[%dma_start3A_727, %dma_start3A_728] : memref<10000x128xf32, #tpu.memory_space<hbm>> -> memref<10000x128xf32, #tpu.memory_space<hbm>>
        tpu.enqueue_indirect_dma source(%dma_start3A_729 : memref<10000x128xf32, #tpu.memory_space<hbm>>) target(%arg16 : memref<80x128xf32, #tpu.memory_space<vmem>>) offsets(%dma_start3A_726 : memref<80xi32, #tpu.memory_space<vmem>>) semaphore(%arg20 : memref<!tpu.dma_semaphore, #tpu.memory_space<semaphore_mem>>)
        %dma_wait3A_730 = arith.constant 0 : i32
        %dma_wait3A_731 = arith.constant 0 : i32
        %dma_wait3A_732 = tpu.memref_slice %arg2[%dma_wait3A_730, %dma_wait3A_731] : memref<10000x128xf32, #tpu.memory_space<hbm>> -> memref<80x128xf32, #tpu.memory_space<hbm>>
        %dma_wait3A_733 = arith.constant 0 : i32
        %dma_wait3A_734 = arith.constant 0 : i32
        %dma_wait3A_735 = tpu.memref_slice %arg2[%dma_wait3A_733, %dma_wait3A_734] : memref<10000x128xf32, #tpu.memory_space<hbm>> -> memref<80x128xf32, #tpu.memory_space<hbm>>
        tpu.wait_dma2 semaphore(%arg18 : memref<!tpu.dma_semaphore, #tpu.memory_space<semaphore_mem>>) src(%dma_wait3A_735 : memref<80x128xf32, #tpu.memory_space<hbm>>) dst(%arg14 : memref<80x128xf32, #tpu.memory_space<vmem>>)
        %dma_start3A_736 = arith.constant 0 : i32
        %dma_start3A_737 = arith.constant 0 : i32
        %dma_start3A_738 = tpu.memref_slice %arg6[%dma_start3A_736, %dma_start3A_737] : memref<10000x128xf32, #tpu.memory_space<vmem_shared>> -> memref<10000x128xf32, #tpu.memory_space<vmem_shared>>
        tpu.enqueue_indirect_dma source(%arg14 : memref<80x128xf32, #tpu.memory_space<vmem>>) target(%dma_start3A_738 : memref<10000x128xf32, #tpu.memory_space<vmem_shared>>) offsets(%arg11 : memref<80xi32, #tpu.memory_space<vmem>>) semaphore(%arg21 : memref<!tpu.dma_semaphore, #tpu.memory_space<semaphore_mem>>) {add = true}
        %scan3A_739 = arith.constant 0 : i32
        scf.yield %scan3A_739 : i32
      }
      %scan3A_317 = arith.constant 7 : i32
      %dma_wait3A_318 = arith.constant 0 : i32
      %dma_wait3A_319 = arith.constant 0 : i32
      %dma_wait3A_320 = tpu.memref_slice %arg6[%dma_wait3A_318, %dma_wait3A_319] : memref<10000x128xf32, #tpu.memory_space<vmem_shared>> -> memref<10000x128xf32, #tpu.memory_space<vmem_shared>>
      tpu.wait_indirect_dma semaphore(%arg21 : memref<!tpu.dma_semaphore, #tpu.memory_space<semaphore_mem>>) src(%arg14 : memref<80x128xf32, #tpu.memory_space<vmem>>) dst(%dma_wait3A_320 : memref<10000x128xf32, #tpu.memory_space<vmem_shared>>)
      %get3A_321 = arith.constant 1920 : index
      %get3A_322 = tpu.vector_load %arg8[%get3A_321] {strides = array<i32>} : memref<2000xi32, #tpu.memory_space<vmem>>, vector<16xi32>,
      %swap3A_323 = arith.constant 0 : index
      %swap3A_324 = tpu.vector_load %arg11[%swap3A_323] {strides = array<i32>} : memref<80xi32, #tpu.memory_space<vmem>>, vector<16xi32>,
      tpu.vector_store %arg11[%swap3A_323], %get3A_322 {strides = array<i32>} : memref<80xi32, #tpu.memory_space<vmem>>, vector<16xi32>,
      %get3A_325 = arith.constant 1936 : index
      %get3A_326 = tpu.vector_load %arg8[%get3A_325] {strides = array<i32>} : memref<2000xi32, #tpu.memory_space<vmem>>, vector<16xi32>,
      %swap3A_327 = arith.constant 16 : index
      %swap3A_328 = tpu.vector_load %arg11[%swap3A_327] {strides = array<i32>} : memref<80xi32, #tpu.memory_space<vmem>>, vector<16xi32>,
      tpu.vector_store %arg11[%swap3A_327], %get3A_326 {strides = array<i32>} : memref<80xi32, #tpu.memory_space<vmem>>, vector<16xi32>,
      %get3A_329 = arith.constant 1952 : index
      %get3A_330 = tpu.vector_load %arg8[%get3A_329] {strides = array<i32>} : memref<2000xi32, #tpu.memory_space<vmem>>, vector<16xi32>,
      %swap3A_331 = arith.constant 32 : index
      %swap3A_332 = tpu.vector_load %arg11[%swap3A_331] {strides = array<i32>} : memref<80xi32, #tpu.memory_space<vmem>>, vector<16xi32>,
      tpu.vector_store %arg11[%swap3A_331], %get3A_330 {strides = array<i32>} : memref<80xi32, #tpu.memory_space<vmem>>, vector<16xi32>,
      %get3A_333 = arith.constant 1968 : index
      %get3A_334 = tpu.vector_load %arg8[%get3A_333] {strides = array<i32>} : memref<2000xi32, #tpu.memory_space<vmem>>, vector<16xi32>,
      %swap3A_335 = arith.constant 48 : index
      %swap3A_336 = tpu.vector_load %arg11[%swap3A_335] {strides = array<i32>} : memref<80xi32, #tpu.memory_space<vmem>>, vector<16xi32>,
      tpu.vector_store %arg11[%swap3A_335], %get3A_334 {strides = array<i32>} : memref<80xi32, #tpu.memory_space<vmem>>, vector<16xi32>,
      %get3A_337 = arith.constant 1984 : index
      %get3A_338 = tpu.vector_load %arg8[%get3A_337] {strides = array<i32>} : memref<2000xi32, #tpu.memory_space<vmem>>, vector<16xi32>,
      %swap3A_339 = arith.constant 64 : index
      %swap3A_340 = tpu.vector_load %arg11[%swap3A_339] {strides = array<i32>} : memref<80xi32, #tpu.memory_space<vmem>>, vector<16xi32>,
      tpu.vector_store %arg11[%swap3A_339], %get3A_338 {strides = array<i32>} : memref<80xi32, #tpu.memory_space<vmem>>, vector<16xi32>,
      %dma_start3A_341 = arith.constant 1920 : i32
      %dma_start3A_342 = tpu.memref_slice %arg7[%dma_start3A_341] : memref<2000xi32, #tpu.memory_space<vmem>> -> memref<80xi32, #tpu.memory_space<vmem>>
      %dma_start3A_343 = arith.constant 0 : i32
      %dma_start3A_344 = arith.constant 0 : i32
      %dma_start3A_345 = tpu.memref_slice %arg2[%dma_start3A_343, %dma_start3A_344] : memref<10000x128xf32, #tpu.memory_space<hbm>> -> memref<10000x128xf32, #tpu.memory_space<hbm>>
      tpu.enqueue_indirect_dma source(%dma_start3A_345 : memref<10000x128xf32, #tpu.memory_space<hbm>>) target(%arg14 : memref<80x128xf32, #tpu.memory_space<vmem>>) offsets(%dma_start3A_342 : memref<80xi32, #tpu.memory_space<vmem>>) semaphore(%arg18 : memref<!tpu.dma_semaphore, #tpu.memory_space<semaphore_mem>>)
      %dma_wait3A_346 = arith.constant 0 : i32
      %dma_wait3A_347 = arith.constant 0 : i32
      %dma_wait3A_348 = tpu.memref_slice %arg2[%dma_wait3A_346, %dma_wait3A_347] : memref<10000x128xf32, #tpu.memory_space<hbm>> -> memref<80x128xf32, #tpu.memory_space<hbm>>
      %dma_wait3A_349 = arith.constant 0 : i32
      %dma_wait3A_350 = arith.constant 0 : i32
      %dma_wait3A_351 = tpu.memref_slice %arg2[%dma_wait3A_349, %dma_wait3A_350] : memref<10000x128xf32, #tpu.memory_space<hbm>> -> memref<80x128xf32, #tpu.memory_space<hbm>>
      tpu.wait_dma2 semaphore(%arg19 : memref<!tpu.dma_semaphore, #tpu.memory_space<semaphore_mem>>) src(%dma_wait3A_351 : memref<80x128xf32, #tpu.memory_space<hbm>>) dst(%arg15 : memref<80x128xf32, #tpu.memory_space<vmem>>)
      %dma_start3A_352 = arith.constant 0 : i32
      %dma_start3A_353 = arith.constant 0 : i32
      %dma_start3A_354 = tpu.memref_slice %arg6[%dma_start3A_352, %dma_start3A_353] : memref<10000x128xf32, #tpu.memory_space<vmem_shared>> -> memref<10000x128xf32, #tpu.memory_space<vmem_shared>>
      tpu.enqueue_indirect_dma source(%arg15 : memref<80x128xf32, #tpu.memory_space<vmem>>) target(%dma_start3A_354 : memref<10000x128xf32, #tpu.memory_space<vmem_shared>>) offsets(%arg12 : memref<80xi32, #tpu.memory_space<vmem>>) semaphore(%arg22 : memref<!tpu.dma_semaphore, #tpu.memory_space<semaphore_mem>>) {add = true}
      %dma_wait3A_355 = arith.constant 0 : i32
      %dma_wait3A_356 = arith.constant 0 : i32
      %dma_wait3A_357 = tpu.memref_slice %arg2[%dma_wait3A_355, %dma_wait3A_356] : memref<10000x128xf32, #tpu.memory_space<hbm>> -> memref<80x128xf32, #tpu.memory_space<hbm>>
      %dma_wait3A_358 = arith.constant 0 : i32
      %dma_wait3A_359 = arith.constant 0 : i32
      %dma_wait3A_360 = tpu.memref_slice %arg2[%dma_wait3A_358, %dma_wait3A_359] : memref<10000x128xf32, #tpu.memory_space<hbm>> -> memref<80x128xf32, #tpu.memory_space<hbm>>
      tpu.wait_dma2 semaphore(%arg20 : memref<!tpu.dma_semaphore, #tpu.memory_space<semaphore_mem>>) src(%dma_wait3A_360 : memref<80x128xf32, #tpu.memory_space<hbm>>) dst(%arg16 : memref<80x128xf32, #tpu.memory_space<vmem>>)
      %dma_start3A_361 = arith.constant 0 : i32
      %dma_start3A_362 = arith.constant 0 : i32
      %dma_start3A_363 = tpu.memref_slice %arg6[%dma_start3A_361, %dma_start3A_362] : memref<10000x128xf32, #tpu.memory_space<vmem_shared>> -> memref<10000x128xf32, #tpu.memory_space<vmem_shared>>
      tpu.enqueue_indirect_dma source(%arg16 : memref<80x128xf32, #tpu.memory_space<vmem>>) target(%dma_start3A_363 : memref<10000x128xf32, #tpu.memory_space<vmem_shared>>) offsets(%arg13 : memref<80xi32, #tpu.memory_space<vmem>>) semaphore(%arg23 : memref<!tpu.dma_semaphore, #tpu.memory_space<semaphore_mem>>) {add = true}
      %dma_wait3A_364 = arith.constant 0 : i32
      %dma_wait3A_365 = arith.constant 0 : i32
      %dma_wait3A_366 = tpu.memref_slice %arg2[%dma_wait3A_364, %dma_wait3A_365] : memref<10000x128xf32, #tpu.memory_space<hbm>> -> memref<80x128xf32, #tpu.memory_space<hbm>>
      %dma_wait3A_367 = arith.constant 0 : i32
      %dma_wait3A_368 = arith.constant 0 : i32
      %dma_wait3A_369 = tpu.memref_slice %arg2[%dma_wait3A_367, %dma_wait3A_368] : memref<10000x128xf32, #tpu.memory_space<hbm>> -> memref<80x128xf32, #tpu.memory_space<hbm>>
      tpu.wait_dma2 semaphore(%arg18 : memref<!tpu.dma_semaphore, #tpu.memory_space<semaphore_mem>>) src(%dma_wait3A_369 : memref<80x128xf32, #tpu.memory_space<hbm>>) dst(%arg14 : memref<80x128xf32, #tpu.memory_space<vmem>>)
      %dma_start3A_370 = arith.constant 0 : i32
      %dma_start3A_371 = arith.constant 0 : i32
      %dma_start3A_372 = tpu.memref_slice %arg6[%dma_start3A_370, %dma_start3A_371] : memref<10000x128xf32, #tpu.memory_space<vmem_shared>> -> memref<10000x128xf32, #tpu.memory_space<vmem_shared>>
      tpu.enqueue_indirect_dma source(%arg14 : memref<80x128xf32, #tpu.memory_space<vmem>>) target(%dma_start3A_372 : memref<10000x128xf32, #tpu.memory_space<vmem_shared>>) offsets(%arg11 : memref<80xi32, #tpu.memory_space<vmem>>) semaphore(%arg21 : memref<!tpu.dma_semaphore, #tpu.memory_space<semaphore_mem>>) {add = true}
      %dma_wait3A_373 = arith.constant 0 : i32
      %dma_wait3A_374 = arith.constant 0 : i32
      %dma_wait3A_375 = tpu.memref_slice %arg6[%dma_wait3A_373, %dma_wait3A_374] : memref<10000x128xf32, #tpu.memory_space<vmem_shared>> -> memref<10000x128xf32, #tpu.memory_space<vmem_shared>>
      tpu.wait_indirect_dma semaphore(%arg21 : memref<!tpu.dma_semaphore, #tpu.memory_space<semaphore_mem>>) src(%arg14 : memref<80x128xf32, #tpu.memory_space<vmem>>) dst(%dma_wait3A_375 : memref<10000x128xf32, #tpu.memory_space<vmem_shared>>)
      %dma_wait3A_376 = arith.constant 0 : i32
      %dma_wait3A_377 = arith.constant 0 : i32
      %dma_wait3A_378 = tpu.memref_slice %arg6[%dma_wait3A_376, %dma_wait3A_377] : memref<10000x128xf32, #tpu.memory_space<vmem_shared>> -> memref<10000x128xf32, #tpu.memory_space<vmem_shared>>
      tpu.wait_indirect_dma semaphore(%arg22 : memref<!tpu.dma_semaphore, #tpu.memory_space<semaphore_mem>>) src(%arg15 : memref<80x128xf32, #tpu.memory_space<vmem>>) dst(%dma_wait3A_378 : memref<10000x128xf32, #tpu.memory_space<vmem_shared>>)
      %dma_wait3A_379 = arith.constant 0 : i32
      %dma_wait3A_380 = arith.constant 0 : i32
      %dma_wait3A_381 = tpu.memref_slice %arg6[%dma_wait3A_379, %dma_wait3A_380] : memref<10000x128xf32, #tpu.memory_space<vmem_shared>> -> memref<10000x128xf32, #tpu.memory_space<vmem_shared>>
      tpu.wait_indirect_dma semaphore(%arg23 : memref<!tpu.dma_semaphore, #tpu.memory_space<semaphore_mem>>) src(%arg16 : memref<80x128xf32, #tpu.memory_space<vmem>>) dst(%dma_wait3A_381 : memref<10000x128xf32, #tpu.memory_space<vmem_shared>>)
      %mul3A_382 = arith.constant 2 : i32
      %mul3A_383 = arith.muli %mul3A_382, %scan3A_211 : i32
      %add3A_384 = arith.constant 1 : i32
      %add3A_385 = arith.addi %mul3A_383, %add3A_384 : i32
      %dma_wait3A_386 = arith.constant 0 : i32
      %dma_wait3A_387 = tpu.memref_slice %arg3[%dma_wait3A_386] : memref<320000xi32, #tpu.memory_space<hbm>> -> memref<2000xi32, #tpu.memory_space<hbm>>
      %dma_wait3A_388 = arith.constant 0 : i32
      %dma_wait3A_389 = tpu.memref_slice %arg3[%dma_wait3A_388] : memref<320000xi32, #tpu.memory_space<hbm>> -> memref<2000xi32, #tpu.memory_space<hbm>>
      tpu.wait_dma2 semaphore(%arg25 : memref<!tpu.dma_semaphore, #tpu.memory_space<semaphore_mem>>) src(%dma_wait3A_389 : memref<2000xi32, #tpu.memory_space<hbm>>) dst(%arg9 : memref<2000xi32, #tpu.memory_space<vmem>>)
      %dma_wait3A_390 = arith.constant 0 : i32
      %dma_wait3A_391 = tpu.memref_slice %arg4[%dma_wait3A_390] : memref<320000xi32, #tpu.memory_space<hbm>> -> memref<2000xi32, #tpu.memory_space<hbm>>
      %dma_wait3A_392 = arith.constant 0 : i32
      %dma_wait3A_393 = tpu.memref_slice %arg4[%dma_wait3A_392] : memref<320000xi32, #tpu.memory_space<hbm>> -> memref<2000xi32, #tpu.memory_space<hbm>>
      tpu.wait_dma2 semaphore(%arg25 : memref<!tpu.dma_semaphore, #tpu.memory_space<semaphore_mem>>) src(%dma_wait3A_393 : memref<2000xi32, #tpu.memory_space<hbm>>) dst(%arg10 : memref<2000xi32, #tpu.memory_space<vmem>>)
      %lt3A_394 = arith.constant 4 : i32
      %lt3A_395 = arith.cmpi slt, %add3A_385, %lt3A_394 : i32
      %convert_element_type3A_396 = arith.extui %lt3A_395 : i1 to i32
      %cond3A_397 = arith.constant 0 : i32
      %cond3A_398 = arith.cmpi ne, %convert_element_type3A_396, %cond3A_397 : i32
      scf.if %cond3A_398 {
        %add3A_555 = arith.constant 1 : i32
        %add3A_556 = arith.addi %add3A_385, %add3A_555 : i32
        %mul3A_557 = arith.constant 2000 : i32
        %mul3A_558 = arith.muli %add3A_556, %mul3A_557 : i32
        %add3A_559 = arith.addi %mul3A_4, %mul3A_558 : i32
        %dma_start3A_560 = tpu.memref_slice %arg3[%add3A_559] : memref<320000xi32, #tpu.memory_space<hbm>> -> memref<2000xi32, #tpu.memory_space<hbm>>
        %dma_start3A_561 = tpu.memref_slice %arg3[%add3A_559] : memref<320000xi32, #tpu.memory_space<hbm>> -> memref<2000xi32, #tpu.memory_space<hbm>>
        tpu.enqueue_dma source(%dma_start3A_561 : memref<2000xi32, #tpu.memory_space<hbm>>) target(%arg7 : memref<2000xi32, #tpu.memory_space<vmem>>) target_semaphore(%arg24 : memref<!tpu.dma_semaphore, #tpu.memory_space<semaphore_mem>>)
        %dma_start3A_562 = tpu.memref_slice %arg4[%add3A_559] : memref<320000xi32, #tpu.memory_space<hbm>> -> memref<2000xi32, #tpu.memory_space<hbm>>
        %dma_start3A_563 = tpu.memref_slice %arg4[%add3A_559] : memref<320000xi32, #tpu.memory_space<hbm>> -> memref<2000xi32, #tpu.memory_space<hbm>>
        tpu.enqueue_dma source(%dma_start3A_563 : memref<2000xi32, #tpu.memory_space<hbm>>) target(%arg8 : memref<2000xi32, #tpu.memory_space<vmem>>) target_semaphore(%arg24 : memref<!tpu.dma_semaphore, #tpu.memory_space<semaphore_mem>>)
      } else {
      }
      %get3A_399 = arith.constant 0 : index
      %get3A_400 = tpu.vector_load %arg10[%get3A_399] {strides = array<i32>} : memref<2000xi32, #tpu.memory_space<vmem>>, vector<16xi32>,
      %swap3A_401 = arith.constant 0 : index
      %swap3A_402 = tpu.vector_load %arg11[%swap3A_401] {strides = array<i32>} : memref<80xi32, #tpu.memory_space<vmem>>, vector<16xi32>,
      tpu.vector_store %arg11[%swap3A_401], %get3A_400 {strides = array<i32>} : memref<80xi32, #tpu.memory_space<vmem>>, vector<16xi32>,
      %get3A_403 = arith.constant 16 : index
      %get3A_404 = tpu.vector_load %arg10[%get3A_403] {strides = array<i32>} : memref<2000xi32, #tpu.memory_space<vmem>>, vector<16xi32>,
      %swap3A_405 = arith.constant 16 : index
      %swap3A_406 = tpu.vector_load %arg11[%swap3A_405] {strides = array<i32>} : memref<80xi32, #tpu.memory_space<vmem>>, vector<16xi32>,
      tpu.vector_store %arg11[%swap3A_405], %get3A_404 {strides = array<i32>} : memref<80xi32, #tpu.memory_space<vmem>>, vector<16xi32>,
      %get3A_407 = arith.constant 32 : index
      %get3A_408 = tpu.vector_load %arg10[%get3A_407] {strides = array<i32>} : memref<2000xi32, #tpu.memory_space<vmem>>, vector<16xi32>,
      %swap3A_409 = arith.constant 32 : index
      %swap3A_410 = tpu.vector_load %arg11[%swap3A_409] {strides = array<i32>} : memref<80xi32, #tpu.memory_space<vmem>>, vector<16xi32>,
      tpu.vector_store %arg11[%swap3A_409], %get3A_408 {strides = array<i32>} : memref<80xi32, #tpu.memory_space<vmem>>, vector<16xi32>,
      %get3A_411 = arith.constant 48 : index
      %get3A_412 = tpu.vector_load %arg10[%get3A_411] {strides = array<i32>} : memref<2000xi32, #tpu.memory_space<vmem>>, vector<16xi32>,
      %swap3A_413 = arith.constant 48 : index
      %swap3A_414 = tpu.vector_load %arg11[%swap3A_413] {strides = array<i32>} : memref<80xi32, #tpu.memory_space<vmem>>, vector<16xi32>,
      tpu.vector_store %arg11[%swap3A_413], %get3A_412 {strides = array<i32>} : memref<80xi32, #tpu.memory_space<vmem>>, vector<16xi32>,
      %get3A_415 = arith.constant 64 : index
      %get3A_416 = tpu.vector_load %arg10[%get3A_415] {strides = array<i32>} : memref<2000xi32, #tpu.memory_space<vmem>>, vector<16xi32>,
      %swap3A_417 = arith.constant 64 : index
      %swap3A_418 = tpu.vector_load %arg11[%swap3A_417] {strides = array<i32>} : memref<80xi32, #tpu.memory_space<vmem>>, vector<16xi32>,
      tpu.vector_store %arg11[%swap3A_417], %get3A_416 {strides = array<i32>} : memref<80xi32, #tpu.memory_space<vmem>>, vector<16xi32>,
      %dma_start3A_419 = arith.constant 0 : i32
      %dma_start3A_420 = tpu.memref_slice %arg9[%dma_start3A_419] : memref<2000xi32, #tpu.memory_space<vmem>> -> memref<80xi32, #tpu.memory_space<vmem>>
      %dma_start3A_421 = arith.constant 0 : i32
      %dma_start3A_422 = arith.constant 0 : i32
      %dma_start3A_423 = tpu.memref_slice %arg2[%dma_start3A_421, %dma_start3A_422] : memref<10000x128xf32, #tpu.memory_space<hbm>> -> memref<10000x128xf32, #tpu.memory_space<hbm>>
      tpu.enqueue_indirect_dma source(%dma_start3A_423 : memref<10000x128xf32, #tpu.memory_space<hbm>>) target(%arg14 : memref<80x128xf32, #tpu.memory_space<vmem>>) offsets(%dma_start3A_420 : memref<80xi32, #tpu.memory_space<vmem>>) semaphore(%arg18 : memref<!tpu.dma_semaphore, #tpu.memory_space<semaphore_mem>>)
      %get3A_424 = arith.constant 80 : index
      %get3A_425 = tpu.vector_load %arg10[%get3A_424] {strides = array<i32>} : memref<2000xi32, #tpu.memory_space<vmem>>, vector<16xi32>,
      %swap3A_426 = arith.constant 0 : index
      %swap3A_427 = tpu.vector_load %arg12[%swap3A_426] {strides = array<i32>} : memref<80xi32, #tpu.memory_space<vmem>>, vector<16xi32>,
      tpu.vector_store %arg12[%swap3A_426], %get3A_425 {strides = array<i32>} : memref<80xi32, #tpu.memory_space<vmem>>, vector<16xi32>,
      %get3A_428 = arith.constant 96 : index
      %get3A_429 = tpu.vector_load %arg10[%get3A_428] {strides = array<i32>} : memref<2000xi32, #tpu.memory_space<vmem>>, vector<16xi32>,
      %swap3A_430 = arith.constant 16 : index
      %swap3A_431 = tpu.vector_load %arg12[%swap3A_430] {strides = array<i32>} : memref<80xi32, #tpu.memory_space<vmem>>, vector<16xi32>,
      tpu.vector_store %arg12[%swap3A_430], %get3A_429 {strides = array<i32>} : memref<80xi32, #tpu.memory_space<vmem>>, vector<16xi32>,
      %get3A_432 = arith.constant 112 : index
      %get3A_433 = tpu.vector_load %arg10[%get3A_432] {strides = array<i32>} : memref<2000xi32, #tpu.memory_space<vmem>>, vector<16xi32>,
      %swap3A_434 = arith.constant 32 : index
      %swap3A_435 = tpu.vector_load %arg12[%swap3A_434] {strides = array<i32>} : memref<80xi32, #tpu.memory_space<vmem>>, vector<16xi32>,
      tpu.vector_store %arg12[%swap3A_434], %get3A_433 {strides = array<i32>} : memref<80xi32, #tpu.memory_space<vmem>>, vector<16xi32>,
      %get3A_436 = arith.constant 128 : index
      %get3A_437 = tpu.vector_load %arg10[%get3A_436] {strides = array<i32>} : memref<2000xi32, #tpu.memory_space<vmem>>, vector<16xi32>,
      %swap3A_438 = arith.constant 48 : index
      %swap3A_439 = tpu.vector_load %arg12[%swap3A_438] {strides = array<i32>} : memref<80xi32, #tpu.memory_space<vmem>>, vector<16xi32>,
      tpu.vector_store %arg12[%swap3A_438], %get3A_437 {strides = array<i32>} : memref<80xi32, #tpu.memory_space<vmem>>, vector<16xi32>,
      %get3A_440 = arith.constant 144 : index
      %get3A_441 = tpu.vector_load %arg10[%get3A_440] {strides = array<i32>} : memref<2000xi32, #tpu.memory_space<vmem>>, vector<16xi32>,
      %swap3A_442 = arith.constant 64 : index
      %swap3A_443 = tpu.vector_load %arg12[%swap3A_442] {strides = array<i32>} : memref<80xi32, #tpu.memory_space<vmem>>, vector<16xi32>,
      tpu.vector_store %arg12[%swap3A_442], %get3A_441 {strides = array<i32>} : memref<80xi32, #tpu.memory_space<vmem>>, vector<16xi32>,
      %dma_start3A_444 = arith.constant 80 : i32
      %dma_start3A_445 = tpu.memref_slice %arg9[%dma_start3A_444] : memref<2000xi32, #tpu.memory_space<vmem>> -> memref<80xi32, #tpu.memory_space<vmem>>
      %dma_start3A_446 = arith.constant 0 : i32
      %dma_start3A_447 = arith.constant 0 : i32
      %dma_start3A_448 = tpu.memref_slice %arg2[%dma_start3A_446, %dma_start3A_447] : memref<10000x128xf32, #tpu.memory_space<hbm>> -> memref<10000x128xf32, #tpu.memory_space<hbm>>
      tpu.enqueue_indirect_dma source(%dma_start3A_448 : memref<10000x128xf32, #tpu.memory_space<hbm>>) target(%arg15 : memref<80x128xf32, #tpu.memory_space<vmem>>) offsets(%dma_start3A_445 : memref<80xi32, #tpu.memory_space<vmem>>) semaphore(%arg19 : memref<!tpu.dma_semaphore, #tpu.memory_space<semaphore_mem>>)
      %get3A_449 = arith.constant 160 : index
      %get3A_450 = tpu.vector_load %arg10[%get3A_449] {strides = array<i32>} : memref<2000xi32, #tpu.memory_space<vmem>>, vector<16xi32>,
      %swap3A_451 = arith.constant 0 : index
      %swap3A_452 = tpu.vector_load %arg13[%swap3A_451] {strides = array<i32>} : memref<80xi32, #tpu.memory_space<vmem>>, vector<16xi32>,
      tpu.vector_store %arg13[%swap3A_451], %get3A_450 {strides = array<i32>} : memref<80xi32, #tpu.memory_space<vmem>>, vector<16xi32>,
      %get3A_453 = arith.constant 176 : index
      %get3A_454 = tpu.vector_load %arg10[%get3A_453] {strides = array<i32>} : memref<2000xi32, #tpu.memory_space<vmem>>, vector<16xi32>,
      %swap3A_455 = arith.constant 16 : index
      %swap3A_456 = tpu.vector_load %arg13[%swap3A_455] {strides = array<i32>} : memref<80xi32, #tpu.memory_space<vmem>>, vector<16xi32>,
      tpu.vector_store %arg13[%swap3A_455], %get3A_454 {strides = array<i32>} : memref<80xi32, #tpu.memory_space<vmem>>, vector<16xi32>,
      %get3A_457 = arith.constant 192 : index
      %get3A_458 = tpu.vector_load %arg10[%get3A_457] {strides = array<i32>} : memref<2000xi32, #tpu.memory_space<vmem>>, vector<16xi32>,
      %swap3A_459 = arith.constant 32 : index
      %swap3A_460 = tpu.vector_load %arg13[%swap3A_459] {strides = array<i32>} : memref<80xi32, #tpu.memory_space<vmem>>, vector<16xi32>,
      tpu.vector_store %arg13[%swap3A_459], %get3A_458 {strides = array<i32>} : memref<80xi32, #tpu.memory_space<vmem>>, vector<16xi32>,
      %get3A_461 = arith.constant 208 : index
      %get3A_462 = tpu.vector_load %arg10[%get3A_461] {strides = array<i32>} : memref<2000xi32, #tpu.memory_space<vmem>>, vector<16xi32>,
      %swap3A_463 = arith.constant 48 : index
      %swap3A_464 = tpu.vector_load %arg13[%swap3A_463] {strides = array<i32>} : memref<80xi32, #tpu.memory_space<vmem>>, vector<16xi32>,
      tpu.vector_store %arg13[%swap3A_463], %get3A_462 {strides = array<i32>} : memref<80xi32, #tpu.memory_space<vmem>>, vector<16xi32>,
      %get3A_465 = arith.constant 224 : index
      %get3A_466 = tpu.vector_load %arg10[%get3A_465] {strides = array<i32>} : memref<2000xi32, #tpu.memory_space<vmem>>, vector<16xi32>,
      %swap3A_467 = arith.constant 64 : index
      %swap3A_468 = tpu.vector_load %arg13[%swap3A_467] {strides = array<i32>} : memref<80xi32, #tpu.memory_space<vmem>>, vector<16xi32>,
      tpu.vector_store %arg13[%swap3A_467], %get3A_466 {strides = array<i32>} : memref<80xi32, #tpu.memory_space<vmem>>, vector<16xi32>,
      %dma_start3A_469 = arith.constant 160 : i32
      %dma_start3A_470 = tpu.memref_slice %arg9[%dma_start3A_469] : memref<2000xi32, #tpu.memory_space<vmem>> -> memref<80xi32, #tpu.memory_space<vmem>>
      %dma_start3A_471 = arith.constant 0 : i32
      %dma_start3A_472 = arith.constant 0 : i32
      %dma_start3A_473 = tpu.memref_slice %arg2[%dma_start3A_471, %dma_start3A_472] : memref<10000x128xf32, #tpu.memory_space<hbm>> -> memref<10000x128xf32, #tpu.memory_space<hbm>>
      tpu.enqueue_indirect_dma source(%dma_start3A_473 : memref<10000x128xf32, #tpu.memory_space<hbm>>) target(%arg16 : memref<80x128xf32, #tpu.memory_space<vmem>>) offsets(%dma_start3A_470 : memref<80xi32, #tpu.memory_space<vmem>>) semaphore(%arg20 : memref<!tpu.dma_semaphore, #tpu.memory_space<semaphore_mem>>)
      %dma_wait3A_474 = arith.constant 0 : i32
      %dma_wait3A_475 = arith.constant 0 : i32
      %dma_wait3A_476 = tpu.memref_slice %arg2[%dma_wait3A_474, %dma_wait3A_475] : memref<10000x128xf32, #tpu.memory_space<hbm>> -> memref<80x128xf32, #tpu.memory_space<hbm>>
      %dma_wait3A_477 = arith.constant 0 : i32
      %dma_wait3A_478 = arith.constant 0 : i32
      %dma_wait3A_479 = tpu.memref_slice %arg2[%dma_wait3A_477, %dma_wait3A_478] : memref<10000x128xf32, #tpu.memory_space<hbm>> -> memref<80x128xf32, #tpu.memory_space<hbm>>
      tpu.wait_dma2 semaphore(%arg18 : memref<!tpu.dma_semaphore, #tpu.memory_space<semaphore_mem>>) src(%dma_wait3A_479 : memref<80x128xf32, #tpu.memory_space<hbm>>) dst(%arg14 : memref<80x128xf32, #tpu.memory_space<vmem>>)
      %dma_start3A_480 = arith.constant 0 : i32
      %dma_start3A_481 = arith.constant 0 : i32
      %dma_start3A_482 = tpu.memref_slice %arg6[%dma_start3A_480, %dma_start3A_481] : memref<10000x128xf32, #tpu.memory_space<vmem_shared>> -> memref<10000x128xf32, #tpu.memory_space<vmem_shared>>
      tpu.enqueue_indirect_dma source(%arg14 : memref<80x128xf32, #tpu.memory_space<vmem>>) target(%dma_start3A_482 : memref<10000x128xf32, #tpu.memory_space<vmem_shared>>) offsets(%arg11 : memref<80xi32, #tpu.memory_space<vmem>>) semaphore(%arg21 : memref<!tpu.dma_semaphore, #tpu.memory_space<semaphore_mem>>) {add = true}
      %scan3A_483 = arith.constant 0 : i32
      %scan3A_484 = arith.constant 0 : i32
      %scan3A_485 = arith.constant 7 : i32
      %scan3A_486 = arith.addi %scan3A_484, %scan3A_485 : i32
      %scan3A_487 = arith.constant 1 : i32
      %scan3A_488 = scf.for %scan3A_555 = %scan3A_484 to %scan3A_486 step %scan3A_487 iter_args(%scan3A_556 = %scan3A_483) -> (i32)  : i32 {
        %mul3A_557 = arith.constant 3 : i32
        %mul3A_558 = arith.muli %mul3A_557, %scan3A_555 : i32
        %add3A_559 = arith.constant 3 : i32
        %add3A_560 = arith.addi %add3A_559, %mul3A_558 : i32
        %dma_wait3A_561 = arith.constant 0 : i32
        %dma_wait3A_562 = arith.constant 0 : i32
        %dma_wait3A_563 = tpu.memref_slice %arg6[%dma_wait3A_561, %dma_wait3A_562] : memref<10000x128xf32, #tpu.memory_space<vmem_shared>> -> memref<10000x128xf32, #tpu.memory_space<vmem_shared>>
        tpu.wait_indirect_dma semaphore(%arg21 : memref<!tpu.dma_semaphore, #tpu.memory_space<semaphore_mem>>) src(%arg14 : memref<80x128xf32, #tpu.memory_space<vmem>>) dst(%dma_wait3A_563 : memref<10000x128xf32, #tpu.memory_space<vmem_shared>>)
        %mul3A_564 = arith.constant 80 : i32
        %mul3A_565 = arith.muli %add3A_560, %mul3A_564 : i32
        %add3A_566 = arith.constant 0 : i32
        %add3A_567 = arith.addi %mul3A_565, %add3A_566 : i32
        %get3A_568 = arith.index_cast %add3A_567 : i32 to index
        %get3A_569 = tpu.vector_load %arg10[%get3A_568] {strides = array<i32>} : memref<2000xi32, #tpu.memory_space<vmem>>, vector<16xi32>,
        %swap3A_570 = arith.constant 0 : index
        %swap3A_571 = tpu.vector_load %arg11[%swap3A_570] {strides = array<i32>} : memref<80xi32, #tpu.memory_space<vmem>>, vector<16xi32>,
        tpu.vector_store %arg11[%swap3A_570], %get3A_569 {strides = array<i32>} : memref<80xi32, #tpu.memory_space<vmem>>, vector<16xi32>,
        %mul3A_572 = arith.constant 80 : i32
        %mul3A_573 = arith.muli %add3A_560, %mul3A_572 : i32
        %add3A_574 = arith.constant 16 : i32
        %add3A_575 = arith.addi %mul3A_573, %add3A_574 : i32
        %get3A_576 = arith.index_cast %add3A_575 : i32 to index
        %get3A_577 = tpu.vector_load %arg10[%get3A_576] {strides = array<i32>} : memref<2000xi32, #tpu.memory_space<vmem>>, vector<16xi32>,
        %swap3A_578 = arith.constant 16 : index
        %swap3A_579 = tpu.vector_load %arg11[%swap3A_578] {strides = array<i32>} : memref<80xi32, #tpu.memory_space<vmem>>, vector<16xi32>,
        tpu.vector_store %arg11[%swap3A_578], %get3A_577 {strides = array<i32>} : memref<80xi32, #tpu.memory_space<vmem>>, vector<16xi32>,
        %mul3A_580 = arith.constant 80 : i32
        %mul3A_581 = arith.muli %add3A_560, %mul3A_580 : i32
        %add3A_582 = arith.constant 32 : i32
        %add3A_583 = arith.addi %mul3A_581, %add3A_582 : i32
        %get3A_584 = arith.index_cast %add3A_583 : i32 to index
        %get3A_585 = tpu.vector_load %arg10[%get3A_584] {strides = array<i32>} : memref<2000xi32, #tpu.memory_space<vmem>>, vector<16xi32>,
        %swap3A_586 = arith.constant 32 : index
        %swap3A_587 = tpu.vector_load %arg11[%swap3A_586] {strides = array<i32>} : memref<80xi32, #tpu.memory_space<vmem>>, vector<16xi32>,
        tpu.vector_store %arg11[%swap3A_586], %get3A_585 {strides = array<i32>} : memref<80xi32, #tpu.memory_space<vmem>>, vector<16xi32>,
        %mul3A_588 = arith.constant 80 : i32
        %mul3A_589 = arith.muli %add3A_560, %mul3A_588 : i32
        %add3A_590 = arith.constant 48 : i32
        %add3A_591 = arith.addi %mul3A_589, %add3A_590 : i32
        %get3A_592 = arith.index_cast %add3A_591 : i32 to index
        %get3A_593 = tpu.vector_load %arg10[%get3A_592] {strides = array<i32>} : memref<2000xi32, #tpu.memory_space<vmem>>, vector<16xi32>,
        %swap3A_594 = arith.constant 48 : index
        %swap3A_595 = tpu.vector_load %arg11[%swap3A_594] {strides = array<i32>} : memref<80xi32, #tpu.memory_space<vmem>>, vector<16xi32>,
        tpu.vector_store %arg11[%swap3A_594], %get3A_593 {strides = array<i32>} : memref<80xi32, #tpu.memory_space<vmem>>, vector<16xi32>,
        %mul3A_596 = arith.constant 80 : i32
        %mul3A_597 = arith.muli %add3A_560, %mul3A_596 : i32
        %add3A_598 = arith.constant 64 : i32
        %add3A_599 = arith.addi %mul3A_597, %add3A_598 : i32
        %get3A_600 = arith.index_cast %add3A_599 : i32 to index
        %get3A_601 = tpu.vector_load %arg10[%get3A_600] {strides = array<i32>} : memref<2000xi32, #tpu.memory_space<vmem>>, vector<16xi32>,
        %swap3A_602 = arith.constant 64 : index
        %swap3A_603 = tpu.vector_load %arg11[%swap3A_602] {strides = array<i32>} : memref<80xi32, #tpu.memory_space<vmem>>, vector<16xi32>,
        tpu.vector_store %arg11[%swap3A_602], %get3A_601 {strides = array<i32>} : memref<80xi32, #tpu.memory_space<vmem>>, vector<16xi32>,
        %mul3A_604 = arith.constant 80 : i32
        %mul3A_605 = arith.muli %add3A_560, %mul3A_604 : i32
        %dma_start3A_606 = tpu.memref_slice %arg9[%mul3A_605] : memref<2000xi32, #tpu.memory_space<vmem>> -> memref<80xi32, #tpu.memory_space<vmem>>
        %dma_start3A_607 = arith.constant 0 : i32
        %dma_start3A_608 = arith.constant 0 : i32
        %dma_start3A_609 = tpu.memref_slice %arg2[%dma_start3A_607, %dma_start3A_608] : memref<10000x128xf32, #tpu.memory_space<hbm>> -> memref<10000x128xf32, #tpu.memory_space<hbm>>
        tpu.enqueue_indirect_dma source(%dma_start3A_609 : memref<10000x128xf32, #tpu.memory_space<hbm>>) target(%arg14 : memref<80x128xf32, #tpu.memory_space<vmem>>) offsets(%dma_start3A_606 : memref<80xi32, #tpu.memory_space<vmem>>) semaphore(%arg18 : memref<!tpu.dma_semaphore, #tpu.memory_space<semaphore_mem>>)
        %dma_wait3A_610 = arith.constant 0 : i32
        %dma_wait3A_611 = arith.constant 0 : i32
        %dma_wait3A_612 = tpu.memref_slice %arg2[%dma_wait3A_610, %dma_wait3A_611] : memref<10000x128xf32, #tpu.memory_space<hbm>> -> memref<80x128xf32, #tpu.memory_space<hbm>>
        %dma_wait3A_613 = arith.constant 0 : i32
        %dma_wait3A_614 = arith.constant 0 : i32
        %dma_wait3A_615 = tpu.memref_slice %arg2[%dma_wait3A_613, %dma_wait3A_614] : memref<10000x128xf32, #tpu.memory_space<hbm>> -> memref<80x128xf32, #tpu.memory_space<hbm>>
        tpu.wait_dma2 semaphore(%arg19 : memref<!tpu.dma_semaphore, #tpu.memory_space<semaphore_mem>>) src(%dma_wait3A_615 : memref<80x128xf32, #tpu.memory_space<hbm>>) dst(%arg15 : memref<80x128xf32, #tpu.memory_space<vmem>>)
        %dma_start3A_616 = arith.constant 0 : i32
        %dma_start3A_617 = arith.constant 0 : i32
        %dma_start3A_618 = tpu.memref_slice %arg6[%dma_start3A_616, %dma_start3A_617] : memref<10000x128xf32, #tpu.memory_space<vmem_shared>> -> memref<10000x128xf32, #tpu.memory_space<vmem_shared>>
        tpu.enqueue_indirect_dma source(%arg15 : memref<80x128xf32, #tpu.memory_space<vmem>>) target(%dma_start3A_618 : memref<10000x128xf32, #tpu.memory_space<vmem_shared>>) offsets(%arg12 : memref<80xi32, #tpu.memory_space<vmem>>) semaphore(%arg22 : memref<!tpu.dma_semaphore, #tpu.memory_space<semaphore_mem>>) {add = true}
        %add3A_619 = arith.constant 1 : i32
        %add3A_620 = arith.addi %add3A_560, %add3A_619 : i32
        %dma_wait3A_621 = arith.constant 0 : i32
        %dma_wait3A_622 = arith.constant 0 : i32
        %dma_wait3A_623 = tpu.memref_slice %arg6[%dma_wait3A_621, %dma_wait3A_622] : memref<10000x128xf32, #tpu.memory_space<vmem_shared>> -> memref<10000x128xf32, #tpu.memory_space<vmem_shared>>
        tpu.wait_indirect_dma semaphore(%arg22 : memref<!tpu.dma_semaphore, #tpu.memory_space<semaphore_mem>>) src(%arg15 : memref<80x128xf32, #tpu.memory_space<vmem>>) dst(%dma_wait3A_623 : memref<10000x128xf32, #tpu.memory_space<vmem_shared>>)
        %mul3A_624 = arith.constant 80 : i32
        %mul3A_625 = arith.muli %add3A_620, %mul3A_624 : i32
        %add3A_626 = arith.constant 0 : i32
        %add3A_627 = arith.addi %mul3A_625, %add3A_626 : i32
        %get3A_628 = arith.index_cast %add3A_627 : i32 to index
        %get3A_629 = tpu.vector_load %arg10[%get3A_628] {strides = array<i32>} : memref<2000xi32, #tpu.memory_space<vmem>>, vector<16xi32>,
        %swap3A_630 = arith.constant 0 : index
        %swap3A_631 = tpu.vector_load %arg12[%swap3A_630] {strides = array<i32>} : memref<80xi32, #tpu.memory_space<vmem>>, vector<16xi32>,
        tpu.vector_store %arg12[%swap3A_630], %get3A_629 {strides = array<i32>} : memref<80xi32, #tpu.memory_space<vmem>>, vector<16xi32>,
        %mul3A_632 = arith.constant 80 : i32
        %mul3A_633 = arith.muli %add3A_620, %mul3A_632 : i32
        %add3A_634 = arith.constant 16 : i32
        %add3A_635 = arith.addi %mul3A_633, %add3A_634 : i32
        %get3A_636 = arith.index_cast %add3A_635 : i32 to index
        %get3A_637 = tpu.vector_load %arg10[%get3A_636] {strides = array<i32>} : memref<2000xi32, #tpu.memory_space<vmem>>, vector<16xi32>,
        %swap3A_638 = arith.constant 16 : index
        %swap3A_639 = tpu.vector_load %arg12[%swap3A_638] {strides = array<i32>} : memref<80xi32, #tpu.memory_space<vmem>>, vector<16xi32>,
        tpu.vector_store %arg12[%swap3A_638], %get3A_637 {strides = array<i32>} : memref<80xi32, #tpu.memory_space<vmem>>, vector<16xi32>,
        %mul3A_640 = arith.constant 80 : i32
        %mul3A_641 = arith.muli %add3A_620, %mul3A_640 : i32
        %add3A_642 = arith.constant 32 : i32
        %add3A_643 = arith.addi %mul3A_641, %add3A_642 : i32
        %get3A_644 = arith.index_cast %add3A_643 : i32 to index
        %get3A_645 = tpu.vector_load %arg10[%get3A_644] {strides = array<i32>} : memref<2000xi32, #tpu.memory_space<vmem>>, vector<16xi32>,
        %swap3A_646 = arith.constant 32 : index
        %swap3A_647 = tpu.vector_load %arg12[%swap3A_646] {strides = array<i32>} : memref<80xi32, #tpu.memory_space<vmem>>, vector<16xi32>,
        tpu.vector_store %arg12[%swap3A_646], %get3A_645 {strides = array<i32>} : memref<80xi32, #tpu.memory_space<vmem>>, vector<16xi32>,
        %mul3A_648 = arith.constant 80 : i32
        %mul3A_649 = arith.muli %add3A_620, %mul3A_648 : i32
        %add3A_650 = arith.constant 48 : i32
        %add3A_651 = arith.addi %mul3A_649, %add3A_650 : i32
        %get3A_652 = arith.index_cast %add3A_651 : i32 to index
        %get3A_653 = tpu.vector_load %arg10[%get3A_652] {strides = array<i32>} : memref<2000xi32, #tpu.memory_space<vmem>>, vector<16xi32>,
        %swap3A_654 = arith.constant 48 : index
        %swap3A_655 = tpu.vector_load %arg12[%swap3A_654] {strides = array<i32>} : memref<80xi32, #tpu.memory_space<vmem>>, vector<16xi32>,
        tpu.vector_store %arg12[%swap3A_654], %get3A_653 {strides = array<i32>} : memref<80xi32, #tpu.memory_space<vmem>>, vector<16xi32>,
        %mul3A_656 = arith.constant 80 : i32
        %mul3A_657 = arith.muli %add3A_620, %mul3A_656 : i32
        %add3A_658 = arith.constant 64 : i32
        %add3A_659 = arith.addi %mul3A_657, %add3A_658 : i32
        %get3A_660 = arith.index_cast %add3A_659 : i32 to index
        %get3A_661 = tpu.vector_load %arg10[%get3A_660] {strides = array<i32>} : memref<2000xi32, #tpu.memory_space<vmem>>, vector<16xi32>,
        %swap3A_662 = arith.constant 64 : index
        %swap3A_663 = tpu.vector_load %arg12[%swap3A_662] {strides = array<i32>} : memref<80xi32, #tpu.memory_space<vmem>>, vector<16xi32>,
        tpu.vector_store %arg12[%swap3A_662], %get3A_661 {strides = array<i32>} : memref<80xi32, #tpu.memory_space<vmem>>, vector<16xi32>,
        %mul3A_664 = arith.constant 80 : i32
        %mul3A_665 = arith.muli %add3A_620, %mul3A_664 : i32
        %dma_start3A_666 = tpu.memref_slice %arg9[%mul3A_665] : memref<2000xi32, #tpu.memory_space<vmem>> -> memref<80xi32, #tpu.memory_space<vmem>>
        %dma_start3A_667 = arith.constant 0 : i32
        %dma_start3A_668 = arith.constant 0 : i32
        %dma_start3A_669 = tpu.memref_slice %arg2[%dma_start3A_667, %dma_start3A_668] : memref<10000x128xf32, #tpu.memory_space<hbm>> -> memref<10000x128xf32, #tpu.memory_space<hbm>>
        tpu.enqueue_indirect_dma source(%dma_start3A_669 : memref<10000x128xf32, #tpu.memory_space<hbm>>) target(%arg15 : memref<80x128xf32, #tpu.memory_space<vmem>>) offsets(%dma_start3A_666 : memref<80xi32, #tpu.memory_space<vmem>>) semaphore(%arg19 : memref<!tpu.dma_semaphore, #tpu.memory_space<semaphore_mem>>)
        %dma_wait3A_670 = arith.constant 0 : i32
        %dma_wait3A_671 = arith.constant 0 : i32
        %dma_wait3A_672 = tpu.memref_slice %arg2[%dma_wait3A_670, %dma_wait3A_671] : memref<10000x128xf32, #tpu.memory_space<hbm>> -> memref<80x128xf32, #tpu.memory_space<hbm>>
        %dma_wait3A_673 = arith.constant 0 : i32
        %dma_wait3A_674 = arith.constant 0 : i32
        %dma_wait3A_675 = tpu.memref_slice %arg2[%dma_wait3A_673, %dma_wait3A_674] : memref<10000x128xf32, #tpu.memory_space<hbm>> -> memref<80x128xf32, #tpu.memory_space<hbm>>
        tpu.wait_dma2 semaphore(%arg20 : memref<!tpu.dma_semaphore, #tpu.memory_space<semaphore_mem>>) src(%dma_wait3A_675 : memref<80x128xf32, #tpu.memory_space<hbm>>) dst(%arg16 : memref<80x128xf32, #tpu.memory_space<vmem>>)
        %dma_start3A_676 = arith.constant 0 : i32
        %dma_start3A_677 = arith.constant 0 : i32
        %dma_start3A_678 = tpu.memref_slice %arg6[%dma_start3A_676, %dma_start3A_677] : memref<10000x128xf32, #tpu.memory_space<vmem_shared>> -> memref<10000x128xf32, #tpu.memory_space<vmem_shared>>
        tpu.enqueue_indirect_dma source(%arg16 : memref<80x128xf32, #tpu.memory_space<vmem>>) target(%dma_start3A_678 : memref<10000x128xf32, #tpu.memory_space<vmem_shared>>) offsets(%arg13 : memref<80xi32, #tpu.memory_space<vmem>>) semaphore(%arg23 : memref<!tpu.dma_semaphore, #tpu.memory_space<semaphore_mem>>) {add = true}
        %add3A_679 = arith.constant 2 : i32
        %add3A_680 = arith.addi %add3A_560, %add3A_679 : i32
        %dma_wait3A_681 = arith.constant 0 : i32
        %dma_wait3A_682 = arith.constant 0 : i32
        %dma_wait3A_683 = tpu.memref_slice %arg6[%dma_wait3A_681, %dma_wait3A_682] : memref<10000x128xf32, #tpu.memory_space<vmem_shared>> -> memref<10000x128xf32, #tpu.memory_space<vmem_shared>>
        tpu.wait_indirect_dma semaphore(%arg23 : memref<!tpu.dma_semaphore, #tpu.memory_space<semaphore_mem>>) src(%arg16 : memref<80x128xf32, #tpu.memory_space<vmem>>) dst(%dma_wait3A_683 : memref<10000x128xf32, #tpu.memory_space<vmem_shared>>)
        %mul3A_684 = arith.constant 80 : i32
        %mul3A_685 = arith.muli %add3A_680, %mul3A_684 : i32
        %add3A_686 = arith.constant 0 : i32
        %add3A_687 = arith.addi %mul3A_685, %add3A_686 : i32
        %get3A_688 = arith.index_cast %add3A_687 : i32 to index
        %get3A_689 = tpu.vector_load %arg10[%get3A_688] {strides = array<i32>} : memref<2000xi32, #tpu.memory_space<vmem>>, vector<16xi32>,
        %swap3A_690 = arith.constant 0 : index
        %swap3A_691 = tpu.vector_load %arg13[%swap3A_690] {strides = array<i32>} : memref<80xi32, #tpu.memory_space<vmem>>, vector<16xi32>,
        tpu.vector_store %arg13[%swap3A_690], %get3A_689 {strides = array<i32>} : memref<80xi32, #tpu.memory_space<vmem>>, vector<16xi32>,
        %mul3A_692 = arith.constant 80 : i32
        %mul3A_693 = arith.muli %add3A_680, %mul3A_692 : i32
        %add3A_694 = arith.constant 16 : i32
        %add3A_695 = arith.addi %mul3A_693, %add3A_694 : i32
        %get3A_696 = arith.index_cast %add3A_695 : i32 to index
        %get3A_697 = tpu.vector_load %arg10[%get3A_696] {strides = array<i32>} : memref<2000xi32, #tpu.memory_space<vmem>>, vector<16xi32>,
        %swap3A_698 = arith.constant 16 : index
        %swap3A_699 = tpu.vector_load %arg13[%swap3A_698] {strides = array<i32>} : memref<80xi32, #tpu.memory_space<vmem>>, vector<16xi32>,
        tpu.vector_store %arg13[%swap3A_698], %get3A_697 {strides = array<i32>} : memref<80xi32, #tpu.memory_space<vmem>>, vector<16xi32>,
        %mul3A_700 = arith.constant 80 : i32
        %mul3A_701 = arith.muli %add3A_680, %mul3A_700 : i32
        %add3A_702 = arith.constant 32 : i32
        %add3A_703 = arith.addi %mul3A_701, %add3A_702 : i32
        %get3A_704 = arith.index_cast %add3A_703 : i32 to index
        %get3A_705 = tpu.vector_load %arg10[%get3A_704] {strides = array<i32>} : memref<2000xi32, #tpu.memory_space<vmem>>, vector<16xi32>,
        %swap3A_706 = arith.constant 32 : index
        %swap3A_707 = tpu.vector_load %arg13[%swap3A_706] {strides = array<i32>} : memref<80xi32, #tpu.memory_space<vmem>>, vector<16xi32>,
        tpu.vector_store %arg13[%swap3A_706], %get3A_705 {strides = array<i32>} : memref<80xi32, #tpu.memory_space<vmem>>, vector<16xi32>,
        %mul3A_708 = arith.constant 80 : i32
        %mul3A_709 = arith.muli %add3A_680, %mul3A_708 : i32
        %add3A_710 = arith.constant 48 : i32
        %add3A_711 = arith.addi %mul3A_709, %add3A_710 : i32
        %get3A_712 = arith.index_cast %add3A_711 : i32 to index
        %get3A_713 = tpu.vector_load %arg10[%get3A_712] {strides = array<i32>} : memref<2000xi32, #tpu.memory_space<vmem>>, vector<16xi32>,
        %swap3A_714 = arith.constant 48 : index
        %swap3A_715 = tpu.vector_load %arg13[%swap3A_714] {strides = array<i32>} : memref<80xi32, #tpu.memory_space<vmem>>, vector<16xi32>,
        tpu.vector_store %arg13[%swap3A_714], %get3A_713 {strides = array<i32>} : memref<80xi32, #tpu.memory_space<vmem>>, vector<16xi32>,
        %mul3A_716 = arith.constant 80 : i32
        %mul3A_717 = arith.muli %add3A_680, %mul3A_716 : i32
        %add3A_718 = arith.constant 64 : i32
        %add3A_719 = arith.addi %mul3A_717, %add3A_718 : i32
        %get3A_720 = arith.index_cast %add3A_719 : i32 to index
        %get3A_721 = tpu.vector_load %arg10[%get3A_720] {strides = array<i32>} : memref<2000xi32, #tpu.memory_space<vmem>>, vector<16xi32>,
        %swap3A_722 = arith.constant 64 : index
        %swap3A_723 = tpu.vector_load %arg13[%swap3A_722] {strides = array<i32>} : memref<80xi32, #tpu.memory_space<vmem>>, vector<16xi32>,
        tpu.vector_store %arg13[%swap3A_722], %get3A_721 {strides = array<i32>} : memref<80xi32, #tpu.memory_space<vmem>>, vector<16xi32>,
        %mul3A_724 = arith.constant 80 : i32
        %mul3A_725 = arith.muli %add3A_680, %mul3A_724 : i32
        %dma_start3A_726 = tpu.memref_slice %arg9[%mul3A_725] : memref<2000xi32, #tpu.memory_space<vmem>> -> memref<80xi32, #tpu.memory_space<vmem>>
        %dma_start3A_727 = arith.constant 0 : i32
        %dma_start3A_728 = arith.constant 0 : i32
        %dma_start3A_729 = tpu.memref_slice %arg2[%dma_start3A_727, %dma_start3A_728] : memref<10000x128xf32, #tpu.memory_space<hbm>> -> memref<10000x128xf32, #tpu.memory_space<hbm>>
        tpu.enqueue_indirect_dma source(%dma_start3A_729 : memref<10000x128xf32, #tpu.memory_space<hbm>>) target(%arg16 : memref<80x128xf32, #tpu.memory_space<vmem>>) offsets(%dma_start3A_726 : memref<80xi32, #tpu.memory_space<vmem>>) semaphore(%arg20 : memref<!tpu.dma_semaphore, #tpu.memory_space<semaphore_mem>>)
        %dma_wait3A_730 = arith.constant 0 : i32
        %dma_wait3A_731 = arith.constant 0 : i32
        %dma_wait3A_732 = tpu.memref_slice %arg2[%dma_wait3A_730, %dma_wait3A_731] : memref<10000x128xf32, #tpu.memory_space<hbm>> -> memref<80x128xf32, #tpu.memory_space<hbm>>
        %dma_wait3A_733 = arith.constant 0 : i32
        %dma_wait3A_734 = arith.constant 0 : i32
        %dma_wait3A_735 = tpu.memref_slice %arg2[%dma_wait3A_733, %dma_wait3A_734] : memref<10000x128xf32, #tpu.memory_space<hbm>> -> memref<80x128xf32, #tpu.memory_space<hbm>>
        tpu.wait_dma2 semaphore(%arg18 : memref<!tpu.dma_semaphore, #tpu.memory_space<semaphore_mem>>) src(%dma_wait3A_735 : memref<80x128xf32, #tpu.memory_space<hbm>>) dst(%arg14 : memref<80x128xf32, #tpu.memory_space<vmem>>)
        %dma_start3A_736 = arith.constant 0 : i32
        %dma_start3A_737 = arith.constant 0 : i32
        %dma_start3A_738 = tpu.memref_slice %arg6[%dma_start3A_736, %dma_start3A_737] : memref<10000x128xf32, #tpu.memory_space<vmem_shared>> -> memref<10000x128xf32, #tpu.memory_space<vmem_shared>>
        tpu.enqueue_indirect_dma source(%arg14 : memref<80x128xf32, #tpu.memory_space<vmem>>) target(%dma_start3A_738 : memref<10000x128xf32, #tpu.memory_space<vmem_shared>>) offsets(%arg11 : memref<80xi32, #tpu.memory_space<vmem>>) semaphore(%arg21 : memref<!tpu.dma_semaphore, #tpu.memory_space<semaphore_mem>>) {add = true}
        %scan3A_739 = arith.constant 0 : i32
        scf.yield %scan3A_739 : i32
      }
      %scan3A_489 = arith.constant 7 : i32
      %dma_wait3A_490 = arith.constant 0 : i32
      %dma_wait3A_491 = arith.constant 0 : i32
      %dma_wait3A_492 = tpu.memref_slice %arg6[%dma_wait3A_490, %dma_wait3A_491] : memref<10000x128xf32, #tpu.memory_space<vmem_shared>> -> memref<10000x128xf32, #tpu.memory_space<vmem_shared>>
      tpu.wait_indirect_dma semaphore(%arg21 : memref<!tpu.dma_semaphore, #tpu.memory_space<semaphore_mem>>) src(%arg14 : memref<80x128xf32, #tpu.memory_space<vmem>>) dst(%dma_wait3A_492 : memref<10000x128xf32, #tpu.memory_space<vmem_shared>>)
      %get3A_493 = arith.constant 1920 : index
      %get3A_494 = tpu.vector_load %arg10[%get3A_493] {strides = array<i32>} : memref<2000xi32, #tpu.memory_space<vmem>>, vector<16xi32>,
      %swap3A_495 = arith.constant 0 : index
      %swap3A_496 = tpu.vector_load %arg11[%swap3A_495] {strides = array<i32>} : memref<80xi32, #tpu.memory_space<vmem>>, vector<16xi32>,
      tpu.vector_store %arg11[%swap3A_495], %get3A_494 {strides = array<i32>} : memref<80xi32, #tpu.memory_space<vmem>>, vector<16xi32>,
      %get3A_497 = arith.constant 1936 : index
      %get3A_498 = tpu.vector_load %arg10[%get3A_497] {strides = array<i32>} : memref<2000xi32, #tpu.memory_space<vmem>>, vector<16xi32>,
      %swap3A_499 = arith.constant 16 : index
      %swap3A_500 = tpu.vector_load %arg11[%swap3A_499] {strides = array<i32>} : memref<80xi32, #tpu.memory_space<vmem>>, vector<16xi32>,
      tpu.vector_store %arg11[%swap3A_499], %get3A_498 {strides = array<i32>} : memref<80xi32, #tpu.memory_space<vmem>>, vector<16xi32>,
      %get3A_501 = arith.constant 1952 : index
      %get3A_502 = tpu.vector_load %arg10[%get3A_501] {strides = array<i32>} : memref<2000xi32, #tpu.memory_space<vmem>>, vector<16xi32>,
      %swap3A_503 = arith.constant 32 : index
      %swap3A_504 = tpu.vector_load %arg11[%swap3A_503] {strides = array<i32>} : memref<80xi32, #tpu.memory_space<vmem>>, vector<16xi32>,
      tpu.vector_store %arg11[%swap3A_503], %get3A_502 {strides = array<i32>} : memref<80xi32, #tpu.memory_space<vmem>>, vector<16xi32>,
      %get3A_505 = arith.constant 1968 : index
      %get3A_506 = tpu.vector_load %arg10[%get3A_505] {strides = array<i32>} : memref<2000xi32, #tpu.memory_space<vmem>>, vector<16xi32>,
      %swap3A_507 = arith.constant 48 : index
      %swap3A_508 = tpu.vector_load %arg11[%swap3A_507] {strides = array<i32>} : memref<80xi32, #tpu.memory_space<vmem>>, vector<16xi32>,
      tpu.vector_store %arg11[%swap3A_507], %get3A_506 {strides = array<i32>} : memref<80xi32, #tpu.memory_space<vmem>>, vector<16xi32>,
      %get3A_509 = arith.constant 1984 : index
      %get3A_510 = tpu.vector_load %arg10[%get3A_509] {strides = array<i32>} : memref<2000xi32, #tpu.memory_space<vmem>>, vector<16xi32>,
      %swap3A_511 = arith.constant 64 : index
      %swap3A_512 = tpu.vector_load %arg11[%swap3A_511] {strides = array<i32>} : memref<80xi32, #tpu.memory_space<vmem>>, vector<16xi32>,
      tpu.vector_store %arg11[%swap3A_511], %get3A_510 {strides = array<i32>} : memref<80xi32, #tpu.memory_space<vmem>>, vector<16xi32>,
      %dma_start3A_513 = arith.constant 1920 : i32
      %dma_start3A_514 = tpu.memref_slice %arg9[%dma_start3A_513] : memref<2000xi32, #tpu.memory_space<vmem>> -> memref<80xi32, #tpu.memory_space<vmem>>
      %dma_start3A_515 = arith.constant 0 : i32
      %dma_start3A_516 = arith.constant 0 : i32
      %dma_start3A_517 = tpu.memref_slice %arg2[%dma_start3A_515, %dma_start3A_516] : memref<10000x128xf32, #tpu.memory_space<hbm>> -> memref<10000x128xf32, #tpu.memory_space<hbm>>
      tpu.enqueue_indirect_dma source(%dma_start3A_517 : memref<10000x128xf32, #tpu.memory_space<hbm>>) target(%arg14 : memref<80x128xf32, #tpu.memory_space<vmem>>) offsets(%dma_start3A_514 : memref<80xi32, #tpu.memory_space<vmem>>) semaphore(%arg18 : memref<!tpu.dma_semaphore, #tpu.memory_space<semaphore_mem>>)
      %dma_wait3A_518 = arith.constant 0 : i32
      %dma_wait3A_519 = arith.constant 0 : i32
      %dma_wait3A_520 = tpu.memref_slice %arg2[%dma_wait3A_518, %dma_wait3A_519] : memref<10000x128xf32, #tpu.memory_space<hbm>> -> memref<80x128xf32, #tpu.memory_space<hbm>>
      %dma_wait3A_521 = arith.constant 0 : i32
      %dma_wait3A_522 = arith.constant 0 : i32
      %dma_wait3A_523 = tpu.memref_slice %arg2[%dma_wait3A_521, %dma_wait3A_522] : memref<10000x128xf32, #tpu.memory_space<hbm>> -> memref<80x128xf32, #tpu.memory_space<hbm>>
      tpu.wait_dma2 semaphore(%arg19 : memref<!tpu.dma_semaphore, #tpu.memory_space<semaphore_mem>>) src(%dma_wait3A_523 : memref<80x128xf32, #tpu.memory_space<hbm>>) dst(%arg15 : memref<80x128xf32, #tpu.memory_space<vmem>>)
      %dma_start3A_524 = arith.constant 0 : i32
      %dma_start3A_525 = arith.constant 0 : i32
      %dma_start3A_526 = tpu.memref_slice %arg6[%dma_start3A_524, %dma_start3A_525] : memref<10000x128xf32, #tpu.memory_space<vmem_shared>> -> memref<10000x128xf32, #tpu.memory_space<vmem_shared>>
      tpu.enqueue_indirect_dma source(%arg15 : memref<80x128xf32, #tpu.memory_space<vmem>>) target(%dma_start3A_526 : memref<10000x128xf32, #tpu.memory_space<vmem_shared>>) offsets(%arg12 : memref<80xi32, #tpu.memory_space<vmem>>) semaphore(%arg22 : memref<!tpu.dma_semaphore, #tpu.memory_space<semaphore_mem>>) {add = true}
      %dma_wait3A_527 = arith.constant 0 : i32
      %dma_wait3A_528 = arith.constant 0 : i32
      %dma_wait3A_529 = tpu.memref_slice %arg2[%dma_wait3A_527, %dma_wait3A_528] : memref<10000x128xf32, #tpu.memory_space<hbm>> -> memref<80x128xf32, #tpu.memory_space<hbm>>
      %dma_wait3A_530 = arith.constant 0 : i32
      %dma_wait3A_531 = arith.constant 0 : i32
      %dma_wait3A_532 = tpu.memref_slice %arg2[%dma_wait3A_530, %dma_wait3A_531] : memref<10000x128xf32, #tpu.memory_space<hbm>> -> memref<80x128xf32, #tpu.memory_space<hbm>>
      tpu.wait_dma2 semaphore(%arg20 : memref<!tpu.dma_semaphore, #tpu.memory_space<semaphore_mem>>) src(%dma_wait3A_532 : memref<80x128xf32, #tpu.memory_space<hbm>>) dst(%arg16 : memref<80x128xf32, #tpu.memory_space<vmem>>)
      %dma_start3A_533 = arith.constant 0 : i32
      %dma_start3A_534 = arith.constant 0 : i32
      %dma_start3A_535 = tpu.memref_slice %arg6[%dma_start3A_533, %dma_start3A_534] : memref<10000x128xf32, #tpu.memory_space<vmem_shared>> -> memref<10000x128xf32, #tpu.memory_space<vmem_shared>>
      tpu.enqueue_indirect_dma source(%arg16 : memref<80x128xf32, #tpu.memory_space<vmem>>) target(%dma_start3A_535 : memref<10000x128xf32, #tpu.memory_space<vmem_shared>>) offsets(%arg13 : memref<80xi32, #tpu.memory_space<vmem>>) semaphore(%arg23 : memref<!tpu.dma_semaphore, #tpu.memory_space<semaphore_mem>>) {add = true}
      %dma_wait3A_536 = arith.constant 0 : i32
      %dma_wait3A_537 = arith.constant 0 : i32
      %dma_wait3A_538 = tpu.memref_slice %arg2[%dma_wait3A_536, %dma_wait3A_537] : memref<10000x128xf32, #tpu.memory_space<hbm>> -> memref<80x128xf32, #tpu.memory_space<hbm>>
      %dma_wait3A_539 = arith.constant 0 : i32
      %dma_wait3A_540 = arith.constant 0 : i32
      %dma_wait3A_541 = tpu.memref_slice %arg2[%dma_wait3A_539, %dma_wait3A_540] : memref<10000x128xf32, #tpu.memory_space<hbm>> -> memref<80x128xf32, #tpu.memory_space<hbm>>
      tpu.wait_dma2 semaphore(%arg18 : memref<!tpu.dma_semaphore, #tpu.memory_space<semaphore_mem>>) src(%dma_wait3A_541 : memref<80x128xf32, #tpu.memory_space<hbm>>) dst(%arg14 : memref<80x128xf32, #tpu.memory_space<vmem>>)
      %dma_start3A_542 = arith.constant 0 : i32
      %dma_start3A_543 = arith.constant 0 : i32
      %dma_start3A_544 = tpu.memref_slice %arg6[%dma_start3A_542, %dma_start3A_543] : memref<10000x128xf32, #tpu.memory_space<vmem_shared>> -> memref<10000x128xf32, #tpu.memory_space<vmem_shared>>
      tpu.enqueue_indirect_dma source(%arg14 : memref<80x128xf32, #tpu.memory_space<vmem>>) target(%dma_start3A_544 : memref<10000x128xf32, #tpu.memory_space<vmem_shared>>) offsets(%arg11 : memref<80xi32, #tpu.memory_space<vmem>>) semaphore(%arg21 : memref<!tpu.dma_semaphore, #tpu.memory_space<semaphore_mem>>) {add = true}
      %dma_wait3A_545 = arith.constant 0 : i32
      %dma_wait3A_546 = arith.constant 0 : i32
      %dma_wait3A_547 = tpu.memref_slice %arg6[%dma_wait3A_545, %dma_wait3A_546] : memref<10000x128xf32, #tpu.memory_space<vmem_shared>> -> memref<10000x128xf32, #tpu.memory_space<vmem_shared>>
      tpu.wait_indirect_dma semaphore(%arg21 : memref<!tpu.dma_semaphore, #tpu.memory_space<semaphore_mem>>) src(%arg14 : memref<80x128xf32, #tpu.memory_space<vmem>>) dst(%dma_wait3A_547 : memref<10000x128xf32, #tpu.memory_space<vmem_shared>>)
      %dma_wait3A_548 = arith.constant 0 : i32
      %dma_wait3A_549 = arith.constant 0 : i32
      %dma_wait3A_550 = tpu.memref_slice %arg6[%dma_wait3A_548, %dma_wait3A_549] : memref<10000x128xf32, #tpu.memory_space<vmem_shared>> -> memref<10000x128xf32, #tpu.memory_space<vmem_shared>>
      tpu.wait_indirect_dma semaphore(%arg22 : memref<!tpu.dma_semaphore, #tpu.memory_space<semaphore_mem>>) src(%arg15 : memref<80x128xf32, #tpu.memory_space<vmem>>) dst(%dma_wait3A_550 : memref<10000x128xf32, #tpu.memory_space<vmem_shared>>)
      %dma_wait3A_551 = arith.constant 0 : i32
      %dma_wait3A_552 = arith.constant 0 : i32
      %dma_wait3A_553 = tpu.memref_slice %arg6[%dma_wait3A_551, %dma_wait3A_552] : memref<10000x128xf32, #tpu.memory_space<vmem_shared>> -> memref<10000x128xf32, #tpu.memory_space<vmem_shared>>
      tpu.wait_indirect_dma semaphore(%arg23 : memref<!tpu.dma_semaphore, #tpu.memory_space<semaphore_mem>>) src(%arg16 : memref<80x128xf32, #tpu.memory_space<vmem>>) dst(%dma_wait3A_553 : memref<10000x128xf32, #tpu.memory_space<vmem_shared>>)
      %scan3A_554 = arith.constant 0 : i32
      scf.yield %scan3A_554 : i32
    }
    %scan3A_44 = arith.constant 2 : i32
    %dma_wait3A = arith.constant 0 : i32
    %dma_wait3A_45 = tpu.memref_slice %arg3[%dma_wait3A] : memref<320000xi32, #tpu.memory_space<hbm>> -> memref<2000xi32, #tpu.memory_space<hbm>>
    %dma_wait3A_46 = arith.constant 0 : i32
    %dma_wait3A_47 = tpu.memref_slice %arg3[%dma_wait3A_46] : memref<320000xi32, #tpu.memory_space<hbm>> -> memref<2000xi32, #tpu.memory_space<hbm>>
    tpu.wait_dma2 semaphore(%arg24 : memref<!tpu.dma_semaphore, #tpu.memory_space<semaphore_mem>>) src(%dma_wait3A_47 : memref<2000xi32, #tpu.memory_space<hbm>>) dst(%arg7 : memref<2000xi32, #tpu.memory_space<vmem>>)
    %dma_wait3A_48 = arith.constant 0 : i32
    %dma_wait3A_49 = tpu.memref_slice %arg4[%dma_wait3A_48] : memref<320000xi32, #tpu.memory_space<hbm>> -> memref<2000xi32, #tpu.memory_space<hbm>>
    %dma_wait3A_50 = arith.constant 0 : i32
    %dma_wait3A_51 = tpu.memref_slice %arg4[%dma_wait3A_50] : memref<320000xi32, #tpu.memory_space<hbm>> -> memref<2000xi32, #tpu.memory_space<hbm>>
    tpu.wait_dma2 semaphore(%arg24 : memref<!tpu.dma_semaphore, #tpu.memory_space<semaphore_mem>>) src(%dma_wait3A_51 : memref<2000xi32, #tpu.memory_space<hbm>>) dst(%arg8 : memref<2000xi32, #tpu.memory_space<vmem>>)
    %get3A = arith.constant 0 : index
    %get3A_52 = tpu.vector_load %arg8[%get3A] {strides = array<i32>} : memref<2000xi32, #tpu.memory_space<vmem>>, vector<16xi32>,
    %swap3A = arith.constant 0 : index
    %swap3A_53 = tpu.vector_load %arg11[%swap3A] {strides = array<i32>} : memref<80xi32, #tpu.memory_space<vmem>>, vector<16xi32>,
    tpu.vector_store %arg11[%swap3A], %get3A_52 {strides = array<i32>} : memref<80xi32, #tpu.memory_space<vmem>>, vector<16xi32>,
    %get3A_54 = arith.constant 16 : index
    %get3A_55 = tpu.vector_load %arg8[%get3A_54] {strides = array<i32>} : memref<2000xi32, #tpu.memory_space<vmem>>, vector<16xi32>,
    %swap3A_56 = arith.constant 16 : index
    %swap3A_57 = tpu.vector_load %arg11[%swap3A_56] {strides = array<i32>} : memref<80xi32, #tpu.memory_space<vmem>>, vector<16xi32>,
    tpu.vector_store %arg11[%swap3A_56], %get3A_55 {strides = array<i32>} : memref<80xi32, #tpu.memory_space<vmem>>, vector<16xi32>,
    %get3A_58 = arith.constant 32 : index
    %get3A_59 = tpu.vector_load %arg8[%get3A_58] {strides = array<i32>} : memref<2000xi32, #tpu.memory_space<vmem>>, vector<16xi32>,
    %swap3A_60 = arith.constant 32 : index
    %swap3A_61 = tpu.vector_load %arg11[%swap3A_60] {strides = array<i32>} : memref<80xi32, #tpu.memory_space<vmem>>, vector<16xi32>,
    tpu.vector_store %arg11[%swap3A_60], %get3A_59 {strides = array<i32>} : memref<80xi32, #tpu.memory_space<vmem>>, vector<16xi32>,
    %get3A_62 = arith.constant 48 : index
    %get3A_63 = tpu.vector_load %arg8[%get3A_62] {strides = array<i32>} : memref<2000xi32, #tpu.memory_space<vmem>>, vector<16xi32>,
    %swap3A_64 = arith.constant 48 : index
    %swap3A_65 = tpu.vector_load %arg11[%swap3A_64] {strides = array<i32>} : memref<80xi32, #tpu.memory_space<vmem>>, vector<16xi32>,
    tpu.vector_store %arg11[%swap3A_64], %get3A_63 {strides = array<i32>} : memref<80xi32, #tpu.memory_space<vmem>>, vector<16xi32>,
    %get3A_66 = arith.constant 64 : index
    %get3A_67 = tpu.vector_load %arg8[%get3A_66] {strides = array<i32>} : memref<2000xi32, #tpu.memory_space<vmem>>, vector<16xi32>,
    %swap3A_68 = arith.constant 64 : index
    %swap3A_69 = tpu.vector_load %arg11[%swap3A_68] {strides = array<i32>} : memref<80xi32, #tpu.memory_space<vmem>>, vector<16xi32>,
    tpu.vector_store %arg11[%swap3A_68], %get3A_67 {strides = array<i32>} : memref<80xi32, #tpu.memory_space<vmem>>, vector<16xi32>,
    %dma_start3A_70 = arith.constant 0 : i32
    %dma_start3A_71 = tpu.memref_slice %arg7[%dma_start3A_70] : memref<2000xi32, #tpu.memory_space<vmem>> -> memref<80xi32, #tpu.memory_space<vmem>>
    %dma_start3A_72 = arith.constant 0 : i32
    %dma_start3A_73 = arith.constant 0 : i32
    %dma_start3A_74 = tpu.memref_slice %arg2[%dma_start3A_72, %dma_start3A_73] : memref<10000x128xf32, #tpu.memory_space<hbm>> -> memref<10000x128xf32, #tpu.memory_space<hbm>>
    tpu.enqueue_indirect_dma source(%dma_start3A_74 : memref<10000x128xf32, #tpu.memory_space<hbm>>) target(%arg14 : memref<80x128xf32, #tpu.memory_space<vmem>>) offsets(%dma_start3A_71 : memref<80xi32, #tpu.memory_space<vmem>>) semaphore(%arg18 : memref<!tpu.dma_semaphore, #tpu.memory_space<semaphore_mem>>)
    %get3A_75 = arith.constant 80 : index
    %get3A_76 = tpu.vector_load %arg8[%get3A_75] {strides = array<i32>} : memref<2000xi32, #tpu.memory_space<vmem>>, vector<16xi32>,
    %swap3A_77 = arith.constant 0 : index
    %swap3A_78 = tpu.vector_load %arg12[%swap3A_77] {strides = array<i32>} : memref<80xi32, #tpu.memory_space<vmem>>, vector<16xi32>,
    tpu.vector_store %arg12[%swap3A_77], %get3A_76 {strides = array<i32>} : memref<80xi32, #tpu.memory_space<vmem>>, vector<16xi32>,
    %get3A_79 = arith.constant 96 : index
    %get3A_80 = tpu.vector_load %arg8[%get3A_79] {strides = array<i32>} : memref<2000xi32, #tpu.memory_space<vmem>>, vector<16xi32>,
    %swap3A_81 = arith.constant 16 : index
    %swap3A_82 = tpu.vector_load %arg12[%swap3A_81] {strides = array<i32>} : memref<80xi32, #tpu.memory_space<vmem>>, vector<16xi32>,
    tpu.vector_store %arg12[%swap3A_81], %get3A_80 {strides = array<i32>} : memref<80xi32, #tpu.memory_space<vmem>>, vector<16xi32>,
    %get3A_83 = arith.constant 112 : index
    %get3A_84 = tpu.vector_load %arg8[%get3A_83] {strides = array<i32>} : memref<2000xi32, #tpu.memory_space<vmem>>, vector<16xi32>,
    %swap3A_85 = arith.constant 32 : index
    %swap3A_86 = tpu.vector_load %arg12[%swap3A_85] {strides = array<i32>} : memref<80xi32, #tpu.memory_space<vmem>>, vector<16xi32>,
    tpu.vector_store %arg12[%swap3A_85], %get3A_84 {strides = array<i32>} : memref<80xi32, #tpu.memory_space<vmem>>, vector<16xi32>,
    %get3A_87 = arith.constant 128 : index
    %get3A_88 = tpu.vector_load %arg8[%get3A_87] {strides = array<i32>} : memref<2000xi32, #tpu.memory_space<vmem>>, vector<16xi32>,
    %swap3A_89 = arith.constant 48 : index
    %swap3A_90 = tpu.vector_load %arg12[%swap3A_89] {strides = array<i32>} : memref<80xi32, #tpu.memory_space<vmem>>, vector<16xi32>,
    tpu.vector_store %arg12[%swap3A_89], %get3A_88 {strides = array<i32>} : memref<80xi32, #tpu.memory_space<vmem>>, vector<16xi32>,
    %get3A_91 = arith.constant 144 : index
    %get3A_92 = tpu.vector_load %arg8[%get3A_91] {strides = array<i32>} : memref<2000xi32, #tpu.memory_space<vmem>>, vector<16xi32>,
    %swap3A_93 = arith.constant 64 : index
    %swap3A_94 = tpu.vector_load %arg12[%swap3A_93] {strides = array<i32>} : memref<80xi32, #tpu.memory_space<vmem>>, vector<16xi32>,
    tpu.vector_store %arg12[%swap3A_93], %get3A_92 {strides = array<i32>} : memref<80xi32, #tpu.memory_space<vmem>>, vector<16xi32>,
    %dma_start3A_95 = arith.constant 80 : i32
    %dma_start3A_96 = tpu.memref_slice %arg7[%dma_start3A_95] : memref<2000xi32, #tpu.memory_space<vmem>> -> memref<80xi32, #tpu.memory_space<vmem>>
    %dma_start3A_97 = arith.constant 0 : i32
    %dma_start3A_98 = arith.constant 0 : i32
    %dma_start3A_99 = tpu.memref_slice %arg2[%dma_start3A_97, %dma_start3A_98] : memref<10000x128xf32, #tpu.memory_space<hbm>> -> memref<10000x128xf32, #tpu.memory_space<hbm>>
    tpu.enqueue_indirect_dma source(%dma_start3A_99 : memref<10000x128xf32, #tpu.memory_space<hbm>>) target(%arg15 : memref<80x128xf32, #tpu.memory_space<vmem>>) offsets(%dma_start3A_96 : memref<80xi32, #tpu.memory_space<vmem>>) semaphore(%arg19 : memref<!tpu.dma_semaphore, #tpu.memory_space<semaphore_mem>>)
    %get3A_100 = arith.constant 160 : index
    %get3A_101 = tpu.vector_load %arg8[%get3A_100] {strides = array<i32>} : memref<2000xi32, #tpu.memory_space<vmem>>, vector<16xi32>,
    %swap3A_102 = arith.constant 0 : index
    %swap3A_103 = tpu.vector_load %arg13[%swap3A_102] {strides = array<i32>} : memref<80xi32, #tpu.memory_space<vmem>>, vector<16xi32>,
    tpu.vector_store %arg13[%swap3A_102], %get3A_101 {strides = array<i32>} : memref<80xi32, #tpu.memory_space<vmem>>, vector<16xi32>,
    %get3A_104 = arith.constant 176 : index
    %get3A_105 = tpu.vector_load %arg8[%get3A_104] {strides = array<i32>} : memref<2000xi32, #tpu.memory_space<vmem>>, vector<16xi32>,
    %swap3A_106 = arith.constant 16 : index
    %swap3A_107 = tpu.vector_load %arg13[%swap3A_106] {strides = array<i32>} : memref<80xi32, #tpu.memory_space<vmem>>, vector<16xi32>,
    tpu.vector_store %arg13[%swap3A_106], %get3A_105 {strides = array<i32>} : memref<80xi32, #tpu.memory_space<vmem>>, vector<16xi32>,
    %get3A_108 = arith.constant 192 : index
    %get3A_109 = tpu.vector_load %arg8[%get3A_108] {strides = array<i32>} : memref<2000xi32, #tpu.memory_space<vmem>>, vector<16xi32>,
    %swap3A_110 = arith.constant 32 : index
    %swap3A_111 = tpu.vector_load %arg13[%swap3A_110] {strides = array<i32>} : memref<80xi32, #tpu.memory_space<vmem>>, vector<16xi32>,
    tpu.vector_store %arg13[%swap3A_110], %get3A_109 {strides = array<i32>} : memref<80xi32, #tpu.memory_space<vmem>>, vector<16xi32>,
    %get3A_112 = arith.constant 208 : index
    %get3A_113 = tpu.vector_load %arg8[%get3A_112] {strides = array<i32>} : memref<2000xi32, #tpu.memory_space<vmem>>, vector<16xi32>,
    %swap3A_114 = arith.constant 48 : index
    %swap3A_115 = tpu.vector_load %arg13[%swap3A_114] {strides = array<i32>} : memref<80xi32, #tpu.memory_space<vmem>>, vector<16xi32>,
    tpu.vector_store %arg13[%swap3A_114], %get3A_113 {strides = array<i32>} : memref<80xi32, #tpu.memory_space<vmem>>, vector<16xi32>,
    %get3A_116 = arith.constant 224 : index
    %get3A_117 = tpu.vector_load %arg8[%get3A_116] {strides = array<i32>} : memref<2000xi32, #tpu.memory_space<vmem>>, vector<16xi32>,
    %swap3A_118 = arith.constant 64 : index
    %swap3A_119 = tpu.vector_load %arg13[%swap3A_118] {strides = array<i32>} : memref<80xi32, #tpu.memory_space<vmem>>, vector<16xi32>,
    tpu.vector_store %arg13[%swap3A_118], %get3A_117 {strides = array<i32>} : memref<80xi32, #tpu.memory_space<vmem>>, vector<16xi32>,
    %dma_start3A_120 = arith.constant 160 : i32
    %dma_start3A_121 = tpu.memref_slice %arg7[%dma_start3A_120] : memref<2000xi32, #tpu.memory_space<vmem>> -> memref<80xi32, #tpu.memory_space<vmem>>
    %dma_start3A_122 = arith.constant 0 : i32
    %dma_start3A_123 = arith.constant 0 : i32
    %dma_start3A_124 = tpu.memref_slice %arg2[%dma_start3A_122, %dma_start3A_123] : memref<10000x128xf32, #tpu.memory_space<hbm>> -> memref<10000x128xf32, #tpu.memory_space<hbm>>
    tpu.enqueue_indirect_dma source(%dma_start3A_124 : memref<10000x128xf32, #tpu.memory_space<hbm>>) target(%arg16 : memref<80x128xf32, #tpu.memory_space<vmem>>) offsets(%dma_start3A_121 : memref<80xi32, #tpu.memory_space<vmem>>) semaphore(%arg20 : memref<!tpu.dma_semaphore, #tpu.memory_space<semaphore_mem>>)
    %dma_wait3A_125 = arith.constant 0 : i32
    %dma_wait3A_126 = arith.constant 0 : i32
    %dma_wait3A_127 = tpu.memref_slice %arg2[%dma_wait3A_125, %dma_wait3A_126] : memref<10000x128xf32, #tpu.memory_space<hbm>> -> memref<80x128xf32, #tpu.memory_space<hbm>>
    %dma_wait3A_128 = arith.constant 0 : i32
    %dma_wait3A_129 = arith.constant 0 : i32
    %dma_wait3A_130 = tpu.memref_slice %arg2[%dma_wait3A_128, %dma_wait3A_129] : memref<10000x128xf32, #tpu.memory_space<hbm>> -> memref<80x128xf32, #tpu.memory_space<hbm>>
    tpu.wait_dma2 semaphore(%arg18 : memref<!tpu.dma_semaphore, #tpu.memory_space<semaphore_mem>>) src(%dma_wait3A_130 : memref<80x128xf32, #tpu.memory_space<hbm>>) dst(%arg14 : memref<80x128xf32, #tpu.memory_space<vmem>>)
    %dma_start3A_131 = arith.constant 0 : i32
    %dma_start3A_132 = arith.constant 0 : i32
    %dma_start3A_133 = tpu.memref_slice %arg6[%dma_start3A_131, %dma_start3A_132] : memref<10000x128xf32, #tpu.memory_space<vmem_shared>> -> memref<10000x128xf32, #tpu.memory_space<vmem_shared>>
    tpu.enqueue_indirect_dma source(%arg14 : memref<80x128xf32, #tpu.memory_space<vmem>>) target(%dma_start3A_133 : memref<10000x128xf32, #tpu.memory_space<vmem_shared>>) offsets(%arg11 : memref<80xi32, #tpu.memory_space<vmem>>) semaphore(%arg21 : memref<!tpu.dma_semaphore, #tpu.memory_space<semaphore_mem>>) {add = true}
    %scan3A_134 = arith.constant 0 : i32
    %scan3A_135 = arith.constant 0 : i32
    %scan3A_136 = arith.constant 7 : i32
    %scan3A_137 = arith.addi %scan3A_135, %scan3A_136 : i32
    %scan3A_138 = arith.constant 1 : i32
    %scan3A_139 = scf.for %scan3A_211 = %scan3A_135 to %scan3A_137 step %scan3A_138 iter_args(%scan3A_212 = %scan3A_134) -> (i32)  : i32 {
      %mul3A_213 = arith.constant 3 : i32
      %mul3A_214 = arith.muli %mul3A_213, %scan3A_211 : i32
      %add3A_215 = arith.constant 3 : i32
      %add3A_216 = arith.addi %add3A_215, %mul3A_214 : i32
      %dma_wait3A_217 = arith.constant 0 : i32
      %dma_wait3A_218 = arith.constant 0 : i32
      %dma_wait3A_219 = tpu.memref_slice %arg6[%dma_wait3A_217, %dma_wait3A_218] : memref<10000x128xf32, #tpu.memory_space<vmem_shared>> -> memref<10000x128xf32, #tpu.memory_space<vmem_shared>>
      tpu.wait_indirect_dma semaphore(%arg21 : memref<!tpu.dma_semaphore, #tpu.memory_space<semaphore_mem>>) src(%arg14 : memref<80x128xf32, #tpu.memory_space<vmem>>) dst(%dma_wait3A_219 : memref<10000x128xf32, #tpu.memory_space<vmem_shared>>)
      %mul3A_220 = arith.constant 80 : i32
      %mul3A_221 = arith.muli %add3A_216, %mul3A_220 : i32
      %add3A_222 = arith.constant 0 : i32
      %add3A_223 = arith.addi %mul3A_221, %add3A_222 : i32
      %get3A_224 = arith.index_cast %add3A_223 : i32 to index
      %get3A_225 = tpu.vector_load %arg8[%get3A_224] {strides = array<i32>} : memref<2000xi32, #tpu.memory_space<vmem>>, vector<16xi32>,
      %swap3A_226 = arith.constant 0 : index
      %swap3A_227 = tpu.vector_load %arg11[%swap3A_226] {strides = array<i32>} : memref<80xi32, #tpu.memory_space<vmem>>, vector<16xi32>,
      tpu.vector_store %arg11[%swap3A_226], %get3A_225 {strides = array<i32>} : memref<80xi32, #tpu.memory_space<vmem>>, vector<16xi32>,
      %mul3A_228 = arith.constant 80 : i32
      %mul3A_229 = arith.muli %add3A_216, %mul3A_228 : i32
      %add3A_230 = arith.constant 16 : i32
      %add3A_231 = arith.addi %mul3A_229, %add3A_230 : i32
      %get3A_232 = arith.index_cast %add3A_231 : i32 to index
      %get3A_233 = tpu.vector_load %arg8[%get3A_232] {strides = array<i32>} : memref<2000xi32, #tpu.memory_space<vmem>>, vector<16xi32>,
      %swap3A_234 = arith.constant 16 : index
      %swap3A_235 = tpu.vector_load %arg11[%swap3A_234] {strides = array<i32>} : memref<80xi32, #tpu.memory_space<vmem>>, vector<16xi32>,
      tpu.vector_store %arg11[%swap3A_234], %get3A_233 {strides = array<i32>} : memref<80xi32, #tpu.memory_space<vmem>>, vector<16xi32>,
      %mul3A_236 = arith.constant 80 : i32
      %mul3A_237 = arith.muli %add3A_216, %mul3A_236 : i32
      %add3A_238 = arith.constant 32 : i32
      %add3A_239 = arith.addi %mul3A_237, %add3A_238 : i32
      %get3A_240 = arith.index_cast %add3A_239 : i32 to index
      %get3A_241 = tpu.vector_load %arg8[%get3A_240] {strides = array<i32>} : memref<2000xi32, #tpu.memory_space<vmem>>, vector<16xi32>,
      %swap3A_242 = arith.constant 32 : index
      %swap3A_243 = tpu.vector_load %arg11[%swap3A_242] {strides = array<i32>} : memref<80xi32, #tpu.memory_space<vmem>>, vector<16xi32>,
      tpu.vector_store %arg11[%swap3A_242], %get3A_241 {strides = array<i32>} : memref<80xi32, #tpu.memory_space<vmem>>, vector<16xi32>,
      %mul3A_244 = arith.constant 80 : i32
      %mul3A_245 = arith.muli %add3A_216, %mul3A_244 : i32
      %add3A_246 = arith.constant 48 : i32
      %add3A_247 = arith.addi %mul3A_245, %add3A_246 : i32
      %get3A_248 = arith.index_cast %add3A_247 : i32 to index
      %get3A_249 = tpu.vector_load %arg8[%get3A_248] {strides = array<i32>} : memref<2000xi32, #tpu.memory_space<vmem>>, vector<16xi32>,
      %swap3A_250 = arith.constant 48 : index
      %swap3A_251 = tpu.vector_load %arg11[%swap3A_250] {strides = array<i32>} : memref<80xi32, #tpu.memory_space<vmem>>, vector<16xi32>,
      tpu.vector_store %arg11[%swap3A_250], %get3A_249 {strides = array<i32>} : memref<80xi32, #tpu.memory_space<vmem>>, vector<16xi32>,
      %mul3A_252 = arith.constant 80 : i32
      %mul3A_253 = arith.muli %add3A_216, %mul3A_252 : i32
      %add3A_254 = arith.constant 64 : i32
      %add3A_255 = arith.addi %mul3A_253, %add3A_254 : i32
      %get3A_256 = arith.index_cast %add3A_255 : i32 to index
      %get3A_257 = tpu.vector_load %arg8[%get3A_256] {strides = array<i32>} : memref<2000xi32, #tpu.memory_space<vmem>>, vector<16xi32>,
      %swap3A_258 = arith.constant 64 : index
      %swap3A_259 = tpu.vector_load %arg11[%swap3A_258] {strides = array<i32>} : memref<80xi32, #tpu.memory_space<vmem>>, vector<16xi32>,
      tpu.vector_store %arg11[%swap3A_258], %get3A_257 {strides = array<i32>} : memref<80xi32, #tpu.memory_space<vmem>>, vector<16xi32>,
      %mul3A_260 = arith.constant 80 : i32
      %mul3A_261 = arith.muli %add3A_216, %mul3A_260 : i32
      %dma_start3A_262 = tpu.memref_slice %arg7[%mul3A_261] : memref<2000xi32, #tpu.memory_space<vmem>> -> memref<80xi32, #tpu.memory_space<vmem>>
      %dma_start3A_263 = arith.constant 0 : i32
      %dma_start3A_264 = arith.constant 0 : i32
      %dma_start3A_265 = tpu.memref_slice %arg2[%dma_start3A_263, %dma_start3A_264] : memref<10000x128xf32, #tpu.memory_space<hbm>> -> memref<10000x128xf32, #tpu.memory_space<hbm>>
      tpu.enqueue_indirect_dma source(%dma_start3A_265 : memref<10000x128xf32, #tpu.memory_space<hbm>>) target(%arg14 : memref<80x128xf32, #tpu.memory_space<vmem>>) offsets(%dma_start3A_262 : memref<80xi32, #tpu.memory_space<vmem>>) semaphore(%arg18 : memref<!tpu.dma_semaphore, #tpu.memory_space<semaphore_mem>>)
      %dma_wait3A_266 = arith.constant 0 : i32
      %dma_wait3A_267 = arith.constant 0 : i32
      %dma_wait3A_268 = tpu.memref_slice %arg2[%dma_wait3A_266, %dma_wait3A_267] : memref<10000x128xf32, #tpu.memory_space<hbm>> -> memref<80x128xf32, #tpu.memory_space<hbm>>
      %dma_wait3A_269 = arith.constant 0 : i32
      %dma_wait3A_270 = arith.constant 0 : i32
      %dma_wait3A_271 = tpu.memref_slice %arg2[%dma_wait3A_269, %dma_wait3A_270] : memref<10000x128xf32, #tpu.memory_space<hbm>> -> memref<80x128xf32, #tpu.memory_space<hbm>>
      tpu.wait_dma2 semaphore(%arg19 : memref<!tpu.dma_semaphore, #tpu.memory_space<semaphore_mem>>) src(%dma_wait3A_271 : memref<80x128xf32, #tpu.memory_space<hbm>>) dst(%arg15 : memref<80x128xf32, #tpu.memory_space<vmem>>)
      %dma_start3A_272 = arith.constant 0 : i32
      %dma_start3A_273 = arith.constant 0 : i32
      %dma_start3A_274 = tpu.memref_slice %arg6[%dma_start3A_272, %dma_start3A_273] : memref<10000x128xf32, #tpu.memory_space<vmem_shared>> -> memref<10000x128xf32, #tpu.memory_space<vmem_shared>>
      tpu.enqueue_indirect_dma source(%arg15 : memref<80x128xf32, #tpu.memory_space<vmem>>) target(%dma_start3A_274 : memref<10000x128xf32, #tpu.memory_space<vmem_shared>>) offsets(%arg12 : memref<80xi32, #tpu.memory_space<vmem>>) semaphore(%arg22 : memref<!tpu.dma_semaphore, #tpu.memory_space<semaphore_mem>>) {add = true}
      %add3A_275 = arith.constant 1 : i32
      %add3A_276 = arith.addi %add3A_216, %add3A_275 : i32
      %dma_wait3A_277 = arith.constant 0 : i32
      %dma_wait3A_278 = arith.constant 0 : i32
      %dma_wait3A_279 = tpu.memref_slice %arg6[%dma_wait3A_277, %dma_wait3A_278] : memref<10000x128xf32, #tpu.memory_space<vmem_shared>> -> memref<10000x128xf32, #tpu.memory_space<vmem_shared>>
      tpu.wait_indirect_dma semaphore(%arg22 : memref<!tpu.dma_semaphore, #tpu.memory_space<semaphore_mem>>) src(%arg15 : memref<80x128xf32, #tpu.memory_space<vmem>>) dst(%dma_wait3A_279 : memref<10000x128xf32, #tpu.memory_space<vmem_shared>>)
      %mul3A_280 = arith.constant 80 : i32
      %mul3A_281 = arith.muli %add3A_276, %mul3A_280 : i32
      %add3A_282 = arith.constant 0 : i32
      %add3A_283 = arith.addi %mul3A_281, %add3A_282 : i32
      %get3A_284 = arith.index_cast %add3A_283 : i32 to index
      %get3A_285 = tpu.vector_load %arg8[%get3A_284] {strides = array<i32>} : memref<2000xi32, #tpu.memory_space<vmem>>, vector<16xi32>,
      %swap3A_286 = arith.constant 0 : index
      %swap3A_287 = tpu.vector_load %arg12[%swap3A_286] {strides = array<i32>} : memref<80xi32, #tpu.memory_space<vmem>>, vector<16xi32>,
      tpu.vector_store %arg12[%swap3A_286], %get3A_285 {strides = array<i32>} : memref<80xi32, #tpu.memory_space<vmem>>, vector<16xi32>,
      %mul3A_288 = arith.constant 80 : i32
      %mul3A_289 = arith.muli %add3A_276, %mul3A_288 : i32
      %add3A_290 = arith.constant 16 : i32
      %add3A_291 = arith.addi %mul3A_289, %add3A_290 : i32
      %get3A_292 = arith.index_cast %add3A_291 : i32 to index
      %get3A_293 = tpu.vector_load %arg8[%get3A_292] {strides = array<i32>} : memref<2000xi32, #tpu.memory_space<vmem>>, vector<16xi32>,
      %swap3A_294 = arith.constant 16 : index
      %swap3A_295 = tpu.vector_load %arg12[%swap3A_294] {strides = array<i32>} : memref<80xi32, #tpu.memory_space<vmem>>, vector<16xi32>,
      tpu.vector_store %arg12[%swap3A_294], %get3A_293 {strides = array<i32>} : memref<80xi32, #tpu.memory_space<vmem>>, vector<16xi32>,
      %mul3A_296 = arith.constant 80 : i32
      %mul3A_297 = arith.muli %add3A_276, %mul3A_296 : i32
      %add3A_298 = arith.constant 32 : i32
      %add3A_299 = arith.addi %mul3A_297, %add3A_298 : i32
      %get3A_300 = arith.index_cast %add3A_299 : i32 to index
      %get3A_301 = tpu.vector_load %arg8[%get3A_300] {strides = array<i32>} : memref<2000xi32, #tpu.memory_space<vmem>>, vector<16xi32>,
      %swap3A_302 = arith.constant 32 : index
      %swap3A_303 = tpu.vector_load %arg12[%swap3A_302] {strides = array<i32>} : memref<80xi32, #tpu.memory_space<vmem>>, vector<16xi32>,
      tpu.vector_store %arg12[%swap3A_302], %get3A_301 {strides = array<i32>} : memref<80xi32, #tpu.memory_space<vmem>>, vector<16xi32>,
      %mul3A_304 = arith.constant 80 : i32
      %mul3A_305 = arith.muli %add3A_276, %mul3A_304 : i32
      %add3A_306 = arith.constant 48 : i32
      %add3A_307 = arith.addi %mul3A_305, %add3A_306 : i32
      %get3A_308 = arith.index_cast %add3A_307 : i32 to index
      %get3A_309 = tpu.vector_load %arg8[%get3A_308] {strides = array<i32>} : memref<2000xi32, #tpu.memory_space<vmem>>, vector<16xi32>,
      %swap3A_310 = arith.constant 48 : index
      %swap3A_311 = tpu.vector_load %arg12[%swap3A_310] {strides = array<i32>} : memref<80xi32, #tpu.memory_space<vmem>>, vector<16xi32>,
      tpu.vector_store %arg12[%swap3A_310], %get3A_309 {strides = array<i32>} : memref<80xi32, #tpu.memory_space<vmem>>, vector<16xi32>,
      %mul3A_312 = arith.constant 80 : i32
      %mul3A_313 = arith.muli %add3A_276, %mul3A_312 : i32
      %add3A_314 = arith.constant 64 : i32
      %add3A_315 = arith.addi %mul3A_313, %add3A_314 : i32
      %get3A_316 = arith.index_cast %add3A_315 : i32 to index
      %get3A_317 = tpu.vector_load %arg8[%get3A_316] {strides = array<i32>} : memref<2000xi32, #tpu.memory_space<vmem>>, vector<16xi32>,
      %swap3A_318 = arith.constant 64 : index
      %swap3A_319 = tpu.vector_load %arg12[%swap3A_318] {strides = array<i32>} : memref<80xi32, #tpu.memory_space<vmem>>, vector<16xi32>,
      tpu.vector_store %arg12[%swap3A_318], %get3A_317 {strides = array<i32>} : memref<80xi32, #tpu.memory_space<vmem>>, vector<16xi32>,
      %mul3A_320 = arith.constant 80 : i32
      %mul3A_321 = arith.muli %add3A_276, %mul3A_320 : i32
      %dma_start3A_322 = tpu.memref_slice %arg7[%mul3A_321] : memref<2000xi32, #tpu.memory_space<vmem>> -> memref<80xi32, #tpu.memory_space<vmem>>
      %dma_start3A_323 = arith.constant 0 : i32
      %dma_start3A_324 = arith.constant 0 : i32
      %dma_start3A_325 = tpu.memref_slice %arg2[%dma_start3A_323, %dma_start3A_324] : memref<10000x128xf32, #tpu.memory_space<hbm>> -> memref<10000x128xf32, #tpu.memory_space<hbm>>
      tpu.enqueue_indirect_dma source(%dma_start3A_325 : memref<10000x128xf32, #tpu.memory_space<hbm>>) target(%arg15 : memref<80x128xf32, #tpu.memory_space<vmem>>) offsets(%dma_start3A_322 : memref<80xi32, #tpu.memory_space<vmem>>) semaphore(%arg19 : memref<!tpu.dma_semaphore, #tpu.memory_space<semaphore_mem>>)
      %dma_wait3A_326 = arith.constant 0 : i32
      %dma_wait3A_327 = arith.constant 0 : i32
      %dma_wait3A_328 = tpu.memref_slice %arg2[%dma_wait3A_326, %dma_wait3A_327] : memref<10000x128xf32, #tpu.memory_space<hbm>> -> memref<80x128xf32, #tpu.memory_space<hbm>>
      %dma_wait3A_329 = arith.constant 0 : i32
      %dma_wait3A_330 = arith.constant 0 : i32
      %dma_wait3A_331 = tpu.memref_slice %arg2[%dma_wait3A_329, %dma_wait3A_330] : memref<10000x128xf32, #tpu.memory_space<hbm>> -> memref<80x128xf32, #tpu.memory_space<hbm>>
      tpu.wait_dma2 semaphore(%arg20 : memref<!tpu.dma_semaphore, #tpu.memory_space<semaphore_mem>>) src(%dma_wait3A_331 : memref<80x128xf32, #tpu.memory_space<hbm>>) dst(%arg16 : memref<80x128xf32, #tpu.memory_space<vmem>>)
      %dma_start3A_332 = arith.constant 0 : i32
      %dma_start3A_333 = arith.constant 0 : i32
      %dma_start3A_334 = tpu.memref_slice %arg6[%dma_start3A_332, %dma_start3A_333] : memref<10000x128xf32, #tpu.memory_space<vmem_shared>> -> memref<10000x128xf32, #tpu.memory_space<vmem_shared>>
      tpu.enqueue_indirect_dma source(%arg16 : memref<80x128xf32, #tpu.memory_space<vmem>>) target(%dma_start3A_334 : memref<10000x128xf32, #tpu.memory_space<vmem_shared>>) offsets(%arg13 : memref<80xi32, #tpu.memory_space<vmem>>) semaphore(%arg23 : memref<!tpu.dma_semaphore, #tpu.memory_space<semaphore_mem>>) {add = true}
      %add3A_335 = arith.constant 2 : i32
      %add3A_336 = arith.addi %add3A_216, %add3A_335 : i32
      %dma_wait3A_337 = arith.constant 0 : i32
      %dma_wait3A_338 = arith.constant 0 : i32
      %dma_wait3A_339 = tpu.memref_slice %arg6[%dma_wait3A_337, %dma_wait3A_338] : memref<10000x128xf32, #tpu.memory_space<vmem_shared>> -> memref<10000x128xf32, #tpu.memory_space<vmem_shared>>
      tpu.wait_indirect_dma semaphore(%arg23 : memref<!tpu.dma_semaphore, #tpu.memory_space<semaphore_mem>>) src(%arg16 : memref<80x128xf32, #tpu.memory_space<vmem>>) dst(%dma_wait3A_339 : memref<10000x128xf32, #tpu.memory_space<vmem_shared>>)
      %mul3A_340 = arith.constant 80 : i32
      %mul3A_341 = arith.muli %add3A_336, %mul3A_340 : i32
      %add3A_342 = arith.constant 0 : i32
      %add3A_343 = arith.addi %mul3A_341, %add3A_342 : i32
      %get3A_344 = arith.index_cast %add3A_343 : i32 to index
      %get3A_345 = tpu.vector_load %arg8[%get3A_344] {strides = array<i32>} : memref<2000xi32, #tpu.memory_space<vmem>>, vector<16xi32>,
      %swap3A_346 = arith.constant 0 : index
      %swap3A_347 = tpu.vector_load %arg13[%swap3A_346] {strides = array<i32>} : memref<80xi32, #tpu.memory_space<vmem>>, vector<16xi32>,
      tpu.vector_store %arg13[%swap3A_346], %get3A_345 {strides = array<i32>} : memref<80xi32, #tpu.memory_space<vmem>>, vector<16xi32>,
      %mul3A_348 = arith.constant 80 : i32
      %mul3A_349 = arith.muli %add3A_336, %mul3A_348 : i32
      %add3A_350 = arith.constant 16 : i32
      %add3A_351 = arith.addi %mul3A_349, %add3A_350 : i32
      %get3A_352 = arith.index_cast %add3A_351 : i32 to index
      %get3A_353 = tpu.vector_load %arg8[%get3A_352] {strides = array<i32>} : memref<2000xi32, #tpu.memory_space<vmem>>, vector<16xi32>,
      %swap3A_354 = arith.constant 16 : index
      %swap3A_355 = tpu.vector_load %arg13[%swap3A_354] {strides = array<i32>} : memref<80xi32, #tpu.memory_space<vmem>>, vector<16xi32>,
      tpu.vector_store %arg13[%swap3A_354], %get3A_353 {strides = array<i32>} : memref<80xi32, #tpu.memory_space<vmem>>, vector<16xi32>,
      %mul3A_356 = arith.constant 80 : i32
      %mul3A_357 = arith.muli %add3A_336, %mul3A_356 : i32
      %add3A_358 = arith.constant 32 : i32
      %add3A_359 = arith.addi %mul3A_357, %add3A_358 : i32
      %get3A_360 = arith.index_cast %add3A_359 : i32 to index
      %get3A_361 = tpu.vector_load %arg8[%get3A_360] {strides = array<i32>} : memref<2000xi32, #tpu.memory_space<vmem>>, vector<16xi32>,
      %swap3A_362 = arith.constant 32 : index
      %swap3A_363 = tpu.vector_load %arg13[%swap3A_362] {strides = array<i32>} : memref<80xi32, #tpu.memory_space<vmem>>, vector<16xi32>,
      tpu.vector_store %arg13[%swap3A_362], %get3A_361 {strides = array<i32>} : memref<80xi32, #tpu.memory_space<vmem>>, vector<16xi32>,
      %mul3A_364 = arith.constant 80 : i32
      %mul3A_365 = arith.muli %add3A_336, %mul3A_364 : i32
      %add3A_366 = arith.constant 48 : i32
      %add3A_367 = arith.addi %mul3A_365, %add3A_366 : i32
      %get3A_368 = arith.index_cast %add3A_367 : i32 to index
      %get3A_369 = tpu.vector_load %arg8[%get3A_368] {strides = array<i32>} : memref<2000xi32, #tpu.memory_space<vmem>>, vector<16xi32>,
      %swap3A_370 = arith.constant 48 : index
      %swap3A_371 = tpu.vector_load %arg13[%swap3A_370] {strides = array<i32>} : memref<80xi32, #tpu.memory_space<vmem>>, vector<16xi32>,
      tpu.vector_store %arg13[%swap3A_370], %get3A_369 {strides = array<i32>} : memref<80xi32, #tpu.memory_space<vmem>>, vector<16xi32>,
      %mul3A_372 = arith.constant 80 : i32
      %mul3A_373 = arith.muli %add3A_336, %mul3A_372 : i32
      %add3A_374 = arith.constant 64 : i32
      %add3A_375 = arith.addi %mul3A_373, %add3A_374 : i32
      %get3A_376 = arith.index_cast %add3A_375 : i32 to index
      %get3A_377 = tpu.vector_load %arg8[%get3A_376] {strides = array<i32>} : memref<2000xi32, #tpu.memory_space<vmem>>, vector<16xi32>,
      %swap3A_378 = arith.constant 64 : index
      %swap3A_379 = tpu.vector_load %arg13[%swap3A_378] {strides = array<i32>} : memref<80xi32, #tpu.memory_space<vmem>>, vector<16xi32>,
      tpu.vector_store %arg13[%swap3A_378], %get3A_377 {strides = array<i32>} : memref<80xi32, #tpu.memory_space<vmem>>, vector<16xi32>,
      %mul3A_380 = arith.constant 80 : i32
      %mul3A_381 = arith.muli %add3A_336, %mul3A_380 : i32
      %dma_start3A_382 = tpu.memref_slice %arg7[%mul3A_381] : memref<2000xi32, #tpu.memory_space<vmem>> -> memref<80xi32, #tpu.memory_space<vmem>>
      %dma_start3A_383 = arith.constant 0 : i32
      %dma_start3A_384 = arith.constant 0 : i32
      %dma_start3A_385 = tpu.memref_slice %arg2[%dma_start3A_383, %dma_start3A_384] : memref<10000x128xf32, #tpu.memory_space<hbm>> -> memref<10000x128xf32, #tpu.memory_space<hbm>>
      tpu.enqueue_indirect_dma source(%dma_start3A_385 : memref<10000x128xf32, #tpu.memory_space<hbm>>) target(%arg16 : memref<80x128xf32, #tpu.memory_space<vmem>>) offsets(%dma_start3A_382 : memref<80xi32, #tpu.memory_space<vmem>>) semaphore(%arg20 : memref<!tpu.dma_semaphore, #tpu.memory_space<semaphore_mem>>)
      %dma_wait3A_386 = arith.constant 0 : i32
      %dma_wait3A_387 = arith.constant 0 : i32
      %dma_wait3A_388 = tpu.memref_slice %arg2[%dma_wait3A_386, %dma_wait3A_387] : memref<10000x128xf32, #tpu.memory_space<hbm>> -> memref<80x128xf32, #tpu.memory_space<hbm>>
      %dma_wait3A_389 = arith.constant 0 : i32
      %dma_wait3A_390 = arith.constant 0 : i32
      %dma_wait3A_391 = tpu.memref_slice %arg2[%dma_wait3A_389, %dma_wait3A_390] : memref<10000x128xf32, #tpu.memory_space<hbm>> -> memref<80x128xf32, #tpu.memory_space<hbm>>
      tpu.wait_dma2 semaphore(%arg18 : memref<!tpu.dma_semaphore, #tpu.memory_space<semaphore_mem>>) src(%dma_wait3A_391 : memref<80x128xf32, #tpu.memory_space<hbm>>) dst(%arg14 : memref<80x128xf32, #tpu.memory_space<vmem>>)
      %dma_start3A_392 = arith.constant 0 : i32
      %dma_start3A_393 = arith.constant 0 : i32
      %dma_start3A_394 = tpu.memref_slice %arg6[%dma_start3A_392, %dma_start3A_393] : memref<10000x128xf32, #tpu.memory_space<vmem_shared>> -> memref<10000x128xf32, #tpu.memory_space<vmem_shared>>
      tpu.enqueue_indirect_dma source(%arg14 : memref<80x128xf32, #tpu.memory_space<vmem>>) target(%dma_start3A_394 : memref<10000x128xf32, #tpu.memory_space<vmem_shared>>) offsets(%arg11 : memref<80xi32, #tpu.memory_space<vmem>>) semaphore(%arg21 : memref<!tpu.dma_semaphore, #tpu.memory_space<semaphore_mem>>) {add = true}
      %scan3A_395 = arith.constant 0 : i32
      scf.yield %scan3A_395 : i32
    }
    %scan3A_140 = arith.constant 7 : i32
    %dma_wait3A_141 = arith.constant 0 : i32
    %dma_wait3A_142 = arith.constant 0 : i32
    %dma_wait3A_143 = tpu.memref_slice %arg6[%dma_wait3A_141, %dma_wait3A_142] : memref<10000x128xf32, #tpu.memory_space<vmem_shared>> -> memref<10000x128xf32, #tpu.memory_space<vmem_shared>>
    tpu.wait_indirect_dma semaphore(%arg21 : memref<!tpu.dma_semaphore, #tpu.memory_space<semaphore_mem>>) src(%arg14 : memref<80x128xf32, #tpu.memory_space<vmem>>) dst(%dma_wait3A_143 : memref<10000x128xf32, #tpu.memory_space<vmem_shared>>)
    %get3A_144 = arith.constant 1920 : index
    %get3A_145 = tpu.vector_load %arg8[%get3A_144] {strides = array<i32>} : memref<2000xi32, #tpu.memory_space<vmem>>, vector<16xi32>,
    %swap3A_146 = arith.constant 0 : index
    %swap3A_147 = tpu.vector_load %arg11[%swap3A_146] {strides = array<i32>} : memref<80xi32, #tpu.memory_space<vmem>>, vector<16xi32>,
    tpu.vector_store %arg11[%swap3A_146], %get3A_145 {strides = array<i32>} : memref<80xi32, #tpu.memory_space<vmem>>, vector<16xi32>,
    %get3A_148 = arith.constant 1936 : index
    %get3A_149 = tpu.vector_load %arg8[%get3A_148] {strides = array<i32>} : memref<2000xi32, #tpu.memory_space<vmem>>, vector<16xi32>,
    %swap3A_150 = arith.constant 16 : index
    %swap3A_151 = tpu.vector_load %arg11[%swap3A_150] {strides = array<i32>} : memref<80xi32, #tpu.memory_space<vmem>>, vector<16xi32>,
    tpu.vector_store %arg11[%swap3A_150], %get3A_149 {strides = array<i32>} : memref<80xi32, #tpu.memory_space<vmem>>, vector<16xi32>,
    %get3A_152 = arith.constant 1952 : index
    %get3A_153 = tpu.vector_load %arg8[%get3A_152] {strides = array<i32>} : memref<2000xi32, #tpu.memory_space<vmem>>, vector<16xi32>,
    %swap3A_154 = arith.constant 32 : index
    %swap3A_155 = tpu.vector_load %arg11[%swap3A_154] {strides = array<i32>} : memref<80xi32, #tpu.memory_space<vmem>>, vector<16xi32>,
    tpu.vector_store %arg11[%swap3A_154], %get3A_153 {strides = array<i32>} : memref<80xi32, #tpu.memory_space<vmem>>, vector<16xi32>,
    %get3A_156 = arith.constant 1968 : index
    %get3A_157 = tpu.vector_load %arg8[%get3A_156] {strides = array<i32>} : memref<2000xi32, #tpu.memory_space<vmem>>, vector<16xi32>,
    %swap3A_158 = arith.constant 48 : index
    %swap3A_159 = tpu.vector_load %arg11[%swap3A_158] {strides = array<i32>} : memref<80xi32, #tpu.memory_space<vmem>>, vector<16xi32>,
    tpu.vector_store %arg11[%swap3A_158], %get3A_157 {strides = array<i32>} : memref<80xi32, #tpu.memory_space<vmem>>, vector<16xi32>,
    %get3A_160 = arith.constant 1984 : index
    %get3A_161 = tpu.vector_load %arg8[%get3A_160] {strides = array<i32>} : memref<2000xi32, #tpu.memory_space<vmem>>, vector<16xi32>,
    %swap3A_162 = arith.constant 64 : index
    %swap3A_163 = tpu.vector_load %arg11[%swap3A_162] {strides = array<i32>} : memref<80xi32, #tpu.memory_space<vmem>>, vector<16xi32>,
    tpu.vector_store %arg11[%swap3A_162], %get3A_161 {strides = array<i32>} : memref<80xi32, #tpu.memory_space<vmem>>, vector<16xi32>,
    %dma_start3A_164 = arith.constant 1920 : i32
    %dma_start3A_165 = tpu.memref_slice %arg7[%dma_start3A_164] : memref<2000xi32, #tpu.memory_space<vmem>> -> memref<80xi32, #tpu.memory_space<vmem>>
    %dma_start3A_166 = arith.constant 0 : i32
    %dma_start3A_167 = arith.constant 0 : i32
    %dma_start3A_168 = tpu.memref_slice %arg2[%dma_start3A_166, %dma_start3A_167] : memref<10000x128xf32, #tpu.memory_space<hbm>> -> memref<10000x128xf32, #tpu.memory_space<hbm>>
    tpu.enqueue_indirect_dma source(%dma_start3A_168 : memref<10000x128xf32, #tpu.memory_space<hbm>>) target(%arg14 : memref<80x128xf32, #tpu.memory_space<vmem>>) offsets(%dma_start3A_165 : memref<80xi32, #tpu.memory_space<vmem>>) semaphore(%arg18 : memref<!tpu.dma_semaphore, #tpu.memory_space<semaphore_mem>>)
    %dma_wait3A_169 = arith.constant 0 : i32
    %dma_wait3A_170 = arith.constant 0 : i32
    %dma_wait3A_171 = tpu.memref_slice %arg2[%dma_wait3A_169, %dma_wait3A_170] : memref<10000x128xf32, #tpu.memory_space<hbm>> -> memref<80x128xf32, #tpu.memory_space<hbm>>
    %dma_wait3A_172 = arith.constant 0 : i32
    %dma_wait3A_173 = arith.constant 0 : i32
    %dma_wait3A_174 = tpu.memref_slice %arg2[%dma_wait3A_172, %dma_wait3A_173] : memref<10000x128xf32, #tpu.memory_space<hbm>> -> memref<80x128xf32, #tpu.memory_space<hbm>>
    tpu.wait_dma2 semaphore(%arg19 : memref<!tpu.dma_semaphore, #tpu.memory_space<semaphore_mem>>) src(%dma_wait3A_174 : memref<80x128xf32, #tpu.memory_space<hbm>>) dst(%arg15 : memref<80x128xf32, #tpu.memory_space<vmem>>)
    %dma_start3A_175 = arith.constant 0 : i32
    %dma_start3A_176 = arith.constant 0 : i32
    %dma_start3A_177 = tpu.memref_slice %arg6[%dma_start3A_175, %dma_start3A_176] : memref<10000x128xf32, #tpu.memory_space<vmem_shared>> -> memref<10000x128xf32, #tpu.memory_space<vmem_shared>>
    tpu.enqueue_indirect_dma source(%arg15 : memref<80x128xf32, #tpu.memory_space<vmem>>) target(%dma_start3A_177 : memref<10000x128xf32, #tpu.memory_space<vmem_shared>>) offsets(%arg12 : memref<80xi32, #tpu.memory_space<vmem>>) semaphore(%arg22 : memref<!tpu.dma_semaphore, #tpu.memory_space<semaphore_mem>>) {add = true}
    %dma_wait3A_178 = arith.constant 0 : i32
    %dma_wait3A_179 = arith.constant 0 : i32
    %dma_wait3A_180 = tpu.memref_slice %arg2[%dma_wait3A_178, %dma_wait3A_179] : memref<10000x128xf32, #tpu.memory_space<hbm>> -> memref<80x128xf32, #tpu.memory_space<hbm>>
    %dma_wait3A_181 = arith.constant 0 : i32
    %dma_wait3A_182 = arith.constant 0 : i32
    %dma_wait3A_183 = tpu.memref_slice %arg2[%dma_wait3A_181, %dma_wait3A_182] : memref<10000x128xf32, #tpu.memory_space<hbm>> -> memref<80x128xf32, #tpu.memory_space<hbm>>
    tpu.wait_dma2 semaphore(%arg20 : memref<!tpu.dma_semaphore, #tpu.memory_space<semaphore_mem>>) src(%dma_wait3A_183 : memref<80x128xf32, #tpu.memory_space<hbm>>) dst(%arg16 : memref<80x128xf32, #tpu.memory_space<vmem>>)
    %dma_start3A_184 = arith.constant 0 : i32
    %dma_start3A_185 = arith.constant 0 : i32
    %dma_start3A_186 = tpu.memref_slice %arg6[%dma_start3A_184, %dma_start3A_185] : memref<10000x128xf32, #tpu.memory_space<vmem_shared>> -> memref<10000x128xf32, #tpu.memory_space<vmem_shared>>
    tpu.enqueue_indirect_dma source(%arg16 : memref<80x128xf32, #tpu.memory_space<vmem>>) target(%dma_start3A_186 : memref<10000x128xf32, #tpu.memory_space<vmem_shared>>) offsets(%arg13 : memref<80xi32, #tpu.memory_space<vmem>>) semaphore(%arg23 : memref<!tpu.dma_semaphore, #tpu.memory_space<semaphore_mem>>) {add = true}
    %dma_wait3A_187 = arith.constant 0 : i32
    %dma_wait3A_188 = arith.constant 0 : i32
    %dma_wait3A_189 = tpu.memref_slice %arg2[%dma_wait3A_187, %dma_wait3A_188] : memref<10000x128xf32, #tpu.memory_space<hbm>> -> memref<80x128xf32, #tpu.memory_space<hbm>>
    %dma_wait3A_190 = arith.constant 0 : i32
    %dma_wait3A_191 = arith.constant 0 : i32
    %dma_wait3A_192 = tpu.memref_slice %arg2[%dma_wait3A_190, %dma_wait3A_191] : memref<10000x128xf32, #tpu.memory_space<hbm>> -> memref<80x128xf32, #tpu.memory_space<hbm>>
    tpu.wait_dma2 semaphore(%arg18 : memref<!tpu.dma_semaphore, #tpu.memory_space<semaphore_mem>>) src(%dma_wait3A_192 : memref<80x128xf32, #tpu.memory_space<hbm>>) dst(%arg14 : memref<80x128xf32, #tpu.memory_space<vmem>>)
    %dma_start3A_193 = arith.constant 0 : i32
    %dma_start3A_194 = arith.constant 0 : i32
    %dma_start3A_195 = tpu.memref_slice %arg6[%dma_start3A_193, %dma_start3A_194] : memref<10000x128xf32, #tpu.memory_space<vmem_shared>> -> memref<10000x128xf32, #tpu.memory_space<vmem_shared>>
    tpu.enqueue_indirect_dma source(%arg14 : memref<80x128xf32, #tpu.memory_space<vmem>>) target(%dma_start3A_195 : memref<10000x128xf32, #tpu.memory_space<vmem_shared>>) offsets(%arg11 : memref<80xi32, #tpu.memory_space<vmem>>) semaphore(%arg21 : memref<!tpu.dma_semaphore, #tpu.memory_space<semaphore_mem>>) {add = true}
    %dma_wait3A_196 = arith.constant 0 : i32
    %dma_wait3A_197 = arith.constant 0 : i32
    %dma_wait3A_198 = tpu.memref_slice %arg6[%dma_wait3A_196, %dma_wait3A_197] : memref<10000x128xf32, #tpu.memory_space<vmem_shared>> -> memref<10000x128xf32, #tpu.memory_space<vmem_shared>>
    tpu.wait_indirect_dma semaphore(%arg21 : memref<!tpu.dma_semaphore, #tpu.memory_space<semaphore_mem>>) src(%arg14 : memref<80x128xf32, #tpu.memory_space<vmem>>) dst(%dma_wait3A_198 : memref<10000x128xf32, #tpu.memory_space<vmem_shared>>)
    %dma_wait3A_199 = arith.constant 0 : i32
    %dma_wait3A_200 = arith.constant 0 : i32
    %dma_wait3A_201 = tpu.memref_slice %arg6[%dma_wait3A_199, %dma_wait3A_200] : memref<10000x128xf32, #tpu.memory_space<vmem_shared>> -> memref<10000x128xf32, #tpu.memory_space<vmem_shared>>
    tpu.wait_indirect_dma semaphore(%arg22 : memref<!tpu.dma_semaphore, #tpu.memory_space<semaphore_mem>>) src(%arg15 : memref<80x128xf32, #tpu.memory_space<vmem>>) dst(%dma_wait3A_201 : memref<10000x128xf32, #tpu.memory_space<vmem_shared>>)
    %dma_wait3A_202 = arith.constant 0 : i32
    %dma_wait3A_203 = arith.constant 0 : i32
    %dma_wait3A_204 = tpu.memref_slice %arg6[%dma_wait3A_202, %dma_wait3A_203] : memref<10000x128xf32, #tpu.memory_space<vmem_shared>> -> memref<10000x128xf32, #tpu.memory_space<vmem_shared>>
    tpu.wait_indirect_dma semaphore(%arg23 : memref<!tpu.dma_semaphore, #tpu.memory_space<semaphore_mem>>) src(%arg16 : memref<80x128xf32, #tpu.memory_space<vmem>>) dst(%dma_wait3A_204 : memref<10000x128xf32, #tpu.memory_space<vmem_shared>>)
    %barrier3A_205 = arith.constant 0 : index
    tpu.barrier barrier_id(%barrier3A_205)
    "tpu.region"() ({
      %run_scoped3A = tpu.sem_alloc : memref<!tpu.dma_semaphore, #tpu.memory_space<semaphore_mem>>
      %dma_start3A_211 = arith.constant 0 : i32
      %dma_start3A_212 = tpu.memref_slice %arg5[%arg0, %mul3A_2, %dma_start3A_211] : memref<2x10000x128xf32, #tpu.memory_space<hbm>> -> memref<1x624x128xf32, #tpu.memory_space<hbm>>
      %dma_start3A_213 = tpu.memref_squeeze %dma_start3A_212 : memref<1x624x128xf32, #tpu.memory_space<hbm>> -> memref<624x128xf32, #tpu.memory_space<hbm>>
      %dma_start3A_214 = arith.constant 0 : i32
      %dma_start3A_215 = tpu.memref_slice %arg6[%mul3A_2, %dma_start3A_214] : memref<10000x128xf32, #tpu.memory_space<vmem_shared>> -> memref<624x128xf32, #tpu.memory_space<vmem_shared>>
      tpu.enqueue_dma source(%dma_start3A_215 : memref<624x128xf32, #tpu.memory_space<vmem_shared>>) target(%dma_start3A_213 : memref<624x128xf32, #tpu.memory_space<hbm>>) target_semaphore(%run_scoped3A : memref<!tpu.dma_semaphore, #tpu.memory_space<semaphore_mem>>)
      %dma_wait3A_216 = arith.constant 0 : i32
      %dma_wait3A_217 = tpu.memref_slice %arg5[%arg0, %mul3A_2, %dma_wait3A_216] : memref<2x10000x128xf32, #tpu.memory_space<hbm>> -> memref<1x624x128xf32, #tpu.memory_space<hbm>>
      %dma_wait3A_218 = tpu.memref_squeeze %dma_wait3A_217 : memref<1x624x128xf32, #tpu.memory_space<hbm>> -> memref<624x128xf32, #tpu.memory_space<hbm>>
      %dma_wait3A_219 = arith.constant 0 : i32
      %dma_wait3A_220 = tpu.memref_slice %arg6[%mul3A_2, %dma_wait3A_219] : memref<10000x128xf32, #tpu.memory_space<vmem_shared>> -> memref<624x128xf32, #tpu.memory_space<vmem_shared>>
      tpu.wait_dma2 semaphore(%run_scoped3A : memref<!tpu.dma_semaphore, #tpu.memory_space<semaphore_mem>>) src(%dma_wait3A_220 : memref<624x128xf32, #tpu.memory_space<vmem_shared>>) dst(%dma_wait3A_218 : memref<624x128xf32, #tpu.memory_space<hbm>>)
      tpu.yield
    }) : () -> ()
    %eq3A_206 = arith.constant 15 : i32
    %eq3A_207 = arith.cmpi eq, %arg1, %eq3A_206 : i32
    %convert_element_type3A_208 = arith.extui %eq3A_207 : i1 to i32
    %cond3A_209 = arith.constant 0 : i32
    %cond3A_210 = arith.cmpi ne, %convert_element_type3A_208, %cond3A_209 : i32
    scf.if %cond3A_210 {
      "tpu.region"() ({
        %run_scoped3A = tpu.sem_alloc : memref<!tpu.dma_semaphore, #tpu.memory_space<semaphore_mem>>
        %dma_start3A_211 = arith.constant 9984 : i32
        %dma_start3A_212 = arith.constant 0 : i32
        %dma_start3A_213 = tpu.memref_slice %arg5[%arg0, %dma_start3A_211, %dma_start3A_212] : memref<2x10000x128xf32, #tpu.memory_space<hbm>> -> memref<1x16x128xf32, #tpu.memory_space<hbm>>
        %dma_start3A_214 = tpu.memref_squeeze %dma_start3A_213 : memref<1x16x128xf32, #tpu.memory_space<hbm>> -> memref<16x128xf32, #tpu.memory_space<hbm>>
        %dma_start3A_215 = arith.constant 9984 : i32
        %dma_start3A_216 = arith.constant 0 : i32
        %dma_start3A_217 = tpu.memref_slice %arg6[%dma_start3A_215, %dma_start3A_216] : memref<10000x128xf32, #tpu.memory_space<vmem_shared>> -> memref<16x128xf32, #tpu.memory_space<vmem_shared>>
        tpu.enqueue_dma source(%dma_start3A_217 : memref<16x128xf32, #tpu.memory_space<vmem_shared>>) target(%dma_start3A_214 : memref<16x128xf32, #tpu.memory_space<hbm>>) target_semaphore(%run_scoped3A : memref<!tpu.dma_semaphore, #tpu.memory_space<semaphore_mem>>)
        %dma_wait3A_218 = arith.constant 9984 : i32
        %dma_wait3A_219 = arith.constant 0 : i32
        %dma_wait3A_220 = tpu.memref_slice %arg5[%arg0, %dma_wait3A_218, %dma_wait3A_219] : memref<2x10000x128xf32, #tpu.memory_space<hbm>> -> memref<1x16x128xf32, #tpu.memory_space<hbm>>
        %dma_wait3A_221 = tpu.memref_squeeze %dma_wait3A_220 : memref<1x16x128xf32, #tpu.memory_space<hbm>> -> memref<16x128xf32, #tpu.memory_space<hbm>>
        %dma_wait3A_222 = arith.constant 9984 : i32
        %dma_wait3A_223 = arith.constant 0 : i32
        %dma_wait3A_224 = tpu.memref_slice %arg6[%dma_wait3A_222, %dma_wait3A_223] : memref<10000x128xf32, #tpu.memory_space<vmem_shared>> -> memref<16x128xf32, #tpu.memory_space<vmem_shared>>
        tpu.wait_dma2 semaphore(%run_scoped3A : memref<!tpu.dma_semaphore, #tpu.memory_space<semaphore_mem>>) src(%dma_wait3A_224 : memref<16x128xf32, #tpu.memory_space<vmem_shared>>) dst(%dma_wait3A_221 : memref<16x128xf32, #tpu.memory_space<hbm>>)
        tpu.yield
      }) : () -> ()
    } else {
    }
    return
  }
}

#map = affine_map<(d0, d1) -> (0, 0)>
#map1 = affine_map<(d0, d1) -> (0)>
#map2 = affine_map<(d0, d1) -> (0, 0, 0)>
module attributes {stable_mosaic.version = 14 : i64} {
  func.func @sage_agg_deg(%arg0: i32, %arg1: i32, %arg2: memref<10000x128xf32, #tpu.memory_space<hbm>>, %arg3: memref<320000xi32, #tpu.memory_space<hbm>>, %arg4: memref<320000xi32, #tpu.memory_space<hbm>>, %arg5: memref<2x10000x128xf32, #tpu.memory_space<hbm>>, %arg6: memref<32x1x10240xf32, #tpu.memory_space<hbm>>, %arg7: memref<10000x128xf32, #tpu.memory_space<vmem_shared>>, %arg8: memref<2000xi32, #tpu.memory_space<vmem>>, %arg9: memref<2000xi32, #tpu.memory_space<vmem>>, %arg10: memref<2000xi32, #tpu.memory_space<vmem>>, %arg11: memref<2000xi32, #tpu.memory_space<vmem>>, %arg12: memref<80xi32, #tpu.memory_space<vmem>>, %arg13: memref<80xi32, #tpu.memory_space<vmem>>, %arg14: memref<80xi32, #tpu.memory_space<vmem>>, %arg15: memref<80x128xf32, #tpu.memory_space<vmem>>, %arg16: memref<80x128xf32, #tpu.memory_space<vmem>>, %arg17: memref<80x128xf32, #tpu.memory_space<vmem>>, %arg18: memref<1x10240xf32, #tpu.memory_space<vmem>>, %arg19: memref<8x128xf32, #tpu.memory_space<vmem>>, %arg20: memref<!tpu.dma_semaphore, #tpu.memory_space<semaphore_mem>>, %arg21: memref<!tpu.dma_semaphore, #tpu.memory_space<semaphore_mem>>, %arg22: memref<!tpu.dma_semaphore, #tpu.memory_space<semaphore_mem>>, %arg23: memref<!tpu.dma_semaphore, #tpu.memory_space<semaphore_mem>>, %arg24: memref<!tpu.dma_semaphore, #tpu.memory_space<semaphore_mem>>, %arg25: memref<!tpu.dma_semaphore, #tpu.memory_space<semaphore_mem>>, %arg26: memref<!tpu.dma_semaphore, #tpu.memory_space<semaphore_mem>>, %arg27: memref<!tpu.dma_semaphore, #tpu.memory_space<semaphore_mem>>) attributes {dimension_semantics = [#tpu.dimension_semantics<core_parallel>, #tpu.dimension_semantics<subcore_parallel>], iteration_bounds = array<i64: 2, 16>, scalar_prefetch = 0 : i64, scratch_operands = 21 : i64, tpu.core_type = #tpu.core_type<sc_vector_subcore>, window_params = [{transform_indices = #map}, {transform_indices = #map1}, {transform_indices = #map1}, {transform_indices = #map2}, {transform_indices = #map2}]} {
    %mul3A = arith.constant 16 : i32
    %mul3A_0 = arith.muli %arg0, %mul3A : i32
    %add3A = arith.addi %mul3A_0, %arg1 : i32
    %mul3A_1 = arith.constant 624 : i32
    %mul3A_2 = arith.muli %arg1, %mul3A_1 : i32
    %mul3A_3 = arith.constant 10000 : i32
    %mul3A_4 = arith.muli %add3A, %mul3A_3 : i32
    %add3A_5 = arith.constant 0 : i32
    %add3A_6 = arith.addi %mul3A_4, %add3A_5 : i32
    %dma_start3A = tpu.memref_slice %arg3[%add3A_6] : memref<320000xi32, #tpu.memory_space<hbm>> -> memref<2000xi32, #tpu.memory_space<hbm>>
    %dma_start3A_7 = tpu.memref_slice %arg3[%add3A_6] : memref<320000xi32, #tpu.memory_space<hbm>> -> memref<2000xi32, #tpu.memory_space<hbm>>
    tpu.enqueue_dma source(%dma_start3A_7 : memref<2000xi32, #tpu.memory_space<hbm>>) target(%arg8 : memref<2000xi32, #tpu.memory_space<vmem>>) target_semaphore(%arg26 : memref<!tpu.dma_semaphore, #tpu.memory_space<semaphore_mem>>)
    %dma_start3A_8 = tpu.memref_slice %arg4[%add3A_6] : memref<320000xi32, #tpu.memory_space<hbm>> -> memref<2000xi32, #tpu.memory_space<hbm>>
    %dma_start3A_9 = tpu.memref_slice %arg4[%add3A_6] : memref<320000xi32, #tpu.memory_space<hbm>> -> memref<2000xi32, #tpu.memory_space<hbm>>
    tpu.enqueue_dma source(%dma_start3A_9 : memref<2000xi32, #tpu.memory_space<hbm>>) target(%arg9 : memref<2000xi32, #tpu.memory_space<vmem>>) target_semaphore(%arg26 : memref<!tpu.dma_semaphore, #tpu.memory_space<semaphore_mem>>)
    %broadcast_in_dim3A = arith.constant 0.000000e+00 : f32
    %broadcast_in_dim3A_10 = vector.broadcast %broadcast_in_dim3A : f32 to vector<16xf32>
    %scan3A = arith.constant 0 : i32
    %scan3A_11 = arith.constant 0 : i32
    %scan3A_12 = arith.constant 8 : i32
    %scan3A_13 = arith.addi %scan3A_11, %scan3A_12 : i32
    %scan3A_14 = arith.constant 1 : i32
    %scan3A_15 = scf.for %scan3A_276 = %scan3A_11 to %scan3A_13 step %scan3A_14 iter_args(%scan3A_277 = %scan3A) -> (i32)  : i32 {
      %swap3A_278 = arith.index_cast %scan3A_276 : i32 to index
      %swap3A_279 = arith.constant 0 : index
      %swap3A_280 = tpu.vector_load %arg19[%swap3A_278, %swap3A_279] {strides = array<i32>} : memref<8x128xf32, #tpu.memory_space<vmem>>, vector<16xf32>,
      tpu.vector_store %arg19[%swap3A_278, %swap3A_279], %broadcast_in_dim3A_10 {strides = array<i32>} : memref<8x128xf32, #tpu.memory_space<vmem>>, vector<16xf32>,
      %swap3A_281 = arith.index_cast %scan3A_276 : i32 to index
      %swap3A_282 = arith.constant 16 : index
      %swap3A_283 = tpu.vector_load %arg19[%swap3A_281, %swap3A_282] {strides = array<i32>} : memref<8x128xf32, #tpu.memory_space<vmem>>, vector<16xf32>,
      tpu.vector_store %arg19[%swap3A_281, %swap3A_282], %broadcast_in_dim3A_10 {strides = array<i32>} : memref<8x128xf32, #tpu.memory_space<vmem>>, vector<16xf32>,
      %swap3A_284 = arith.index_cast %scan3A_276 : i32 to index
      %swap3A_285 = arith.constant 32 : index
      %swap3A_286 = tpu.vector_load %arg19[%swap3A_284, %swap3A_285] {strides = array<i32>} : memref<8x128xf32, #tpu.memory_space<vmem>>, vector<16xf32>,
      tpu.vector_store %arg19[%swap3A_284, %swap3A_285], %broadcast_in_dim3A_10 {strides = array<i32>} : memref<8x128xf32, #tpu.memory_space<vmem>>, vector<16xf32>,
      %swap3A_287 = arith.index_cast %scan3A_276 : i32 to index
      %swap3A_288 = arith.constant 48 : index
      %swap3A_289 = tpu.vector_load %arg19[%swap3A_287, %swap3A_288] {strides = array<i32>} : memref<8x128xf32, #tpu.memory_space<vmem>>, vector<16xf32>,
      tpu.vector_store %arg19[%swap3A_287, %swap3A_288], %broadcast_in_dim3A_10 {strides = array<i32>} : memref<8x128xf32, #tpu.memory_space<vmem>>, vector<16xf32>,
      %swap3A_290 = arith.index_cast %scan3A_276 : i32 to index
      %swap3A_291 = arith.constant 64 : index
      %swap3A_292 = tpu.vector_load %arg19[%swap3A_290, %swap3A_291] {strides = array<i32>} : memref<8x128xf32, #tpu.memory_space<vmem>>, vector<16xf32>,
      tpu.vector_store %arg19[%swap3A_290, %swap3A_291], %broadcast_in_dim3A_10 {strides = array<i32>} : memref<8x128xf32, #tpu.memory_space<vmem>>, vector<16xf32>,
      %swap3A_293 = arith.index_cast %scan3A_276 : i32 to index
      %swap3A_294 = arith.constant 80 : index
      %swap3A_295 = tpu.vector_load %arg19[%swap3A_293, %swap3A_294] {strides = array<i32>} : memref<8x128xf32, #tpu.memory_space<vmem>>, vector<16xf32>,
      tpu.vector_store %arg19[%swap3A_293, %swap3A_294], %broadcast_in_dim3A_10 {strides = array<i32>} : memref<8x128xf32, #tpu.memory_space<vmem>>, vector<16xf32>,
      %swap3A_296 = arith.index_cast %scan3A_276 : i32 to index
      %swap3A_297 = arith.constant 96 : index
      %swap3A_298 = tpu.vector_load %arg19[%swap3A_296, %swap3A_297] {strides = array<i32>} : memref<8x128xf32, #tpu.memory_space<vmem>>, vector<16xf32>,
      tpu.vector_store %arg19[%swap3A_296, %swap3A_297], %broadcast_in_dim3A_10 {strides = array<i32>} : memref<8x128xf32, #tpu.memory_space<vmem>>, vector<16xf32>,
      %swap3A_299 = arith.index_cast %scan3A_276 : i32 to index
      %swap3A_300 = arith.constant 112 : index
      %swap3A_301 = tpu.vector_load %arg19[%swap3A_299, %swap3A_300] {strides = array<i32>} : memref<8x128xf32, #tpu.memory_space<vmem>>, vector<16xf32>,
      tpu.vector_store %arg19[%swap3A_299, %swap3A_300], %broadcast_in_dim3A_10 {strides = array<i32>} : memref<8x128xf32, #tpu.memory_space<vmem>>, vector<16xf32>,
      %scan3A_302 = arith.constant 0 : i32
      scf.yield %scan3A_302 : i32
    }
    %scan3A_16 = arith.constant 8 : i32
    %broadcast_in_dim3A_17 = arith.constant 0.000000e+00 : f32
    %broadcast_in_dim3A_18 = vector.broadcast %broadcast_in_dim3A_17 : f32 to vector<16xf32>
    %scan3A_19 = arith.constant 0 : i32
    %scan3A_20 = arith.constant 0 : i32
    %scan3A_21 = arith.constant 640 : i32
    %scan3A_22 = arith.addi %scan3A_20, %scan3A_21 : i32
    %scan3A_23 = arith.constant 1 : i32
    %scan3A_24 = scf.for %scan3A_276 = %scan3A_20 to %scan3A_22 step %scan3A_23 iter_args(%scan3A_277 = %scan3A_19) -> (i32)  : i32 {
      %mul3A_278 = arith.constant 16 : i32
      %mul3A_279 = arith.muli %scan3A_276, %mul3A_278 : i32
      %swap3A_280 = arith.constant 0 : i32
      %swap3A_281 = arith.index_cast %swap3A_280 : i32 to index
      %swap3A_282 = arith.index_cast %mul3A_279 : i32 to index
      %swap3A_283 = tpu.vector_load %arg18[%swap3A_281, %swap3A_282] {strides = array<i32>} : memref<1x10240xf32, #tpu.memory_space<vmem>>, vector<16xf32>,
      tpu.vector_store %arg18[%swap3A_281, %swap3A_282], %broadcast_in_dim3A_18 {strides = array<i32>} : memref<1x10240xf32, #tpu.memory_space<vmem>>, vector<16xf32>,
      %scan3A_284 = arith.constant 0 : i32
      scf.yield %scan3A_284 : i32
    }
    %scan3A_25 = arith.constant 640 : i32
    %scan3A_26 = arith.constant 0 : i32
    %scan3A_27 = arith.constant 0 : i32
    %scan3A_28 = arith.constant 78 : i32
    %scan3A_29 = arith.addi %scan3A_27, %scan3A_28 : i32
    %scan3A_30 = arith.constant 1 : i32
    %scan3A_31 = scf.for %scan3A_276 = %scan3A_27 to %scan3A_29 step %scan3A_30 iter_args(%scan3A_277 = %scan3A_26) -> (i32)  : i32 {
      %mul3A_278 = arith.constant 8 : i32
      %mul3A_279 = arith.muli %scan3A_276, %mul3A_278 : i32
      %add3A_280 = arith.addi %mul3A_2, %mul3A_279 : i32
      %dma_start3A_281 = arith.constant 0 : i32
      %dma_start3A_282 = tpu.memref_slice %arg7[%add3A_280, %dma_start3A_281] : memref<10000x128xf32, #tpu.memory_space<vmem_shared>> -> memref<8x128xf32, #tpu.memory_space<vmem_shared>>
      %dma_start3A_283 = arith.constant 0 : i32
      %dma_start3A_284 = tpu.memref_slice %arg7[%add3A_280, %dma_start3A_283] : memref<10000x128xf32, #tpu.memory_space<vmem_shared>> -> memref<8x128xf32, #tpu.memory_space<vmem_shared>>
      tpu.enqueue_dma source(%arg19 : memref<8x128xf32, #tpu.memory_space<vmem>>) target(%dma_start3A_284 : memref<8x128xf32, #tpu.memory_space<vmem_shared>>) target_semaphore(%arg20 : memref<!tpu.dma_semaphore, #tpu.memory_space<semaphore_mem>>)
      %scan3A_285 = arith.constant 0 : i32
      scf.yield %scan3A_285 : i32
    }
    %scan3A_32 = arith.constant 78 : i32
    %eq3A = arith.constant 15 : i32
    %eq3A_33 = arith.cmpi eq, %arg1, %eq3A : i32
    %convert_element_type3A = arith.extui %eq3A_33 : i1 to i32
    %cond3A = arith.constant 0 : i32
    %cond3A_34 = arith.cmpi ne, %convert_element_type3A, %cond3A : i32
    scf.if %cond3A_34 {
      %dma_start3A_276 = arith.constant 9984 : i32
      %dma_start3A_277 = arith.constant 0 : i32
      %dma_start3A_278 = tpu.memref_slice %arg7[%dma_start3A_276, %dma_start3A_277] : memref<10000x128xf32, #tpu.memory_space<vmem_shared>> -> memref<8x128xf32, #tpu.memory_space<vmem_shared>>
      %dma_start3A_279 = arith.constant 9984 : i32
      %dma_start3A_280 = arith.constant 0 : i32
      %dma_start3A_281 = tpu.memref_slice %arg7[%dma_start3A_279, %dma_start3A_280] : memref<10000x128xf32, #tpu.memory_space<vmem_shared>> -> memref<8x128xf32, #tpu.memory_space<vmem_shared>>
      tpu.enqueue_dma source(%arg19 : memref<8x128xf32, #tpu.memory_space<vmem>>) target(%dma_start3A_281 : memref<8x128xf32, #tpu.memory_space<vmem_shared>>) target_semaphore(%arg20 : memref<!tpu.dma_semaphore, #tpu.memory_space<semaphore_mem>>)
      %dma_start3A_282 = arith.constant 9992 : i32
      %dma_start3A_283 = arith.constant 0 : i32
      %dma_start3A_284 = tpu.memref_slice %arg7[%dma_start3A_282, %dma_start3A_283] : memref<10000x128xf32, #tpu.memory_space<vmem_shared>> -> memref<8x128xf32, #tpu.memory_space<vmem_shared>>
      %dma_start3A_285 = arith.constant 9992 : i32
      %dma_start3A_286 = arith.constant 0 : i32
      %dma_start3A_287 = tpu.memref_slice %arg7[%dma_start3A_285, %dma_start3A_286] : memref<10000x128xf32, #tpu.memory_space<vmem_shared>> -> memref<8x128xf32, #tpu.memory_space<vmem_shared>>
      tpu.enqueue_dma source(%arg19 : memref<8x128xf32, #tpu.memory_space<vmem>>) target(%dma_start3A_287 : memref<8x128xf32, #tpu.memory_space<vmem_shared>>) target_semaphore(%arg20 : memref<!tpu.dma_semaphore, #tpu.memory_space<semaphore_mem>>)
    } else {
    }
    %scan3A_35 = arith.constant 0 : i32
    %scan3A_36 = arith.constant 0 : i32
    %scan3A_37 = arith.constant 78 : i32
    %scan3A_38 = arith.addi %scan3A_36, %scan3A_37 : i32
    %scan3A_39 = arith.constant 1 : i32
    %scan3A_40 = scf.for %scan3A_276 = %scan3A_36 to %scan3A_38 step %scan3A_39 iter_args(%scan3A_277 = %scan3A_35) -> (i32)  : i32 {
      %dma_wait3A_278 = arith.constant 0 : i32
      %dma_wait3A_279 = tpu.memref_slice %arg7[%mul3A_2, %dma_wait3A_278] : memref<10000x128xf32, #tpu.memory_space<vmem_shared>> -> memref<8x128xf32, #tpu.memory_space<vmem_shared>>
      %dma_wait3A_280 = arith.constant 0 : i32
      %dma_wait3A_281 = tpu.memref_slice %arg7[%mul3A_2, %dma_wait3A_280] : memref<10000x128xf32, #tpu.memory_space<vmem_shared>> -> memref<8x128xf32, #tpu.memory_space<vmem_shared>>
      tpu.wait_dma2 semaphore(%arg20 : memref<!tpu.dma_semaphore, #tpu.memory_space<semaphore_mem>>) src(%arg19 : memref<8x128xf32, #tpu.memory_space<vmem>>) dst(%dma_wait3A_281 : memref<8x128xf32, #tpu.memory_space<vmem_shared>>)
      %scan3A_282 = arith.constant 0 : i32
      scf.yield %scan3A_282 : i32
    }
    %scan3A_41 = arith.constant 78 : i32
    %eq3A_42 = arith.constant 15 : i32
    %eq3A_43 = arith.cmpi eq, %arg1, %eq3A_42 : i32
    %convert_element_type3A_44 = arith.extui %eq3A_43 : i1 to i32
    %cond3A_45 = arith.constant 0 : i32
    %cond3A_46 = arith.cmpi ne, %convert_element_type3A_44, %cond3A_45 : i32
    scf.if %cond3A_46 {
      %dma_wait3A_276 = arith.constant 9984 : i32
      %dma_wait3A_277 = arith.constant 0 : i32
      %dma_wait3A_278 = tpu.memref_slice %arg7[%dma_wait3A_276, %dma_wait3A_277] : memref<10000x128xf32, #tpu.memory_space<vmem_shared>> -> memref<8x128xf32, #tpu.memory_space<vmem_shared>>
      %dma_wait3A_279 = arith.constant 9984 : i32
      %dma_wait3A_280 = arith.constant 0 : i32
      %dma_wait3A_281 = tpu.memref_slice %arg7[%dma_wait3A_279, %dma_wait3A_280] : memref<10000x128xf32, #tpu.memory_space<vmem_shared>> -> memref<8x128xf32, #tpu.memory_space<vmem_shared>>
      tpu.wait_dma2 semaphore(%arg20 : memref<!tpu.dma_semaphore, #tpu.memory_space<semaphore_mem>>) src(%arg19 : memref<8x128xf32, #tpu.memory_space<vmem>>) dst(%dma_wait3A_281 : memref<8x128xf32, #tpu.memory_space<vmem_shared>>)
      %dma_wait3A_282 = arith.constant 9992 : i32
      %dma_wait3A_283 = arith.constant 0 : i32
      %dma_wait3A_284 = tpu.memref_slice %arg7[%dma_wait3A_282, %dma_wait3A_283] : memref<10000x128xf32, #tpu.memory_space<vmem_shared>> -> memref<8x128xf32, #tpu.memory_space<vmem_shared>>
      %dma_wait3A_285 = arith.constant 9992 : i32
      %dma_wait3A_286 = arith.constant 0 : i32
      %dma_wait3A_287 = tpu.memref_slice %arg7[%dma_wait3A_285, %dma_wait3A_286] : memref<10000x128xf32, #tpu.memory_space<vmem_shared>> -> memref<8x128xf32, #tpu.memory_space<vmem_shared>>
      tpu.wait_dma2 semaphore(%arg20 : memref<!tpu.dma_semaphore, #tpu.memory_space<semaphore_mem>>) src(%arg19 : memref<8x128xf32, #tpu.memory_space<vmem>>) dst(%dma_wait3A_287 : memref<8x128xf32, #tpu.memory_space<vmem_shared>>)
    } else {
    }
    %barrier3A = arith.constant 0 : index
    tpu.barrier barrier_id(%barrier3A)
    %scan3A_47 = arith.constant 0 : i32
    %scan3A_48 = arith.constant 0 : i32
    %scan3A_49 = arith.constant 2 : i32
    %scan3A_50 = arith.addi %scan3A_48, %scan3A_49 : i32
    %scan3A_51 = arith.constant 1 : i32
    %scan3A_52 = scf.for %scan3A_276 = %scan3A_48 to %scan3A_50 step %scan3A_51 iter_args(%scan3A_277 = %scan3A_47) -> (i32)  : i32 {
      %mul3A_278 = arith.constant 2 : i32
      %mul3A_279 = arith.muli %mul3A_278, %scan3A_276 : i32
      %dma_wait3A_280 = arith.constant 0 : i32
      %dma_wait3A_281 = tpu.memref_slice %arg3[%dma_wait3A_280] : memref<320000xi32, #tpu.memory_space<hbm>> -> memref<2000xi32, #tpu.memory_space<hbm>>
      %dma_wait3A_282 = arith.constant 0 : i32
      %dma_wait3A_283 = tpu.memref_slice %arg3[%dma_wait3A_282] : memref<320000xi32, #tpu.memory_space<hbm>> -> memref<2000xi32, #tpu.memory_space<hbm>>
      tpu.wait_dma2 semaphore(%arg26 : memref<!tpu.dma_semaphore, #tpu.memory_space<semaphore_mem>>) src(%dma_wait3A_283 : memref<2000xi32, #tpu.memory_space<hbm>>) dst(%arg8 : memref<2000xi32, #tpu.memory_space<vmem>>)
      %dma_wait3A_284 = arith.constant 0 : i32
      %dma_wait3A_285 = tpu.memref_slice %arg4[%dma_wait3A_284] : memref<320000xi32, #tpu.memory_space<hbm>> -> memref<2000xi32, #tpu.memory_space<hbm>>
      %dma_wait3A_286 = arith.constant 0 : i32
      %dma_wait3A_287 = tpu.memref_slice %arg4[%dma_wait3A_286] : memref<320000xi32, #tpu.memory_space<hbm>> -> memref<2000xi32, #tpu.memory_space<hbm>>
      tpu.wait_dma2 semaphore(%arg26 : memref<!tpu.dma_semaphore, #tpu.memory_space<semaphore_mem>>) src(%dma_wait3A_287 : memref<2000xi32, #tpu.memory_space<hbm>>) dst(%arg9 : memref<2000xi32, #tpu.memory_space<vmem>>)
      %lt3A = arith.constant 4 : i32
      %lt3A_288 = arith.cmpi slt, %mul3A_279, %lt3A : i32
      %convert_element_type3A_289 = arith.extui %lt3A_288 : i1 to i32
      %cond3A_290 = arith.constant 0 : i32
      %cond3A_291 = arith.cmpi ne, %convert_element_type3A_289, %cond3A_290 : i32
      scf.if %cond3A_291 {
        %add3A_732 = arith.constant 1 : i32
        %add3A_733 = arith.addi %mul3A_279, %add3A_732 : i32
        %mul3A_734 = arith.constant 2000 : i32
        %mul3A_735 = arith.muli %add3A_733, %mul3A_734 : i32
        %add3A_736 = arith.addi %mul3A_4, %mul3A_735 : i32
        %dma_start3A_737 = tpu.memref_slice %arg3[%add3A_736] : memref<320000xi32, #tpu.memory_space<hbm>> -> memref<2000xi32, #tpu.memory_space<hbm>>
        %dma_start3A_738 = tpu.memref_slice %arg3[%add3A_736] : memref<320000xi32, #tpu.memory_space<hbm>> -> memref<2000xi32, #tpu.memory_space<hbm>>
        tpu.enqueue_dma source(%dma_start3A_738 : memref<2000xi32, #tpu.memory_space<hbm>>) target(%arg10 : memref<2000xi32, #tpu.memory_space<vmem>>) target_semaphore(%arg27 : memref<!tpu.dma_semaphore, #tpu.memory_space<semaphore_mem>>)
        %dma_start3A_739 = tpu.memref_slice %arg4[%add3A_736] : memref<320000xi32, #tpu.memory_space<hbm>> -> memref<2000xi32, #tpu.memory_space<hbm>>
        %dma_start3A_740 = tpu.memref_slice %arg4[%add3A_736] : memref<320000xi32, #tpu.memory_space<hbm>> -> memref<2000xi32, #tpu.memory_space<hbm>>
        tpu.enqueue_dma source(%dma_start3A_740 : memref<2000xi32, #tpu.memory_space<hbm>>) target(%arg11 : memref<2000xi32, #tpu.memory_space<vmem>>) target_semaphore(%arg27 : memref<!tpu.dma_semaphore, #tpu.memory_space<semaphore_mem>>)
      } else {
      }
      %get3A_292 = arith.constant 0 : index
      %get3A_293 = tpu.vector_load %arg9[%get3A_292] {strides = array<i32>} : memref<2000xi32, #tpu.memory_space<vmem>>, vector<16xi32>,
      %swap3A_294 = arith.constant 0 : index
      %swap3A_295 = tpu.vector_load %arg12[%swap3A_294] {strides = array<i32>} : memref<80xi32, #tpu.memory_space<vmem>>, vector<16xi32>,
      tpu.vector_store %arg12[%swap3A_294], %get3A_293 {strides = array<i32>} : memref<80xi32, #tpu.memory_space<vmem>>, vector<16xi32>,
      %get3A_296 = arith.constant 16 : index
      %get3A_297 = tpu.vector_load %arg9[%get3A_296] {strides = array<i32>} : memref<2000xi32, #tpu.memory_space<vmem>>, vector<16xi32>,
      %swap3A_298 = arith.constant 16 : index
      %swap3A_299 = tpu.vector_load %arg12[%swap3A_298] {strides = array<i32>} : memref<80xi32, #tpu.memory_space<vmem>>, vector<16xi32>,
      tpu.vector_store %arg12[%swap3A_298], %get3A_297 {strides = array<i32>} : memref<80xi32, #tpu.memory_space<vmem>>, vector<16xi32>,
      %get3A_300 = arith.constant 32 : index
      %get3A_301 = tpu.vector_load %arg9[%get3A_300] {strides = array<i32>} : memref<2000xi32, #tpu.memory_space<vmem>>, vector<16xi32>,
      %swap3A_302 = arith.constant 32 : index
      %swap3A_303 = tpu.vector_load %arg12[%swap3A_302] {strides = array<i32>} : memref<80xi32, #tpu.memory_space<vmem>>, vector<16xi32>,
      tpu.vector_store %arg12[%swap3A_302], %get3A_301 {strides = array<i32>} : memref<80xi32, #tpu.memory_space<vmem>>, vector<16xi32>,
      %get3A_304 = arith.constant 48 : index
      %get3A_305 = tpu.vector_load %arg9[%get3A_304] {strides = array<i32>} : memref<2000xi32, #tpu.memory_space<vmem>>, vector<16xi32>,
      %swap3A_306 = arith.constant 48 : index
      %swap3A_307 = tpu.vector_load %arg12[%swap3A_306] {strides = array<i32>} : memref<80xi32, #tpu.memory_space<vmem>>, vector<16xi32>,
      tpu.vector_store %arg12[%swap3A_306], %get3A_305 {strides = array<i32>} : memref<80xi32, #tpu.memory_space<vmem>>, vector<16xi32>,
      %get3A_308 = arith.constant 64 : index
      %get3A_309 = tpu.vector_load %arg9[%get3A_308] {strides = array<i32>} : memref<2000xi32, #tpu.memory_space<vmem>>, vector<16xi32>,
      %swap3A_310 = arith.constant 64 : index
      %swap3A_311 = tpu.vector_load %arg12[%swap3A_310] {strides = array<i32>} : memref<80xi32, #tpu.memory_space<vmem>>, vector<16xi32>,
      tpu.vector_store %arg12[%swap3A_310], %get3A_309 {strides = array<i32>} : memref<80xi32, #tpu.memory_space<vmem>>, vector<16xi32>,
      %dma_start3A_312 = arith.constant 0 : i32
      %dma_start3A_313 = tpu.memref_slice %arg8[%dma_start3A_312] : memref<2000xi32, #tpu.memory_space<vmem>> -> memref<80xi32, #tpu.memory_space<vmem>>
      %dma_start3A_314 = arith.constant 0 : i32
      %dma_start3A_315 = arith.constant 0 : i32
      %dma_start3A_316 = tpu.memref_slice %arg2[%dma_start3A_314, %dma_start3A_315] : memref<10000x128xf32, #tpu.memory_space<hbm>> -> memref<10000x128xf32, #tpu.memory_space<hbm>>
      tpu.enqueue_indirect_dma source(%dma_start3A_316 : memref<10000x128xf32, #tpu.memory_space<hbm>>) target(%arg15 : memref<80x128xf32, #tpu.memory_space<vmem>>) offsets(%dma_start3A_313 : memref<80xi32, #tpu.memory_space<vmem>>) semaphore(%arg20 : memref<!tpu.dma_semaphore, #tpu.memory_space<semaphore_mem>>)
      %get3A_317 = arith.constant 80 : index
      %get3A_318 = tpu.vector_load %arg9[%get3A_317] {strides = array<i32>} : memref<2000xi32, #tpu.memory_space<vmem>>, vector<16xi32>,
      %swap3A_319 = arith.constant 0 : index
      %swap3A_320 = tpu.vector_load %arg13[%swap3A_319] {strides = array<i32>} : memref<80xi32, #tpu.memory_space<vmem>>, vector<16xi32>,
      tpu.vector_store %arg13[%swap3A_319], %get3A_318 {strides = array<i32>} : memref<80xi32, #tpu.memory_space<vmem>>, vector<16xi32>,
      %get3A_321 = arith.constant 96 : index
      %get3A_322 = tpu.vector_load %arg9[%get3A_321] {strides = array<i32>} : memref<2000xi32, #tpu.memory_space<vmem>>, vector<16xi32>,
      %swap3A_323 = arith.constant 16 : index
      %swap3A_324 = tpu.vector_load %arg13[%swap3A_323] {strides = array<i32>} : memref<80xi32, #tpu.memory_space<vmem>>, vector<16xi32>,
      tpu.vector_store %arg13[%swap3A_323], %get3A_322 {strides = array<i32>} : memref<80xi32, #tpu.memory_space<vmem>>, vector<16xi32>,
      %get3A_325 = arith.constant 112 : index
      %get3A_326 = tpu.vector_load %arg9[%get3A_325] {strides = array<i32>} : memref<2000xi32, #tpu.memory_space<vmem>>, vector<16xi32>,
      %swap3A_327 = arith.constant 32 : index
      %swap3A_328 = tpu.vector_load %arg13[%swap3A_327] {strides = array<i32>} : memref<80xi32, #tpu.memory_space<vmem>>, vector<16xi32>,
      tpu.vector_store %arg13[%swap3A_327], %get3A_326 {strides = array<i32>} : memref<80xi32, #tpu.memory_space<vmem>>, vector<16xi32>,
      %get3A_329 = arith.constant 128 : index
      %get3A_330 = tpu.vector_load %arg9[%get3A_329] {strides = array<i32>} : memref<2000xi32, #tpu.memory_space<vmem>>, vector<16xi32>,
      %swap3A_331 = arith.constant 48 : index
      %swap3A_332 = tpu.vector_load %arg13[%swap3A_331] {strides = array<i32>} : memref<80xi32, #tpu.memory_space<vmem>>, vector<16xi32>,
      tpu.vector_store %arg13[%swap3A_331], %get3A_330 {strides = array<i32>} : memref<80xi32, #tpu.memory_space<vmem>>, vector<16xi32>,
      %get3A_333 = arith.constant 144 : index
      %get3A_334 = tpu.vector_load %arg9[%get3A_333] {strides = array<i32>} : memref<2000xi32, #tpu.memory_space<vmem>>, vector<16xi32>,
      %swap3A_335 = arith.constant 64 : index
      %swap3A_336 = tpu.vector_load %arg13[%swap3A_335] {strides = array<i32>} : memref<80xi32, #tpu.memory_space<vmem>>, vector<16xi32>,
      tpu.vector_store %arg13[%swap3A_335], %get3A_334 {strides = array<i32>} : memref<80xi32, #tpu.memory_space<vmem>>, vector<16xi32>,
      %dma_start3A_337 = arith.constant 80 : i32
      %dma_start3A_338 = tpu.memref_slice %arg8[%dma_start3A_337] : memref<2000xi32, #tpu.memory_space<vmem>> -> memref<80xi32, #tpu.memory_space<vmem>>
      %dma_start3A_339 = arith.constant 0 : i32
      %dma_start3A_340 = arith.constant 0 : i32
      %dma_start3A_341 = tpu.memref_slice %arg2[%dma_start3A_339, %dma_start3A_340] : memref<10000x128xf32, #tpu.memory_space<hbm>> -> memref<10000x128xf32, #tpu.memory_space<hbm>>
      tpu.enqueue_indirect_dma source(%dma_start3A_341 : memref<10000x128xf32, #tpu.memory_space<hbm>>) target(%arg16 : memref<80x128xf32, #tpu.memory_space<vmem>>) offsets(%dma_start3A_338 : memref<80xi32, #tpu.memory_space<vmem>>) semaphore(%arg21 : memref<!tpu.dma_semaphore, #tpu.memory_space<semaphore_mem>>)
      %get3A_342 = arith.constant 160 : index
      %get3A_343 = tpu.vector_load %arg9[%get3A_342] {strides = array<i32>} : memref<2000xi32, #tpu.memory_space<vmem>>, vector<16xi32>,
      %swap3A_344 = arith.constant 0 : index
      %swap3A_345 = tpu.vector_load %arg14[%swap3A_344] {strides = array<i32>} : memref<80xi32, #tpu.memory_space<vmem>>, vector<16xi32>,
      tpu.vector_store %arg14[%swap3A_344], %get3A_343 {strides = array<i32>} : memref<80xi32, #tpu.memory_space<vmem>>, vector<16xi32>,
      %get3A_346 = arith.constant 176 : index
      %get3A_347 = tpu.vector_load %arg9[%get3A_346] {strides = array<i32>} : memref<2000xi32, #tpu.memory_space<vmem>>, vector<16xi32>,
      %swap3A_348 = arith.constant 16 : index
      %swap3A_349 = tpu.vector_load %arg14[%swap3A_348] {strides = array<i32>} : memref<80xi32, #tpu.memory_space<vmem>>, vector<16xi32>,
      tpu.vector_store %arg14[%swap3A_348], %get3A_347 {strides = array<i32>} : memref<80xi32, #tpu.memory_space<vmem>>, vector<16xi32>,
      %get3A_350 = arith.constant 192 : index
      %get3A_351 = tpu.vector_load %arg9[%get3A_350] {strides = array<i32>} : memref<2000xi32, #tpu.memory_space<vmem>>, vector<16xi32>,
      %swap3A_352 = arith.constant 32 : index
      %swap3A_353 = tpu.vector_load %arg14[%swap3A_352] {strides = array<i32>} : memref<80xi32, #tpu.memory_space<vmem>>, vector<16xi32>,
      tpu.vector_store %arg14[%swap3A_352], %get3A_351 {strides = array<i32>} : memref<80xi32, #tpu.memory_space<vmem>>, vector<16xi32>,
      %get3A_354 = arith.constant 208 : index
      %get3A_355 = tpu.vector_load %arg9[%get3A_354] {strides = array<i32>} : memref<2000xi32, #tpu.memory_space<vmem>>, vector<16xi32>,
      %swap3A_356 = arith.constant 48 : index
      %swap3A_357 = tpu.vector_load %arg14[%swap3A_356] {strides = array<i32>} : memref<80xi32, #tpu.memory_space<vmem>>, vector<16xi32>,
      tpu.vector_store %arg14[%swap3A_356], %get3A_355 {strides = array<i32>} : memref<80xi32, #tpu.memory_space<vmem>>, vector<16xi32>,
      %get3A_358 = arith.constant 224 : index
      %get3A_359 = tpu.vector_load %arg9[%get3A_358] {strides = array<i32>} : memref<2000xi32, #tpu.memory_space<vmem>>, vector<16xi32>,
      %swap3A_360 = arith.constant 64 : index
      %swap3A_361 = tpu.vector_load %arg14[%swap3A_360] {strides = array<i32>} : memref<80xi32, #tpu.memory_space<vmem>>, vector<16xi32>,
      tpu.vector_store %arg14[%swap3A_360], %get3A_359 {strides = array<i32>} : memref<80xi32, #tpu.memory_space<vmem>>, vector<16xi32>,
      %dma_start3A_362 = arith.constant 160 : i32
      %dma_start3A_363 = tpu.memref_slice %arg8[%dma_start3A_362] : memref<2000xi32, #tpu.memory_space<vmem>> -> memref<80xi32, #tpu.memory_space<vmem>>
      %dma_start3A_364 = arith.constant 0 : i32
      %dma_start3A_365 = arith.constant 0 : i32
      %dma_start3A_366 = tpu.memref_slice %arg2[%dma_start3A_364, %dma_start3A_365] : memref<10000x128xf32, #tpu.memory_space<hbm>> -> memref<10000x128xf32, #tpu.memory_space<hbm>>
      tpu.enqueue_indirect_dma source(%dma_start3A_366 : memref<10000x128xf32, #tpu.memory_space<hbm>>) target(%arg17 : memref<80x128xf32, #tpu.memory_space<vmem>>) offsets(%dma_start3A_363 : memref<80xi32, #tpu.memory_space<vmem>>) semaphore(%arg22 : memref<!tpu.dma_semaphore, #tpu.memory_space<semaphore_mem>>)
      %broadcast_in_dim3A_367 = arith.constant 1.000000e+00 : f32
      %broadcast_in_dim3A_368 = vector.broadcast %broadcast_in_dim3A_367 : f32 to vector<16xf32>
      %broadcast_in_dim3A_369 = arith.constant 0 : i32
      %broadcast_in_dim3A_370 = vector.broadcast %broadcast_in_dim3A_369 : i32 to vector<16xi32>
      %get3A_371 = arith.constant 0 : index
      %get3A_372 = tpu.vector_load %arg12[%get3A_371] {strides = array<i32>} : memref<80xi32, #tpu.memory_space<vmem>>, vector<16xi32>,
      tpu.vector_store_idx %arg18[%broadcast_in_dim3A_370, %get3A_372], %broadcast_in_dim3A_368 {add = true} : memref<1x10240xf32, #tpu.memory_space<vmem>>[vector<16xi32>, vector<16xi32>], vector<16xf32>,
      %get3A_373 = arith.constant 16 : index
      %get3A_374 = tpu.vector_load %arg12[%get3A_373] {strides = array<i32>} : memref<80xi32, #tpu.memory_space<vmem>>, vector<16xi32>,
      tpu.vector_store_idx %arg18[%broadcast_in_dim3A_370, %get3A_374], %broadcast_in_dim3A_368 {add = true} : memref<1x10240xf32, #tpu.memory_space<vmem>>[vector<16xi32>, vector<16xi32>], vector<16xf32>,
      %get3A_375 = arith.constant 32 : index
      %get3A_376 = tpu.vector_load %arg12[%get3A_375] {strides = array<i32>} : memref<80xi32, #tpu.memory_space<vmem>>, vector<16xi32>,
      tpu.vector_store_idx %arg18[%broadcast_in_dim3A_370, %get3A_376], %broadcast_in_dim3A_368 {add = true} : memref<1x10240xf32, #tpu.memory_space<vmem>>[vector<16xi32>, vector<16xi32>], vector<16xf32>,
      %get3A_377 = arith.constant 48 : index
      %get3A_378 = tpu.vector_load %arg12[%get3A_377] {strides = array<i32>} : memref<80xi32, #tpu.memory_space<vmem>>, vector<16xi32>,
      tpu.vector_store_idx %arg18[%broadcast_in_dim3A_370, %get3A_378], %broadcast_in_dim3A_368 {add = true} : memref<1x10240xf32, #tpu.memory_space<vmem>>[vector<16xi32>, vector<16xi32>], vector<16xf32>,
      %get3A_379 = arith.constant 64 : index
      %get3A_380 = tpu.vector_load %arg12[%get3A_379] {strides = array<i32>} : memref<80xi32, #tpu.memory_space<vmem>>, vector<16xi32>,
      tpu.vector_store_idx %arg18[%broadcast_in_dim3A_370, %get3A_380], %broadcast_in_dim3A_368 {add = true} : memref<1x10240xf32, #tpu.memory_space<vmem>>[vector<16xi32>, vector<16xi32>], vector<16xf32>,
      %dma_wait3A_381 = arith.constant 0 : i32
      %dma_wait3A_382 = arith.constant 0 : i32
      %dma_wait3A_383 = tpu.memref_slice %arg2[%dma_wait3A_381, %dma_wait3A_382] : memref<10000x128xf32, #tpu.memory_space<hbm>> -> memref<80x128xf32, #tpu.memory_space<hbm>>
      %dma_wait3A_384 = arith.constant 0 : i32
      %dma_wait3A_385 = arith.constant 0 : i32
      %dma_wait3A_386 = tpu.memref_slice %arg2[%dma_wait3A_384, %dma_wait3A_385] : memref<10000x128xf32, #tpu.memory_space<hbm>> -> memref<80x128xf32, #tpu.memory_space<hbm>>
      tpu.wait_dma2 semaphore(%arg20 : memref<!tpu.dma_semaphore, #tpu.memory_space<semaphore_mem>>) src(%dma_wait3A_386 : memref<80x128xf32, #tpu.memory_space<hbm>>) dst(%arg15 : memref<80x128xf32, #tpu.memory_space<vmem>>)
      %dma_start3A_387 = arith.constant 0 : i32
      %dma_start3A_388 = arith.constant 0 : i32
      %dma_start3A_389 = tpu.memref_slice %arg7[%dma_start3A_387, %dma_start3A_388] : memref<10000x128xf32, #tpu.memory_space<vmem_shared>> -> memref<10000x128xf32, #tpu.memory_space<vmem_shared>>
      tpu.enqueue_indirect_dma source(%arg15 : memref<80x128xf32, #tpu.memory_space<vmem>>) target(%dma_start3A_389 : memref<10000x128xf32, #tpu.memory_space<vmem_shared>>) offsets(%arg12 : memref<80xi32, #tpu.memory_space<vmem>>) semaphore(%arg23 : memref<!tpu.dma_semaphore, #tpu.memory_space<semaphore_mem>>) {add = true}
      %scan3A_390 = arith.constant 0 : i32
      %scan3A_391 = arith.constant 0 : i32
      %scan3A_392 = arith.constant 7 : i32
      %scan3A_393 = arith.addi %scan3A_391, %scan3A_392 : i32
      %scan3A_394 = arith.constant 1 : i32
      %scan3A_395 = scf.for %scan3A_732 = %scan3A_391 to %scan3A_393 step %scan3A_394 iter_args(%scan3A_733 = %scan3A_390) -> (i32)  : i32 {
        %mul3A_734 = arith.constant 3 : i32
        %mul3A_735 = arith.muli %mul3A_734, %scan3A_732 : i32
        %add3A_736 = arith.constant 3 : i32
        %add3A_737 = arith.addi %add3A_736, %mul3A_735 : i32
        %dma_wait3A_738 = arith.constant 0 : i32
        %dma_wait3A_739 = arith.constant 0 : i32
        %dma_wait3A_740 = tpu.memref_slice %arg7[%dma_wait3A_738, %dma_wait3A_739] : memref<10000x128xf32, #tpu.memory_space<vmem_shared>> -> memref<10000x128xf32, #tpu.memory_space<vmem_shared>>
        tpu.wait_indirect_dma semaphore(%arg23 : memref<!tpu.dma_semaphore, #tpu.memory_space<semaphore_mem>>) src(%arg15 : memref<80x128xf32, #tpu.memory_space<vmem>>) dst(%dma_wait3A_740 : memref<10000x128xf32, #tpu.memory_space<vmem_shared>>)
        %mul3A_741 = arith.constant 80 : i32
        %mul3A_742 = arith.muli %add3A_737, %mul3A_741 : i32
        %add3A_743 = arith.constant 0 : i32
        %add3A_744 = arith.addi %mul3A_742, %add3A_743 : i32
        %get3A_745 = arith.index_cast %add3A_744 : i32 to index
        %get3A_746 = tpu.vector_load %arg9[%get3A_745] {strides = array<i32>} : memref<2000xi32, #tpu.memory_space<vmem>>, vector<16xi32>,
        %swap3A_747 = arith.constant 0 : index
        %swap3A_748 = tpu.vector_load %arg12[%swap3A_747] {strides = array<i32>} : memref<80xi32, #tpu.memory_space<vmem>>, vector<16xi32>,
        tpu.vector_store %arg12[%swap3A_747], %get3A_746 {strides = array<i32>} : memref<80xi32, #tpu.memory_space<vmem>>, vector<16xi32>,
        %mul3A_749 = arith.constant 80 : i32
        %mul3A_750 = arith.muli %add3A_737, %mul3A_749 : i32
        %add3A_751 = arith.constant 16 : i32
        %add3A_752 = arith.addi %mul3A_750, %add3A_751 : i32
        %get3A_753 = arith.index_cast %add3A_752 : i32 to index
        %get3A_754 = tpu.vector_load %arg9[%get3A_753] {strides = array<i32>} : memref<2000xi32, #tpu.memory_space<vmem>>, vector<16xi32>,
        %swap3A_755 = arith.constant 16 : index
        %swap3A_756 = tpu.vector_load %arg12[%swap3A_755] {strides = array<i32>} : memref<80xi32, #tpu.memory_space<vmem>>, vector<16xi32>,
        tpu.vector_store %arg12[%swap3A_755], %get3A_754 {strides = array<i32>} : memref<80xi32, #tpu.memory_space<vmem>>, vector<16xi32>,
        %mul3A_757 = arith.constant 80 : i32
        %mul3A_758 = arith.muli %add3A_737, %mul3A_757 : i32
        %add3A_759 = arith.constant 32 : i32
        %add3A_760 = arith.addi %mul3A_758, %add3A_759 : i32
        %get3A_761 = arith.index_cast %add3A_760 : i32 to index
        %get3A_762 = tpu.vector_load %arg9[%get3A_761] {strides = array<i32>} : memref<2000xi32, #tpu.memory_space<vmem>>, vector<16xi32>,
        %swap3A_763 = arith.constant 32 : index
        %swap3A_764 = tpu.vector_load %arg12[%swap3A_763] {strides = array<i32>} : memref<80xi32, #tpu.memory_space<vmem>>, vector<16xi32>,
        tpu.vector_store %arg12[%swap3A_763], %get3A_762 {strides = array<i32>} : memref<80xi32, #tpu.memory_space<vmem>>, vector<16xi32>,
        %mul3A_765 = arith.constant 80 : i32
        %mul3A_766 = arith.muli %add3A_737, %mul3A_765 : i32
        %add3A_767 = arith.constant 48 : i32
        %add3A_768 = arith.addi %mul3A_766, %add3A_767 : i32
        %get3A_769 = arith.index_cast %add3A_768 : i32 to index
        %get3A_770 = tpu.vector_load %arg9[%get3A_769] {strides = array<i32>} : memref<2000xi32, #tpu.memory_space<vmem>>, vector<16xi32>,
        %swap3A_771 = arith.constant 48 : index
        %swap3A_772 = tpu.vector_load %arg12[%swap3A_771] {strides = array<i32>} : memref<80xi32, #tpu.memory_space<vmem>>, vector<16xi32>,
        tpu.vector_store %arg12[%swap3A_771], %get3A_770 {strides = array<i32>} : memref<80xi32, #tpu.memory_space<vmem>>, vector<16xi32>,
        %mul3A_773 = arith.constant 80 : i32
        %mul3A_774 = arith.muli %add3A_737, %mul3A_773 : i32
        %add3A_775 = arith.constant 64 : i32
        %add3A_776 = arith.addi %mul3A_774, %add3A_775 : i32
        %get3A_777 = arith.index_cast %add3A_776 : i32 to index
        %get3A_778 = tpu.vector_load %arg9[%get3A_777] {strides = array<i32>} : memref<2000xi32, #tpu.memory_space<vmem>>, vector<16xi32>,
        %swap3A_779 = arith.constant 64 : index
        %swap3A_780 = tpu.vector_load %arg12[%swap3A_779] {strides = array<i32>} : memref<80xi32, #tpu.memory_space<vmem>>, vector<16xi32>,
        tpu.vector_store %arg12[%swap3A_779], %get3A_778 {strides = array<i32>} : memref<80xi32, #tpu.memory_space<vmem>>, vector<16xi32>,
        %mul3A_781 = arith.constant 80 : i32
        %mul3A_782 = arith.muli %add3A_737, %mul3A_781 : i32
        %dma_start3A_783 = tpu.memref_slice %arg8[%mul3A_782] : memref<2000xi32, #tpu.memory_space<vmem>> -> memref<80xi32, #tpu.memory_space<vmem>>
        %dma_start3A_784 = arith.constant 0 : i32
        %dma_start3A_785 = arith.constant 0 : i32
        %dma_start3A_786 = tpu.memref_slice %arg2[%dma_start3A_784, %dma_start3A_785] : memref<10000x128xf32, #tpu.memory_space<hbm>> -> memref<10000x128xf32, #tpu.memory_space<hbm>>
        tpu.enqueue_indirect_dma source(%dma_start3A_786 : memref<10000x128xf32, #tpu.memory_space<hbm>>) target(%arg15 : memref<80x128xf32, #tpu.memory_space<vmem>>) offsets(%dma_start3A_783 : memref<80xi32, #tpu.memory_space<vmem>>) semaphore(%arg20 : memref<!tpu.dma_semaphore, #tpu.memory_space<semaphore_mem>>)
        %broadcast_in_dim3A_787 = arith.constant 1.000000e+00 : f32
        %broadcast_in_dim3A_788 = vector.broadcast %broadcast_in_dim3A_787 : f32 to vector<16xf32>
        %broadcast_in_dim3A_789 = arith.constant 0 : i32
        %broadcast_in_dim3A_790 = vector.broadcast %broadcast_in_dim3A_789 : i32 to vector<16xi32>
        %get3A_791 = arith.constant 0 : index
        %get3A_792 = tpu.vector_load %arg13[%get3A_791] {strides = array<i32>} : memref<80xi32, #tpu.memory_space<vmem>>, vector<16xi32>,
        tpu.vector_store_idx %arg18[%broadcast_in_dim3A_790, %get3A_792], %broadcast_in_dim3A_788 {add = true} : memref<1x10240xf32, #tpu.memory_space<vmem>>[vector<16xi32>, vector<16xi32>], vector<16xf32>,
        %get3A_793 = arith.constant 16 : index
        %get3A_794 = tpu.vector_load %arg13[%get3A_793] {strides = array<i32>} : memref<80xi32, #tpu.memory_space<vmem>>, vector<16xi32>,
        tpu.vector_store_idx %arg18[%broadcast_in_dim3A_790, %get3A_794], %broadcast_in_dim3A_788 {add = true} : memref<1x10240xf32, #tpu.memory_space<vmem>>[vector<16xi32>, vector<16xi32>], vector<16xf32>,
        %get3A_795 = arith.constant 32 : index
        %get3A_796 = tpu.vector_load %arg13[%get3A_795] {strides = array<i32>} : memref<80xi32, #tpu.memory_space<vmem>>, vector<16xi32>,
        tpu.vector_store_idx %arg18[%broadcast_in_dim3A_790, %get3A_796], %broadcast_in_dim3A_788 {add = true} : memref<1x10240xf32, #tpu.memory_space<vmem>>[vector<16xi32>, vector<16xi32>], vector<16xf32>,
        %get3A_797 = arith.constant 48 : index
        %get3A_798 = tpu.vector_load %arg13[%get3A_797] {strides = array<i32>} : memref<80xi32, #tpu.memory_space<vmem>>, vector<16xi32>,
        tpu.vector_store_idx %arg18[%broadcast_in_dim3A_790, %get3A_798], %broadcast_in_dim3A_788 {add = true} : memref<1x10240xf32, #tpu.memory_space<vmem>>[vector<16xi32>, vector<16xi32>], vector<16xf32>,
        %get3A_799 = arith.constant 64 : index
        %get3A_800 = tpu.vector_load %arg13[%get3A_799] {strides = array<i32>} : memref<80xi32, #tpu.memory_space<vmem>>, vector<16xi32>,
        tpu.vector_store_idx %arg18[%broadcast_in_dim3A_790, %get3A_800], %broadcast_in_dim3A_788 {add = true} : memref<1x10240xf32, #tpu.memory_space<vmem>>[vector<16xi32>, vector<16xi32>], vector<16xf32>,
        %dma_wait3A_801 = arith.constant 0 : i32
        %dma_wait3A_802 = arith.constant 0 : i32
        %dma_wait3A_803 = tpu.memref_slice %arg2[%dma_wait3A_801, %dma_wait3A_802] : memref<10000x128xf32, #tpu.memory_space<hbm>> -> memref<80x128xf32, #tpu.memory_space<hbm>>
        %dma_wait3A_804 = arith.constant 0 : i32
        %dma_wait3A_805 = arith.constant 0 : i32
        %dma_wait3A_806 = tpu.memref_slice %arg2[%dma_wait3A_804, %dma_wait3A_805] : memref<10000x128xf32, #tpu.memory_space<hbm>> -> memref<80x128xf32, #tpu.memory_space<hbm>>
        tpu.wait_dma2 semaphore(%arg21 : memref<!tpu.dma_semaphore, #tpu.memory_space<semaphore_mem>>) src(%dma_wait3A_806 : memref<80x128xf32, #tpu.memory_space<hbm>>) dst(%arg16 : memref<80x128xf32, #tpu.memory_space<vmem>>)
        %dma_start3A_807 = arith.constant 0 : i32
        %dma_start3A_808 = arith.constant 0 : i32
        %dma_start3A_809 = tpu.memref_slice %arg7[%dma_start3A_807, %dma_start3A_808] : memref<10000x128xf32, #tpu.memory_space<vmem_shared>> -> memref<10000x128xf32, #tpu.memory_space<vmem_shared>>
        tpu.enqueue_indirect_dma source(%arg16 : memref<80x128xf32, #tpu.memory_space<vmem>>) target(%dma_start3A_809 : memref<10000x128xf32, #tpu.memory_space<vmem_shared>>) offsets(%arg13 : memref<80xi32, #tpu.memory_space<vmem>>) semaphore(%arg24 : memref<!tpu.dma_semaphore, #tpu.memory_space<semaphore_mem>>) {add = true}
        %add3A_810 = arith.constant 1 : i32
        %add3A_811 = arith.addi %add3A_737, %add3A_810 : i32
        %dma_wait3A_812 = arith.constant 0 : i32
        %dma_wait3A_813 = arith.constant 0 : i32
        %dma_wait3A_814 = tpu.memref_slice %arg7[%dma_wait3A_812, %dma_wait3A_813] : memref<10000x128xf32, #tpu.memory_space<vmem_shared>> -> memref<10000x128xf32, #tpu.memory_space<vmem_shared>>
        tpu.wait_indirect_dma semaphore(%arg24 : memref<!tpu.dma_semaphore, #tpu.memory_space<semaphore_mem>>) src(%arg16 : memref<80x128xf32, #tpu.memory_space<vmem>>) dst(%dma_wait3A_814 : memref<10000x128xf32, #tpu.memory_space<vmem_shared>>)
        %mul3A_815 = arith.constant 80 : i32
        %mul3A_816 = arith.muli %add3A_811, %mul3A_815 : i32
        %add3A_817 = arith.constant 0 : i32
        %add3A_818 = arith.addi %mul3A_816, %add3A_817 : i32
        %get3A_819 = arith.index_cast %add3A_818 : i32 to index
        %get3A_820 = tpu.vector_load %arg9[%get3A_819] {strides = array<i32>} : memref<2000xi32, #tpu.memory_space<vmem>>, vector<16xi32>,
        %swap3A_821 = arith.constant 0 : index
        %swap3A_822 = tpu.vector_load %arg13[%swap3A_821] {strides = array<i32>} : memref<80xi32, #tpu.memory_space<vmem>>, vector<16xi32>,
        tpu.vector_store %arg13[%swap3A_821], %get3A_820 {strides = array<i32>} : memref<80xi32, #tpu.memory_space<vmem>>, vector<16xi32>,
        %mul3A_823 = arith.constant 80 : i32
        %mul3A_824 = arith.muli %add3A_811, %mul3A_823 : i32
        %add3A_825 = arith.constant 16 : i32
        %add3A_826 = arith.addi %mul3A_824, %add3A_825 : i32
        %get3A_827 = arith.index_cast %add3A_826 : i32 to index
        %get3A_828 = tpu.vector_load %arg9[%get3A_827] {strides = array<i32>} : memref<2000xi32, #tpu.memory_space<vmem>>, vector<16xi32>,
        %swap3A_829 = arith.constant 16 : index
        %swap3A_830 = tpu.vector_load %arg13[%swap3A_829] {strides = array<i32>} : memref<80xi32, #tpu.memory_space<vmem>>, vector<16xi32>,
        tpu.vector_store %arg13[%swap3A_829], %get3A_828 {strides = array<i32>} : memref<80xi32, #tpu.memory_space<vmem>>, vector<16xi32>,
        %mul3A_831 = arith.constant 80 : i32
        %mul3A_832 = arith.muli %add3A_811, %mul3A_831 : i32
        %add3A_833 = arith.constant 32 : i32
        %add3A_834 = arith.addi %mul3A_832, %add3A_833 : i32
        %get3A_835 = arith.index_cast %add3A_834 : i32 to index
        %get3A_836 = tpu.vector_load %arg9[%get3A_835] {strides = array<i32>} : memref<2000xi32, #tpu.memory_space<vmem>>, vector<16xi32>,
        %swap3A_837 = arith.constant 32 : index
        %swap3A_838 = tpu.vector_load %arg13[%swap3A_837] {strides = array<i32>} : memref<80xi32, #tpu.memory_space<vmem>>, vector<16xi32>,
        tpu.vector_store %arg13[%swap3A_837], %get3A_836 {strides = array<i32>} : memref<80xi32, #tpu.memory_space<vmem>>, vector<16xi32>,
        %mul3A_839 = arith.constant 80 : i32
        %mul3A_840 = arith.muli %add3A_811, %mul3A_839 : i32
        %add3A_841 = arith.constant 48 : i32
        %add3A_842 = arith.addi %mul3A_840, %add3A_841 : i32
        %get3A_843 = arith.index_cast %add3A_842 : i32 to index
        %get3A_844 = tpu.vector_load %arg9[%get3A_843] {strides = array<i32>} : memref<2000xi32, #tpu.memory_space<vmem>>, vector<16xi32>,
        %swap3A_845 = arith.constant 48 : index
        %swap3A_846 = tpu.vector_load %arg13[%swap3A_845] {strides = array<i32>} : memref<80xi32, #tpu.memory_space<vmem>>, vector<16xi32>,
        tpu.vector_store %arg13[%swap3A_845], %get3A_844 {strides = array<i32>} : memref<80xi32, #tpu.memory_space<vmem>>, vector<16xi32>,
        %mul3A_847 = arith.constant 80 : i32
        %mul3A_848 = arith.muli %add3A_811, %mul3A_847 : i32
        %add3A_849 = arith.constant 64 : i32
        %add3A_850 = arith.addi %mul3A_848, %add3A_849 : i32
        %get3A_851 = arith.index_cast %add3A_850 : i32 to index
        %get3A_852 = tpu.vector_load %arg9[%get3A_851] {strides = array<i32>} : memref<2000xi32, #tpu.memory_space<vmem>>, vector<16xi32>,
        %swap3A_853 = arith.constant 64 : index
        %swap3A_854 = tpu.vector_load %arg13[%swap3A_853] {strides = array<i32>} : memref<80xi32, #tpu.memory_space<vmem>>, vector<16xi32>,
        tpu.vector_store %arg13[%swap3A_853], %get3A_852 {strides = array<i32>} : memref<80xi32, #tpu.memory_space<vmem>>, vector<16xi32>,
        %mul3A_855 = arith.constant 80 : i32
        %mul3A_856 = arith.muli %add3A_811, %mul3A_855 : i32
        %dma_start3A_857 = tpu.memref_slice %arg8[%mul3A_856] : memref<2000xi32, #tpu.memory_space<vmem>> -> memref<80xi32, #tpu.memory_space<vmem>>
        %dma_start3A_858 = arith.constant 0 : i32
        %dma_start3A_859 = arith.constant 0 : i32
        %dma_start3A_860 = tpu.memref_slice %arg2[%dma_start3A_858, %dma_start3A_859] : memref<10000x128xf32, #tpu.memory_space<hbm>> -> memref<10000x128xf32, #tpu.memory_space<hbm>>
        tpu.enqueue_indirect_dma source(%dma_start3A_860 : memref<10000x128xf32, #tpu.memory_space<hbm>>) target(%arg16 : memref<80x128xf32, #tpu.memory_space<vmem>>) offsets(%dma_start3A_857 : memref<80xi32, #tpu.memory_space<vmem>>) semaphore(%arg21 : memref<!tpu.dma_semaphore, #tpu.memory_space<semaphore_mem>>)
        %broadcast_in_dim3A_861 = arith.constant 1.000000e+00 : f32
        %broadcast_in_dim3A_862 = vector.broadcast %broadcast_in_dim3A_861 : f32 to vector<16xf32>
        %broadcast_in_dim3A_863 = arith.constant 0 : i32
        %broadcast_in_dim3A_864 = vector.broadcast %broadcast_in_dim3A_863 : i32 to vector<16xi32>
        %get3A_865 = arith.constant 0 : index
        %get3A_866 = tpu.vector_load %arg14[%get3A_865] {strides = array<i32>} : memref<80xi32, #tpu.memory_space<vmem>>, vector<16xi32>,
        tpu.vector_store_idx %arg18[%broadcast_in_dim3A_864, %get3A_866], %broadcast_in_dim3A_862 {add = true} : memref<1x10240xf32, #tpu.memory_space<vmem>>[vector<16xi32>, vector<16xi32>], vector<16xf32>,
        %get3A_867 = arith.constant 16 : index
        %get3A_868 = tpu.vector_load %arg14[%get3A_867] {strides = array<i32>} : memref<80xi32, #tpu.memory_space<vmem>>, vector<16xi32>,
        tpu.vector_store_idx %arg18[%broadcast_in_dim3A_864, %get3A_868], %broadcast_in_dim3A_862 {add = true} : memref<1x10240xf32, #tpu.memory_space<vmem>>[vector<16xi32>, vector<16xi32>], vector<16xf32>,
        %get3A_869 = arith.constant 32 : index
        %get3A_870 = tpu.vector_load %arg14[%get3A_869] {strides = array<i32>} : memref<80xi32, #tpu.memory_space<vmem>>, vector<16xi32>,
        tpu.vector_store_idx %arg18[%broadcast_in_dim3A_864, %get3A_870], %broadcast_in_dim3A_862 {add = true} : memref<1x10240xf32, #tpu.memory_space<vmem>>[vector<16xi32>, vector<16xi32>], vector<16xf32>,
        %get3A_871 = arith.constant 48 : index
        %get3A_872 = tpu.vector_load %arg14[%get3A_871] {strides = array<i32>} : memref<80xi32, #tpu.memory_space<vmem>>, vector<16xi32>,
        tpu.vector_store_idx %arg18[%broadcast_in_dim3A_864, %get3A_872], %broadcast_in_dim3A_862 {add = true} : memref<1x10240xf32, #tpu.memory_space<vmem>>[vector<16xi32>, vector<16xi32>], vector<16xf32>,
        %get3A_873 = arith.constant 64 : index
        %get3A_874 = tpu.vector_load %arg14[%get3A_873] {strides = array<i32>} : memref<80xi32, #tpu.memory_space<vmem>>, vector<16xi32>,
        tpu.vector_store_idx %arg18[%broadcast_in_dim3A_864, %get3A_874], %broadcast_in_dim3A_862 {add = true} : memref<1x10240xf32, #tpu.memory_space<vmem>>[vector<16xi32>, vector<16xi32>], vector<16xf32>,
        %dma_wait3A_875 = arith.constant 0 : i32
        %dma_wait3A_876 = arith.constant 0 : i32
        %dma_wait3A_877 = tpu.memref_slice %arg2[%dma_wait3A_875, %dma_wait3A_876] : memref<10000x128xf32, #tpu.memory_space<hbm>> -> memref<80x128xf32, #tpu.memory_space<hbm>>
        %dma_wait3A_878 = arith.constant 0 : i32
        %dma_wait3A_879 = arith.constant 0 : i32
        %dma_wait3A_880 = tpu.memref_slice %arg2[%dma_wait3A_878, %dma_wait3A_879] : memref<10000x128xf32, #tpu.memory_space<hbm>> -> memref<80x128xf32, #tpu.memory_space<hbm>>
        tpu.wait_dma2 semaphore(%arg22 : memref<!tpu.dma_semaphore, #tpu.memory_space<semaphore_mem>>) src(%dma_wait3A_880 : memref<80x128xf32, #tpu.memory_space<hbm>>) dst(%arg17 : memref<80x128xf32, #tpu.memory_space<vmem>>)
        %dma_start3A_881 = arith.constant 0 : i32
        %dma_start3A_882 = arith.constant 0 : i32
        %dma_start3A_883 = tpu.memref_slice %arg7[%dma_start3A_881, %dma_start3A_882] : memref<10000x128xf32, #tpu.memory_space<vmem_shared>> -> memref<10000x128xf32, #tpu.memory_space<vmem_shared>>
        tpu.enqueue_indirect_dma source(%arg17 : memref<80x128xf32, #tpu.memory_space<vmem>>) target(%dma_start3A_883 : memref<10000x128xf32, #tpu.memory_space<vmem_shared>>) offsets(%arg14 : memref<80xi32, #tpu.memory_space<vmem>>) semaphore(%arg25 : memref<!tpu.dma_semaphore, #tpu.memory_space<semaphore_mem>>) {add = true}
        %add3A_884 = arith.constant 2 : i32
        %add3A_885 = arith.addi %add3A_737, %add3A_884 : i32
        %dma_wait3A_886 = arith.constant 0 : i32
        %dma_wait3A_887 = arith.constant 0 : i32
        %dma_wait3A_888 = tpu.memref_slice %arg7[%dma_wait3A_886, %dma_wait3A_887] : memref<10000x128xf32, #tpu.memory_space<vmem_shared>> -> memref<10000x128xf32, #tpu.memory_space<vmem_shared>>
        tpu.wait_indirect_dma semaphore(%arg25 : memref<!tpu.dma_semaphore, #tpu.memory_space<semaphore_mem>>) src(%arg17 : memref<80x128xf32, #tpu.memory_space<vmem>>) dst(%dma_wait3A_888 : memref<10000x128xf32, #tpu.memory_space<vmem_shared>>)
        %mul3A_889 = arith.constant 80 : i32
        %mul3A_890 = arith.muli %add3A_885, %mul3A_889 : i32
        %add3A_891 = arith.constant 0 : i32
        %add3A_892 = arith.addi %mul3A_890, %add3A_891 : i32
        %get3A_893 = arith.index_cast %add3A_892 : i32 to index
        %get3A_894 = tpu.vector_load %arg9[%get3A_893] {strides = array<i32>} : memref<2000xi32, #tpu.memory_space<vmem>>, vector<16xi32>,
        %swap3A_895 = arith.constant 0 : index
        %swap3A_896 = tpu.vector_load %arg14[%swap3A_895] {strides = array<i32>} : memref<80xi32, #tpu.memory_space<vmem>>, vector<16xi32>,
        tpu.vector_store %arg14[%swap3A_895], %get3A_894 {strides = array<i32>} : memref<80xi32, #tpu.memory_space<vmem>>, vector<16xi32>,
        %mul3A_897 = arith.constant 80 : i32
        %mul3A_898 = arith.muli %add3A_885, %mul3A_897 : i32
        %add3A_899 = arith.constant 16 : i32
        %add3A_900 = arith.addi %mul3A_898, %add3A_899 : i32
        %get3A_901 = arith.index_cast %add3A_900 : i32 to index
        %get3A_902 = tpu.vector_load %arg9[%get3A_901] {strides = array<i32>} : memref<2000xi32, #tpu.memory_space<vmem>>, vector<16xi32>,
        %swap3A_903 = arith.constant 16 : index
        %swap3A_904 = tpu.vector_load %arg14[%swap3A_903] {strides = array<i32>} : memref<80xi32, #tpu.memory_space<vmem>>, vector<16xi32>,
        tpu.vector_store %arg14[%swap3A_903], %get3A_902 {strides = array<i32>} : memref<80xi32, #tpu.memory_space<vmem>>, vector<16xi32>,
        %mul3A_905 = arith.constant 80 : i32
        %mul3A_906 = arith.muli %add3A_885, %mul3A_905 : i32
        %add3A_907 = arith.constant 32 : i32
        %add3A_908 = arith.addi %mul3A_906, %add3A_907 : i32
        %get3A_909 = arith.index_cast %add3A_908 : i32 to index
        %get3A_910 = tpu.vector_load %arg9[%get3A_909] {strides = array<i32>} : memref<2000xi32, #tpu.memory_space<vmem>>, vector<16xi32>,
        %swap3A_911 = arith.constant 32 : index
        %swap3A_912 = tpu.vector_load %arg14[%swap3A_911] {strides = array<i32>} : memref<80xi32, #tpu.memory_space<vmem>>, vector<16xi32>,
        tpu.vector_store %arg14[%swap3A_911], %get3A_910 {strides = array<i32>} : memref<80xi32, #tpu.memory_space<vmem>>, vector<16xi32>,
        %mul3A_913 = arith.constant 80 : i32
        %mul3A_914 = arith.muli %add3A_885, %mul3A_913 : i32
        %add3A_915 = arith.constant 48 : i32
        %add3A_916 = arith.addi %mul3A_914, %add3A_915 : i32
        %get3A_917 = arith.index_cast %add3A_916 : i32 to index
        %get3A_918 = tpu.vector_load %arg9[%get3A_917] {strides = array<i32>} : memref<2000xi32, #tpu.memory_space<vmem>>, vector<16xi32>,
        %swap3A_919 = arith.constant 48 : index
        %swap3A_920 = tpu.vector_load %arg14[%swap3A_919] {strides = array<i32>} : memref<80xi32, #tpu.memory_space<vmem>>, vector<16xi32>,
        tpu.vector_store %arg14[%swap3A_919], %get3A_918 {strides = array<i32>} : memref<80xi32, #tpu.memory_space<vmem>>, vector<16xi32>,
        %mul3A_921 = arith.constant 80 : i32
        %mul3A_922 = arith.muli %add3A_885, %mul3A_921 : i32
        %add3A_923 = arith.constant 64 : i32
        %add3A_924 = arith.addi %mul3A_922, %add3A_923 : i32
        %get3A_925 = arith.index_cast %add3A_924 : i32 to index
        %get3A_926 = tpu.vector_load %arg9[%get3A_925] {strides = array<i32>} : memref<2000xi32, #tpu.memory_space<vmem>>, vector<16xi32>,
        %swap3A_927 = arith.constant 64 : index
        %swap3A_928 = tpu.vector_load %arg14[%swap3A_927] {strides = array<i32>} : memref<80xi32, #tpu.memory_space<vmem>>, vector<16xi32>,
        tpu.vector_store %arg14[%swap3A_927], %get3A_926 {strides = array<i32>} : memref<80xi32, #tpu.memory_space<vmem>>, vector<16xi32>,
        %mul3A_929 = arith.constant 80 : i32
        %mul3A_930 = arith.muli %add3A_885, %mul3A_929 : i32
        %dma_start3A_931 = tpu.memref_slice %arg8[%mul3A_930] : memref<2000xi32, #tpu.memory_space<vmem>> -> memref<80xi32, #tpu.memory_space<vmem>>
        %dma_start3A_932 = arith.constant 0 : i32
        %dma_start3A_933 = arith.constant 0 : i32
        %dma_start3A_934 = tpu.memref_slice %arg2[%dma_start3A_932, %dma_start3A_933] : memref<10000x128xf32, #tpu.memory_space<hbm>> -> memref<10000x128xf32, #tpu.memory_space<hbm>>
        tpu.enqueue_indirect_dma source(%dma_start3A_934 : memref<10000x128xf32, #tpu.memory_space<hbm>>) target(%arg17 : memref<80x128xf32, #tpu.memory_space<vmem>>) offsets(%dma_start3A_931 : memref<80xi32, #tpu.memory_space<vmem>>) semaphore(%arg22 : memref<!tpu.dma_semaphore, #tpu.memory_space<semaphore_mem>>)
        %broadcast_in_dim3A_935 = arith.constant 1.000000e+00 : f32
        %broadcast_in_dim3A_936 = vector.broadcast %broadcast_in_dim3A_935 : f32 to vector<16xf32>
        %broadcast_in_dim3A_937 = arith.constant 0 : i32
        %broadcast_in_dim3A_938 = vector.broadcast %broadcast_in_dim3A_937 : i32 to vector<16xi32>
        %get3A_939 = arith.constant 0 : index
        %get3A_940 = tpu.vector_load %arg12[%get3A_939] {strides = array<i32>} : memref<80xi32, #tpu.memory_space<vmem>>, vector<16xi32>,
        tpu.vector_store_idx %arg18[%broadcast_in_dim3A_938, %get3A_940], %broadcast_in_dim3A_936 {add = true} : memref<1x10240xf32, #tpu.memory_space<vmem>>[vector<16xi32>, vector<16xi32>], vector<16xf32>,
        %get3A_941 = arith.constant 16 : index
        %get3A_942 = tpu.vector_load %arg12[%get3A_941] {strides = array<i32>} : memref<80xi32, #tpu.memory_space<vmem>>, vector<16xi32>,
        tpu.vector_store_idx %arg18[%broadcast_in_dim3A_938, %get3A_942], %broadcast_in_dim3A_936 {add = true} : memref<1x10240xf32, #tpu.memory_space<vmem>>[vector<16xi32>, vector<16xi32>], vector<16xf32>,
        %get3A_943 = arith.constant 32 : index
        %get3A_944 = tpu.vector_load %arg12[%get3A_943] {strides = array<i32>} : memref<80xi32, #tpu.memory_space<vmem>>, vector<16xi32>,
        tpu.vector_store_idx %arg18[%broadcast_in_dim3A_938, %get3A_944], %broadcast_in_dim3A_936 {add = true} : memref<1x10240xf32, #tpu.memory_space<vmem>>[vector<16xi32>, vector<16xi32>], vector<16xf32>,
        %get3A_945 = arith.constant 48 : index
        %get3A_946 = tpu.vector_load %arg12[%get3A_945] {strides = array<i32>} : memref<80xi32, #tpu.memory_space<vmem>>, vector<16xi32>,
        tpu.vector_store_idx %arg18[%broadcast_in_dim3A_938, %get3A_946], %broadcast_in_dim3A_936 {add = true} : memref<1x10240xf32, #tpu.memory_space<vmem>>[vector<16xi32>, vector<16xi32>], vector<16xf32>,
        %get3A_947 = arith.constant 64 : index
        %get3A_948 = tpu.vector_load %arg12[%get3A_947] {strides = array<i32>} : memref<80xi32, #tpu.memory_space<vmem>>, vector<16xi32>,
        tpu.vector_store_idx %arg18[%broadcast_in_dim3A_938, %get3A_948], %broadcast_in_dim3A_936 {add = true} : memref<1x10240xf32, #tpu.memory_space<vmem>>[vector<16xi32>, vector<16xi32>], vector<16xf32>,
        %dma_wait3A_949 = arith.constant 0 : i32
        %dma_wait3A_950 = arith.constant 0 : i32
        %dma_wait3A_951 = tpu.memref_slice %arg2[%dma_wait3A_949, %dma_wait3A_950] : memref<10000x128xf32, #tpu.memory_space<hbm>> -> memref<80x128xf32, #tpu.memory_space<hbm>>
        %dma_wait3A_952 = arith.constant 0 : i32
        %dma_wait3A_953 = arith.constant 0 : i32
        %dma_wait3A_954 = tpu.memref_slice %arg2[%dma_wait3A_952, %dma_wait3A_953] : memref<10000x128xf32, #tpu.memory_space<hbm>> -> memref<80x128xf32, #tpu.memory_space<hbm>>
        tpu.wait_dma2 semaphore(%arg20 : memref<!tpu.dma_semaphore, #tpu.memory_space<semaphore_mem>>) src(%dma_wait3A_954 : memref<80x128xf32, #tpu.memory_space<hbm>>) dst(%arg15 : memref<80x128xf32, #tpu.memory_space<vmem>>)
        %dma_start3A_955 = arith.constant 0 : i32
        %dma_start3A_956 = arith.constant 0 : i32
        %dma_start3A_957 = tpu.memref_slice %arg7[%dma_start3A_955, %dma_start3A_956] : memref<10000x128xf32, #tpu.memory_space<vmem_shared>> -> memref<10000x128xf32, #tpu.memory_space<vmem_shared>>
        tpu.enqueue_indirect_dma source(%arg15 : memref<80x128xf32, #tpu.memory_space<vmem>>) target(%dma_start3A_957 : memref<10000x128xf32, #tpu.memory_space<vmem_shared>>) offsets(%arg12 : memref<80xi32, #tpu.memory_space<vmem>>) semaphore(%arg23 : memref<!tpu.dma_semaphore, #tpu.memory_space<semaphore_mem>>) {add = true}
        %scan3A_958 = arith.constant 0 : i32
        scf.yield %scan3A_958 : i32
      }
      %scan3A_396 = arith.constant 7 : i32
      %dma_wait3A_397 = arith.constant 0 : i32
      %dma_wait3A_398 = arith.constant 0 : i32
      %dma_wait3A_399 = tpu.memref_slice %arg7[%dma_wait3A_397, %dma_wait3A_398] : memref<10000x128xf32, #tpu.memory_space<vmem_shared>> -> memref<10000x128xf32, #tpu.memory_space<vmem_shared>>
      tpu.wait_indirect_dma semaphore(%arg23 : memref<!tpu.dma_semaphore, #tpu.memory_space<semaphore_mem>>) src(%arg15 : memref<80x128xf32, #tpu.memory_space<vmem>>) dst(%dma_wait3A_399 : memref<10000x128xf32, #tpu.memory_space<vmem_shared>>)
      %get3A_400 = arith.constant 1920 : index
      %get3A_401 = tpu.vector_load %arg9[%get3A_400] {strides = array<i32>} : memref<2000xi32, #tpu.memory_space<vmem>>, vector<16xi32>,
      %swap3A_402 = arith.constant 0 : index
      %swap3A_403 = tpu.vector_load %arg12[%swap3A_402] {strides = array<i32>} : memref<80xi32, #tpu.memory_space<vmem>>, vector<16xi32>,
      tpu.vector_store %arg12[%swap3A_402], %get3A_401 {strides = array<i32>} : memref<80xi32, #tpu.memory_space<vmem>>, vector<16xi32>,
      %get3A_404 = arith.constant 1936 : index
      %get3A_405 = tpu.vector_load %arg9[%get3A_404] {strides = array<i32>} : memref<2000xi32, #tpu.memory_space<vmem>>, vector<16xi32>,
      %swap3A_406 = arith.constant 16 : index
      %swap3A_407 = tpu.vector_load %arg12[%swap3A_406] {strides = array<i32>} : memref<80xi32, #tpu.memory_space<vmem>>, vector<16xi32>,
      tpu.vector_store %arg12[%swap3A_406], %get3A_405 {strides = array<i32>} : memref<80xi32, #tpu.memory_space<vmem>>, vector<16xi32>,
      %get3A_408 = arith.constant 1952 : index
      %get3A_409 = tpu.vector_load %arg9[%get3A_408] {strides = array<i32>} : memref<2000xi32, #tpu.memory_space<vmem>>, vector<16xi32>,
      %swap3A_410 = arith.constant 32 : index
      %swap3A_411 = tpu.vector_load %arg12[%swap3A_410] {strides = array<i32>} : memref<80xi32, #tpu.memory_space<vmem>>, vector<16xi32>,
      tpu.vector_store %arg12[%swap3A_410], %get3A_409 {strides = array<i32>} : memref<80xi32, #tpu.memory_space<vmem>>, vector<16xi32>,
      %get3A_412 = arith.constant 1968 : index
      %get3A_413 = tpu.vector_load %arg9[%get3A_412] {strides = array<i32>} : memref<2000xi32, #tpu.memory_space<vmem>>, vector<16xi32>,
      %swap3A_414 = arith.constant 48 : index
      %swap3A_415 = tpu.vector_load %arg12[%swap3A_414] {strides = array<i32>} : memref<80xi32, #tpu.memory_space<vmem>>, vector<16xi32>,
      tpu.vector_store %arg12[%swap3A_414], %get3A_413 {strides = array<i32>} : memref<80xi32, #tpu.memory_space<vmem>>, vector<16xi32>,
      %get3A_416 = arith.constant 1984 : index
      %get3A_417 = tpu.vector_load %arg9[%get3A_416] {strides = array<i32>} : memref<2000xi32, #tpu.memory_space<vmem>>, vector<16xi32>,
      %swap3A_418 = arith.constant 64 : index
      %swap3A_419 = tpu.vector_load %arg12[%swap3A_418] {strides = array<i32>} : memref<80xi32, #tpu.memory_space<vmem>>, vector<16xi32>,
      tpu.vector_store %arg12[%swap3A_418], %get3A_417 {strides = array<i32>} : memref<80xi32, #tpu.memory_space<vmem>>, vector<16xi32>,
      %dma_start3A_420 = arith.constant 1920 : i32
      %dma_start3A_421 = tpu.memref_slice %arg8[%dma_start3A_420] : memref<2000xi32, #tpu.memory_space<vmem>> -> memref<80xi32, #tpu.memory_space<vmem>>
      %dma_start3A_422 = arith.constant 0 : i32
      %dma_start3A_423 = arith.constant 0 : i32
      %dma_start3A_424 = tpu.memref_slice %arg2[%dma_start3A_422, %dma_start3A_423] : memref<10000x128xf32, #tpu.memory_space<hbm>> -> memref<10000x128xf32, #tpu.memory_space<hbm>>
      tpu.enqueue_indirect_dma source(%dma_start3A_424 : memref<10000x128xf32, #tpu.memory_space<hbm>>) target(%arg15 : memref<80x128xf32, #tpu.memory_space<vmem>>) offsets(%dma_start3A_421 : memref<80xi32, #tpu.memory_space<vmem>>) semaphore(%arg20 : memref<!tpu.dma_semaphore, #tpu.memory_space<semaphore_mem>>)
      %broadcast_in_dim3A_425 = arith.constant 1.000000e+00 : f32
      %broadcast_in_dim3A_426 = vector.broadcast %broadcast_in_dim3A_425 : f32 to vector<16xf32>
      %broadcast_in_dim3A_427 = arith.constant 0 : i32
      %broadcast_in_dim3A_428 = vector.broadcast %broadcast_in_dim3A_427 : i32 to vector<16xi32>
      %get3A_429 = arith.constant 0 : index
      %get3A_430 = tpu.vector_load %arg13[%get3A_429] {strides = array<i32>} : memref<80xi32, #tpu.memory_space<vmem>>, vector<16xi32>,
      tpu.vector_store_idx %arg18[%broadcast_in_dim3A_428, %get3A_430], %broadcast_in_dim3A_426 {add = true} : memref<1x10240xf32, #tpu.memory_space<vmem>>[vector<16xi32>, vector<16xi32>], vector<16xf32>,
      %get3A_431 = arith.constant 16 : index
      %get3A_432 = tpu.vector_load %arg13[%get3A_431] {strides = array<i32>} : memref<80xi32, #tpu.memory_space<vmem>>, vector<16xi32>,
      tpu.vector_store_idx %arg18[%broadcast_in_dim3A_428, %get3A_432], %broadcast_in_dim3A_426 {add = true} : memref<1x10240xf32, #tpu.memory_space<vmem>>[vector<16xi32>, vector<16xi32>], vector<16xf32>,
      %get3A_433 = arith.constant 32 : index
      %get3A_434 = tpu.vector_load %arg13[%get3A_433] {strides = array<i32>} : memref<80xi32, #tpu.memory_space<vmem>>, vector<16xi32>,
      tpu.vector_store_idx %arg18[%broadcast_in_dim3A_428, %get3A_434], %broadcast_in_dim3A_426 {add = true} : memref<1x10240xf32, #tpu.memory_space<vmem>>[vector<16xi32>, vector<16xi32>], vector<16xf32>,
      %get3A_435 = arith.constant 48 : index
      %get3A_436 = tpu.vector_load %arg13[%get3A_435] {strides = array<i32>} : memref<80xi32, #tpu.memory_space<vmem>>, vector<16xi32>,
      tpu.vector_store_idx %arg18[%broadcast_in_dim3A_428, %get3A_436], %broadcast_in_dim3A_426 {add = true} : memref<1x10240xf32, #tpu.memory_space<vmem>>[vector<16xi32>, vector<16xi32>], vector<16xf32>,
      %get3A_437 = arith.constant 64 : index
      %get3A_438 = tpu.vector_load %arg13[%get3A_437] {strides = array<i32>} : memref<80xi32, #tpu.memory_space<vmem>>, vector<16xi32>,
      tpu.vector_store_idx %arg18[%broadcast_in_dim3A_428, %get3A_438], %broadcast_in_dim3A_426 {add = true} : memref<1x10240xf32, #tpu.memory_space<vmem>>[vector<16xi32>, vector<16xi32>], vector<16xf32>,
      %dma_wait3A_439 = arith.constant 0 : i32
      %dma_wait3A_440 = arith.constant 0 : i32
      %dma_wait3A_441 = tpu.memref_slice %arg2[%dma_wait3A_439, %dma_wait3A_440] : memref<10000x128xf32, #tpu.memory_space<hbm>> -> memref<80x128xf32, #tpu.memory_space<hbm>>
      %dma_wait3A_442 = arith.constant 0 : i32
      %dma_wait3A_443 = arith.constant 0 : i32
      %dma_wait3A_444 = tpu.memref_slice %arg2[%dma_wait3A_442, %dma_wait3A_443] : memref<10000x128xf32, #tpu.memory_space<hbm>> -> memref<80x128xf32, #tpu.memory_space<hbm>>
      tpu.wait_dma2 semaphore(%arg21 : memref<!tpu.dma_semaphore, #tpu.memory_space<semaphore_mem>>) src(%dma_wait3A_444 : memref<80x128xf32, #tpu.memory_space<hbm>>) dst(%arg16 : memref<80x128xf32, #tpu.memory_space<vmem>>)
      %dma_start3A_445 = arith.constant 0 : i32
      %dma_start3A_446 = arith.constant 0 : i32
      %dma_start3A_447 = tpu.memref_slice %arg7[%dma_start3A_445, %dma_start3A_446] : memref<10000x128xf32, #tpu.memory_space<vmem_shared>> -> memref<10000x128xf32, #tpu.memory_space<vmem_shared>>
      tpu.enqueue_indirect_dma source(%arg16 : memref<80x128xf32, #tpu.memory_space<vmem>>) target(%dma_start3A_447 : memref<10000x128xf32, #tpu.memory_space<vmem_shared>>) offsets(%arg13 : memref<80xi32, #tpu.memory_space<vmem>>) semaphore(%arg24 : memref<!tpu.dma_semaphore, #tpu.memory_space<semaphore_mem>>) {add = true}
      %broadcast_in_dim3A_448 = arith.constant 1.000000e+00 : f32
      %broadcast_in_dim3A_449 = vector.broadcast %broadcast_in_dim3A_448 : f32 to vector<16xf32>
      %broadcast_in_dim3A_450 = arith.constant 0 : i32
      %broadcast_in_dim3A_451 = vector.broadcast %broadcast_in_dim3A_450 : i32 to vector<16xi32>
      %get3A_452 = arith.constant 0 : index
      %get3A_453 = tpu.vector_load %arg14[%get3A_452] {strides = array<i32>} : memref<80xi32, #tpu.memory_space<vmem>>, vector<16xi32>,
      tpu.vector_store_idx %arg18[%broadcast_in_dim3A_451, %get3A_453], %broadcast_in_dim3A_449 {add = true} : memref<1x10240xf32, #tpu.memory_space<vmem>>[vector<16xi32>, vector<16xi32>], vector<16xf32>,
      %get3A_454 = arith.constant 16 : index
      %get3A_455 = tpu.vector_load %arg14[%get3A_454] {strides = array<i32>} : memref<80xi32, #tpu.memory_space<vmem>>, vector<16xi32>,
      tpu.vector_store_idx %arg18[%broadcast_in_dim3A_451, %get3A_455], %broadcast_in_dim3A_449 {add = true} : memref<1x10240xf32, #tpu.memory_space<vmem>>[vector<16xi32>, vector<16xi32>], vector<16xf32>,
      %get3A_456 = arith.constant 32 : index
      %get3A_457 = tpu.vector_load %arg14[%get3A_456] {strides = array<i32>} : memref<80xi32, #tpu.memory_space<vmem>>, vector<16xi32>,
      tpu.vector_store_idx %arg18[%broadcast_in_dim3A_451, %get3A_457], %broadcast_in_dim3A_449 {add = true} : memref<1x10240xf32, #tpu.memory_space<vmem>>[vector<16xi32>, vector<16xi32>], vector<16xf32>,
      %get3A_458 = arith.constant 48 : index
      %get3A_459 = tpu.vector_load %arg14[%get3A_458] {strides = array<i32>} : memref<80xi32, #tpu.memory_space<vmem>>, vector<16xi32>,
      tpu.vector_store_idx %arg18[%broadcast_in_dim3A_451, %get3A_459], %broadcast_in_dim3A_449 {add = true} : memref<1x10240xf32, #tpu.memory_space<vmem>>[vector<16xi32>, vector<16xi32>], vector<16xf32>,
      %get3A_460 = arith.constant 64 : index
      %get3A_461 = tpu.vector_load %arg14[%get3A_460] {strides = array<i32>} : memref<80xi32, #tpu.memory_space<vmem>>, vector<16xi32>,
      tpu.vector_store_idx %arg18[%broadcast_in_dim3A_451, %get3A_461], %broadcast_in_dim3A_449 {add = true} : memref<1x10240xf32, #tpu.memory_space<vmem>>[vector<16xi32>, vector<16xi32>], vector<16xf32>,
      %dma_wait3A_462 = arith.constant 0 : i32
      %dma_wait3A_463 = arith.constant 0 : i32
      %dma_wait3A_464 = tpu.memref_slice %arg2[%dma_wait3A_462, %dma_wait3A_463] : memref<10000x128xf32, #tpu.memory_space<hbm>> -> memref<80x128xf32, #tpu.memory_space<hbm>>
      %dma_wait3A_465 = arith.constant 0 : i32
      %dma_wait3A_466 = arith.constant 0 : i32
      %dma_wait3A_467 = tpu.memref_slice %arg2[%dma_wait3A_465, %dma_wait3A_466] : memref<10000x128xf32, #tpu.memory_space<hbm>> -> memref<80x128xf32, #tpu.memory_space<hbm>>
      tpu.wait_dma2 semaphore(%arg22 : memref<!tpu.dma_semaphore, #tpu.memory_space<semaphore_mem>>) src(%dma_wait3A_467 : memref<80x128xf32, #tpu.memory_space<hbm>>) dst(%arg17 : memref<80x128xf32, #tpu.memory_space<vmem>>)
      %dma_start3A_468 = arith.constant 0 : i32
      %dma_start3A_469 = arith.constant 0 : i32
      %dma_start3A_470 = tpu.memref_slice %arg7[%dma_start3A_468, %dma_start3A_469] : memref<10000x128xf32, #tpu.memory_space<vmem_shared>> -> memref<10000x128xf32, #tpu.memory_space<vmem_shared>>
      tpu.enqueue_indirect_dma source(%arg17 : memref<80x128xf32, #tpu.memory_space<vmem>>) target(%dma_start3A_470 : memref<10000x128xf32, #tpu.memory_space<vmem_shared>>) offsets(%arg14 : memref<80xi32, #tpu.memory_space<vmem>>) semaphore(%arg25 : memref<!tpu.dma_semaphore, #tpu.memory_space<semaphore_mem>>) {add = true}
      %broadcast_in_dim3A_471 = arith.constant 1.000000e+00 : f32
      %broadcast_in_dim3A_472 = vector.broadcast %broadcast_in_dim3A_471 : f32 to vector<16xf32>
      %broadcast_in_dim3A_473 = arith.constant 0 : i32
      %broadcast_in_dim3A_474 = vector.broadcast %broadcast_in_dim3A_473 : i32 to vector<16xi32>
      %get3A_475 = arith.constant 0 : index
      %get3A_476 = tpu.vector_load %arg12[%get3A_475] {strides = array<i32>} : memref<80xi32, #tpu.memory_space<vmem>>, vector<16xi32>,
      tpu.vector_store_idx %arg18[%broadcast_in_dim3A_474, %get3A_476], %broadcast_in_dim3A_472 {add = true} : memref<1x10240xf32, #tpu.memory_space<vmem>>[vector<16xi32>, vector<16xi32>], vector<16xf32>,
      %get3A_477 = arith.constant 16 : index
      %get3A_478 = tpu.vector_load %arg12[%get3A_477] {strides = array<i32>} : memref<80xi32, #tpu.memory_space<vmem>>, vector<16xi32>,
      tpu.vector_store_idx %arg18[%broadcast_in_dim3A_474, %get3A_478], %broadcast_in_dim3A_472 {add = true} : memref<1x10240xf32, #tpu.memory_space<vmem>>[vector<16xi32>, vector<16xi32>], vector<16xf32>,
      %get3A_479 = arith.constant 32 : index
      %get3A_480 = tpu.vector_load %arg12[%get3A_479] {strides = array<i32>} : memref<80xi32, #tpu.memory_space<vmem>>, vector<16xi32>,
      tpu.vector_store_idx %arg18[%broadcast_in_dim3A_474, %get3A_480], %broadcast_in_dim3A_472 {add = true} : memref<1x10240xf32, #tpu.memory_space<vmem>>[vector<16xi32>, vector<16xi32>], vector<16xf32>,
      %get3A_481 = arith.constant 48 : index
      %get3A_482 = tpu.vector_load %arg12[%get3A_481] {strides = array<i32>} : memref<80xi32, #tpu.memory_space<vmem>>, vector<16xi32>,
      tpu.vector_store_idx %arg18[%broadcast_in_dim3A_474, %get3A_482], %broadcast_in_dim3A_472 {add = true} : memref<1x10240xf32, #tpu.memory_space<vmem>>[vector<16xi32>, vector<16xi32>], vector<16xf32>,
      %get3A_483 = arith.constant 64 : index
      %get3A_484 = tpu.vector_load %arg12[%get3A_483] {strides = array<i32>} : memref<80xi32, #tpu.memory_space<vmem>>, vector<16xi32>,
      tpu.vector_store_idx %arg18[%broadcast_in_dim3A_474, %get3A_484], %broadcast_in_dim3A_472 {add = true} : memref<1x10240xf32, #tpu.memory_space<vmem>>[vector<16xi32>, vector<16xi32>], vector<16xf32>,
      %dma_wait3A_485 = arith.constant 0 : i32
      %dma_wait3A_486 = arith.constant 0 : i32
      %dma_wait3A_487 = tpu.memref_slice %arg2[%dma_wait3A_485, %dma_wait3A_486] : memref<10000x128xf32, #tpu.memory_space<hbm>> -> memref<80x128xf32, #tpu.memory_space<hbm>>
      %dma_wait3A_488 = arith.constant 0 : i32
      %dma_wait3A_489 = arith.constant 0 : i32
      %dma_wait3A_490 = tpu.memref_slice %arg2[%dma_wait3A_488, %dma_wait3A_489] : memref<10000x128xf32, #tpu.memory_space<hbm>> -> memref<80x128xf32, #tpu.memory_space<hbm>>
      tpu.wait_dma2 semaphore(%arg20 : memref<!tpu.dma_semaphore, #tpu.memory_space<semaphore_mem>>) src(%dma_wait3A_490 : memref<80x128xf32, #tpu.memory_space<hbm>>) dst(%arg15 : memref<80x128xf32, #tpu.memory_space<vmem>>)
      %dma_start3A_491 = arith.constant 0 : i32
      %dma_start3A_492 = arith.constant 0 : i32
      %dma_start3A_493 = tpu.memref_slice %arg7[%dma_start3A_491, %dma_start3A_492] : memref<10000x128xf32, #tpu.memory_space<vmem_shared>> -> memref<10000x128xf32, #tpu.memory_space<vmem_shared>>
      tpu.enqueue_indirect_dma source(%arg15 : memref<80x128xf32, #tpu.memory_space<vmem>>) target(%dma_start3A_493 : memref<10000x128xf32, #tpu.memory_space<vmem_shared>>) offsets(%arg12 : memref<80xi32, #tpu.memory_space<vmem>>) semaphore(%arg23 : memref<!tpu.dma_semaphore, #tpu.memory_space<semaphore_mem>>) {add = true}
      %dma_wait3A_494 = arith.constant 0 : i32
      %dma_wait3A_495 = arith.constant 0 : i32
      %dma_wait3A_496 = tpu.memref_slice %arg7[%dma_wait3A_494, %dma_wait3A_495] : memref<10000x128xf32, #tpu.memory_space<vmem_shared>> -> memref<10000x128xf32, #tpu.memory_space<vmem_shared>>
      tpu.wait_indirect_dma semaphore(%arg23 : memref<!tpu.dma_semaphore, #tpu.memory_space<semaphore_mem>>) src(%arg15 : memref<80x128xf32, #tpu.memory_space<vmem>>) dst(%dma_wait3A_496 : memref<10000x128xf32, #tpu.memory_space<vmem_shared>>)
      %dma_wait3A_497 = arith.constant 0 : i32
      %dma_wait3A_498 = arith.constant 0 : i32
      %dma_wait3A_499 = tpu.memref_slice %arg7[%dma_wait3A_497, %dma_wait3A_498] : memref<10000x128xf32, #tpu.memory_space<vmem_shared>> -> memref<10000x128xf32, #tpu.memory_space<vmem_shared>>
      tpu.wait_indirect_dma semaphore(%arg24 : memref<!tpu.dma_semaphore, #tpu.memory_space<semaphore_mem>>) src(%arg16 : memref<80x128xf32, #tpu.memory_space<vmem>>) dst(%dma_wait3A_499 : memref<10000x128xf32, #tpu.memory_space<vmem_shared>>)
      %dma_wait3A_500 = arith.constant 0 : i32
      %dma_wait3A_501 = arith.constant 0 : i32
      %dma_wait3A_502 = tpu.memref_slice %arg7[%dma_wait3A_500, %dma_wait3A_501] : memref<10000x128xf32, #tpu.memory_space<vmem_shared>> -> memref<10000x128xf32, #tpu.memory_space<vmem_shared>>
      tpu.wait_indirect_dma semaphore(%arg25 : memref<!tpu.dma_semaphore, #tpu.memory_space<semaphore_mem>>) src(%arg17 : memref<80x128xf32, #tpu.memory_space<vmem>>) dst(%dma_wait3A_502 : memref<10000x128xf32, #tpu.memory_space<vmem_shared>>)
      %mul3A_503 = arith.constant 2 : i32
      %mul3A_504 = arith.muli %mul3A_503, %scan3A_276 : i32
      %add3A_505 = arith.constant 1 : i32
      %add3A_506 = arith.addi %mul3A_504, %add3A_505 : i32
      %dma_wait3A_507 = arith.constant 0 : i32
      %dma_wait3A_508 = tpu.memref_slice %arg3[%dma_wait3A_507] : memref<320000xi32, #tpu.memory_space<hbm>> -> memref<2000xi32, #tpu.memory_space<hbm>>
      %dma_wait3A_509 = arith.constant 0 : i32
      %dma_wait3A_510 = tpu.memref_slice %arg3[%dma_wait3A_509] : memref<320000xi32, #tpu.memory_space<hbm>> -> memref<2000xi32, #tpu.memory_space<hbm>>
      tpu.wait_dma2 semaphore(%arg27 : memref<!tpu.dma_semaphore, #tpu.memory_space<semaphore_mem>>) src(%dma_wait3A_510 : memref<2000xi32, #tpu.memory_space<hbm>>) dst(%arg10 : memref<2000xi32, #tpu.memory_space<vmem>>)
      %dma_wait3A_511 = arith.constant 0 : i32
      %dma_wait3A_512 = tpu.memref_slice %arg4[%dma_wait3A_511] : memref<320000xi32, #tpu.memory_space<hbm>> -> memref<2000xi32, #tpu.memory_space<hbm>>
      %dma_wait3A_513 = arith.constant 0 : i32
      %dma_wait3A_514 = tpu.memref_slice %arg4[%dma_wait3A_513] : memref<320000xi32, #tpu.memory_space<hbm>> -> memref<2000xi32, #tpu.memory_space<hbm>>
      tpu.wait_dma2 semaphore(%arg27 : memref<!tpu.dma_semaphore, #tpu.memory_space<semaphore_mem>>) src(%dma_wait3A_514 : memref<2000xi32, #tpu.memory_space<hbm>>) dst(%arg11 : memref<2000xi32, #tpu.memory_space<vmem>>)
      %lt3A_515 = arith.constant 4 : i32
      %lt3A_516 = arith.cmpi slt, %add3A_506, %lt3A_515 : i32
      %convert_element_type3A_517 = arith.extui %lt3A_516 : i1 to i32
      %cond3A_518 = arith.constant 0 : i32
      %cond3A_519 = arith.cmpi ne, %convert_element_type3A_517, %cond3A_518 : i32
      scf.if %cond3A_519 {
        %add3A_732 = arith.constant 1 : i32
        %add3A_733 = arith.addi %add3A_506, %add3A_732 : i32
        %mul3A_734 = arith.constant 2000 : i32
        %mul3A_735 = arith.muli %add3A_733, %mul3A_734 : i32
        %add3A_736 = arith.addi %mul3A_4, %mul3A_735 : i32
        %dma_start3A_737 = tpu.memref_slice %arg3[%add3A_736] : memref<320000xi32, #tpu.memory_space<hbm>> -> memref<2000xi32, #tpu.memory_space<hbm>>
        %dma_start3A_738 = tpu.memref_slice %arg3[%add3A_736] : memref<320000xi32, #tpu.memory_space<hbm>> -> memref<2000xi32, #tpu.memory_space<hbm>>
        tpu.enqueue_dma source(%dma_start3A_738 : memref<2000xi32, #tpu.memory_space<hbm>>) target(%arg8 : memref<2000xi32, #tpu.memory_space<vmem>>) target_semaphore(%arg26 : memref<!tpu.dma_semaphore, #tpu.memory_space<semaphore_mem>>)
        %dma_start3A_739 = tpu.memref_slice %arg4[%add3A_736] : memref<320000xi32, #tpu.memory_space<hbm>> -> memref<2000xi32, #tpu.memory_space<hbm>>
        %dma_start3A_740 = tpu.memref_slice %arg4[%add3A_736] : memref<320000xi32, #tpu.memory_space<hbm>> -> memref<2000xi32, #tpu.memory_space<hbm>>
        tpu.enqueue_dma source(%dma_start3A_740 : memref<2000xi32, #tpu.memory_space<hbm>>) target(%arg9 : memref<2000xi32, #tpu.memory_space<vmem>>) target_semaphore(%arg26 : memref<!tpu.dma_semaphore, #tpu.memory_space<semaphore_mem>>)
      } else {
      }
      %get3A_520 = arith.constant 0 : index
      %get3A_521 = tpu.vector_load %arg11[%get3A_520] {strides = array<i32>} : memref<2000xi32, #tpu.memory_space<vmem>>, vector<16xi32>,
      %swap3A_522 = arith.constant 0 : index
      %swap3A_523 = tpu.vector_load %arg12[%swap3A_522] {strides = array<i32>} : memref<80xi32, #tpu.memory_space<vmem>>, vector<16xi32>,
      tpu.vector_store %arg12[%swap3A_522], %get3A_521 {strides = array<i32>} : memref<80xi32, #tpu.memory_space<vmem>>, vector<16xi32>,
      %get3A_524 = arith.constant 16 : index
      %get3A_525 = tpu.vector_load %arg11[%get3A_524] {strides = array<i32>} : memref<2000xi32, #tpu.memory_space<vmem>>, vector<16xi32>,
      %swap3A_526 = arith.constant 16 : index
      %swap3A_527 = tpu.vector_load %arg12[%swap3A_526] {strides = array<i32>} : memref<80xi32, #tpu.memory_space<vmem>>, vector<16xi32>,
      tpu.vector_store %arg12[%swap3A_526], %get3A_525 {strides = array<i32>} : memref<80xi32, #tpu.memory_space<vmem>>, vector<16xi32>,
      %get3A_528 = arith.constant 32 : index
      %get3A_529 = tpu.vector_load %arg11[%get3A_528] {strides = array<i32>} : memref<2000xi32, #tpu.memory_space<vmem>>, vector<16xi32>,
      %swap3A_530 = arith.constant 32 : index
      %swap3A_531 = tpu.vector_load %arg12[%swap3A_530] {strides = array<i32>} : memref<80xi32, #tpu.memory_space<vmem>>, vector<16xi32>,
      tpu.vector_store %arg12[%swap3A_530], %get3A_529 {strides = array<i32>} : memref<80xi32, #tpu.memory_space<vmem>>, vector<16xi32>,
      %get3A_532 = arith.constant 48 : index
      %get3A_533 = tpu.vector_load %arg11[%get3A_532] {strides = array<i32>} : memref<2000xi32, #tpu.memory_space<vmem>>, vector<16xi32>,
      %swap3A_534 = arith.constant 48 : index
      %swap3A_535 = tpu.vector_load %arg12[%swap3A_534] {strides = array<i32>} : memref<80xi32, #tpu.memory_space<vmem>>, vector<16xi32>,
      tpu.vector_store %arg12[%swap3A_534], %get3A_533 {strides = array<i32>} : memref<80xi32, #tpu.memory_space<vmem>>, vector<16xi32>,
      %get3A_536 = arith.constant 64 : index
      %get3A_537 = tpu.vector_load %arg11[%get3A_536] {strides = array<i32>} : memref<2000xi32, #tpu.memory_space<vmem>>, vector<16xi32>,
      %swap3A_538 = arith.constant 64 : index
      %swap3A_539 = tpu.vector_load %arg12[%swap3A_538] {strides = array<i32>} : memref<80xi32, #tpu.memory_space<vmem>>, vector<16xi32>,
      tpu.vector_store %arg12[%swap3A_538], %get3A_537 {strides = array<i32>} : memref<80xi32, #tpu.memory_space<vmem>>, vector<16xi32>,
      %dma_start3A_540 = arith.constant 0 : i32
      %dma_start3A_541 = tpu.memref_slice %arg10[%dma_start3A_540] : memref<2000xi32, #tpu.memory_space<vmem>> -> memref<80xi32, #tpu.memory_space<vmem>>
      %dma_start3A_542 = arith.constant 0 : i32
      %dma_start3A_543 = arith.constant 0 : i32
      %dma_start3A_544 = tpu.memref_slice %arg2[%dma_start3A_542, %dma_start3A_543] : memref<10000x128xf32, #tpu.memory_space<hbm>> -> memref<10000x128xf32, #tpu.memory_space<hbm>>
      tpu.enqueue_indirect_dma source(%dma_start3A_544 : memref<10000x128xf32, #tpu.memory_space<hbm>>) target(%arg15 : memref<80x128xf32, #tpu.memory_space<vmem>>) offsets(%dma_start3A_541 : memref<80xi32, #tpu.memory_space<vmem>>) semaphore(%arg20 : memref<!tpu.dma_semaphore, #tpu.memory_space<semaphore_mem>>)
      %get3A_545 = arith.constant 80 : index
      %get3A_546 = tpu.vector_load %arg11[%get3A_545] {strides = array<i32>} : memref<2000xi32, #tpu.memory_space<vmem>>, vector<16xi32>,
      %swap3A_547 = arith.constant 0 : index
      %swap3A_548 = tpu.vector_load %arg13[%swap3A_547] {strides = array<i32>} : memref<80xi32, #tpu.memory_space<vmem>>, vector<16xi32>,
      tpu.vector_store %arg13[%swap3A_547], %get3A_546 {strides = array<i32>} : memref<80xi32, #tpu.memory_space<vmem>>, vector<16xi32>,
      %get3A_549 = arith.constant 96 : index
      %get3A_550 = tpu.vector_load %arg11[%get3A_549] {strides = array<i32>} : memref<2000xi32, #tpu.memory_space<vmem>>, vector<16xi32>,
      %swap3A_551 = arith.constant 16 : index
      %swap3A_552 = tpu.vector_load %arg13[%swap3A_551] {strides = array<i32>} : memref<80xi32, #tpu.memory_space<vmem>>, vector<16xi32>,
      tpu.vector_store %arg13[%swap3A_551], %get3A_550 {strides = array<i32>} : memref<80xi32, #tpu.memory_space<vmem>>, vector<16xi32>,
      %get3A_553 = arith.constant 112 : index
      %get3A_554 = tpu.vector_load %arg11[%get3A_553] {strides = array<i32>} : memref<2000xi32, #tpu.memory_space<vmem>>, vector<16xi32>,
      %swap3A_555 = arith.constant 32 : index
      %swap3A_556 = tpu.vector_load %arg13[%swap3A_555] {strides = array<i32>} : memref<80xi32, #tpu.memory_space<vmem>>, vector<16xi32>,
      tpu.vector_store %arg13[%swap3A_555], %get3A_554 {strides = array<i32>} : memref<80xi32, #tpu.memory_space<vmem>>, vector<16xi32>,
      %get3A_557 = arith.constant 128 : index
      %get3A_558 = tpu.vector_load %arg11[%get3A_557] {strides = array<i32>} : memref<2000xi32, #tpu.memory_space<vmem>>, vector<16xi32>,
      %swap3A_559 = arith.constant 48 : index
      %swap3A_560 = tpu.vector_load %arg13[%swap3A_559] {strides = array<i32>} : memref<80xi32, #tpu.memory_space<vmem>>, vector<16xi32>,
      tpu.vector_store %arg13[%swap3A_559], %get3A_558 {strides = array<i32>} : memref<80xi32, #tpu.memory_space<vmem>>, vector<16xi32>,
      %get3A_561 = arith.constant 144 : index
      %get3A_562 = tpu.vector_load %arg11[%get3A_561] {strides = array<i32>} : memref<2000xi32, #tpu.memory_space<vmem>>, vector<16xi32>,
      %swap3A_563 = arith.constant 64 : index
      %swap3A_564 = tpu.vector_load %arg13[%swap3A_563] {strides = array<i32>} : memref<80xi32, #tpu.memory_space<vmem>>, vector<16xi32>,
      tpu.vector_store %arg13[%swap3A_563], %get3A_562 {strides = array<i32>} : memref<80xi32, #tpu.memory_space<vmem>>, vector<16xi32>,
      %dma_start3A_565 = arith.constant 80 : i32
      %dma_start3A_566 = tpu.memref_slice %arg10[%dma_start3A_565] : memref<2000xi32, #tpu.memory_space<vmem>> -> memref<80xi32, #tpu.memory_space<vmem>>
      %dma_start3A_567 = arith.constant 0 : i32
      %dma_start3A_568 = arith.constant 0 : i32
      %dma_start3A_569 = tpu.memref_slice %arg2[%dma_start3A_567, %dma_start3A_568] : memref<10000x128xf32, #tpu.memory_space<hbm>> -> memref<10000x128xf32, #tpu.memory_space<hbm>>
      tpu.enqueue_indirect_dma source(%dma_start3A_569 : memref<10000x128xf32, #tpu.memory_space<hbm>>) target(%arg16 : memref<80x128xf32, #tpu.memory_space<vmem>>) offsets(%dma_start3A_566 : memref<80xi32, #tpu.memory_space<vmem>>) semaphore(%arg21 : memref<!tpu.dma_semaphore, #tpu.memory_space<semaphore_mem>>)
      %get3A_570 = arith.constant 160 : index
      %get3A_571 = tpu.vector_load %arg11[%get3A_570] {strides = array<i32>} : memref<2000xi32, #tpu.memory_space<vmem>>, vector<16xi32>,
      %swap3A_572 = arith.constant 0 : index
      %swap3A_573 = tpu.vector_load %arg14[%swap3A_572] {strides = array<i32>} : memref<80xi32, #tpu.memory_space<vmem>>, vector<16xi32>,
      tpu.vector_store %arg14[%swap3A_572], %get3A_571 {strides = array<i32>} : memref<80xi32, #tpu.memory_space<vmem>>, vector<16xi32>,
      %get3A_574 = arith.constant 176 : index
      %get3A_575 = tpu.vector_load %arg11[%get3A_574] {strides = array<i32>} : memref<2000xi32, #tpu.memory_space<vmem>>, vector<16xi32>,
      %swap3A_576 = arith.constant 16 : index
      %swap3A_577 = tpu.vector_load %arg14[%swap3A_576] {strides = array<i32>} : memref<80xi32, #tpu.memory_space<vmem>>, vector<16xi32>,
      tpu.vector_store %arg14[%swap3A_576], %get3A_575 {strides = array<i32>} : memref<80xi32, #tpu.memory_space<vmem>>, vector<16xi32>,
      %get3A_578 = arith.constant 192 : index
      %get3A_579 = tpu.vector_load %arg11[%get3A_578] {strides = array<i32>} : memref<2000xi32, #tpu.memory_space<vmem>>, vector<16xi32>,
      %swap3A_580 = arith.constant 32 : index
      %swap3A_581 = tpu.vector_load %arg14[%swap3A_580] {strides = array<i32>} : memref<80xi32, #tpu.memory_space<vmem>>, vector<16xi32>,
      tpu.vector_store %arg14[%swap3A_580], %get3A_579 {strides = array<i32>} : memref<80xi32, #tpu.memory_space<vmem>>, vector<16xi32>,
      %get3A_582 = arith.constant 208 : index
      %get3A_583 = tpu.vector_load %arg11[%get3A_582] {strides = array<i32>} : memref<2000xi32, #tpu.memory_space<vmem>>, vector<16xi32>,
      %swap3A_584 = arith.constant 48 : index
      %swap3A_585 = tpu.vector_load %arg14[%swap3A_584] {strides = array<i32>} : memref<80xi32, #tpu.memory_space<vmem>>, vector<16xi32>,
      tpu.vector_store %arg14[%swap3A_584], %get3A_583 {strides = array<i32>} : memref<80xi32, #tpu.memory_space<vmem>>, vector<16xi32>,
      %get3A_586 = arith.constant 224 : index
      %get3A_587 = tpu.vector_load %arg11[%get3A_586] {strides = array<i32>} : memref<2000xi32, #tpu.memory_space<vmem>>, vector<16xi32>,
      %swap3A_588 = arith.constant 64 : index
      %swap3A_589 = tpu.vector_load %arg14[%swap3A_588] {strides = array<i32>} : memref<80xi32, #tpu.memory_space<vmem>>, vector<16xi32>,
      tpu.vector_store %arg14[%swap3A_588], %get3A_587 {strides = array<i32>} : memref<80xi32, #tpu.memory_space<vmem>>, vector<16xi32>,
      %dma_start3A_590 = arith.constant 160 : i32
      %dma_start3A_591 = tpu.memref_slice %arg10[%dma_start3A_590] : memref<2000xi32, #tpu.memory_space<vmem>> -> memref<80xi32, #tpu.memory_space<vmem>>
      %dma_start3A_592 = arith.constant 0 : i32
      %dma_start3A_593 = arith.constant 0 : i32
      %dma_start3A_594 = tpu.memref_slice %arg2[%dma_start3A_592, %dma_start3A_593] : memref<10000x128xf32, #tpu.memory_space<hbm>> -> memref<10000x128xf32, #tpu.memory_space<hbm>>
      tpu.enqueue_indirect_dma source(%dma_start3A_594 : memref<10000x128xf32, #tpu.memory_space<hbm>>) target(%arg17 : memref<80x128xf32, #tpu.memory_space<vmem>>) offsets(%dma_start3A_591 : memref<80xi32, #tpu.memory_space<vmem>>) semaphore(%arg22 : memref<!tpu.dma_semaphore, #tpu.memory_space<semaphore_mem>>)
      %broadcast_in_dim3A_595 = arith.constant 1.000000e+00 : f32
      %broadcast_in_dim3A_596 = vector.broadcast %broadcast_in_dim3A_595 : f32 to vector<16xf32>
      %broadcast_in_dim3A_597 = arith.constant 0 : i32
      %broadcast_in_dim3A_598 = vector.broadcast %broadcast_in_dim3A_597 : i32 to vector<16xi32>
      %get3A_599 = arith.constant 0 : index
      %get3A_600 = tpu.vector_load %arg12[%get3A_599] {strides = array<i32>} : memref<80xi32, #tpu.memory_space<vmem>>, vector<16xi32>,
      tpu.vector_store_idx %arg18[%broadcast_in_dim3A_598, %get3A_600], %broadcast_in_dim3A_596 {add = true} : memref<1x10240xf32, #tpu.memory_space<vmem>>[vector<16xi32>, vector<16xi32>], vector<16xf32>,
      %get3A_601 = arith.constant 16 : index
      %get3A_602 = tpu.vector_load %arg12[%get3A_601] {strides = array<i32>} : memref<80xi32, #tpu.memory_space<vmem>>, vector<16xi32>,
      tpu.vector_store_idx %arg18[%broadcast_in_dim3A_598, %get3A_602], %broadcast_in_dim3A_596 {add = true} : memref<1x10240xf32, #tpu.memory_space<vmem>>[vector<16xi32>, vector<16xi32>], vector<16xf32>,
      %get3A_603 = arith.constant 32 : index
      %get3A_604 = tpu.vector_load %arg12[%get3A_603] {strides = array<i32>} : memref<80xi32, #tpu.memory_space<vmem>>, vector<16xi32>,
      tpu.vector_store_idx %arg18[%broadcast_in_dim3A_598, %get3A_604], %broadcast_in_dim3A_596 {add = true} : memref<1x10240xf32, #tpu.memory_space<vmem>>[vector<16xi32>, vector<16xi32>], vector<16xf32>,
      %get3A_605 = arith.constant 48 : index
      %get3A_606 = tpu.vector_load %arg12[%get3A_605] {strides = array<i32>} : memref<80xi32, #tpu.memory_space<vmem>>, vector<16xi32>,
      tpu.vector_store_idx %arg18[%broadcast_in_dim3A_598, %get3A_606], %broadcast_in_dim3A_596 {add = true} : memref<1x10240xf32, #tpu.memory_space<vmem>>[vector<16xi32>, vector<16xi32>], vector<16xf32>,
      %get3A_607 = arith.constant 64 : index
      %get3A_608 = tpu.vector_load %arg12[%get3A_607] {strides = array<i32>} : memref<80xi32, #tpu.memory_space<vmem>>, vector<16xi32>,
      tpu.vector_store_idx %arg18[%broadcast_in_dim3A_598, %get3A_608], %broadcast_in_dim3A_596 {add = true} : memref<1x10240xf32, #tpu.memory_space<vmem>>[vector<16xi32>, vector<16xi32>], vector<16xf32>,
      %dma_wait3A_609 = arith.constant 0 : i32
      %dma_wait3A_610 = arith.constant 0 : i32
      %dma_wait3A_611 = tpu.memref_slice %arg2[%dma_wait3A_609, %dma_wait3A_610] : memref<10000x128xf32, #tpu.memory_space<hbm>> -> memref<80x128xf32, #tpu.memory_space<hbm>>
      %dma_wait3A_612 = arith.constant 0 : i32
      %dma_wait3A_613 = arith.constant 0 : i32
      %dma_wait3A_614 = tpu.memref_slice %arg2[%dma_wait3A_612, %dma_wait3A_613] : memref<10000x128xf32, #tpu.memory_space<hbm>> -> memref<80x128xf32, #tpu.memory_space<hbm>>
      tpu.wait_dma2 semaphore(%arg20 : memref<!tpu.dma_semaphore, #tpu.memory_space<semaphore_mem>>) src(%dma_wait3A_614 : memref<80x128xf32, #tpu.memory_space<hbm>>) dst(%arg15 : memref<80x128xf32, #tpu.memory_space<vmem>>)
      %dma_start3A_615 = arith.constant 0 : i32
      %dma_start3A_616 = arith.constant 0 : i32
      %dma_start3A_617 = tpu.memref_slice %arg7[%dma_start3A_615, %dma_start3A_616] : memref<10000x128xf32, #tpu.memory_space<vmem_shared>> -> memref<10000x128xf32, #tpu.memory_space<vmem_shared>>
      tpu.enqueue_indirect_dma source(%arg15 : memref<80x128xf32, #tpu.memory_space<vmem>>) target(%dma_start3A_617 : memref<10000x128xf32, #tpu.memory_space<vmem_shared>>) offsets(%arg12 : memref<80xi32, #tpu.memory_space<vmem>>) semaphore(%arg23 : memref<!tpu.dma_semaphore, #tpu.memory_space<semaphore_mem>>) {add = true}
      %scan3A_618 = arith.constant 0 : i32
      %scan3A_619 = arith.constant 0 : i32
      %scan3A_620 = arith.constant 7 : i32
      %scan3A_621 = arith.addi %scan3A_619, %scan3A_620 : i32
      %scan3A_622 = arith.constant 1 : i32
      %scan3A_623 = scf.for %scan3A_732 = %scan3A_619 to %scan3A_621 step %scan3A_622 iter_args(%scan3A_733 = %scan3A_618) -> (i32)  : i32 {
        %mul3A_734 = arith.constant 3 : i32
        %mul3A_735 = arith.muli %mul3A_734, %scan3A_732 : i32
        %add3A_736 = arith.constant 3 : i32
        %add3A_737 = arith.addi %add3A_736, %mul3A_735 : i32
        %dma_wait3A_738 = arith.constant 0 : i32
        %dma_wait3A_739 = arith.constant 0 : i32
        %dma_wait3A_740 = tpu.memref_slice %arg7[%dma_wait3A_738, %dma_wait3A_739] : memref<10000x128xf32, #tpu.memory_space<vmem_shared>> -> memref<10000x128xf32, #tpu.memory_space<vmem_shared>>
        tpu.wait_indirect_dma semaphore(%arg23 : memref<!tpu.dma_semaphore, #tpu.memory_space<semaphore_mem>>) src(%arg15 : memref<80x128xf32, #tpu.memory_space<vmem>>) dst(%dma_wait3A_740 : memref<10000x128xf32, #tpu.memory_space<vmem_shared>>)
        %mul3A_741 = arith.constant 80 : i32
        %mul3A_742 = arith.muli %add3A_737, %mul3A_741 : i32
        %add3A_743 = arith.constant 0 : i32
        %add3A_744 = arith.addi %mul3A_742, %add3A_743 : i32
        %get3A_745 = arith.index_cast %add3A_744 : i32 to index
        %get3A_746 = tpu.vector_load %arg11[%get3A_745] {strides = array<i32>} : memref<2000xi32, #tpu.memory_space<vmem>>, vector<16xi32>,
        %swap3A_747 = arith.constant 0 : index
        %swap3A_748 = tpu.vector_load %arg12[%swap3A_747] {strides = array<i32>} : memref<80xi32, #tpu.memory_space<vmem>>, vector<16xi32>,
        tpu.vector_store %arg12[%swap3A_747], %get3A_746 {strides = array<i32>} : memref<80xi32, #tpu.memory_space<vmem>>, vector<16xi32>,
        %mul3A_749 = arith.constant 80 : i32
        %mul3A_750 = arith.muli %add3A_737, %mul3A_749 : i32
        %add3A_751 = arith.constant 16 : i32
        %add3A_752 = arith.addi %mul3A_750, %add3A_751 : i32
        %get3A_753 = arith.index_cast %add3A_752 : i32 to index
        %get3A_754 = tpu.vector_load %arg11[%get3A_753] {strides = array<i32>} : memref<2000xi32, #tpu.memory_space<vmem>>, vector<16xi32>,
        %swap3A_755 = arith.constant 16 : index
        %swap3A_756 = tpu.vector_load %arg12[%swap3A_755] {strides = array<i32>} : memref<80xi32, #tpu.memory_space<vmem>>, vector<16xi32>,
        tpu.vector_store %arg12[%swap3A_755], %get3A_754 {strides = array<i32>} : memref<80xi32, #tpu.memory_space<vmem>>, vector<16xi32>,
        %mul3A_757 = arith.constant 80 : i32
        %mul3A_758 = arith.muli %add3A_737, %mul3A_757 : i32
        %add3A_759 = arith.constant 32 : i32
        %add3A_760 = arith.addi %mul3A_758, %add3A_759 : i32
        %get3A_761 = arith.index_cast %add3A_760 : i32 to index
        %get3A_762 = tpu.vector_load %arg11[%get3A_761] {strides = array<i32>} : memref<2000xi32, #tpu.memory_space<vmem>>, vector<16xi32>,
        %swap3A_763 = arith.constant 32 : index
        %swap3A_764 = tpu.vector_load %arg12[%swap3A_763] {strides = array<i32>} : memref<80xi32, #tpu.memory_space<vmem>>, vector<16xi32>,
        tpu.vector_store %arg12[%swap3A_763], %get3A_762 {strides = array<i32>} : memref<80xi32, #tpu.memory_space<vmem>>, vector<16xi32>,
        %mul3A_765 = arith.constant 80 : i32
        %mul3A_766 = arith.muli %add3A_737, %mul3A_765 : i32
        %add3A_767 = arith.constant 48 : i32
        %add3A_768 = arith.addi %mul3A_766, %add3A_767 : i32
        %get3A_769 = arith.index_cast %add3A_768 : i32 to index
        %get3A_770 = tpu.vector_load %arg11[%get3A_769] {strides = array<i32>} : memref<2000xi32, #tpu.memory_space<vmem>>, vector<16xi32>,
        %swap3A_771 = arith.constant 48 : index
        %swap3A_772 = tpu.vector_load %arg12[%swap3A_771] {strides = array<i32>} : memref<80xi32, #tpu.memory_space<vmem>>, vector<16xi32>,
        tpu.vector_store %arg12[%swap3A_771], %get3A_770 {strides = array<i32>} : memref<80xi32, #tpu.memory_space<vmem>>, vector<16xi32>,
        %mul3A_773 = arith.constant 80 : i32
        %mul3A_774 = arith.muli %add3A_737, %mul3A_773 : i32
        %add3A_775 = arith.constant 64 : i32
        %add3A_776 = arith.addi %mul3A_774, %add3A_775 : i32
        %get3A_777 = arith.index_cast %add3A_776 : i32 to index
        %get3A_778 = tpu.vector_load %arg11[%get3A_777] {strides = array<i32>} : memref<2000xi32, #tpu.memory_space<vmem>>, vector<16xi32>,
        %swap3A_779 = arith.constant 64 : index
        %swap3A_780 = tpu.vector_load %arg12[%swap3A_779] {strides = array<i32>} : memref<80xi32, #tpu.memory_space<vmem>>, vector<16xi32>,
        tpu.vector_store %arg12[%swap3A_779], %get3A_778 {strides = array<i32>} : memref<80xi32, #tpu.memory_space<vmem>>, vector<16xi32>,
        %mul3A_781 = arith.constant 80 : i32
        %mul3A_782 = arith.muli %add3A_737, %mul3A_781 : i32
        %dma_start3A_783 = tpu.memref_slice %arg10[%mul3A_782] : memref<2000xi32, #tpu.memory_space<vmem>> -> memref<80xi32, #tpu.memory_space<vmem>>
        %dma_start3A_784 = arith.constant 0 : i32
        %dma_start3A_785 = arith.constant 0 : i32
        %dma_start3A_786 = tpu.memref_slice %arg2[%dma_start3A_784, %dma_start3A_785] : memref<10000x128xf32, #tpu.memory_space<hbm>> -> memref<10000x128xf32, #tpu.memory_space<hbm>>
        tpu.enqueue_indirect_dma source(%dma_start3A_786 : memref<10000x128xf32, #tpu.memory_space<hbm>>) target(%arg15 : memref<80x128xf32, #tpu.memory_space<vmem>>) offsets(%dma_start3A_783 : memref<80xi32, #tpu.memory_space<vmem>>) semaphore(%arg20 : memref<!tpu.dma_semaphore, #tpu.memory_space<semaphore_mem>>)
        %broadcast_in_dim3A_787 = arith.constant 1.000000e+00 : f32
        %broadcast_in_dim3A_788 = vector.broadcast %broadcast_in_dim3A_787 : f32 to vector<16xf32>
        %broadcast_in_dim3A_789 = arith.constant 0 : i32
        %broadcast_in_dim3A_790 = vector.broadcast %broadcast_in_dim3A_789 : i32 to vector<16xi32>
        %get3A_791 = arith.constant 0 : index
        %get3A_792 = tpu.vector_load %arg13[%get3A_791] {strides = array<i32>} : memref<80xi32, #tpu.memory_space<vmem>>, vector<16xi32>,
        tpu.vector_store_idx %arg18[%broadcast_in_dim3A_790, %get3A_792], %broadcast_in_dim3A_788 {add = true} : memref<1x10240xf32, #tpu.memory_space<vmem>>[vector<16xi32>, vector<16xi32>], vector<16xf32>,
        %get3A_793 = arith.constant 16 : index
        %get3A_794 = tpu.vector_load %arg13[%get3A_793] {strides = array<i32>} : memref<80xi32, #tpu.memory_space<vmem>>, vector<16xi32>,
        tpu.vector_store_idx %arg18[%broadcast_in_dim3A_790, %get3A_794], %broadcast_in_dim3A_788 {add = true} : memref<1x10240xf32, #tpu.memory_space<vmem>>[vector<16xi32>, vector<16xi32>], vector<16xf32>,
        %get3A_795 = arith.constant 32 : index
        %get3A_796 = tpu.vector_load %arg13[%get3A_795] {strides = array<i32>} : memref<80xi32, #tpu.memory_space<vmem>>, vector<16xi32>,
        tpu.vector_store_idx %arg18[%broadcast_in_dim3A_790, %get3A_796], %broadcast_in_dim3A_788 {add = true} : memref<1x10240xf32, #tpu.memory_space<vmem>>[vector<16xi32>, vector<16xi32>], vector<16xf32>,
        %get3A_797 = arith.constant 48 : index
        %get3A_798 = tpu.vector_load %arg13[%get3A_797] {strides = array<i32>} : memref<80xi32, #tpu.memory_space<vmem>>, vector<16xi32>,
        tpu.vector_store_idx %arg18[%broadcast_in_dim3A_790, %get3A_798], %broadcast_in_dim3A_788 {add = true} : memref<1x10240xf32, #tpu.memory_space<vmem>>[vector<16xi32>, vector<16xi32>], vector<16xf32>,
        %get3A_799 = arith.constant 64 : index
        %get3A_800 = tpu.vector_load %arg13[%get3A_799] {strides = array<i32>} : memref<80xi32, #tpu.memory_space<vmem>>, vector<16xi32>,
        tpu.vector_store_idx %arg18[%broadcast_in_dim3A_790, %get3A_800], %broadcast_in_dim3A_788 {add = true} : memref<1x10240xf32, #tpu.memory_space<vmem>>[vector<16xi32>, vector<16xi32>], vector<16xf32>,
        %dma_wait3A_801 = arith.constant 0 : i32
        %dma_wait3A_802 = arith.constant 0 : i32
        %dma_wait3A_803 = tpu.memref_slice %arg2[%dma_wait3A_801, %dma_wait3A_802] : memref<10000x128xf32, #tpu.memory_space<hbm>> -> memref<80x128xf32, #tpu.memory_space<hbm>>
        %dma_wait3A_804 = arith.constant 0 : i32
        %dma_wait3A_805 = arith.constant 0 : i32
        %dma_wait3A_806 = tpu.memref_slice %arg2[%dma_wait3A_804, %dma_wait3A_805] : memref<10000x128xf32, #tpu.memory_space<hbm>> -> memref<80x128xf32, #tpu.memory_space<hbm>>
        tpu.wait_dma2 semaphore(%arg21 : memref<!tpu.dma_semaphore, #tpu.memory_space<semaphore_mem>>) src(%dma_wait3A_806 : memref<80x128xf32, #tpu.memory_space<hbm>>) dst(%arg16 : memref<80x128xf32, #tpu.memory_space<vmem>>)
        %dma_start3A_807 = arith.constant 0 : i32
        %dma_start3A_808 = arith.constant 0 : i32
        %dma_start3A_809 = tpu.memref_slice %arg7[%dma_start3A_807, %dma_start3A_808] : memref<10000x128xf32, #tpu.memory_space<vmem_shared>> -> memref<10000x128xf32, #tpu.memory_space<vmem_shared>>
        tpu.enqueue_indirect_dma source(%arg16 : memref<80x128xf32, #tpu.memory_space<vmem>>) target(%dma_start3A_809 : memref<10000x128xf32, #tpu.memory_space<vmem_shared>>) offsets(%arg13 : memref<80xi32, #tpu.memory_space<vmem>>) semaphore(%arg24 : memref<!tpu.dma_semaphore, #tpu.memory_space<semaphore_mem>>) {add = true}
        %add3A_810 = arith.constant 1 : i32
        %add3A_811 = arith.addi %add3A_737, %add3A_810 : i32
        %dma_wait3A_812 = arith.constant 0 : i32
        %dma_wait3A_813 = arith.constant 0 : i32
        %dma_wait3A_814 = tpu.memref_slice %arg7[%dma_wait3A_812, %dma_wait3A_813] : memref<10000x128xf32, #tpu.memory_space<vmem_shared>> -> memref<10000x128xf32, #tpu.memory_space<vmem_shared>>
        tpu.wait_indirect_dma semaphore(%arg24 : memref<!tpu.dma_semaphore, #tpu.memory_space<semaphore_mem>>) src(%arg16 : memref<80x128xf32, #tpu.memory_space<vmem>>) dst(%dma_wait3A_814 : memref<10000x128xf32, #tpu.memory_space<vmem_shared>>)
        %mul3A_815 = arith.constant 80 : i32
        %mul3A_816 = arith.muli %add3A_811, %mul3A_815 : i32
        %add3A_817 = arith.constant 0 : i32
        %add3A_818 = arith.addi %mul3A_816, %add3A_817 : i32
        %get3A_819 = arith.index_cast %add3A_818 : i32 to index
        %get3A_820 = tpu.vector_load %arg11[%get3A_819] {strides = array<i32>} : memref<2000xi32, #tpu.memory_space<vmem>>, vector<16xi32>,
        %swap3A_821 = arith.constant 0 : index
        %swap3A_822 = tpu.vector_load %arg13[%swap3A_821] {strides = array<i32>} : memref<80xi32, #tpu.memory_space<vmem>>, vector<16xi32>,
        tpu.vector_store %arg13[%swap3A_821], %get3A_820 {strides = array<i32>} : memref<80xi32, #tpu.memory_space<vmem>>, vector<16xi32>,
        %mul3A_823 = arith.constant 80 : i32
        %mul3A_824 = arith.muli %add3A_811, %mul3A_823 : i32
        %add3A_825 = arith.constant 16 : i32
        %add3A_826 = arith.addi %mul3A_824, %add3A_825 : i32
        %get3A_827 = arith.index_cast %add3A_826 : i32 to index
        %get3A_828 = tpu.vector_load %arg11[%get3A_827] {strides = array<i32>} : memref<2000xi32, #tpu.memory_space<vmem>>, vector<16xi32>,
        %swap3A_829 = arith.constant 16 : index
        %swap3A_830 = tpu.vector_load %arg13[%swap3A_829] {strides = array<i32>} : memref<80xi32, #tpu.memory_space<vmem>>, vector<16xi32>,
        tpu.vector_store %arg13[%swap3A_829], %get3A_828 {strides = array<i32>} : memref<80xi32, #tpu.memory_space<vmem>>, vector<16xi32>,
        %mul3A_831 = arith.constant 80 : i32
        %mul3A_832 = arith.muli %add3A_811, %mul3A_831 : i32
        %add3A_833 = arith.constant 32 : i32
        %add3A_834 = arith.addi %mul3A_832, %add3A_833 : i32
        %get3A_835 = arith.index_cast %add3A_834 : i32 to index
        %get3A_836 = tpu.vector_load %arg11[%get3A_835] {strides = array<i32>} : memref<2000xi32, #tpu.memory_space<vmem>>, vector<16xi32>,
        %swap3A_837 = arith.constant 32 : index
        %swap3A_838 = tpu.vector_load %arg13[%swap3A_837] {strides = array<i32>} : memref<80xi32, #tpu.memory_space<vmem>>, vector<16xi32>,
        tpu.vector_store %arg13[%swap3A_837], %get3A_836 {strides = array<i32>} : memref<80xi32, #tpu.memory_space<vmem>>, vector<16xi32>,
        %mul3A_839 = arith.constant 80 : i32
        %mul3A_840 = arith.muli %add3A_811, %mul3A_839 : i32
        %add3A_841 = arith.constant 48 : i32
        %add3A_842 = arith.addi %mul3A_840, %add3A_841 : i32
        %get3A_843 = arith.index_cast %add3A_842 : i32 to index
        %get3A_844 = tpu.vector_load %arg11[%get3A_843] {strides = array<i32>} : memref<2000xi32, #tpu.memory_space<vmem>>, vector<16xi32>,
        %swap3A_845 = arith.constant 48 : index
        %swap3A_846 = tpu.vector_load %arg13[%swap3A_845] {strides = array<i32>} : memref<80xi32, #tpu.memory_space<vmem>>, vector<16xi32>,
        tpu.vector_store %arg13[%swap3A_845], %get3A_844 {strides = array<i32>} : memref<80xi32, #tpu.memory_space<vmem>>, vector<16xi32>,
        %mul3A_847 = arith.constant 80 : i32
        %mul3A_848 = arith.muli %add3A_811, %mul3A_847 : i32
        %add3A_849 = arith.constant 64 : i32
        %add3A_850 = arith.addi %mul3A_848, %add3A_849 : i32
        %get3A_851 = arith.index_cast %add3A_850 : i32 to index
        %get3A_852 = tpu.vector_load %arg11[%get3A_851] {strides = array<i32>} : memref<2000xi32, #tpu.memory_space<vmem>>, vector<16xi32>,
        %swap3A_853 = arith.constant 64 : index
        %swap3A_854 = tpu.vector_load %arg13[%swap3A_853] {strides = array<i32>} : memref<80xi32, #tpu.memory_space<vmem>>, vector<16xi32>,
        tpu.vector_store %arg13[%swap3A_853], %get3A_852 {strides = array<i32>} : memref<80xi32, #tpu.memory_space<vmem>>, vector<16xi32>,
        %mul3A_855 = arith.constant 80 : i32
        %mul3A_856 = arith.muli %add3A_811, %mul3A_855 : i32
        %dma_start3A_857 = tpu.memref_slice %arg10[%mul3A_856] : memref<2000xi32, #tpu.memory_space<vmem>> -> memref<80xi32, #tpu.memory_space<vmem>>
        %dma_start3A_858 = arith.constant 0 : i32
        %dma_start3A_859 = arith.constant 0 : i32
        %dma_start3A_860 = tpu.memref_slice %arg2[%dma_start3A_858, %dma_start3A_859] : memref<10000x128xf32, #tpu.memory_space<hbm>> -> memref<10000x128xf32, #tpu.memory_space<hbm>>
        tpu.enqueue_indirect_dma source(%dma_start3A_860 : memref<10000x128xf32, #tpu.memory_space<hbm>>) target(%arg16 : memref<80x128xf32, #tpu.memory_space<vmem>>) offsets(%dma_start3A_857 : memref<80xi32, #tpu.memory_space<vmem>>) semaphore(%arg21 : memref<!tpu.dma_semaphore, #tpu.memory_space<semaphore_mem>>)
        %broadcast_in_dim3A_861 = arith.constant 1.000000e+00 : f32
        %broadcast_in_dim3A_862 = vector.broadcast %broadcast_in_dim3A_861 : f32 to vector<16xf32>
        %broadcast_in_dim3A_863 = arith.constant 0 : i32
        %broadcast_in_dim3A_864 = vector.broadcast %broadcast_in_dim3A_863 : i32 to vector<16xi32>
        %get3A_865 = arith.constant 0 : index
        %get3A_866 = tpu.vector_load %arg14[%get3A_865] {strides = array<i32>} : memref<80xi32, #tpu.memory_space<vmem>>, vector<16xi32>,
        tpu.vector_store_idx %arg18[%broadcast_in_dim3A_864, %get3A_866], %broadcast_in_dim3A_862 {add = true} : memref<1x10240xf32, #tpu.memory_space<vmem>>[vector<16xi32>, vector<16xi32>], vector<16xf32>,
        %get3A_867 = arith.constant 16 : index
        %get3A_868 = tpu.vector_load %arg14[%get3A_867] {strides = array<i32>} : memref<80xi32, #tpu.memory_space<vmem>>, vector<16xi32>,
        tpu.vector_store_idx %arg18[%broadcast_in_dim3A_864, %get3A_868], %broadcast_in_dim3A_862 {add = true} : memref<1x10240xf32, #tpu.memory_space<vmem>>[vector<16xi32>, vector<16xi32>], vector<16xf32>,
        %get3A_869 = arith.constant 32 : index
        %get3A_870 = tpu.vector_load %arg14[%get3A_869] {strides = array<i32>} : memref<80xi32, #tpu.memory_space<vmem>>, vector<16xi32>,
        tpu.vector_store_idx %arg18[%broadcast_in_dim3A_864, %get3A_870], %broadcast_in_dim3A_862 {add = true} : memref<1x10240xf32, #tpu.memory_space<vmem>>[vector<16xi32>, vector<16xi32>], vector<16xf32>,
        %get3A_871 = arith.constant 48 : index
        %get3A_872 = tpu.vector_load %arg14[%get3A_871] {strides = array<i32>} : memref<80xi32, #tpu.memory_space<vmem>>, vector<16xi32>,
        tpu.vector_store_idx %arg18[%broadcast_in_dim3A_864, %get3A_872], %broadcast_in_dim3A_862 {add = true} : memref<1x10240xf32, #tpu.memory_space<vmem>>[vector<16xi32>, vector<16xi32>], vector<16xf32>,
        %get3A_873 = arith.constant 64 : index
        %get3A_874 = tpu.vector_load %arg14[%get3A_873] {strides = array<i32>} : memref<80xi32, #tpu.memory_space<vmem>>, vector<16xi32>,
        tpu.vector_store_idx %arg18[%broadcast_in_dim3A_864, %get3A_874], %broadcast_in_dim3A_862 {add = true} : memref<1x10240xf32, #tpu.memory_space<vmem>>[vector<16xi32>, vector<16xi32>], vector<16xf32>,
        %dma_wait3A_875 = arith.constant 0 : i32
        %dma_wait3A_876 = arith.constant 0 : i32
        %dma_wait3A_877 = tpu.memref_slice %arg2[%dma_wait3A_875, %dma_wait3A_876] : memref<10000x128xf32, #tpu.memory_space<hbm>> -> memref<80x128xf32, #tpu.memory_space<hbm>>
        %dma_wait3A_878 = arith.constant 0 : i32
        %dma_wait3A_879 = arith.constant 0 : i32
        %dma_wait3A_880 = tpu.memref_slice %arg2[%dma_wait3A_878, %dma_wait3A_879] : memref<10000x128xf32, #tpu.memory_space<hbm>> -> memref<80x128xf32, #tpu.memory_space<hbm>>
        tpu.wait_dma2 semaphore(%arg22 : memref<!tpu.dma_semaphore, #tpu.memory_space<semaphore_mem>>) src(%dma_wait3A_880 : memref<80x128xf32, #tpu.memory_space<hbm>>) dst(%arg17 : memref<80x128xf32, #tpu.memory_space<vmem>>)
        %dma_start3A_881 = arith.constant 0 : i32
        %dma_start3A_882 = arith.constant 0 : i32
        %dma_start3A_883 = tpu.memref_slice %arg7[%dma_start3A_881, %dma_start3A_882] : memref<10000x128xf32, #tpu.memory_space<vmem_shared>> -> memref<10000x128xf32, #tpu.memory_space<vmem_shared>>
        tpu.enqueue_indirect_dma source(%arg17 : memref<80x128xf32, #tpu.memory_space<vmem>>) target(%dma_start3A_883 : memref<10000x128xf32, #tpu.memory_space<vmem_shared>>) offsets(%arg14 : memref<80xi32, #tpu.memory_space<vmem>>) semaphore(%arg25 : memref<!tpu.dma_semaphore, #tpu.memory_space<semaphore_mem>>) {add = true}
        %add3A_884 = arith.constant 2 : i32
        %add3A_885 = arith.addi %add3A_737, %add3A_884 : i32
        %dma_wait3A_886 = arith.constant 0 : i32
        %dma_wait3A_887 = arith.constant 0 : i32
        %dma_wait3A_888 = tpu.memref_slice %arg7[%dma_wait3A_886, %dma_wait3A_887] : memref<10000x128xf32, #tpu.memory_space<vmem_shared>> -> memref<10000x128xf32, #tpu.memory_space<vmem_shared>>
        tpu.wait_indirect_dma semaphore(%arg25 : memref<!tpu.dma_semaphore, #tpu.memory_space<semaphore_mem>>) src(%arg17 : memref<80x128xf32, #tpu.memory_space<vmem>>) dst(%dma_wait3A_888 : memref<10000x128xf32, #tpu.memory_space<vmem_shared>>)
        %mul3A_889 = arith.constant 80 : i32
        %mul3A_890 = arith.muli %add3A_885, %mul3A_889 : i32
        %add3A_891 = arith.constant 0 : i32
        %add3A_892 = arith.addi %mul3A_890, %add3A_891 : i32
        %get3A_893 = arith.index_cast %add3A_892 : i32 to index
        %get3A_894 = tpu.vector_load %arg11[%get3A_893] {strides = array<i32>} : memref<2000xi32, #tpu.memory_space<vmem>>, vector<16xi32>,
        %swap3A_895 = arith.constant 0 : index
        %swap3A_896 = tpu.vector_load %arg14[%swap3A_895] {strides = array<i32>} : memref<80xi32, #tpu.memory_space<vmem>>, vector<16xi32>,
        tpu.vector_store %arg14[%swap3A_895], %get3A_894 {strides = array<i32>} : memref<80xi32, #tpu.memory_space<vmem>>, vector<16xi32>,
        %mul3A_897 = arith.constant 80 : i32
        %mul3A_898 = arith.muli %add3A_885, %mul3A_897 : i32
        %add3A_899 = arith.constant 16 : i32
        %add3A_900 = arith.addi %mul3A_898, %add3A_899 : i32
        %get3A_901 = arith.index_cast %add3A_900 : i32 to index
        %get3A_902 = tpu.vector_load %arg11[%get3A_901] {strides = array<i32>} : memref<2000xi32, #tpu.memory_space<vmem>>, vector<16xi32>,
        %swap3A_903 = arith.constant 16 : index
        %swap3A_904 = tpu.vector_load %arg14[%swap3A_903] {strides = array<i32>} : memref<80xi32, #tpu.memory_space<vmem>>, vector<16xi32>,
        tpu.vector_store %arg14[%swap3A_903], %get3A_902 {strides = array<i32>} : memref<80xi32, #tpu.memory_space<vmem>>, vector<16xi32>,
        %mul3A_905 = arith.constant 80 : i32
        %mul3A_906 = arith.muli %add3A_885, %mul3A_905 : i32
        %add3A_907 = arith.constant 32 : i32
        %add3A_908 = arith.addi %mul3A_906, %add3A_907 : i32
        %get3A_909 = arith.index_cast %add3A_908 : i32 to index
        %get3A_910 = tpu.vector_load %arg11[%get3A_909] {strides = array<i32>} : memref<2000xi32, #tpu.memory_space<vmem>>, vector<16xi32>,
        %swap3A_911 = arith.constant 32 : index
        %swap3A_912 = tpu.vector_load %arg14[%swap3A_911] {strides = array<i32>} : memref<80xi32, #tpu.memory_space<vmem>>, vector<16xi32>,
        tpu.vector_store %arg14[%swap3A_911], %get3A_910 {strides = array<i32>} : memref<80xi32, #tpu.memory_space<vmem>>, vector<16xi32>,
        %mul3A_913 = arith.constant 80 : i32
        %mul3A_914 = arith.muli %add3A_885, %mul3A_913 : i32
        %add3A_915 = arith.constant 48 : i32
        %add3A_916 = arith.addi %mul3A_914, %add3A_915 : i32
        %get3A_917 = arith.index_cast %add3A_916 : i32 to index
        %get3A_918 = tpu.vector_load %arg11[%get3A_917] {strides = array<i32>} : memref<2000xi32, #tpu.memory_space<vmem>>, vector<16xi32>,
        %swap3A_919 = arith.constant 48 : index
        %swap3A_920 = tpu.vector_load %arg14[%swap3A_919] {strides = array<i32>} : memref<80xi32, #tpu.memory_space<vmem>>, vector<16xi32>,
        tpu.vector_store %arg14[%swap3A_919], %get3A_918 {strides = array<i32>} : memref<80xi32, #tpu.memory_space<vmem>>, vector<16xi32>,
        %mul3A_921 = arith.constant 80 : i32
        %mul3A_922 = arith.muli %add3A_885, %mul3A_921 : i32
        %add3A_923 = arith.constant 64 : i32
        %add3A_924 = arith.addi %mul3A_922, %add3A_923 : i32
        %get3A_925 = arith.index_cast %add3A_924 : i32 to index
        %get3A_926 = tpu.vector_load %arg11[%get3A_925] {strides = array<i32>} : memref<2000xi32, #tpu.memory_space<vmem>>, vector<16xi32>,
        %swap3A_927 = arith.constant 64 : index
        %swap3A_928 = tpu.vector_load %arg14[%swap3A_927] {strides = array<i32>} : memref<80xi32, #tpu.memory_space<vmem>>, vector<16xi32>,
        tpu.vector_store %arg14[%swap3A_927], %get3A_926 {strides = array<i32>} : memref<80xi32, #tpu.memory_space<vmem>>, vector<16xi32>,
        %mul3A_929 = arith.constant 80 : i32
        %mul3A_930 = arith.muli %add3A_885, %mul3A_929 : i32
        %dma_start3A_931 = tpu.memref_slice %arg10[%mul3A_930] : memref<2000xi32, #tpu.memory_space<vmem>> -> memref<80xi32, #tpu.memory_space<vmem>>
        %dma_start3A_932 = arith.constant 0 : i32
        %dma_start3A_933 = arith.constant 0 : i32
        %dma_start3A_934 = tpu.memref_slice %arg2[%dma_start3A_932, %dma_start3A_933] : memref<10000x128xf32, #tpu.memory_space<hbm>> -> memref<10000x128xf32, #tpu.memory_space<hbm>>
        tpu.enqueue_indirect_dma source(%dma_start3A_934 : memref<10000x128xf32, #tpu.memory_space<hbm>>) target(%arg17 : memref<80x128xf32, #tpu.memory_space<vmem>>) offsets(%dma_start3A_931 : memref<80xi32, #tpu.memory_space<vmem>>) semaphore(%arg22 : memref<!tpu.dma_semaphore, #tpu.memory_space<semaphore_mem>>)
        %broadcast_in_dim3A_935 = arith.constant 1.000000e+00 : f32
        %broadcast_in_dim3A_936 = vector.broadcast %broadcast_in_dim3A_935 : f32 to vector<16xf32>
        %broadcast_in_dim3A_937 = arith.constant 0 : i32
        %broadcast_in_dim3A_938 = vector.broadcast %broadcast_in_dim3A_937 : i32 to vector<16xi32>
        %get3A_939 = arith.constant 0 : index
        %get3A_940 = tpu.vector_load %arg12[%get3A_939] {strides = array<i32>} : memref<80xi32, #tpu.memory_space<vmem>>, vector<16xi32>,
        tpu.vector_store_idx %arg18[%broadcast_in_dim3A_938, %get3A_940], %broadcast_in_dim3A_936 {add = true} : memref<1x10240xf32, #tpu.memory_space<vmem>>[vector<16xi32>, vector<16xi32>], vector<16xf32>,
        %get3A_941 = arith.constant 16 : index
        %get3A_942 = tpu.vector_load %arg12[%get3A_941] {strides = array<i32>} : memref<80xi32, #tpu.memory_space<vmem>>, vector<16xi32>,
        tpu.vector_store_idx %arg18[%broadcast_in_dim3A_938, %get3A_942], %broadcast_in_dim3A_936 {add = true} : memref<1x10240xf32, #tpu.memory_space<vmem>>[vector<16xi32>, vector<16xi32>], vector<16xf32>,
        %get3A_943 = arith.constant 32 : index
        %get3A_944 = tpu.vector_load %arg12[%get3A_943] {strides = array<i32>} : memref<80xi32, #tpu.memory_space<vmem>>, vector<16xi32>,
        tpu.vector_store_idx %arg18[%broadcast_in_dim3A_938, %get3A_944], %broadcast_in_dim3A_936 {add = true} : memref<1x10240xf32, #tpu.memory_space<vmem>>[vector<16xi32>, vector<16xi32>], vector<16xf32>,
        %get3A_945 = arith.constant 48 : index
        %get3A_946 = tpu.vector_load %arg12[%get3A_945] {strides = array<i32>} : memref<80xi32, #tpu.memory_space<vmem>>, vector<16xi32>,
        tpu.vector_store_idx %arg18[%broadcast_in_dim3A_938, %get3A_946], %broadcast_in_dim3A_936 {add = true} : memref<1x10240xf32, #tpu.memory_space<vmem>>[vector<16xi32>, vector<16xi32>], vector<16xf32>,
        %get3A_947 = arith.constant 64 : index
        %get3A_948 = tpu.vector_load %arg12[%get3A_947] {strides = array<i32>} : memref<80xi32, #tpu.memory_space<vmem>>, vector<16xi32>,
        tpu.vector_store_idx %arg18[%broadcast_in_dim3A_938, %get3A_948], %broadcast_in_dim3A_936 {add = true} : memref<1x10240xf32, #tpu.memory_space<vmem>>[vector<16xi32>, vector<16xi32>], vector<16xf32>,
        %dma_wait3A_949 = arith.constant 0 : i32
        %dma_wait3A_950 = arith.constant 0 : i32
        %dma_wait3A_951 = tpu.memref_slice %arg2[%dma_wait3A_949, %dma_wait3A_950] : memref<10000x128xf32, #tpu.memory_space<hbm>> -> memref<80x128xf32, #tpu.memory_space<hbm>>
        %dma_wait3A_952 = arith.constant 0 : i32
        %dma_wait3A_953 = arith.constant 0 : i32
        %dma_wait3A_954 = tpu.memref_slice %arg2[%dma_wait3A_952, %dma_wait3A_953] : memref<10000x128xf32, #tpu.memory_space<hbm>> -> memref<80x128xf32, #tpu.memory_space<hbm>>
        tpu.wait_dma2 semaphore(%arg20 : memref<!tpu.dma_semaphore, #tpu.memory_space<semaphore_mem>>) src(%dma_wait3A_954 : memref<80x128xf32, #tpu.memory_space<hbm>>) dst(%arg15 : memref<80x128xf32, #tpu.memory_space<vmem>>)
        %dma_start3A_955 = arith.constant 0 : i32
        %dma_start3A_956 = arith.constant 0 : i32
        %dma_start3A_957 = tpu.memref_slice %arg7[%dma_start3A_955, %dma_start3A_956] : memref<10000x128xf32, #tpu.memory_space<vmem_shared>> -> memref<10000x128xf32, #tpu.memory_space<vmem_shared>>
        tpu.enqueue_indirect_dma source(%arg15 : memref<80x128xf32, #tpu.memory_space<vmem>>) target(%dma_start3A_957 : memref<10000x128xf32, #tpu.memory_space<vmem_shared>>) offsets(%arg12 : memref<80xi32, #tpu.memory_space<vmem>>) semaphore(%arg23 : memref<!tpu.dma_semaphore, #tpu.memory_space<semaphore_mem>>) {add = true}
        %scan3A_958 = arith.constant 0 : i32
        scf.yield %scan3A_958 : i32
      }
      %scan3A_624 = arith.constant 7 : i32
      %dma_wait3A_625 = arith.constant 0 : i32
      %dma_wait3A_626 = arith.constant 0 : i32
      %dma_wait3A_627 = tpu.memref_slice %arg7[%dma_wait3A_625, %dma_wait3A_626] : memref<10000x128xf32, #tpu.memory_space<vmem_shared>> -> memref<10000x128xf32, #tpu.memory_space<vmem_shared>>
      tpu.wait_indirect_dma semaphore(%arg23 : memref<!tpu.dma_semaphore, #tpu.memory_space<semaphore_mem>>) src(%arg15 : memref<80x128xf32, #tpu.memory_space<vmem>>) dst(%dma_wait3A_627 : memref<10000x128xf32, #tpu.memory_space<vmem_shared>>)
      %get3A_628 = arith.constant 1920 : index
      %get3A_629 = tpu.vector_load %arg11[%get3A_628] {strides = array<i32>} : memref<2000xi32, #tpu.memory_space<vmem>>, vector<16xi32>,
      %swap3A_630 = arith.constant 0 : index
      %swap3A_631 = tpu.vector_load %arg12[%swap3A_630] {strides = array<i32>} : memref<80xi32, #tpu.memory_space<vmem>>, vector<16xi32>,
      tpu.vector_store %arg12[%swap3A_630], %get3A_629 {strides = array<i32>} : memref<80xi32, #tpu.memory_space<vmem>>, vector<16xi32>,
      %get3A_632 = arith.constant 1936 : index
      %get3A_633 = tpu.vector_load %arg11[%get3A_632] {strides = array<i32>} : memref<2000xi32, #tpu.memory_space<vmem>>, vector<16xi32>,
      %swap3A_634 = arith.constant 16 : index
      %swap3A_635 = tpu.vector_load %arg12[%swap3A_634] {strides = array<i32>} : memref<80xi32, #tpu.memory_space<vmem>>, vector<16xi32>,
      tpu.vector_store %arg12[%swap3A_634], %get3A_633 {strides = array<i32>} : memref<80xi32, #tpu.memory_space<vmem>>, vector<16xi32>,
      %get3A_636 = arith.constant 1952 : index
      %get3A_637 = tpu.vector_load %arg11[%get3A_636] {strides = array<i32>} : memref<2000xi32, #tpu.memory_space<vmem>>, vector<16xi32>,
      %swap3A_638 = arith.constant 32 : index
      %swap3A_639 = tpu.vector_load %arg12[%swap3A_638] {strides = array<i32>} : memref<80xi32, #tpu.memory_space<vmem>>, vector<16xi32>,
      tpu.vector_store %arg12[%swap3A_638], %get3A_637 {strides = array<i32>} : memref<80xi32, #tpu.memory_space<vmem>>, vector<16xi32>,
      %get3A_640 = arith.constant 1968 : index
      %get3A_641 = tpu.vector_load %arg11[%get3A_640] {strides = array<i32>} : memref<2000xi32, #tpu.memory_space<vmem>>, vector<16xi32>,
      %swap3A_642 = arith.constant 48 : index
      %swap3A_643 = tpu.vector_load %arg12[%swap3A_642] {strides = array<i32>} : memref<80xi32, #tpu.memory_space<vmem>>, vector<16xi32>,
      tpu.vector_store %arg12[%swap3A_642], %get3A_641 {strides = array<i32>} : memref<80xi32, #tpu.memory_space<vmem>>, vector<16xi32>,
      %get3A_644 = arith.constant 1984 : index
      %get3A_645 = tpu.vector_load %arg11[%get3A_644] {strides = array<i32>} : memref<2000xi32, #tpu.memory_space<vmem>>, vector<16xi32>,
      %swap3A_646 = arith.constant 64 : index
      %swap3A_647 = tpu.vector_load %arg12[%swap3A_646] {strides = array<i32>} : memref<80xi32, #tpu.memory_space<vmem>>, vector<16xi32>,
      tpu.vector_store %arg12[%swap3A_646], %get3A_645 {strides = array<i32>} : memref<80xi32, #tpu.memory_space<vmem>>, vector<16xi32>,
      %dma_start3A_648 = arith.constant 1920 : i32
      %dma_start3A_649 = tpu.memref_slice %arg10[%dma_start3A_648] : memref<2000xi32, #tpu.memory_space<vmem>> -> memref<80xi32, #tpu.memory_space<vmem>>
      %dma_start3A_650 = arith.constant 0 : i32
      %dma_start3A_651 = arith.constant 0 : i32
      %dma_start3A_652 = tpu.memref_slice %arg2[%dma_start3A_650, %dma_start3A_651] : memref<10000x128xf32, #tpu.memory_space<hbm>> -> memref<10000x128xf32, #tpu.memory_space<hbm>>
      tpu.enqueue_indirect_dma source(%dma_start3A_652 : memref<10000x128xf32, #tpu.memory_space<hbm>>) target(%arg15 : memref<80x128xf32, #tpu.memory_space<vmem>>) offsets(%dma_start3A_649 : memref<80xi32, #tpu.memory_space<vmem>>) semaphore(%arg20 : memref<!tpu.dma_semaphore, #tpu.memory_space<semaphore_mem>>)
      %broadcast_in_dim3A_653 = arith.constant 1.000000e+00 : f32
      %broadcast_in_dim3A_654 = vector.broadcast %broadcast_in_dim3A_653 : f32 to vector<16xf32>
      %broadcast_in_dim3A_655 = arith.constant 0 : i32
      %broadcast_in_dim3A_656 = vector.broadcast %broadcast_in_dim3A_655 : i32 to vector<16xi32>
      %get3A_657 = arith.constant 0 : index
      %get3A_658 = tpu.vector_load %arg13[%get3A_657] {strides = array<i32>} : memref<80xi32, #tpu.memory_space<vmem>>, vector<16xi32>,
      tpu.vector_store_idx %arg18[%broadcast_in_dim3A_656, %get3A_658], %broadcast_in_dim3A_654 {add = true} : memref<1x10240xf32, #tpu.memory_space<vmem>>[vector<16xi32>, vector<16xi32>], vector<16xf32>,
      %get3A_659 = arith.constant 16 : index
      %get3A_660 = tpu.vector_load %arg13[%get3A_659] {strides = array<i32>} : memref<80xi32, #tpu.memory_space<vmem>>, vector<16xi32>,
      tpu.vector_store_idx %arg18[%broadcast_in_dim3A_656, %get3A_660], %broadcast_in_dim3A_654 {add = true} : memref<1x10240xf32, #tpu.memory_space<vmem>>[vector<16xi32>, vector<16xi32>], vector<16xf32>,
      %get3A_661 = arith.constant 32 : index
      %get3A_662 = tpu.vector_load %arg13[%get3A_661] {strides = array<i32>} : memref<80xi32, #tpu.memory_space<vmem>>, vector<16xi32>,
      tpu.vector_store_idx %arg18[%broadcast_in_dim3A_656, %get3A_662], %broadcast_in_dim3A_654 {add = true} : memref<1x10240xf32, #tpu.memory_space<vmem>>[vector<16xi32>, vector<16xi32>], vector<16xf32>,
      %get3A_663 = arith.constant 48 : index
      %get3A_664 = tpu.vector_load %arg13[%get3A_663] {strides = array<i32>} : memref<80xi32, #tpu.memory_space<vmem>>, vector<16xi32>,
      tpu.vector_store_idx %arg18[%broadcast_in_dim3A_656, %get3A_664], %broadcast_in_dim3A_654 {add = true} : memref<1x10240xf32, #tpu.memory_space<vmem>>[vector<16xi32>, vector<16xi32>], vector<16xf32>,
      %get3A_665 = arith.constant 64 : index
      %get3A_666 = tpu.vector_load %arg13[%get3A_665] {strides = array<i32>} : memref<80xi32, #tpu.memory_space<vmem>>, vector<16xi32>,
      tpu.vector_store_idx %arg18[%broadcast_in_dim3A_656, %get3A_666], %broadcast_in_dim3A_654 {add = true} : memref<1x10240xf32, #tpu.memory_space<vmem>>[vector<16xi32>, vector<16xi32>], vector<16xf32>,
      %dma_wait3A_667 = arith.constant 0 : i32
      %dma_wait3A_668 = arith.constant 0 : i32
      %dma_wait3A_669 = tpu.memref_slice %arg2[%dma_wait3A_667, %dma_wait3A_668] : memref<10000x128xf32, #tpu.memory_space<hbm>> -> memref<80x128xf32, #tpu.memory_space<hbm>>
      %dma_wait3A_670 = arith.constant 0 : i32
      %dma_wait3A_671 = arith.constant 0 : i32
      %dma_wait3A_672 = tpu.memref_slice %arg2[%dma_wait3A_670, %dma_wait3A_671] : memref<10000x128xf32, #tpu.memory_space<hbm>> -> memref<80x128xf32, #tpu.memory_space<hbm>>
      tpu.wait_dma2 semaphore(%arg21 : memref<!tpu.dma_semaphore, #tpu.memory_space<semaphore_mem>>) src(%dma_wait3A_672 : memref<80x128xf32, #tpu.memory_space<hbm>>) dst(%arg16 : memref<80x128xf32, #tpu.memory_space<vmem>>)
      %dma_start3A_673 = arith.constant 0 : i32
      %dma_start3A_674 = arith.constant 0 : i32
      %dma_start3A_675 = tpu.memref_slice %arg7[%dma_start3A_673, %dma_start3A_674] : memref<10000x128xf32, #tpu.memory_space<vmem_shared>> -> memref<10000x128xf32, #tpu.memory_space<vmem_shared>>
      tpu.enqueue_indirect_dma source(%arg16 : memref<80x128xf32, #tpu.memory_space<vmem>>) target(%dma_start3A_675 : memref<10000x128xf32, #tpu.memory_space<vmem_shared>>) offsets(%arg13 : memref<80xi32, #tpu.memory_space<vmem>>) semaphore(%arg24 : memref<!tpu.dma_semaphore, #tpu.memory_space<semaphore_mem>>) {add = true}
      %broadcast_in_dim3A_676 = arith.constant 1.000000e+00 : f32
      %broadcast_in_dim3A_677 = vector.broadcast %broadcast_in_dim3A_676 : f32 to vector<16xf32>
      %broadcast_in_dim3A_678 = arith.constant 0 : i32
      %broadcast_in_dim3A_679 = vector.broadcast %broadcast_in_dim3A_678 : i32 to vector<16xi32>
      %get3A_680 = arith.constant 0 : index
      %get3A_681 = tpu.vector_load %arg14[%get3A_680] {strides = array<i32>} : memref<80xi32, #tpu.memory_space<vmem>>, vector<16xi32>,
      tpu.vector_store_idx %arg18[%broadcast_in_dim3A_679, %get3A_681], %broadcast_in_dim3A_677 {add = true} : memref<1x10240xf32, #tpu.memory_space<vmem>>[vector<16xi32>, vector<16xi32>], vector<16xf32>,
      %get3A_682 = arith.constant 16 : index
      %get3A_683 = tpu.vector_load %arg14[%get3A_682] {strides = array<i32>} : memref<80xi32, #tpu.memory_space<vmem>>, vector<16xi32>,
      tpu.vector_store_idx %arg18[%broadcast_in_dim3A_679, %get3A_683], %broadcast_in_dim3A_677 {add = true} : memref<1x10240xf32, #tpu.memory_space<vmem>>[vector<16xi32>, vector<16xi32>], vector<16xf32>,
      %get3A_684 = arith.constant 32 : index
      %get3A_685 = tpu.vector_load %arg14[%get3A_684] {strides = array<i32>} : memref<80xi32, #tpu.memory_space<vmem>>, vector<16xi32>,
      tpu.vector_store_idx %arg18[%broadcast_in_dim3A_679, %get3A_685], %broadcast_in_dim3A_677 {add = true} : memref<1x10240xf32, #tpu.memory_space<vmem>>[vector<16xi32>, vector<16xi32>], vector<16xf32>,
      %get3A_686 = arith.constant 48 : index
      %get3A_687 = tpu.vector_load %arg14[%get3A_686] {strides = array<i32>} : memref<80xi32, #tpu.memory_space<vmem>>, vector<16xi32>,
      tpu.vector_store_idx %arg18[%broadcast_in_dim3A_679, %get3A_687], %broadcast_in_dim3A_677 {add = true} : memref<1x10240xf32, #tpu.memory_space<vmem>>[vector<16xi32>, vector<16xi32>], vector<16xf32>,
      %get3A_688 = arith.constant 64 : index
      %get3A_689 = tpu.vector_load %arg14[%get3A_688] {strides = array<i32>} : memref<80xi32, #tpu.memory_space<vmem>>, vector<16xi32>,
      tpu.vector_store_idx %arg18[%broadcast_in_dim3A_679, %get3A_689], %broadcast_in_dim3A_677 {add = true} : memref<1x10240xf32, #tpu.memory_space<vmem>>[vector<16xi32>, vector<16xi32>], vector<16xf32>,
      %dma_wait3A_690 = arith.constant 0 : i32
      %dma_wait3A_691 = arith.constant 0 : i32
      %dma_wait3A_692 = tpu.memref_slice %arg2[%dma_wait3A_690, %dma_wait3A_691] : memref<10000x128xf32, #tpu.memory_space<hbm>> -> memref<80x128xf32, #tpu.memory_space<hbm>>
      %dma_wait3A_693 = arith.constant 0 : i32
      %dma_wait3A_694 = arith.constant 0 : i32
      %dma_wait3A_695 = tpu.memref_slice %arg2[%dma_wait3A_693, %dma_wait3A_694] : memref<10000x128xf32, #tpu.memory_space<hbm>> -> memref<80x128xf32, #tpu.memory_space<hbm>>
      tpu.wait_dma2 semaphore(%arg22 : memref<!tpu.dma_semaphore, #tpu.memory_space<semaphore_mem>>) src(%dma_wait3A_695 : memref<80x128xf32, #tpu.memory_space<hbm>>) dst(%arg17 : memref<80x128xf32, #tpu.memory_space<vmem>>)
      %dma_start3A_696 = arith.constant 0 : i32
      %dma_start3A_697 = arith.constant 0 : i32
      %dma_start3A_698 = tpu.memref_slice %arg7[%dma_start3A_696, %dma_start3A_697] : memref<10000x128xf32, #tpu.memory_space<vmem_shared>> -> memref<10000x128xf32, #tpu.memory_space<vmem_shared>>
      tpu.enqueue_indirect_dma source(%arg17 : memref<80x128xf32, #tpu.memory_space<vmem>>) target(%dma_start3A_698 : memref<10000x128xf32, #tpu.memory_space<vmem_shared>>) offsets(%arg14 : memref<80xi32, #tpu.memory_space<vmem>>) semaphore(%arg25 : memref<!tpu.dma_semaphore, #tpu.memory_space<semaphore_mem>>) {add = true}
      %broadcast_in_dim3A_699 = arith.constant 1.000000e+00 : f32
      %broadcast_in_dim3A_700 = vector.broadcast %broadcast_in_dim3A_699 : f32 to vector<16xf32>
      %broadcast_in_dim3A_701 = arith.constant 0 : i32
      %broadcast_in_dim3A_702 = vector.broadcast %broadcast_in_dim3A_701 : i32 to vector<16xi32>
      %get3A_703 = arith.constant 0 : index
      %get3A_704 = tpu.vector_load %arg12[%get3A_703] {strides = array<i32>} : memref<80xi32, #tpu.memory_space<vmem>>, vector<16xi32>,
      tpu.vector_store_idx %arg18[%broadcast_in_dim3A_702, %get3A_704], %broadcast_in_dim3A_700 {add = true} : memref<1x10240xf32, #tpu.memory_space<vmem>>[vector<16xi32>, vector<16xi32>], vector<16xf32>,
      %get3A_705 = arith.constant 16 : index
      %get3A_706 = tpu.vector_load %arg12[%get3A_705] {strides = array<i32>} : memref<80xi32, #tpu.memory_space<vmem>>, vector<16xi32>,
      tpu.vector_store_idx %arg18[%broadcast_in_dim3A_702, %get3A_706], %broadcast_in_dim3A_700 {add = true} : memref<1x10240xf32, #tpu.memory_space<vmem>>[vector<16xi32>, vector<16xi32>], vector<16xf32>,
      %get3A_707 = arith.constant 32 : index
      %get3A_708 = tpu.vector_load %arg12[%get3A_707] {strides = array<i32>} : memref<80xi32, #tpu.memory_space<vmem>>, vector<16xi32>,
      tpu.vector_store_idx %arg18[%broadcast_in_dim3A_702, %get3A_708], %broadcast_in_dim3A_700 {add = true} : memref<1x10240xf32, #tpu.memory_space<vmem>>[vector<16xi32>, vector<16xi32>], vector<16xf32>,
      %get3A_709 = arith.constant 48 : index
      %get3A_710 = tpu.vector_load %arg12[%get3A_709] {strides = array<i32>} : memref<80xi32, #tpu.memory_space<vmem>>, vector<16xi32>,
      tpu.vector_store_idx %arg18[%broadcast_in_dim3A_702, %get3A_710], %broadcast_in_dim3A_700 {add = true} : memref<1x10240xf32, #tpu.memory_space<vmem>>[vector<16xi32>, vector<16xi32>], vector<16xf32>,
      %get3A_711 = arith.constant 64 : index
      %get3A_712 = tpu.vector_load %arg12[%get3A_711] {strides = array<i32>} : memref<80xi32, #tpu.memory_space<vmem>>, vector<16xi32>,
      tpu.vector_store_idx %arg18[%broadcast_in_dim3A_702, %get3A_712], %broadcast_in_dim3A_700 {add = true} : memref<1x10240xf32, #tpu.memory_space<vmem>>[vector<16xi32>, vector<16xi32>], vector<16xf32>,
      %dma_wait3A_713 = arith.constant 0 : i32
      %dma_wait3A_714 = arith.constant 0 : i32
      %dma_wait3A_715 = tpu.memref_slice %arg2[%dma_wait3A_713, %dma_wait3A_714] : memref<10000x128xf32, #tpu.memory_space<hbm>> -> memref<80x128xf32, #tpu.memory_space<hbm>>
      %dma_wait3A_716 = arith.constant 0 : i32
      %dma_wait3A_717 = arith.constant 0 : i32
      %dma_wait3A_718 = tpu.memref_slice %arg2[%dma_wait3A_716, %dma_wait3A_717] : memref<10000x128xf32, #tpu.memory_space<hbm>> -> memref<80x128xf32, #tpu.memory_space<hbm>>
      tpu.wait_dma2 semaphore(%arg20 : memref<!tpu.dma_semaphore, #tpu.memory_space<semaphore_mem>>) src(%dma_wait3A_718 : memref<80x128xf32, #tpu.memory_space<hbm>>) dst(%arg15 : memref<80x128xf32, #tpu.memory_space<vmem>>)
      %dma_start3A_719 = arith.constant 0 : i32
      %dma_start3A_720 = arith.constant 0 : i32
      %dma_start3A_721 = tpu.memref_slice %arg7[%dma_start3A_719, %dma_start3A_720] : memref<10000x128xf32, #tpu.memory_space<vmem_shared>> -> memref<10000x128xf32, #tpu.memory_space<vmem_shared>>
      tpu.enqueue_indirect_dma source(%arg15 : memref<80x128xf32, #tpu.memory_space<vmem>>) target(%dma_start3A_721 : memref<10000x128xf32, #tpu.memory_space<vmem_shared>>) offsets(%arg12 : memref<80xi32, #tpu.memory_space<vmem>>) semaphore(%arg23 : memref<!tpu.dma_semaphore, #tpu.memory_space<semaphore_mem>>) {add = true}
      %dma_wait3A_722 = arith.constant 0 : i32
      %dma_wait3A_723 = arith.constant 0 : i32
      %dma_wait3A_724 = tpu.memref_slice %arg7[%dma_wait3A_722, %dma_wait3A_723] : memref<10000x128xf32, #tpu.memory_space<vmem_shared>> -> memref<10000x128xf32, #tpu.memory_space<vmem_shared>>
      tpu.wait_indirect_dma semaphore(%arg23 : memref<!tpu.dma_semaphore, #tpu.memory_space<semaphore_mem>>) src(%arg15 : memref<80x128xf32, #tpu.memory_space<vmem>>) dst(%dma_wait3A_724 : memref<10000x128xf32, #tpu.memory_space<vmem_shared>>)
      %dma_wait3A_725 = arith.constant 0 : i32
      %dma_wait3A_726 = arith.constant 0 : i32
      %dma_wait3A_727 = tpu.memref_slice %arg7[%dma_wait3A_725, %dma_wait3A_726] : memref<10000x128xf32, #tpu.memory_space<vmem_shared>> -> memref<10000x128xf32, #tpu.memory_space<vmem_shared>>
      tpu.wait_indirect_dma semaphore(%arg24 : memref<!tpu.dma_semaphore, #tpu.memory_space<semaphore_mem>>) src(%arg16 : memref<80x128xf32, #tpu.memory_space<vmem>>) dst(%dma_wait3A_727 : memref<10000x128xf32, #tpu.memory_space<vmem_shared>>)
      %dma_wait3A_728 = arith.constant 0 : i32
      %dma_wait3A_729 = arith.constant 0 : i32
      %dma_wait3A_730 = tpu.memref_slice %arg7[%dma_wait3A_728, %dma_wait3A_729] : memref<10000x128xf32, #tpu.memory_space<vmem_shared>> -> memref<10000x128xf32, #tpu.memory_space<vmem_shared>>
      tpu.wait_indirect_dma semaphore(%arg25 : memref<!tpu.dma_semaphore, #tpu.memory_space<semaphore_mem>>) src(%arg17 : memref<80x128xf32, #tpu.memory_space<vmem>>) dst(%dma_wait3A_730 : memref<10000x128xf32, #tpu.memory_space<vmem_shared>>)
      %scan3A_731 = arith.constant 0 : i32
      scf.yield %scan3A_731 : i32
    }
    %scan3A_53 = arith.constant 2 : i32
    %dma_wait3A = arith.constant 0 : i32
    %dma_wait3A_54 = tpu.memref_slice %arg3[%dma_wait3A] : memref<320000xi32, #tpu.memory_space<hbm>> -> memref<2000xi32, #tpu.memory_space<hbm>>
    %dma_wait3A_55 = arith.constant 0 : i32
    %dma_wait3A_56 = tpu.memref_slice %arg3[%dma_wait3A_55] : memref<320000xi32, #tpu.memory_space<hbm>> -> memref<2000xi32, #tpu.memory_space<hbm>>
    tpu.wait_dma2 semaphore(%arg26 : memref<!tpu.dma_semaphore, #tpu.memory_space<semaphore_mem>>) src(%dma_wait3A_56 : memref<2000xi32, #tpu.memory_space<hbm>>) dst(%arg8 : memref<2000xi32, #tpu.memory_space<vmem>>)
    %dma_wait3A_57 = arith.constant 0 : i32
    %dma_wait3A_58 = tpu.memref_slice %arg4[%dma_wait3A_57] : memref<320000xi32, #tpu.memory_space<hbm>> -> memref<2000xi32, #tpu.memory_space<hbm>>
    %dma_wait3A_59 = arith.constant 0 : i32
    %dma_wait3A_60 = tpu.memref_slice %arg4[%dma_wait3A_59] : memref<320000xi32, #tpu.memory_space<hbm>> -> memref<2000xi32, #tpu.memory_space<hbm>>
    tpu.wait_dma2 semaphore(%arg26 : memref<!tpu.dma_semaphore, #tpu.memory_space<semaphore_mem>>) src(%dma_wait3A_60 : memref<2000xi32, #tpu.memory_space<hbm>>) dst(%arg9 : memref<2000xi32, #tpu.memory_space<vmem>>)
    %get3A = arith.constant 0 : index
    %get3A_61 = tpu.vector_load %arg9[%get3A] {strides = array<i32>} : memref<2000xi32, #tpu.memory_space<vmem>>, vector<16xi32>,
    %swap3A = arith.constant 0 : index
    %swap3A_62 = tpu.vector_load %arg12[%swap3A] {strides = array<i32>} : memref<80xi32, #tpu.memory_space<vmem>>, vector<16xi32>,
    tpu.vector_store %arg12[%swap3A], %get3A_61 {strides = array<i32>} : memref<80xi32, #tpu.memory_space<vmem>>, vector<16xi32>,
    %get3A_63 = arith.constant 16 : index
    %get3A_64 = tpu.vector_load %arg9[%get3A_63] {strides = array<i32>} : memref<2000xi32, #tpu.memory_space<vmem>>, vector<16xi32>,
    %swap3A_65 = arith.constant 16 : index
    %swap3A_66 = tpu.vector_load %arg12[%swap3A_65] {strides = array<i32>} : memref<80xi32, #tpu.memory_space<vmem>>, vector<16xi32>,
    tpu.vector_store %arg12[%swap3A_65], %get3A_64 {strides = array<i32>} : memref<80xi32, #tpu.memory_space<vmem>>, vector<16xi32>,
    %get3A_67 = arith.constant 32 : index
    %get3A_68 = tpu.vector_load %arg9[%get3A_67] {strides = array<i32>} : memref<2000xi32, #tpu.memory_space<vmem>>, vector<16xi32>,
    %swap3A_69 = arith.constant 32 : index
    %swap3A_70 = tpu.vector_load %arg12[%swap3A_69] {strides = array<i32>} : memref<80xi32, #tpu.memory_space<vmem>>, vector<16xi32>,
    tpu.vector_store %arg12[%swap3A_69], %get3A_68 {strides = array<i32>} : memref<80xi32, #tpu.memory_space<vmem>>, vector<16xi32>,
    %get3A_71 = arith.constant 48 : index
    %get3A_72 = tpu.vector_load %arg9[%get3A_71] {strides = array<i32>} : memref<2000xi32, #tpu.memory_space<vmem>>, vector<16xi32>,
    %swap3A_73 = arith.constant 48 : index
    %swap3A_74 = tpu.vector_load %arg12[%swap3A_73] {strides = array<i32>} : memref<80xi32, #tpu.memory_space<vmem>>, vector<16xi32>,
    tpu.vector_store %arg12[%swap3A_73], %get3A_72 {strides = array<i32>} : memref<80xi32, #tpu.memory_space<vmem>>, vector<16xi32>,
    %get3A_75 = arith.constant 64 : index
    %get3A_76 = tpu.vector_load %arg9[%get3A_75] {strides = array<i32>} : memref<2000xi32, #tpu.memory_space<vmem>>, vector<16xi32>,
    %swap3A_77 = arith.constant 64 : index
    %swap3A_78 = tpu.vector_load %arg12[%swap3A_77] {strides = array<i32>} : memref<80xi32, #tpu.memory_space<vmem>>, vector<16xi32>,
    tpu.vector_store %arg12[%swap3A_77], %get3A_76 {strides = array<i32>} : memref<80xi32, #tpu.memory_space<vmem>>, vector<16xi32>,
    %dma_start3A_79 = arith.constant 0 : i32
    %dma_start3A_80 = tpu.memref_slice %arg8[%dma_start3A_79] : memref<2000xi32, #tpu.memory_space<vmem>> -> memref<80xi32, #tpu.memory_space<vmem>>
    %dma_start3A_81 = arith.constant 0 : i32
    %dma_start3A_82 = arith.constant 0 : i32
    %dma_start3A_83 = tpu.memref_slice %arg2[%dma_start3A_81, %dma_start3A_82] : memref<10000x128xf32, #tpu.memory_space<hbm>> -> memref<10000x128xf32, #tpu.memory_space<hbm>>
    tpu.enqueue_indirect_dma source(%dma_start3A_83 : memref<10000x128xf32, #tpu.memory_space<hbm>>) target(%arg15 : memref<80x128xf32, #tpu.memory_space<vmem>>) offsets(%dma_start3A_80 : memref<80xi32, #tpu.memory_space<vmem>>) semaphore(%arg20 : memref<!tpu.dma_semaphore, #tpu.memory_space<semaphore_mem>>)
    %get3A_84 = arith.constant 80 : index
    %get3A_85 = tpu.vector_load %arg9[%get3A_84] {strides = array<i32>} : memref<2000xi32, #tpu.memory_space<vmem>>, vector<16xi32>,
    %swap3A_86 = arith.constant 0 : index
    %swap3A_87 = tpu.vector_load %arg13[%swap3A_86] {strides = array<i32>} : memref<80xi32, #tpu.memory_space<vmem>>, vector<16xi32>,
    tpu.vector_store %arg13[%swap3A_86], %get3A_85 {strides = array<i32>} : memref<80xi32, #tpu.memory_space<vmem>>, vector<16xi32>,
    %get3A_88 = arith.constant 96 : index
    %get3A_89 = tpu.vector_load %arg9[%get3A_88] {strides = array<i32>} : memref<2000xi32, #tpu.memory_space<vmem>>, vector<16xi32>,
    %swap3A_90 = arith.constant 16 : index
    %swap3A_91 = tpu.vector_load %arg13[%swap3A_90] {strides = array<i32>} : memref<80xi32, #tpu.memory_space<vmem>>, vector<16xi32>,
    tpu.vector_store %arg13[%swap3A_90], %get3A_89 {strides = array<i32>} : memref<80xi32, #tpu.memory_space<vmem>>, vector<16xi32>,
    %get3A_92 = arith.constant 112 : index
    %get3A_93 = tpu.vector_load %arg9[%get3A_92] {strides = array<i32>} : memref<2000xi32, #tpu.memory_space<vmem>>, vector<16xi32>,
    %swap3A_94 = arith.constant 32 : index
    %swap3A_95 = tpu.vector_load %arg13[%swap3A_94] {strides = array<i32>} : memref<80xi32, #tpu.memory_space<vmem>>, vector<16xi32>,
    tpu.vector_store %arg13[%swap3A_94], %get3A_93 {strides = array<i32>} : memref<80xi32, #tpu.memory_space<vmem>>, vector<16xi32>,
    %get3A_96 = arith.constant 128 : index
    %get3A_97 = tpu.vector_load %arg9[%get3A_96] {strides = array<i32>} : memref<2000xi32, #tpu.memory_space<vmem>>, vector<16xi32>,
    %swap3A_98 = arith.constant 48 : index
    %swap3A_99 = tpu.vector_load %arg13[%swap3A_98] {strides = array<i32>} : memref<80xi32, #tpu.memory_space<vmem>>, vector<16xi32>,
    tpu.vector_store %arg13[%swap3A_98], %get3A_97 {strides = array<i32>} : memref<80xi32, #tpu.memory_space<vmem>>, vector<16xi32>,
    %get3A_100 = arith.constant 144 : index
    %get3A_101 = tpu.vector_load %arg9[%get3A_100] {strides = array<i32>} : memref<2000xi32, #tpu.memory_space<vmem>>, vector<16xi32>,
    %swap3A_102 = arith.constant 64 : index
    %swap3A_103 = tpu.vector_load %arg13[%swap3A_102] {strides = array<i32>} : memref<80xi32, #tpu.memory_space<vmem>>, vector<16xi32>,
    tpu.vector_store %arg13[%swap3A_102], %get3A_101 {strides = array<i32>} : memref<80xi32, #tpu.memory_space<vmem>>, vector<16xi32>,
    %dma_start3A_104 = arith.constant 80 : i32
    %dma_start3A_105 = tpu.memref_slice %arg8[%dma_start3A_104] : memref<2000xi32, #tpu.memory_space<vmem>> -> memref<80xi32, #tpu.memory_space<vmem>>
    %dma_start3A_106 = arith.constant 0 : i32
    %dma_start3A_107 = arith.constant 0 : i32
    %dma_start3A_108 = tpu.memref_slice %arg2[%dma_start3A_106, %dma_start3A_107] : memref<10000x128xf32, #tpu.memory_space<hbm>> -> memref<10000x128xf32, #tpu.memory_space<hbm>>
    tpu.enqueue_indirect_dma source(%dma_start3A_108 : memref<10000x128xf32, #tpu.memory_space<hbm>>) target(%arg16 : memref<80x128xf32, #tpu.memory_space<vmem>>) offsets(%dma_start3A_105 : memref<80xi32, #tpu.memory_space<vmem>>) semaphore(%arg21 : memref<!tpu.dma_semaphore, #tpu.memory_space<semaphore_mem>>)
    %get3A_109 = arith.constant 160 : index
    %get3A_110 = tpu.vector_load %arg9[%get3A_109] {strides = array<i32>} : memref<2000xi32, #tpu.memory_space<vmem>>, vector<16xi32>,
    %swap3A_111 = arith.constant 0 : index
    %swap3A_112 = tpu.vector_load %arg14[%swap3A_111] {strides = array<i32>} : memref<80xi32, #tpu.memory_space<vmem>>, vector<16xi32>,
    tpu.vector_store %arg14[%swap3A_111], %get3A_110 {strides = array<i32>} : memref<80xi32, #tpu.memory_space<vmem>>, vector<16xi32>,
    %get3A_113 = arith.constant 176 : index
    %get3A_114 = tpu.vector_load %arg9[%get3A_113] {strides = array<i32>} : memref<2000xi32, #tpu.memory_space<vmem>>, vector<16xi32>,
    %swap3A_115 = arith.constant 16 : index
    %swap3A_116 = tpu.vector_load %arg14[%swap3A_115] {strides = array<i32>} : memref<80xi32, #tpu.memory_space<vmem>>, vector<16xi32>,
    tpu.vector_store %arg14[%swap3A_115], %get3A_114 {strides = array<i32>} : memref<80xi32, #tpu.memory_space<vmem>>, vector<16xi32>,
    %get3A_117 = arith.constant 192 : index
    %get3A_118 = tpu.vector_load %arg9[%get3A_117] {strides = array<i32>} : memref<2000xi32, #tpu.memory_space<vmem>>, vector<16xi32>,
    %swap3A_119 = arith.constant 32 : index
    %swap3A_120 = tpu.vector_load %arg14[%swap3A_119] {strides = array<i32>} : memref<80xi32, #tpu.memory_space<vmem>>, vector<16xi32>,
    tpu.vector_store %arg14[%swap3A_119], %get3A_118 {strides = array<i32>} : memref<80xi32, #tpu.memory_space<vmem>>, vector<16xi32>,
    %get3A_121 = arith.constant 208 : index
    %get3A_122 = tpu.vector_load %arg9[%get3A_121] {strides = array<i32>} : memref<2000xi32, #tpu.memory_space<vmem>>, vector<16xi32>,
    %swap3A_123 = arith.constant 48 : index
    %swap3A_124 = tpu.vector_load %arg14[%swap3A_123] {strides = array<i32>} : memref<80xi32, #tpu.memory_space<vmem>>, vector<16xi32>,
    tpu.vector_store %arg14[%swap3A_123], %get3A_122 {strides = array<i32>} : memref<80xi32, #tpu.memory_space<vmem>>, vector<16xi32>,
    %get3A_125 = arith.constant 224 : index
    %get3A_126 = tpu.vector_load %arg9[%get3A_125] {strides = array<i32>} : memref<2000xi32, #tpu.memory_space<vmem>>, vector<16xi32>,
    %swap3A_127 = arith.constant 64 : index
    %swap3A_128 = tpu.vector_load %arg14[%swap3A_127] {strides = array<i32>} : memref<80xi32, #tpu.memory_space<vmem>>, vector<16xi32>,
    tpu.vector_store %arg14[%swap3A_127], %get3A_126 {strides = array<i32>} : memref<80xi32, #tpu.memory_space<vmem>>, vector<16xi32>,
    %dma_start3A_129 = arith.constant 160 : i32
    %dma_start3A_130 = tpu.memref_slice %arg8[%dma_start3A_129] : memref<2000xi32, #tpu.memory_space<vmem>> -> memref<80xi32, #tpu.memory_space<vmem>>
    %dma_start3A_131 = arith.constant 0 : i32
    %dma_start3A_132 = arith.constant 0 : i32
    %dma_start3A_133 = tpu.memref_slice %arg2[%dma_start3A_131, %dma_start3A_132] : memref<10000x128xf32, #tpu.memory_space<hbm>> -> memref<10000x128xf32, #tpu.memory_space<hbm>>
    tpu.enqueue_indirect_dma source(%dma_start3A_133 : memref<10000x128xf32, #tpu.memory_space<hbm>>) target(%arg17 : memref<80x128xf32, #tpu.memory_space<vmem>>) offsets(%dma_start3A_130 : memref<80xi32, #tpu.memory_space<vmem>>) semaphore(%arg22 : memref<!tpu.dma_semaphore, #tpu.memory_space<semaphore_mem>>)
    %broadcast_in_dim3A_134 = arith.constant 1.000000e+00 : f32
    %broadcast_in_dim3A_135 = vector.broadcast %broadcast_in_dim3A_134 : f32 to vector<16xf32>
    %broadcast_in_dim3A_136 = arith.constant 0 : i32
    %broadcast_in_dim3A_137 = vector.broadcast %broadcast_in_dim3A_136 : i32 to vector<16xi32>
    %get3A_138 = arith.constant 0 : index
    %get3A_139 = tpu.vector_load %arg12[%get3A_138] {strides = array<i32>} : memref<80xi32, #tpu.memory_space<vmem>>, vector<16xi32>,
    tpu.vector_store_idx %arg18[%broadcast_in_dim3A_137, %get3A_139], %broadcast_in_dim3A_135 {add = true} : memref<1x10240xf32, #tpu.memory_space<vmem>>[vector<16xi32>, vector<16xi32>], vector<16xf32>,
    %get3A_140 = arith.constant 16 : index
    %get3A_141 = tpu.vector_load %arg12[%get3A_140] {strides = array<i32>} : memref<80xi32, #tpu.memory_space<vmem>>, vector<16xi32>,
    tpu.vector_store_idx %arg18[%broadcast_in_dim3A_137, %get3A_141], %broadcast_in_dim3A_135 {add = true} : memref<1x10240xf32, #tpu.memory_space<vmem>>[vector<16xi32>, vector<16xi32>], vector<16xf32>,
    %get3A_142 = arith.constant 32 : index
    %get3A_143 = tpu.vector_load %arg12[%get3A_142] {strides = array<i32>} : memref<80xi32, #tpu.memory_space<vmem>>, vector<16xi32>,
    tpu.vector_store_idx %arg18[%broadcast_in_dim3A_137, %get3A_143], %broadcast_in_dim3A_135 {add = true} : memref<1x10240xf32, #tpu.memory_space<vmem>>[vector<16xi32>, vector<16xi32>], vector<16xf32>,
    %get3A_144 = arith.constant 48 : index
    %get3A_145 = tpu.vector_load %arg12[%get3A_144] {strides = array<i32>} : memref<80xi32, #tpu.memory_space<vmem>>, vector<16xi32>,
    tpu.vector_store_idx %arg18[%broadcast_in_dim3A_137, %get3A_145], %broadcast_in_dim3A_135 {add = true} : memref<1x10240xf32, #tpu.memory_space<vmem>>[vector<16xi32>, vector<16xi32>], vector<16xf32>,
    %get3A_146 = arith.constant 64 : index
    %get3A_147 = tpu.vector_load %arg12[%get3A_146] {strides = array<i32>} : memref<80xi32, #tpu.memory_space<vmem>>, vector<16xi32>,
    tpu.vector_store_idx %arg18[%broadcast_in_dim3A_137, %get3A_147], %broadcast_in_dim3A_135 {add = true} : memref<1x10240xf32, #tpu.memory_space<vmem>>[vector<16xi32>, vector<16xi32>], vector<16xf32>,
    %dma_wait3A_148 = arith.constant 0 : i32
    %dma_wait3A_149 = arith.constant 0 : i32
    %dma_wait3A_150 = tpu.memref_slice %arg2[%dma_wait3A_148, %dma_wait3A_149] : memref<10000x128xf32, #tpu.memory_space<hbm>> -> memref<80x128xf32, #tpu.memory_space<hbm>>
    %dma_wait3A_151 = arith.constant 0 : i32
    %dma_wait3A_152 = arith.constant 0 : i32
    %dma_wait3A_153 = tpu.memref_slice %arg2[%dma_wait3A_151, %dma_wait3A_152] : memref<10000x128xf32, #tpu.memory_space<hbm>> -> memref<80x128xf32, #tpu.memory_space<hbm>>
    tpu.wait_dma2 semaphore(%arg20 : memref<!tpu.dma_semaphore, #tpu.memory_space<semaphore_mem>>) src(%dma_wait3A_153 : memref<80x128xf32, #tpu.memory_space<hbm>>) dst(%arg15 : memref<80x128xf32, #tpu.memory_space<vmem>>)
    %dma_start3A_154 = arith.constant 0 : i32
    %dma_start3A_155 = arith.constant 0 : i32
    %dma_start3A_156 = tpu.memref_slice %arg7[%dma_start3A_154, %dma_start3A_155] : memref<10000x128xf32, #tpu.memory_space<vmem_shared>> -> memref<10000x128xf32, #tpu.memory_space<vmem_shared>>
    tpu.enqueue_indirect_dma source(%arg15 : memref<80x128xf32, #tpu.memory_space<vmem>>) target(%dma_start3A_156 : memref<10000x128xf32, #tpu.memory_space<vmem_shared>>) offsets(%arg12 : memref<80xi32, #tpu.memory_space<vmem>>) semaphore(%arg23 : memref<!tpu.dma_semaphore, #tpu.memory_space<semaphore_mem>>) {add = true}
    %scan3A_157 = arith.constant 0 : i32
    %scan3A_158 = arith.constant 0 : i32
    %scan3A_159 = arith.constant 7 : i32
    %scan3A_160 = arith.addi %scan3A_158, %scan3A_159 : i32
    %scan3A_161 = arith.constant 1 : i32
    %scan3A_162 = scf.for %scan3A_276 = %scan3A_158 to %scan3A_160 step %scan3A_161 iter_args(%scan3A_277 = %scan3A_157) -> (i32)  : i32 {
      %mul3A_278 = arith.constant 3 : i32
      %mul3A_279 = arith.muli %mul3A_278, %scan3A_276 : i32
      %add3A_280 = arith.constant 3 : i32
      %add3A_281 = arith.addi %add3A_280, %mul3A_279 : i32
      %dma_wait3A_282 = arith.constant 0 : i32
      %dma_wait3A_283 = arith.constant 0 : i32
      %dma_wait3A_284 = tpu.memref_slice %arg7[%dma_wait3A_282, %dma_wait3A_283] : memref<10000x128xf32, #tpu.memory_space<vmem_shared>> -> memref<10000x128xf32, #tpu.memory_space<vmem_shared>>
      tpu.wait_indirect_dma semaphore(%arg23 : memref<!tpu.dma_semaphore, #tpu.memory_space<semaphore_mem>>) src(%arg15 : memref<80x128xf32, #tpu.memory_space<vmem>>) dst(%dma_wait3A_284 : memref<10000x128xf32, #tpu.memory_space<vmem_shared>>)
      %mul3A_285 = arith.constant 80 : i32
      %mul3A_286 = arith.muli %add3A_281, %mul3A_285 : i32
      %add3A_287 = arith.constant 0 : i32
      %add3A_288 = arith.addi %mul3A_286, %add3A_287 : i32
      %get3A_289 = arith.index_cast %add3A_288 : i32 to index
      %get3A_290 = tpu.vector_load %arg9[%get3A_289] {strides = array<i32>} : memref<2000xi32, #tpu.memory_space<vmem>>, vector<16xi32>,
      %swap3A_291 = arith.constant 0 : index
      %swap3A_292 = tpu.vector_load %arg12[%swap3A_291] {strides = array<i32>} : memref<80xi32, #tpu.memory_space<vmem>>, vector<16xi32>,
      tpu.vector_store %arg12[%swap3A_291], %get3A_290 {strides = array<i32>} : memref<80xi32, #tpu.memory_space<vmem>>, vector<16xi32>,
      %mul3A_293 = arith.constant 80 : i32
      %mul3A_294 = arith.muli %add3A_281, %mul3A_293 : i32
      %add3A_295 = arith.constant 16 : i32
      %add3A_296 = arith.addi %mul3A_294, %add3A_295 : i32
      %get3A_297 = arith.index_cast %add3A_296 : i32 to index
      %get3A_298 = tpu.vector_load %arg9[%get3A_297] {strides = array<i32>} : memref<2000xi32, #tpu.memory_space<vmem>>, vector<16xi32>,
      %swap3A_299 = arith.constant 16 : index
      %swap3A_300 = tpu.vector_load %arg12[%swap3A_299] {strides = array<i32>} : memref<80xi32, #tpu.memory_space<vmem>>, vector<16xi32>,
      tpu.vector_store %arg12[%swap3A_299], %get3A_298 {strides = array<i32>} : memref<80xi32, #tpu.memory_space<vmem>>, vector<16xi32>,
      %mul3A_301 = arith.constant 80 : i32
      %mul3A_302 = arith.muli %add3A_281, %mul3A_301 : i32
      %add3A_303 = arith.constant 32 : i32
      %add3A_304 = arith.addi %mul3A_302, %add3A_303 : i32
      %get3A_305 = arith.index_cast %add3A_304 : i32 to index
      %get3A_306 = tpu.vector_load %arg9[%get3A_305] {strides = array<i32>} : memref<2000xi32, #tpu.memory_space<vmem>>, vector<16xi32>,
      %swap3A_307 = arith.constant 32 : index
      %swap3A_308 = tpu.vector_load %arg12[%swap3A_307] {strides = array<i32>} : memref<80xi32, #tpu.memory_space<vmem>>, vector<16xi32>,
      tpu.vector_store %arg12[%swap3A_307], %get3A_306 {strides = array<i32>} : memref<80xi32, #tpu.memory_space<vmem>>, vector<16xi32>,
      %mul3A_309 = arith.constant 80 : i32
      %mul3A_310 = arith.muli %add3A_281, %mul3A_309 : i32
      %add3A_311 = arith.constant 48 : i32
      %add3A_312 = arith.addi %mul3A_310, %add3A_311 : i32
      %get3A_313 = arith.index_cast %add3A_312 : i32 to index
      %get3A_314 = tpu.vector_load %arg9[%get3A_313] {strides = array<i32>} : memref<2000xi32, #tpu.memory_space<vmem>>, vector<16xi32>,
      %swap3A_315 = arith.constant 48 : index
      %swap3A_316 = tpu.vector_load %arg12[%swap3A_315] {strides = array<i32>} : memref<80xi32, #tpu.memory_space<vmem>>, vector<16xi32>,
      tpu.vector_store %arg12[%swap3A_315], %get3A_314 {strides = array<i32>} : memref<80xi32, #tpu.memory_space<vmem>>, vector<16xi32>,
      %mul3A_317 = arith.constant 80 : i32
      %mul3A_318 = arith.muli %add3A_281, %mul3A_317 : i32
      %add3A_319 = arith.constant 64 : i32
      %add3A_320 = arith.addi %mul3A_318, %add3A_319 : i32
      %get3A_321 = arith.index_cast %add3A_320 : i32 to index
      %get3A_322 = tpu.vector_load %arg9[%get3A_321] {strides = array<i32>} : memref<2000xi32, #tpu.memory_space<vmem>>, vector<16xi32>,
      %swap3A_323 = arith.constant 64 : index
      %swap3A_324 = tpu.vector_load %arg12[%swap3A_323] {strides = array<i32>} : memref<80xi32, #tpu.memory_space<vmem>>, vector<16xi32>,
      tpu.vector_store %arg12[%swap3A_323], %get3A_322 {strides = array<i32>} : memref<80xi32, #tpu.memory_space<vmem>>, vector<16xi32>,
      %mul3A_325 = arith.constant 80 : i32
      %mul3A_326 = arith.muli %add3A_281, %mul3A_325 : i32
      %dma_start3A_327 = tpu.memref_slice %arg8[%mul3A_326] : memref<2000xi32, #tpu.memory_space<vmem>> -> memref<80xi32, #tpu.memory_space<vmem>>
      %dma_start3A_328 = arith.constant 0 : i32
      %dma_start3A_329 = arith.constant 0 : i32
      %dma_start3A_330 = tpu.memref_slice %arg2[%dma_start3A_328, %dma_start3A_329] : memref<10000x128xf32, #tpu.memory_space<hbm>> -> memref<10000x128xf32, #tpu.memory_space<hbm>>
      tpu.enqueue_indirect_dma source(%dma_start3A_330 : memref<10000x128xf32, #tpu.memory_space<hbm>>) target(%arg15 : memref<80x128xf32, #tpu.memory_space<vmem>>) offsets(%dma_start3A_327 : memref<80xi32, #tpu.memory_space<vmem>>) semaphore(%arg20 : memref<!tpu.dma_semaphore, #tpu.memory_space<semaphore_mem>>)
      %broadcast_in_dim3A_331 = arith.constant 1.000000e+00 : f32
      %broadcast_in_dim3A_332 = vector.broadcast %broadcast_in_dim3A_331 : f32 to vector<16xf32>
      %broadcast_in_dim3A_333 = arith.constant 0 : i32
      %broadcast_in_dim3A_334 = vector.broadcast %broadcast_in_dim3A_333 : i32 to vector<16xi32>
      %get3A_335 = arith.constant 0 : index
      %get3A_336 = tpu.vector_load %arg13[%get3A_335] {strides = array<i32>} : memref<80xi32, #tpu.memory_space<vmem>>, vector<16xi32>,
      tpu.vector_store_idx %arg18[%broadcast_in_dim3A_334, %get3A_336], %broadcast_in_dim3A_332 {add = true} : memref<1x10240xf32, #tpu.memory_space<vmem>>[vector<16xi32>, vector<16xi32>], vector<16xf32>,
      %get3A_337 = arith.constant 16 : index
      %get3A_338 = tpu.vector_load %arg13[%get3A_337] {strides = array<i32>} : memref<80xi32, #tpu.memory_space<vmem>>, vector<16xi32>,
      tpu.vector_store_idx %arg18[%broadcast_in_dim3A_334, %get3A_338], %broadcast_in_dim3A_332 {add = true} : memref<1x10240xf32, #tpu.memory_space<vmem>>[vector<16xi32>, vector<16xi32>], vector<16xf32>,
      %get3A_339 = arith.constant 32 : index
      %get3A_340 = tpu.vector_load %arg13[%get3A_339] {strides = array<i32>} : memref<80xi32, #tpu.memory_space<vmem>>, vector<16xi32>,
      tpu.vector_store_idx %arg18[%broadcast_in_dim3A_334, %get3A_340], %broadcast_in_dim3A_332 {add = true} : memref<1x10240xf32, #tpu.memory_space<vmem>>[vector<16xi32>, vector<16xi32>], vector<16xf32>,
      %get3A_341 = arith.constant 48 : index
      %get3A_342 = tpu.vector_load %arg13[%get3A_341] {strides = array<i32>} : memref<80xi32, #tpu.memory_space<vmem>>, vector<16xi32>,
      tpu.vector_store_idx %arg18[%broadcast_in_dim3A_334, %get3A_342], %broadcast_in_dim3A_332 {add = true} : memref<1x10240xf32, #tpu.memory_space<vmem>>[vector<16xi32>, vector<16xi32>], vector<16xf32>,
      %get3A_343 = arith.constant 64 : index
      %get3A_344 = tpu.vector_load %arg13[%get3A_343] {strides = array<i32>} : memref<80xi32, #tpu.memory_space<vmem>>, vector<16xi32>,
      tpu.vector_store_idx %arg18[%broadcast_in_dim3A_334, %get3A_344], %broadcast_in_dim3A_332 {add = true} : memref<1x10240xf32, #tpu.memory_space<vmem>>[vector<16xi32>, vector<16xi32>], vector<16xf32>,
      %dma_wait3A_345 = arith.constant 0 : i32
      %dma_wait3A_346 = arith.constant 0 : i32
      %dma_wait3A_347 = tpu.memref_slice %arg2[%dma_wait3A_345, %dma_wait3A_346] : memref<10000x128xf32, #tpu.memory_space<hbm>> -> memref<80x128xf32, #tpu.memory_space<hbm>>
      %dma_wait3A_348 = arith.constant 0 : i32
      %dma_wait3A_349 = arith.constant 0 : i32
      %dma_wait3A_350 = tpu.memref_slice %arg2[%dma_wait3A_348, %dma_wait3A_349] : memref<10000x128xf32, #tpu.memory_space<hbm>> -> memref<80x128xf32, #tpu.memory_space<hbm>>
      tpu.wait_dma2 semaphore(%arg21 : memref<!tpu.dma_semaphore, #tpu.memory_space<semaphore_mem>>) src(%dma_wait3A_350 : memref<80x128xf32, #tpu.memory_space<hbm>>) dst(%arg16 : memref<80x128xf32, #tpu.memory_space<vmem>>)
      %dma_start3A_351 = arith.constant 0 : i32
      %dma_start3A_352 = arith.constant 0 : i32
      %dma_start3A_353 = tpu.memref_slice %arg7[%dma_start3A_351, %dma_start3A_352] : memref<10000x128xf32, #tpu.memory_space<vmem_shared>> -> memref<10000x128xf32, #tpu.memory_space<vmem_shared>>
      tpu.enqueue_indirect_dma source(%arg16 : memref<80x128xf32, #tpu.memory_space<vmem>>) target(%dma_start3A_353 : memref<10000x128xf32, #tpu.memory_space<vmem_shared>>) offsets(%arg13 : memref<80xi32, #tpu.memory_space<vmem>>) semaphore(%arg24 : memref<!tpu.dma_semaphore, #tpu.memory_space<semaphore_mem>>) {add = true}
      %add3A_354 = arith.constant 1 : i32
      %add3A_355 = arith.addi %add3A_281, %add3A_354 : i32
      %dma_wait3A_356 = arith.constant 0 : i32
      %dma_wait3A_357 = arith.constant 0 : i32
      %dma_wait3A_358 = tpu.memref_slice %arg7[%dma_wait3A_356, %dma_wait3A_357] : memref<10000x128xf32, #tpu.memory_space<vmem_shared>> -> memref<10000x128xf32, #tpu.memory_space<vmem_shared>>
      tpu.wait_indirect_dma semaphore(%arg24 : memref<!tpu.dma_semaphore, #tpu.memory_space<semaphore_mem>>) src(%arg16 : memref<80x128xf32, #tpu.memory_space<vmem>>) dst(%dma_wait3A_358 : memref<10000x128xf32, #tpu.memory_space<vmem_shared>>)
      %mul3A_359 = arith.constant 80 : i32
      %mul3A_360 = arith.muli %add3A_355, %mul3A_359 : i32
      %add3A_361 = arith.constant 0 : i32
      %add3A_362 = arith.addi %mul3A_360, %add3A_361 : i32
      %get3A_363 = arith.index_cast %add3A_362 : i32 to index
      %get3A_364 = tpu.vector_load %arg9[%get3A_363] {strides = array<i32>} : memref<2000xi32, #tpu.memory_space<vmem>>, vector<16xi32>,
      %swap3A_365 = arith.constant 0 : index
      %swap3A_366 = tpu.vector_load %arg13[%swap3A_365] {strides = array<i32>} : memref<80xi32, #tpu.memory_space<vmem>>, vector<16xi32>,
      tpu.vector_store %arg13[%swap3A_365], %get3A_364 {strides = array<i32>} : memref<80xi32, #tpu.memory_space<vmem>>, vector<16xi32>,
      %mul3A_367 = arith.constant 80 : i32
      %mul3A_368 = arith.muli %add3A_355, %mul3A_367 : i32
      %add3A_369 = arith.constant 16 : i32
      %add3A_370 = arith.addi %mul3A_368, %add3A_369 : i32
      %get3A_371 = arith.index_cast %add3A_370 : i32 to index
      %get3A_372 = tpu.vector_load %arg9[%get3A_371] {strides = array<i32>} : memref<2000xi32, #tpu.memory_space<vmem>>, vector<16xi32>,
      %swap3A_373 = arith.constant 16 : index
      %swap3A_374 = tpu.vector_load %arg13[%swap3A_373] {strides = array<i32>} : memref<80xi32, #tpu.memory_space<vmem>>, vector<16xi32>,
      tpu.vector_store %arg13[%swap3A_373], %get3A_372 {strides = array<i32>} : memref<80xi32, #tpu.memory_space<vmem>>, vector<16xi32>,
      %mul3A_375 = arith.constant 80 : i32
      %mul3A_376 = arith.muli %add3A_355, %mul3A_375 : i32
      %add3A_377 = arith.constant 32 : i32
      %add3A_378 = arith.addi %mul3A_376, %add3A_377 : i32
      %get3A_379 = arith.index_cast %add3A_378 : i32 to index
      %get3A_380 = tpu.vector_load %arg9[%get3A_379] {strides = array<i32>} : memref<2000xi32, #tpu.memory_space<vmem>>, vector<16xi32>,
      %swap3A_381 = arith.constant 32 : index
      %swap3A_382 = tpu.vector_load %arg13[%swap3A_381] {strides = array<i32>} : memref<80xi32, #tpu.memory_space<vmem>>, vector<16xi32>,
      tpu.vector_store %arg13[%swap3A_381], %get3A_380 {strides = array<i32>} : memref<80xi32, #tpu.memory_space<vmem>>, vector<16xi32>,
      %mul3A_383 = arith.constant 80 : i32
      %mul3A_384 = arith.muli %add3A_355, %mul3A_383 : i32
      %add3A_385 = arith.constant 48 : i32
      %add3A_386 = arith.addi %mul3A_384, %add3A_385 : i32
      %get3A_387 = arith.index_cast %add3A_386 : i32 to index
      %get3A_388 = tpu.vector_load %arg9[%get3A_387] {strides = array<i32>} : memref<2000xi32, #tpu.memory_space<vmem>>, vector<16xi32>,
      %swap3A_389 = arith.constant 48 : index
      %swap3A_390 = tpu.vector_load %arg13[%swap3A_389] {strides = array<i32>} : memref<80xi32, #tpu.memory_space<vmem>>, vector<16xi32>,
      tpu.vector_store %arg13[%swap3A_389], %get3A_388 {strides = array<i32>} : memref<80xi32, #tpu.memory_space<vmem>>, vector<16xi32>,
      %mul3A_391 = arith.constant 80 : i32
      %mul3A_392 = arith.muli %add3A_355, %mul3A_391 : i32
      %add3A_393 = arith.constant 64 : i32
      %add3A_394 = arith.addi %mul3A_392, %add3A_393 : i32
      %get3A_395 = arith.index_cast %add3A_394 : i32 to index
      %get3A_396 = tpu.vector_load %arg9[%get3A_395] {strides = array<i32>} : memref<2000xi32, #tpu.memory_space<vmem>>, vector<16xi32>,
      %swap3A_397 = arith.constant 64 : index
      %swap3A_398 = tpu.vector_load %arg13[%swap3A_397] {strides = array<i32>} : memref<80xi32, #tpu.memory_space<vmem>>, vector<16xi32>,
      tpu.vector_store %arg13[%swap3A_397], %get3A_396 {strides = array<i32>} : memref<80xi32, #tpu.memory_space<vmem>>, vector<16xi32>,
      %mul3A_399 = arith.constant 80 : i32
      %mul3A_400 = arith.muli %add3A_355, %mul3A_399 : i32
      %dma_start3A_401 = tpu.memref_slice %arg8[%mul3A_400] : memref<2000xi32, #tpu.memory_space<vmem>> -> memref<80xi32, #tpu.memory_space<vmem>>
      %dma_start3A_402 = arith.constant 0 : i32
      %dma_start3A_403 = arith.constant 0 : i32
      %dma_start3A_404 = tpu.memref_slice %arg2[%dma_start3A_402, %dma_start3A_403] : memref<10000x128xf32, #tpu.memory_space<hbm>> -> memref<10000x128xf32, #tpu.memory_space<hbm>>
      tpu.enqueue_indirect_dma source(%dma_start3A_404 : memref<10000x128xf32, #tpu.memory_space<hbm>>) target(%arg16 : memref<80x128xf32, #tpu.memory_space<vmem>>) offsets(%dma_start3A_401 : memref<80xi32, #tpu.memory_space<vmem>>) semaphore(%arg21 : memref<!tpu.dma_semaphore, #tpu.memory_space<semaphore_mem>>)
      %broadcast_in_dim3A_405 = arith.constant 1.000000e+00 : f32
      %broadcast_in_dim3A_406 = vector.broadcast %broadcast_in_dim3A_405 : f32 to vector<16xf32>
      %broadcast_in_dim3A_407 = arith.constant 0 : i32
      %broadcast_in_dim3A_408 = vector.broadcast %broadcast_in_dim3A_407 : i32 to vector<16xi32>
      %get3A_409 = arith.constant 0 : index
      %get3A_410 = tpu.vector_load %arg14[%get3A_409] {strides = array<i32>} : memref<80xi32, #tpu.memory_space<vmem>>, vector<16xi32>,
      tpu.vector_store_idx %arg18[%broadcast_in_dim3A_408, %get3A_410], %broadcast_in_dim3A_406 {add = true} : memref<1x10240xf32, #tpu.memory_space<vmem>>[vector<16xi32>, vector<16xi32>], vector<16xf32>,
      %get3A_411 = arith.constant 16 : index
      %get3A_412 = tpu.vector_load %arg14[%get3A_411] {strides = array<i32>} : memref<80xi32, #tpu.memory_space<vmem>>, vector<16xi32>,
      tpu.vector_store_idx %arg18[%broadcast_in_dim3A_408, %get3A_412], %broadcast_in_dim3A_406 {add = true} : memref<1x10240xf32, #tpu.memory_space<vmem>>[vector<16xi32>, vector<16xi32>], vector<16xf32>,
      %get3A_413 = arith.constant 32 : index
      %get3A_414 = tpu.vector_load %arg14[%get3A_413] {strides = array<i32>} : memref<80xi32, #tpu.memory_space<vmem>>, vector<16xi32>,
      tpu.vector_store_idx %arg18[%broadcast_in_dim3A_408, %get3A_414], %broadcast_in_dim3A_406 {add = true} : memref<1x10240xf32, #tpu.memory_space<vmem>>[vector<16xi32>, vector<16xi32>], vector<16xf32>,
      %get3A_415 = arith.constant 48 : index
      %get3A_416 = tpu.vector_load %arg14[%get3A_415] {strides = array<i32>} : memref<80xi32, #tpu.memory_space<vmem>>, vector<16xi32>,
      tpu.vector_store_idx %arg18[%broadcast_in_dim3A_408, %get3A_416], %broadcast_in_dim3A_406 {add = true} : memref<1x10240xf32, #tpu.memory_space<vmem>>[vector<16xi32>, vector<16xi32>], vector<16xf32>,
      %get3A_417 = arith.constant 64 : index
      %get3A_418 = tpu.vector_load %arg14[%get3A_417] {strides = array<i32>} : memref<80xi32, #tpu.memory_space<vmem>>, vector<16xi32>,
      tpu.vector_store_idx %arg18[%broadcast_in_dim3A_408, %get3A_418], %broadcast_in_dim3A_406 {add = true} : memref<1x10240xf32, #tpu.memory_space<vmem>>[vector<16xi32>, vector<16xi32>], vector<16xf32>,
      %dma_wait3A_419 = arith.constant 0 : i32
      %dma_wait3A_420 = arith.constant 0 : i32
      %dma_wait3A_421 = tpu.memref_slice %arg2[%dma_wait3A_419, %dma_wait3A_420] : memref<10000x128xf32, #tpu.memory_space<hbm>> -> memref<80x128xf32, #tpu.memory_space<hbm>>
      %dma_wait3A_422 = arith.constant 0 : i32
      %dma_wait3A_423 = arith.constant 0 : i32
      %dma_wait3A_424 = tpu.memref_slice %arg2[%dma_wait3A_422, %dma_wait3A_423] : memref<10000x128xf32, #tpu.memory_space<hbm>> -> memref<80x128xf32, #tpu.memory_space<hbm>>
      tpu.wait_dma2 semaphore(%arg22 : memref<!tpu.dma_semaphore, #tpu.memory_space<semaphore_mem>>) src(%dma_wait3A_424 : memref<80x128xf32, #tpu.memory_space<hbm>>) dst(%arg17 : memref<80x128xf32, #tpu.memory_space<vmem>>)
      %dma_start3A_425 = arith.constant 0 : i32
      %dma_start3A_426 = arith.constant 0 : i32
      %dma_start3A_427 = tpu.memref_slice %arg7[%dma_start3A_425, %dma_start3A_426] : memref<10000x128xf32, #tpu.memory_space<vmem_shared>> -> memref<10000x128xf32, #tpu.memory_space<vmem_shared>>
      tpu.enqueue_indirect_dma source(%arg17 : memref<80x128xf32, #tpu.memory_space<vmem>>) target(%dma_start3A_427 : memref<10000x128xf32, #tpu.memory_space<vmem_shared>>) offsets(%arg14 : memref<80xi32, #tpu.memory_space<vmem>>) semaphore(%arg25 : memref<!tpu.dma_semaphore, #tpu.memory_space<semaphore_mem>>) {add = true}
      %add3A_428 = arith.constant 2 : i32
      %add3A_429 = arith.addi %add3A_281, %add3A_428 : i32
      %dma_wait3A_430 = arith.constant 0 : i32
      %dma_wait3A_431 = arith.constant 0 : i32
      %dma_wait3A_432 = tpu.memref_slice %arg7[%dma_wait3A_430, %dma_wait3A_431] : memref<10000x128xf32, #tpu.memory_space<vmem_shared>> -> memref<10000x128xf32, #tpu.memory_space<vmem_shared>>
      tpu.wait_indirect_dma semaphore(%arg25 : memref<!tpu.dma_semaphore, #tpu.memory_space<semaphore_mem>>) src(%arg17 : memref<80x128xf32, #tpu.memory_space<vmem>>) dst(%dma_wait3A_432 : memref<10000x128xf32, #tpu.memory_space<vmem_shared>>)
      %mul3A_433 = arith.constant 80 : i32
      %mul3A_434 = arith.muli %add3A_429, %mul3A_433 : i32
      %add3A_435 = arith.constant 0 : i32
      %add3A_436 = arith.addi %mul3A_434, %add3A_435 : i32
      %get3A_437 = arith.index_cast %add3A_436 : i32 to index
      %get3A_438 = tpu.vector_load %arg9[%get3A_437] {strides = array<i32>} : memref<2000xi32, #tpu.memory_space<vmem>>, vector<16xi32>,
      %swap3A_439 = arith.constant 0 : index
      %swap3A_440 = tpu.vector_load %arg14[%swap3A_439] {strides = array<i32>} : memref<80xi32, #tpu.memory_space<vmem>>, vector<16xi32>,
      tpu.vector_store %arg14[%swap3A_439], %get3A_438 {strides = array<i32>} : memref<80xi32, #tpu.memory_space<vmem>>, vector<16xi32>,
      %mul3A_441 = arith.constant 80 : i32
      %mul3A_442 = arith.muli %add3A_429, %mul3A_441 : i32
      %add3A_443 = arith.constant 16 : i32
      %add3A_444 = arith.addi %mul3A_442, %add3A_443 : i32
      %get3A_445 = arith.index_cast %add3A_444 : i32 to index
      %get3A_446 = tpu.vector_load %arg9[%get3A_445] {strides = array<i32>} : memref<2000xi32, #tpu.memory_space<vmem>>, vector<16xi32>,
      %swap3A_447 = arith.constant 16 : index
      %swap3A_448 = tpu.vector_load %arg14[%swap3A_447] {strides = array<i32>} : memref<80xi32, #tpu.memory_space<vmem>>, vector<16xi32>,
      tpu.vector_store %arg14[%swap3A_447], %get3A_446 {strides = array<i32>} : memref<80xi32, #tpu.memory_space<vmem>>, vector<16xi32>,
      %mul3A_449 = arith.constant 80 : i32
      %mul3A_450 = arith.muli %add3A_429, %mul3A_449 : i32
      %add3A_451 = arith.constant 32 : i32
      %add3A_452 = arith.addi %mul3A_450, %add3A_451 : i32
      %get3A_453 = arith.index_cast %add3A_452 : i32 to index
      %get3A_454 = tpu.vector_load %arg9[%get3A_453] {strides = array<i32>} : memref<2000xi32, #tpu.memory_space<vmem>>, vector<16xi32>,
      %swap3A_455 = arith.constant 32 : index
      %swap3A_456 = tpu.vector_load %arg14[%swap3A_455] {strides = array<i32>} : memref<80xi32, #tpu.memory_space<vmem>>, vector<16xi32>,
      tpu.vector_store %arg14[%swap3A_455], %get3A_454 {strides = array<i32>} : memref<80xi32, #tpu.memory_space<vmem>>, vector<16xi32>,
      %mul3A_457 = arith.constant 80 : i32
      %mul3A_458 = arith.muli %add3A_429, %mul3A_457 : i32
      %add3A_459 = arith.constant 48 : i32
      %add3A_460 = arith.addi %mul3A_458, %add3A_459 : i32
      %get3A_461 = arith.index_cast %add3A_460 : i32 to index
      %get3A_462 = tpu.vector_load %arg9[%get3A_461] {strides = array<i32>} : memref<2000xi32, #tpu.memory_space<vmem>>, vector<16xi32>,
      %swap3A_463 = arith.constant 48 : index
      %swap3A_464 = tpu.vector_load %arg14[%swap3A_463] {strides = array<i32>} : memref<80xi32, #tpu.memory_space<vmem>>, vector<16xi32>,
      tpu.vector_store %arg14[%swap3A_463], %get3A_462 {strides = array<i32>} : memref<80xi32, #tpu.memory_space<vmem>>, vector<16xi32>,
      %mul3A_465 = arith.constant 80 : i32
      %mul3A_466 = arith.muli %add3A_429, %mul3A_465 : i32
      %add3A_467 = arith.constant 64 : i32
      %add3A_468 = arith.addi %mul3A_466, %add3A_467 : i32
      %get3A_469 = arith.index_cast %add3A_468 : i32 to index
      %get3A_470 = tpu.vector_load %arg9[%get3A_469] {strides = array<i32>} : memref<2000xi32, #tpu.memory_space<vmem>>, vector<16xi32>,
      %swap3A_471 = arith.constant 64 : index
      %swap3A_472 = tpu.vector_load %arg14[%swap3A_471] {strides = array<i32>} : memref<80xi32, #tpu.memory_space<vmem>>, vector<16xi32>,
      tpu.vector_store %arg14[%swap3A_471], %get3A_470 {strides = array<i32>} : memref<80xi32, #tpu.memory_space<vmem>>, vector<16xi32>,
      %mul3A_473 = arith.constant 80 : i32
      %mul3A_474 = arith.muli %add3A_429, %mul3A_473 : i32
      %dma_start3A_475 = tpu.memref_slice %arg8[%mul3A_474] : memref<2000xi32, #tpu.memory_space<vmem>> -> memref<80xi32, #tpu.memory_space<vmem>>
      %dma_start3A_476 = arith.constant 0 : i32
      %dma_start3A_477 = arith.constant 0 : i32
      %dma_start3A_478 = tpu.memref_slice %arg2[%dma_start3A_476, %dma_start3A_477] : memref<10000x128xf32, #tpu.memory_space<hbm>> -> memref<10000x128xf32, #tpu.memory_space<hbm>>
      tpu.enqueue_indirect_dma source(%dma_start3A_478 : memref<10000x128xf32, #tpu.memory_space<hbm>>) target(%arg17 : memref<80x128xf32, #tpu.memory_space<vmem>>) offsets(%dma_start3A_475 : memref<80xi32, #tpu.memory_space<vmem>>) semaphore(%arg22 : memref<!tpu.dma_semaphore, #tpu.memory_space<semaphore_mem>>)
      %broadcast_in_dim3A_479 = arith.constant 1.000000e+00 : f32
      %broadcast_in_dim3A_480 = vector.broadcast %broadcast_in_dim3A_479 : f32 to vector<16xf32>
      %broadcast_in_dim3A_481 = arith.constant 0 : i32
      %broadcast_in_dim3A_482 = vector.broadcast %broadcast_in_dim3A_481 : i32 to vector<16xi32>
      %get3A_483 = arith.constant 0 : index
      %get3A_484 = tpu.vector_load %arg12[%get3A_483] {strides = array<i32>} : memref<80xi32, #tpu.memory_space<vmem>>, vector<16xi32>,
      tpu.vector_store_idx %arg18[%broadcast_in_dim3A_482, %get3A_484], %broadcast_in_dim3A_480 {add = true} : memref<1x10240xf32, #tpu.memory_space<vmem>>[vector<16xi32>, vector<16xi32>], vector<16xf32>,
      %get3A_485 = arith.constant 16 : index
      %get3A_486 = tpu.vector_load %arg12[%get3A_485] {strides = array<i32>} : memref<80xi32, #tpu.memory_space<vmem>>, vector<16xi32>,
      tpu.vector_store_idx %arg18[%broadcast_in_dim3A_482, %get3A_486], %broadcast_in_dim3A_480 {add = true} : memref<1x10240xf32, #tpu.memory_space<vmem>>[vector<16xi32>, vector<16xi32>], vector<16xf32>,
      %get3A_487 = arith.constant 32 : index
      %get3A_488 = tpu.vector_load %arg12[%get3A_487] {strides = array<i32>} : memref<80xi32, #tpu.memory_space<vmem>>, vector<16xi32>,
      tpu.vector_store_idx %arg18[%broadcast_in_dim3A_482, %get3A_488], %broadcast_in_dim3A_480 {add = true} : memref<1x10240xf32, #tpu.memory_space<vmem>>[vector<16xi32>, vector<16xi32>], vector<16xf32>,
      %get3A_489 = arith.constant 48 : index
      %get3A_490 = tpu.vector_load %arg12[%get3A_489] {strides = array<i32>} : memref<80xi32, #tpu.memory_space<vmem>>, vector<16xi32>,
      tpu.vector_store_idx %arg18[%broadcast_in_dim3A_482, %get3A_490], %broadcast_in_dim3A_480 {add = true} : memref<1x10240xf32, #tpu.memory_space<vmem>>[vector<16xi32>, vector<16xi32>], vector<16xf32>,
      %get3A_491 = arith.constant 64 : index
      %get3A_492 = tpu.vector_load %arg12[%get3A_491] {strides = array<i32>} : memref<80xi32, #tpu.memory_space<vmem>>, vector<16xi32>,
      tpu.vector_store_idx %arg18[%broadcast_in_dim3A_482, %get3A_492], %broadcast_in_dim3A_480 {add = true} : memref<1x10240xf32, #tpu.memory_space<vmem>>[vector<16xi32>, vector<16xi32>], vector<16xf32>,
      %dma_wait3A_493 = arith.constant 0 : i32
      %dma_wait3A_494 = arith.constant 0 : i32
      %dma_wait3A_495 = tpu.memref_slice %arg2[%dma_wait3A_493, %dma_wait3A_494] : memref<10000x128xf32, #tpu.memory_space<hbm>> -> memref<80x128xf32, #tpu.memory_space<hbm>>
      %dma_wait3A_496 = arith.constant 0 : i32
      %dma_wait3A_497 = arith.constant 0 : i32
      %dma_wait3A_498 = tpu.memref_slice %arg2[%dma_wait3A_496, %dma_wait3A_497] : memref<10000x128xf32, #tpu.memory_space<hbm>> -> memref<80x128xf32, #tpu.memory_space<hbm>>
      tpu.wait_dma2 semaphore(%arg20 : memref<!tpu.dma_semaphore, #tpu.memory_space<semaphore_mem>>) src(%dma_wait3A_498 : memref<80x128xf32, #tpu.memory_space<hbm>>) dst(%arg15 : memref<80x128xf32, #tpu.memory_space<vmem>>)
      %dma_start3A_499 = arith.constant 0 : i32
      %dma_start3A_500 = arith.constant 0 : i32
      %dma_start3A_501 = tpu.memref_slice %arg7[%dma_start3A_499, %dma_start3A_500] : memref<10000x128xf32, #tpu.memory_space<vmem_shared>> -> memref<10000x128xf32, #tpu.memory_space<vmem_shared>>
      tpu.enqueue_indirect_dma source(%arg15 : memref<80x128xf32, #tpu.memory_space<vmem>>) target(%dma_start3A_501 : memref<10000x128xf32, #tpu.memory_space<vmem_shared>>) offsets(%arg12 : memref<80xi32, #tpu.memory_space<vmem>>) semaphore(%arg23 : memref<!tpu.dma_semaphore, #tpu.memory_space<semaphore_mem>>) {add = true}
      %scan3A_502 = arith.constant 0 : i32
      scf.yield %scan3A_502 : i32
    }
    %scan3A_163 = arith.constant 7 : i32
    %dma_wait3A_164 = arith.constant 0 : i32
    %dma_wait3A_165 = arith.constant 0 : i32
    %dma_wait3A_166 = tpu.memref_slice %arg7[%dma_wait3A_164, %dma_wait3A_165] : memref<10000x128xf32, #tpu.memory_space<vmem_shared>> -> memref<10000x128xf32, #tpu.memory_space<vmem_shared>>
    tpu.wait_indirect_dma semaphore(%arg23 : memref<!tpu.dma_semaphore, #tpu.memory_space<semaphore_mem>>) src(%arg15 : memref<80x128xf32, #tpu.memory_space<vmem>>) dst(%dma_wait3A_166 : memref<10000x128xf32, #tpu.memory_space<vmem_shared>>)
    %get3A_167 = arith.constant 1920 : index
    %get3A_168 = tpu.vector_load %arg9[%get3A_167] {strides = array<i32>} : memref<2000xi32, #tpu.memory_space<vmem>>, vector<16xi32>,
    %swap3A_169 = arith.constant 0 : index
    %swap3A_170 = tpu.vector_load %arg12[%swap3A_169] {strides = array<i32>} : memref<80xi32, #tpu.memory_space<vmem>>, vector<16xi32>,
    tpu.vector_store %arg12[%swap3A_169], %get3A_168 {strides = array<i32>} : memref<80xi32, #tpu.memory_space<vmem>>, vector<16xi32>,
    %get3A_171 = arith.constant 1936 : index
    %get3A_172 = tpu.vector_load %arg9[%get3A_171] {strides = array<i32>} : memref<2000xi32, #tpu.memory_space<vmem>>, vector<16xi32>,
    %swap3A_173 = arith.constant 16 : index
    %swap3A_174 = tpu.vector_load %arg12[%swap3A_173] {strides = array<i32>} : memref<80xi32, #tpu.memory_space<vmem>>, vector<16xi32>,
    tpu.vector_store %arg12[%swap3A_173], %get3A_172 {strides = array<i32>} : memref<80xi32, #tpu.memory_space<vmem>>, vector<16xi32>,
    %get3A_175 = arith.constant 1952 : index
    %get3A_176 = tpu.vector_load %arg9[%get3A_175] {strides = array<i32>} : memref<2000xi32, #tpu.memory_space<vmem>>, vector<16xi32>,
    %swap3A_177 = arith.constant 32 : index
    %swap3A_178 = tpu.vector_load %arg12[%swap3A_177] {strides = array<i32>} : memref<80xi32, #tpu.memory_space<vmem>>, vector<16xi32>,
    tpu.vector_store %arg12[%swap3A_177], %get3A_176 {strides = array<i32>} : memref<80xi32, #tpu.memory_space<vmem>>, vector<16xi32>,
    %get3A_179 = arith.constant 1968 : index
    %get3A_180 = tpu.vector_load %arg9[%get3A_179] {strides = array<i32>} : memref<2000xi32, #tpu.memory_space<vmem>>, vector<16xi32>,
    %swap3A_181 = arith.constant 48 : index
    %swap3A_182 = tpu.vector_load %arg12[%swap3A_181] {strides = array<i32>} : memref<80xi32, #tpu.memory_space<vmem>>, vector<16xi32>,
    tpu.vector_store %arg12[%swap3A_181], %get3A_180 {strides = array<i32>} : memref<80xi32, #tpu.memory_space<vmem>>, vector<16xi32>,
    %get3A_183 = arith.constant 1984 : index
    %get3A_184 = tpu.vector_load %arg9[%get3A_183] {strides = array<i32>} : memref<2000xi32, #tpu.memory_space<vmem>>, vector<16xi32>,
    %swap3A_185 = arith.constant 64 : index
    %swap3A_186 = tpu.vector_load %arg12[%swap3A_185] {strides = array<i32>} : memref<80xi32, #tpu.memory_space<vmem>>, vector<16xi32>,
    tpu.vector_store %arg12[%swap3A_185], %get3A_184 {strides = array<i32>} : memref<80xi32, #tpu.memory_space<vmem>>, vector<16xi32>,
    %dma_start3A_187 = arith.constant 1920 : i32
    %dma_start3A_188 = tpu.memref_slice %arg8[%dma_start3A_187] : memref<2000xi32, #tpu.memory_space<vmem>> -> memref<80xi32, #tpu.memory_space<vmem>>
    %dma_start3A_189 = arith.constant 0 : i32
    %dma_start3A_190 = arith.constant 0 : i32
    %dma_start3A_191 = tpu.memref_slice %arg2[%dma_start3A_189, %dma_start3A_190] : memref<10000x128xf32, #tpu.memory_space<hbm>> -> memref<10000x128xf32, #tpu.memory_space<hbm>>
    tpu.enqueue_indirect_dma source(%dma_start3A_191 : memref<10000x128xf32, #tpu.memory_space<hbm>>) target(%arg15 : memref<80x128xf32, #tpu.memory_space<vmem>>) offsets(%dma_start3A_188 : memref<80xi32, #tpu.memory_space<vmem>>) semaphore(%arg20 : memref<!tpu.dma_semaphore, #tpu.memory_space<semaphore_mem>>)
    %broadcast_in_dim3A_192 = arith.constant 1.000000e+00 : f32
    %broadcast_in_dim3A_193 = vector.broadcast %broadcast_in_dim3A_192 : f32 to vector<16xf32>
    %broadcast_in_dim3A_194 = arith.constant 0 : i32
    %broadcast_in_dim3A_195 = vector.broadcast %broadcast_in_dim3A_194 : i32 to vector<16xi32>
    %get3A_196 = arith.constant 0 : index
    %get3A_197 = tpu.vector_load %arg13[%get3A_196] {strides = array<i32>} : memref<80xi32, #tpu.memory_space<vmem>>, vector<16xi32>,
    tpu.vector_store_idx %arg18[%broadcast_in_dim3A_195, %get3A_197], %broadcast_in_dim3A_193 {add = true} : memref<1x10240xf32, #tpu.memory_space<vmem>>[vector<16xi32>, vector<16xi32>], vector<16xf32>,
    %get3A_198 = arith.constant 16 : index
    %get3A_199 = tpu.vector_load %arg13[%get3A_198] {strides = array<i32>} : memref<80xi32, #tpu.memory_space<vmem>>, vector<16xi32>,
    tpu.vector_store_idx %arg18[%broadcast_in_dim3A_195, %get3A_199], %broadcast_in_dim3A_193 {add = true} : memref<1x10240xf32, #tpu.memory_space<vmem>>[vector<16xi32>, vector<16xi32>], vector<16xf32>,
    %get3A_200 = arith.constant 32 : index
    %get3A_201 = tpu.vector_load %arg13[%get3A_200] {strides = array<i32>} : memref<80xi32, #tpu.memory_space<vmem>>, vector<16xi32>,
    tpu.vector_store_idx %arg18[%broadcast_in_dim3A_195, %get3A_201], %broadcast_in_dim3A_193 {add = true} : memref<1x10240xf32, #tpu.memory_space<vmem>>[vector<16xi32>, vector<16xi32>], vector<16xf32>,
    %get3A_202 = arith.constant 48 : index
    %get3A_203 = tpu.vector_load %arg13[%get3A_202] {strides = array<i32>} : memref<80xi32, #tpu.memory_space<vmem>>, vector<16xi32>,
    tpu.vector_store_idx %arg18[%broadcast_in_dim3A_195, %get3A_203], %broadcast_in_dim3A_193 {add = true} : memref<1x10240xf32, #tpu.memory_space<vmem>>[vector<16xi32>, vector<16xi32>], vector<16xf32>,
    %get3A_204 = arith.constant 64 : index
    %get3A_205 = tpu.vector_load %arg13[%get3A_204] {strides = array<i32>} : memref<80xi32, #tpu.memory_space<vmem>>, vector<16xi32>,
    tpu.vector_store_idx %arg18[%broadcast_in_dim3A_195, %get3A_205], %broadcast_in_dim3A_193 {add = true} : memref<1x10240xf32, #tpu.memory_space<vmem>>[vector<16xi32>, vector<16xi32>], vector<16xf32>,
    %dma_wait3A_206 = arith.constant 0 : i32
    %dma_wait3A_207 = arith.constant 0 : i32
    %dma_wait3A_208 = tpu.memref_slice %arg2[%dma_wait3A_206, %dma_wait3A_207] : memref<10000x128xf32, #tpu.memory_space<hbm>> -> memref<80x128xf32, #tpu.memory_space<hbm>>
    %dma_wait3A_209 = arith.constant 0 : i32
    %dma_wait3A_210 = arith.constant 0 : i32
    %dma_wait3A_211 = tpu.memref_slice %arg2[%dma_wait3A_209, %dma_wait3A_210] : memref<10000x128xf32, #tpu.memory_space<hbm>> -> memref<80x128xf32, #tpu.memory_space<hbm>>
    tpu.wait_dma2 semaphore(%arg21 : memref<!tpu.dma_semaphore, #tpu.memory_space<semaphore_mem>>) src(%dma_wait3A_211 : memref<80x128xf32, #tpu.memory_space<hbm>>) dst(%arg16 : memref<80x128xf32, #tpu.memory_space<vmem>>)
    %dma_start3A_212 = arith.constant 0 : i32
    %dma_start3A_213 = arith.constant 0 : i32
    %dma_start3A_214 = tpu.memref_slice %arg7[%dma_start3A_212, %dma_start3A_213] : memref<10000x128xf32, #tpu.memory_space<vmem_shared>> -> memref<10000x128xf32, #tpu.memory_space<vmem_shared>>
    tpu.enqueue_indirect_dma source(%arg16 : memref<80x128xf32, #tpu.memory_space<vmem>>) target(%dma_start3A_214 : memref<10000x128xf32, #tpu.memory_space<vmem_shared>>) offsets(%arg13 : memref<80xi32, #tpu.memory_space<vmem>>) semaphore(%arg24 : memref<!tpu.dma_semaphore, #tpu.memory_space<semaphore_mem>>) {add = true}
    %broadcast_in_dim3A_215 = arith.constant 1.000000e+00 : f32
    %broadcast_in_dim3A_216 = vector.broadcast %broadcast_in_dim3A_215 : f32 to vector<16xf32>
    %broadcast_in_dim3A_217 = arith.constant 0 : i32
    %broadcast_in_dim3A_218 = vector.broadcast %broadcast_in_dim3A_217 : i32 to vector<16xi32>
    %get3A_219 = arith.constant 0 : index
    %get3A_220 = tpu.vector_load %arg14[%get3A_219] {strides = array<i32>} : memref<80xi32, #tpu.memory_space<vmem>>, vector<16xi32>,
    tpu.vector_store_idx %arg18[%broadcast_in_dim3A_218, %get3A_220], %broadcast_in_dim3A_216 {add = true} : memref<1x10240xf32, #tpu.memory_space<vmem>>[vector<16xi32>, vector<16xi32>], vector<16xf32>,
    %get3A_221 = arith.constant 16 : index
    %get3A_222 = tpu.vector_load %arg14[%get3A_221] {strides = array<i32>} : memref<80xi32, #tpu.memory_space<vmem>>, vector<16xi32>,
    tpu.vector_store_idx %arg18[%broadcast_in_dim3A_218, %get3A_222], %broadcast_in_dim3A_216 {add = true} : memref<1x10240xf32, #tpu.memory_space<vmem>>[vector<16xi32>, vector<16xi32>], vector<16xf32>,
    %get3A_223 = arith.constant 32 : index
    %get3A_224 = tpu.vector_load %arg14[%get3A_223] {strides = array<i32>} : memref<80xi32, #tpu.memory_space<vmem>>, vector<16xi32>,
    tpu.vector_store_idx %arg18[%broadcast_in_dim3A_218, %get3A_224], %broadcast_in_dim3A_216 {add = true} : memref<1x10240xf32, #tpu.memory_space<vmem>>[vector<16xi32>, vector<16xi32>], vector<16xf32>,
    %get3A_225 = arith.constant 48 : index
    %get3A_226 = tpu.vector_load %arg14[%get3A_225] {strides = array<i32>} : memref<80xi32, #tpu.memory_space<vmem>>, vector<16xi32>,
    tpu.vector_store_idx %arg18[%broadcast_in_dim3A_218, %get3A_226], %broadcast_in_dim3A_216 {add = true} : memref<1x10240xf32, #tpu.memory_space<vmem>>[vector<16xi32>, vector<16xi32>], vector<16xf32>,
    %get3A_227 = arith.constant 64 : index
    %get3A_228 = tpu.vector_load %arg14[%get3A_227] {strides = array<i32>} : memref<80xi32, #tpu.memory_space<vmem>>, vector<16xi32>,
    tpu.vector_store_idx %arg18[%broadcast_in_dim3A_218, %get3A_228], %broadcast_in_dim3A_216 {add = true} : memref<1x10240xf32, #tpu.memory_space<vmem>>[vector<16xi32>, vector<16xi32>], vector<16xf32>,
    %dma_wait3A_229 = arith.constant 0 : i32
    %dma_wait3A_230 = arith.constant 0 : i32
    %dma_wait3A_231 = tpu.memref_slice %arg2[%dma_wait3A_229, %dma_wait3A_230] : memref<10000x128xf32, #tpu.memory_space<hbm>> -> memref<80x128xf32, #tpu.memory_space<hbm>>
    %dma_wait3A_232 = arith.constant 0 : i32
    %dma_wait3A_233 = arith.constant 0 : i32
    %dma_wait3A_234 = tpu.memref_slice %arg2[%dma_wait3A_232, %dma_wait3A_233] : memref<10000x128xf32, #tpu.memory_space<hbm>> -> memref<80x128xf32, #tpu.memory_space<hbm>>
    tpu.wait_dma2 semaphore(%arg22 : memref<!tpu.dma_semaphore, #tpu.memory_space<semaphore_mem>>) src(%dma_wait3A_234 : memref<80x128xf32, #tpu.memory_space<hbm>>) dst(%arg17 : memref<80x128xf32, #tpu.memory_space<vmem>>)
    %dma_start3A_235 = arith.constant 0 : i32
    %dma_start3A_236 = arith.constant 0 : i32
    %dma_start3A_237 = tpu.memref_slice %arg7[%dma_start3A_235, %dma_start3A_236] : memref<10000x128xf32, #tpu.memory_space<vmem_shared>> -> memref<10000x128xf32, #tpu.memory_space<vmem_shared>>
    tpu.enqueue_indirect_dma source(%arg17 : memref<80x128xf32, #tpu.memory_space<vmem>>) target(%dma_start3A_237 : memref<10000x128xf32, #tpu.memory_space<vmem_shared>>) offsets(%arg14 : memref<80xi32, #tpu.memory_space<vmem>>) semaphore(%arg25 : memref<!tpu.dma_semaphore, #tpu.memory_space<semaphore_mem>>) {add = true}
    %broadcast_in_dim3A_238 = arith.constant 1.000000e+00 : f32
    %broadcast_in_dim3A_239 = vector.broadcast %broadcast_in_dim3A_238 : f32 to vector<16xf32>
    %broadcast_in_dim3A_240 = arith.constant 0 : i32
    %broadcast_in_dim3A_241 = vector.broadcast %broadcast_in_dim3A_240 : i32 to vector<16xi32>
    %get3A_242 = arith.constant 0 : index
    %get3A_243 = tpu.vector_load %arg12[%get3A_242] {strides = array<i32>} : memref<80xi32, #tpu.memory_space<vmem>>, vector<16xi32>,
    tpu.vector_store_idx %arg18[%broadcast_in_dim3A_241, %get3A_243], %broadcast_in_dim3A_239 {add = true} : memref<1x10240xf32, #tpu.memory_space<vmem>>[vector<16xi32>, vector<16xi32>], vector<16xf32>,
    %get3A_244 = arith.constant 16 : index
    %get3A_245 = tpu.vector_load %arg12[%get3A_244] {strides = array<i32>} : memref<80xi32, #tpu.memory_space<vmem>>, vector<16xi32>,
    tpu.vector_store_idx %arg18[%broadcast_in_dim3A_241, %get3A_245], %broadcast_in_dim3A_239 {add = true} : memref<1x10240xf32, #tpu.memory_space<vmem>>[vector<16xi32>, vector<16xi32>], vector<16xf32>,
    %get3A_246 = arith.constant 32 : index
    %get3A_247 = tpu.vector_load %arg12[%get3A_246] {strides = array<i32>} : memref<80xi32, #tpu.memory_space<vmem>>, vector<16xi32>,
    tpu.vector_store_idx %arg18[%broadcast_in_dim3A_241, %get3A_247], %broadcast_in_dim3A_239 {add = true} : memref<1x10240xf32, #tpu.memory_space<vmem>>[vector<16xi32>, vector<16xi32>], vector<16xf32>,
    %get3A_248 = arith.constant 48 : index
    %get3A_249 = tpu.vector_load %arg12[%get3A_248] {strides = array<i32>} : memref<80xi32, #tpu.memory_space<vmem>>, vector<16xi32>,
    tpu.vector_store_idx %arg18[%broadcast_in_dim3A_241, %get3A_249], %broadcast_in_dim3A_239 {add = true} : memref<1x10240xf32, #tpu.memory_space<vmem>>[vector<16xi32>, vector<16xi32>], vector<16xf32>,
    %get3A_250 = arith.constant 64 : index
    %get3A_251 = tpu.vector_load %arg12[%get3A_250] {strides = array<i32>} : memref<80xi32, #tpu.memory_space<vmem>>, vector<16xi32>,
    tpu.vector_store_idx %arg18[%broadcast_in_dim3A_241, %get3A_251], %broadcast_in_dim3A_239 {add = true} : memref<1x10240xf32, #tpu.memory_space<vmem>>[vector<16xi32>, vector<16xi32>], vector<16xf32>,
    %dma_wait3A_252 = arith.constant 0 : i32
    %dma_wait3A_253 = arith.constant 0 : i32
    %dma_wait3A_254 = tpu.memref_slice %arg2[%dma_wait3A_252, %dma_wait3A_253] : memref<10000x128xf32, #tpu.memory_space<hbm>> -> memref<80x128xf32, #tpu.memory_space<hbm>>
    %dma_wait3A_255 = arith.constant 0 : i32
    %dma_wait3A_256 = arith.constant 0 : i32
    %dma_wait3A_257 = tpu.memref_slice %arg2[%dma_wait3A_255, %dma_wait3A_256] : memref<10000x128xf32, #tpu.memory_space<hbm>> -> memref<80x128xf32, #tpu.memory_space<hbm>>
    tpu.wait_dma2 semaphore(%arg20 : memref<!tpu.dma_semaphore, #tpu.memory_space<semaphore_mem>>) src(%dma_wait3A_257 : memref<80x128xf32, #tpu.memory_space<hbm>>) dst(%arg15 : memref<80x128xf32, #tpu.memory_space<vmem>>)
    %dma_start3A_258 = arith.constant 0 : i32
    %dma_start3A_259 = arith.constant 0 : i32
    %dma_start3A_260 = tpu.memref_slice %arg7[%dma_start3A_258, %dma_start3A_259] : memref<10000x128xf32, #tpu.memory_space<vmem_shared>> -> memref<10000x128xf32, #tpu.memory_space<vmem_shared>>
    tpu.enqueue_indirect_dma source(%arg15 : memref<80x128xf32, #tpu.memory_space<vmem>>) target(%dma_start3A_260 : memref<10000x128xf32, #tpu.memory_space<vmem_shared>>) offsets(%arg12 : memref<80xi32, #tpu.memory_space<vmem>>) semaphore(%arg23 : memref<!tpu.dma_semaphore, #tpu.memory_space<semaphore_mem>>) {add = true}
    %dma_wait3A_261 = arith.constant 0 : i32
    %dma_wait3A_262 = arith.constant 0 : i32
    %dma_wait3A_263 = tpu.memref_slice %arg7[%dma_wait3A_261, %dma_wait3A_262] : memref<10000x128xf32, #tpu.memory_space<vmem_shared>> -> memref<10000x128xf32, #tpu.memory_space<vmem_shared>>
    tpu.wait_indirect_dma semaphore(%arg23 : memref<!tpu.dma_semaphore, #tpu.memory_space<semaphore_mem>>) src(%arg15 : memref<80x128xf32, #tpu.memory_space<vmem>>) dst(%dma_wait3A_263 : memref<10000x128xf32, #tpu.memory_space<vmem_shared>>)
    %dma_wait3A_264 = arith.constant 0 : i32
    %dma_wait3A_265 = arith.constant 0 : i32
    %dma_wait3A_266 = tpu.memref_slice %arg7[%dma_wait3A_264, %dma_wait3A_265] : memref<10000x128xf32, #tpu.memory_space<vmem_shared>> -> memref<10000x128xf32, #tpu.memory_space<vmem_shared>>
    tpu.wait_indirect_dma semaphore(%arg24 : memref<!tpu.dma_semaphore, #tpu.memory_space<semaphore_mem>>) src(%arg16 : memref<80x128xf32, #tpu.memory_space<vmem>>) dst(%dma_wait3A_266 : memref<10000x128xf32, #tpu.memory_space<vmem_shared>>)
    %dma_wait3A_267 = arith.constant 0 : i32
    %dma_wait3A_268 = arith.constant 0 : i32
    %dma_wait3A_269 = tpu.memref_slice %arg7[%dma_wait3A_267, %dma_wait3A_268] : memref<10000x128xf32, #tpu.memory_space<vmem_shared>> -> memref<10000x128xf32, #tpu.memory_space<vmem_shared>>
    tpu.wait_indirect_dma semaphore(%arg25 : memref<!tpu.dma_semaphore, #tpu.memory_space<semaphore_mem>>) src(%arg17 : memref<80x128xf32, #tpu.memory_space<vmem>>) dst(%dma_wait3A_269 : memref<10000x128xf32, #tpu.memory_space<vmem_shared>>)
    %barrier3A_270 = arith.constant 0 : index
    tpu.barrier barrier_id(%barrier3A_270)
    "tpu.region"() ({
      %run_scoped3A = tpu.sem_alloc : memref<!tpu.dma_semaphore, #tpu.memory_space<semaphore_mem>>
      %dma_start3A_276 = arith.constant 0 : i32
      %dma_start3A_277 = tpu.memref_slice %arg5[%arg0, %mul3A_2, %dma_start3A_276] : memref<2x10000x128xf32, #tpu.memory_space<hbm>> -> memref<1x624x128xf32, #tpu.memory_space<hbm>>
      %dma_start3A_278 = tpu.memref_squeeze %dma_start3A_277 : memref<1x624x128xf32, #tpu.memory_space<hbm>> -> memref<624x128xf32, #tpu.memory_space<hbm>>
      %dma_start3A_279 = arith.constant 0 : i32
      %dma_start3A_280 = tpu.memref_slice %arg7[%mul3A_2, %dma_start3A_279] : memref<10000x128xf32, #tpu.memory_space<vmem_shared>> -> memref<624x128xf32, #tpu.memory_space<vmem_shared>>
      tpu.enqueue_dma source(%dma_start3A_280 : memref<624x128xf32, #tpu.memory_space<vmem_shared>>) target(%dma_start3A_278 : memref<624x128xf32, #tpu.memory_space<hbm>>) target_semaphore(%run_scoped3A : memref<!tpu.dma_semaphore, #tpu.memory_space<semaphore_mem>>)
      %dma_wait3A_281 = arith.constant 0 : i32
      %dma_wait3A_282 = tpu.memref_slice %arg5[%arg0, %mul3A_2, %dma_wait3A_281] : memref<2x10000x128xf32, #tpu.memory_space<hbm>> -> memref<1x624x128xf32, #tpu.memory_space<hbm>>
      %dma_wait3A_283 = tpu.memref_squeeze %dma_wait3A_282 : memref<1x624x128xf32, #tpu.memory_space<hbm>> -> memref<624x128xf32, #tpu.memory_space<hbm>>
      %dma_wait3A_284 = arith.constant 0 : i32
      %dma_wait3A_285 = tpu.memref_slice %arg7[%mul3A_2, %dma_wait3A_284] : memref<10000x128xf32, #tpu.memory_space<vmem_shared>> -> memref<624x128xf32, #tpu.memory_space<vmem_shared>>
      tpu.wait_dma2 semaphore(%run_scoped3A : memref<!tpu.dma_semaphore, #tpu.memory_space<semaphore_mem>>) src(%dma_wait3A_285 : memref<624x128xf32, #tpu.memory_space<vmem_shared>>) dst(%dma_wait3A_283 : memref<624x128xf32, #tpu.memory_space<hbm>>)
      tpu.yield
    }) : () -> ()
    "tpu.region"() ({
      %run_scoped3A = tpu.sem_alloc : memref<!tpu.dma_semaphore, #tpu.memory_space<semaphore_mem>>
      %dma_start3A_276 = arith.constant 0 : i32
      %dma_start3A_277 = arith.constant 0 : i32
      %dma_start3A_278 = tpu.memref_slice %arg6[%add3A, %dma_start3A_276, %dma_start3A_277] : memref<32x1x10240xf32, #tpu.memory_space<hbm>> -> memref<1x1x10240xf32, #tpu.memory_space<hbm>>
      %dma_start3A_279 = tpu.memref_squeeze %dma_start3A_278 : memref<1x1x10240xf32, #tpu.memory_space<hbm>> -> memref<1x10240xf32, #tpu.memory_space<hbm>>
      %dma_start3A_280 = arith.constant 0 : i32
      %dma_start3A_281 = arith.constant 0 : i32
      %dma_start3A_282 = tpu.memref_slice %arg6[%add3A, %dma_start3A_280, %dma_start3A_281] : memref<32x1x10240xf32, #tpu.memory_space<hbm>> -> memref<1x1x10240xf32, #tpu.memory_space<hbm>>
      %dma_start3A_283 = tpu.memref_squeeze %dma_start3A_282 : memref<1x1x10240xf32, #tpu.memory_space<hbm>> -> memref<1x10240xf32, #tpu.memory_space<hbm>>
      tpu.enqueue_dma source(%arg18 : memref<1x10240xf32, #tpu.memory_space<vmem>>) target(%dma_start3A_283 : memref<1x10240xf32, #tpu.memory_space<hbm>>) target_semaphore(%run_scoped3A : memref<!tpu.dma_semaphore, #tpu.memory_space<semaphore_mem>>)
      %dma_wait3A_284 = arith.constant 0 : i32
      %dma_wait3A_285 = arith.constant 0 : i32
      %dma_wait3A_286 = tpu.memref_slice %arg6[%add3A, %dma_wait3A_284, %dma_wait3A_285] : memref<32x1x10240xf32, #tpu.memory_space<hbm>> -> memref<1x1x10240xf32, #tpu.memory_space<hbm>>
      %dma_wait3A_287 = tpu.memref_squeeze %dma_wait3A_286 : memref<1x1x10240xf32, #tpu.memory_space<hbm>> -> memref<1x10240xf32, #tpu.memory_space<hbm>>
      %dma_wait3A_288 = arith.constant 0 : i32
      %dma_wait3A_289 = arith.constant 0 : i32
      %dma_wait3A_290 = tpu.memref_slice %arg6[%add3A, %dma_wait3A_288, %dma_wait3A_289] : memref<32x1x10240xf32, #tpu.memory_space<hbm>> -> memref<1x1x10240xf32, #tpu.memory_space<hbm>>
      %dma_wait3A_291 = tpu.memref_squeeze %dma_wait3A_290 : memref<1x1x10240xf32, #tpu.memory_space<hbm>> -> memref<1x10240xf32, #tpu.memory_space<hbm>>
      tpu.wait_dma2 semaphore(%run_scoped3A : memref<!tpu.dma_semaphore, #tpu.memory_space<semaphore_mem>>) src(%arg18 : memref<1x10240xf32, #tpu.memory_space<vmem>>) dst(%dma_wait3A_291 : memref<1x10240xf32, #tpu.memory_space<hbm>>)
      tpu.yield
    }) : () -> ()
    %eq3A_271 = arith.constant 15 : i32
    %eq3A_272 = arith.cmpi eq, %arg1, %eq3A_271 : i32
    %convert_element_type3A_273 = arith.extui %eq3A_272 : i1 to i32
    %cond3A_274 = arith.constant 0 : i32
    %cond3A_275 = arith.cmpi ne, %convert_element_type3A_273, %cond3A_274 : i32
    scf.if %cond3A_275 {
      "tpu.region"() ({
        %run_scoped3A = tpu.sem_alloc : memref<!tpu.dma_semaphore, #tpu.memory_space<semaphore_mem>>
        %dma_start3A_276 = arith.constant 9984 : i32
        %dma_start3A_277 = arith.constant 0 : i32
        %dma_start3A_278 = tpu.memref_slice %arg5[%arg0, %dma_start3A_276, %dma_start3A_277] : memref<2x10000x128xf32, #tpu.memory_space<hbm>> -> memref<1x16x128xf32, #tpu.memory_space<hbm>>
        %dma_start3A_279 = tpu.memref_squeeze %dma_start3A_278 : memref<1x16x128xf32, #tpu.memory_space<hbm>> -> memref<16x128xf32, #tpu.memory_space<hbm>>
        %dma_start3A_280 = arith.constant 9984 : i32
        %dma_start3A_281 = arith.constant 0 : i32
        %dma_start3A_282 = tpu.memref_slice %arg7[%dma_start3A_280, %dma_start3A_281] : memref<10000x128xf32, #tpu.memory_space<vmem_shared>> -> memref<16x128xf32, #tpu.memory_space<vmem_shared>>
        tpu.enqueue_dma source(%dma_start3A_282 : memref<16x128xf32, #tpu.memory_space<vmem_shared>>) target(%dma_start3A_279 : memref<16x128xf32, #tpu.memory_space<hbm>>) target_semaphore(%run_scoped3A : memref<!tpu.dma_semaphore, #tpu.memory_space<semaphore_mem>>)
        %dma_wait3A_283 = arith.constant 9984 : i32
        %dma_wait3A_284 = arith.constant 0 : i32
        %dma_wait3A_285 = tpu.memref_slice %arg5[%arg0, %dma_wait3A_283, %dma_wait3A_284] : memref<2x10000x128xf32, #tpu.memory_space<hbm>> -> memref<1x16x128xf32, #tpu.memory_space<hbm>>
        %dma_wait3A_286 = tpu.memref_squeeze %dma_wait3A_285 : memref<1x16x128xf32, #tpu.memory_space<hbm>> -> memref<16x128xf32, #tpu.memory_space<hbm>>
        %dma_wait3A_287 = arith.constant 9984 : i32
        %dma_wait3A_288 = arith.constant 0 : i32
        %dma_wait3A_289 = tpu.memref_slice %arg7[%dma_wait3A_287, %dma_wait3A_288] : memref<10000x128xf32, #tpu.memory_space<vmem_shared>> -> memref<16x128xf32, #tpu.memory_space<vmem_shared>>
        tpu.wait_dma2 semaphore(%run_scoped3A : memref<!tpu.dma_semaphore, #tpu.memory_space<semaphore_mem>>) src(%dma_wait3A_289 : memref<16x128xf32, #tpu.memory_space<vmem_shared>>) dst(%dma_wait3A_286 : memref<16x128xf32, #tpu.memory_space<hbm>>)
        tpu.yield
      }) : () -> ()
    } else {
    }
    return
  }
}

module attributes {stable_mosaic.version = 14 : i64} {
  func.func @_hself_body(%arg0: i32, %arg1: memref<1024x128xf32, #tpu.memory_space<vmem>>, %arg2: memref<128x256xf32, #tpu.memory_space<vmem>>, %arg3: memref<1x256xf32, #tpu.memory_space<vmem>>, %arg4: memref<1024x256xf32, #tpu.memory_space<vmem>>) attributes {dimension_semantics = [#tpu.dimension_semantics<arbitrary>], iteration_bounds = array<i64: 10>, scalar_prefetch = 0 : i64, scratch_operands = 0 : i64, tpu.core_type = #tpu.core_type<tc>, window_params = [{transform_indices = @transform_0, window_bounds = array<i64: 1024, 128>}, {pipeline_mode = #tpu.pipeline_mode<synchronous>, transform_indices = @transform_1, window_bounds = array<i64: 128, 256>}, {pipeline_mode = #tpu.pipeline_mode<synchronous>, transform_indices = @transform_2, window_bounds = array<i64: 1, 256>}, {transform_indices = @transform_3, window_bounds = array<i64: 1024, 256>}]} {
    %get3A = arith.constant 0 : index
    %get3A_0 = arith.constant 0 : index
    %get3A_1 = vector.load %arg1[%get3A, %get3A_0] : memref<1024x128xf32, #tpu.memory_space<vmem>>, vector<1024x128xf32>
    %get3A_2 = arith.constant 0 : index
    %get3A_3 = arith.constant 0 : index
    %get3A_4 = vector.load %arg2[%get3A_2, %get3A_3] : memref<128x256xf32, #tpu.memory_space<vmem>>, vector<128x256xf32>
    %dot_general3A = arith.constant dense<0.000000e+00> : vector<1024x256xf32>
    %dot_general3A_5 = tpu.matmul %get3A_1, %get3A_4, %dot_general3A {dimension_numbers = #tpu.dot_dimension_numbers<[1], [0], [0], [1], [0, 0, 1, 1], [], []>, transpose_lhs_hint = false} : vector<1024x128xf32>, vector<128x256xf32>, vector<1024x256xf32> -> vector<1024x256xf32>
    %get3A_6 = arith.constant 0 : index
    %get3A_7 = arith.constant 0 : index
    %get3A_8 = vector.load %arg3[%get3A_6, %get3A_7] : memref<1x256xf32, #tpu.memory_space<vmem>>, vector<1x256xf32>
    %add3A = vector.broadcast %get3A_8 : vector<1x256xf32> to vector<1024x256xf32>
    %add3A_9 = arith.addf %dot_general3A_5, %add3A : vector<1024x256xf32>
    %swap3A = arith.constant 0 : index
    %swap3A_10 = arith.constant 0 : index
    %swap3A_11 = vector.load %arg4[%swap3A, %swap3A_10] : memref<1024x256xf32, #tpu.memory_space<vmem>>, vector<1024x256xf32>
    tpu.vector_store %arg4[%swap3A, %swap3A_10], %add3A_9 {strides = array<i32>} : memref<1024x256xf32, #tpu.memory_space<vmem>>, vector<1024x256xf32>,
    return
  }
  func.func @transform_0(%arg0: i32) -> (i32, i32) {
    %c0_i32 = arith.constant 0 : i32
    %c0_i32_0 = arith.constant 0 : i32
    return %arg0, %c0_i32 : i32, i32
  }
  func.func @transform_1(%arg0: i32) -> (i32, i32) {
    %c0_i32 = arith.constant 0 : i32
    %c0_i32_0 = arith.constant 0 : i32
    %c0_i32_1 = arith.constant 0 : i32
    return %c0_i32, %c0_i32_0 : i32, i32
  }
  func.func @transform_2(%arg0: i32) -> (i32, i32) {
    %c0_i32 = arith.constant 0 : i32
    %c0_i32_0 = arith.constant 0 : i32
    %c0_i32_1 = arith.constant 0 : i32
    return %c0_i32, %c0_i32_0 : i32, i32
  }
  func.func @transform_3(%arg0: i32) -> (i32, i32) {
    %c0_i32 = arith.constant 0 : i32
    %c0_i32_0 = arith.constant 0 : i32
    return %arg0, %c0_i32 : i32, i32
  }
}

module attributes {stable_mosaic.version = 14 : i64} {
  func.func @_mlp_body(%arg0: i32, %arg1: memref<1024x256xf32, #tpu.memory_space<vmem>>, %arg2: memref<1024x128xf32, #tpu.memory_space<vmem>>, %arg3: memref<1024x128xf32, #tpu.memory_space<vmem>>, %arg4: memref<32x1x1024xf32, #tpu.memory_space<vmem>>, %arg5: memref<128x256xf32, #tpu.memory_space<vmem>>, %arg6: memref<256x128xf32, #tpu.memory_space<vmem>>, %arg7: memref<256x128xf32, #tpu.memory_space<vmem>>, %arg8: memref<1x128xf32, #tpu.memory_space<vmem>>, %arg9: memref<1024x128xf32, #tpu.memory_space<vmem>>, %arg10: memref<1024x128xf32, #tpu.memory_space<vmem>>, %arg11: memref<1024x16xf32, #tpu.memory_space<vmem>>) attributes {dimension_semantics = [#tpu.dimension_semantics<arbitrary>], iteration_bounds = array<i64: 10>, scalar_prefetch = 0 : i64, scratch_operands = 0 : i64, tpu.core_type = #tpu.core_type<tc>, window_params = [{transform_indices = @transform_0, window_bounds = array<i64: 1024, 256>}, {transform_indices = @transform_1, window_bounds = array<i64: 1024, 128>}, {transform_indices = @transform_2, window_bounds = array<i64: 1024, 128>}, {transform_indices = @transform_3, window_bounds = array<i64: 32, 1, 1024>}, {pipeline_mode = #tpu.pipeline_mode<synchronous>, transform_indices = @transform_4, window_bounds = array<i64: 128, 256>}, {pipeline_mode = #tpu.pipeline_mode<synchronous>, transform_indices = @transform_5, window_bounds = array<i64: 256, 128>}, {pipeline_mode = #tpu.pipeline_mode<synchronous>, transform_indices = @transform_6, window_bounds = array<i64: 256, 128>}, {pipeline_mode = #tpu.pipeline_mode<synchronous>, transform_indices = @transform_7, window_bounds = array<i64: 1, 128>}, {transform_indices = @transform_8, window_bounds = array<i64: 1024, 128>}, {transform_indices = @transform_9, window_bounds = array<i64: 1024, 128>}, {transform_indices = @transform_10, window_bounds = array<i64: 1024, 16>}]} {
    %get3A = arith.constant 0 : index
    %get3A_0 = arith.constant 0 : index
    %get3A_1 = arith.constant 0 : index
    %get3A_2 = vector.load %arg4[%get3A, %get3A_0, %get3A_1] : memref<32x1x1024xf32, #tpu.memory_space<vmem>>, vector<32x1x1024xf32>
    %get3A_3 = vector.shape_cast %get3A_2 : vector<32x1x1024xf32> to vector<32x1024xf32>
    %reduce_sum3A = arith.constant dense<0.000000e+00> : vector<1024xf32>
    %reduce_sum3A_4 = vector.multi_reduction <add>, %get3A_3, %reduce_sum3A [0] : vector<32x1024xf32> to vector<1024xf32>
    %broadcast_in_dim3A = vector.shape_cast %reduce_sum3A_4 : vector<1024xf32> to vector<1024x1xf32>
    %max3A = arith.constant 1.000000e+00 : f32
    %max3A_5 = vector.broadcast %max3A : f32 to vector<1024x1xf32>
    %max3A_6 = arith.maximumf %broadcast_in_dim3A, %max3A_5 : vector<1024x1xf32>
    %div3A = arith.constant 1.000000e+00 : f32
    %div3A_7 = vector.broadcast %div3A : f32 to vector<1024x1xf32>
    %div3A_8 = arith.divf %div3A_7, %max3A_6 : vector<1024x1xf32>
    %get3A_9 = arith.constant 0 : index
    %get3A_10 = arith.constant 0 : index
    %get3A_11 = vector.load %arg2[%get3A_9, %get3A_10] : memref<1024x128xf32, #tpu.memory_space<vmem>>, vector<1024x128xf32>
    %get3A_12 = arith.constant 0 : index
    %get3A_13 = arith.constant 0 : index
    %get3A_14 = vector.load %arg3[%get3A_12, %get3A_13] : memref<1024x128xf32, #tpu.memory_space<vmem>>, vector<1024x128xf32>
    %add3A = arith.addf %get3A_11, %get3A_14 : vector<1024x128xf32>
    %mul3A = vector.broadcast %div3A_8 : vector<1024x1xf32> to vector<1024x128xf32>
    %mul3A_15 = arith.mulf %add3A, %mul3A : vector<1024x128xf32>
    %get3A_16 = arith.constant 0 : index
    %get3A_17 = arith.constant 0 : index
    %get3A_18 = vector.load %arg1[%get3A_16, %get3A_17] : memref<1024x256xf32, #tpu.memory_space<vmem>>, vector<1024x256xf32>
    %get3A_19 = arith.constant 0 : index
    %get3A_20 = arith.constant 0 : index
    %get3A_21 = vector.load %arg5[%get3A_19, %get3A_20] : memref<128x256xf32, #tpu.memory_space<vmem>>, vector<128x256xf32>
    %dot_general3A = arith.constant dense<0.000000e+00> : vector<1024x256xf32>
    %dot_general3A_22 = tpu.matmul %mul3A_15, %get3A_21, %dot_general3A {dimension_numbers = #tpu.dot_dimension_numbers<[1], [0], [0], [1], [0, 0, 1, 1], [], []>, transpose_lhs_hint = false} : vector<1024x128xf32>, vector<128x256xf32>, vector<1024x256xf32> -> vector<1024x256xf32>
    %add3A_23 = arith.addf %get3A_18, %dot_general3A_22 : vector<1024x256xf32>
    %max3A_24 = arith.constant 0.000000e+00 : f32
    %max3A_25 = vector.broadcast %max3A_24 : f32 to vector<1024x256xf32>
    %max3A_26 = arith.maximumf %add3A_23, %max3A_25 : vector<1024x256xf32>
    %get3A_27 = arith.constant 0 : index
    %get3A_28 = arith.constant 0 : index
    %get3A_29 = vector.load %arg7[%get3A_27, %get3A_28] : memref<256x128xf32, #tpu.memory_space<vmem>>, vector<256x128xf32>
    %dot_general3A_30 = arith.constant dense<0.000000e+00> : vector<1024x128xf32>
    %dot_general3A_31 = tpu.matmul %max3A_26, %get3A_29, %dot_general3A_30 {dimension_numbers = #tpu.dot_dimension_numbers<[1], [0], [0], [1], [0, 0, 1, 1], [], []>, transpose_lhs_hint = false} : vector<1024x256xf32>, vector<256x128xf32>, vector<1024x128xf32> -> vector<1024x128xf32>
    %swap3A = arith.constant 0 : index
    %swap3A_32 = arith.constant 0 : index
    %swap3A_33 = vector.load %arg9[%swap3A, %swap3A_32] : memref<1024x128xf32, #tpu.memory_space<vmem>>, vector<1024x128xf32>
    tpu.vector_store %arg9[%swap3A, %swap3A_32], %dot_general3A_31 {strides = array<i32>} : memref<1024x128xf32, #tpu.memory_space<vmem>>, vector<1024x128xf32>,
    %get3A_34 = arith.constant 0 : index
    %get3A_35 = arith.constant 0 : index
    %get3A_36 = vector.load %arg6[%get3A_34, %get3A_35] : memref<256x128xf32, #tpu.memory_space<vmem>>, vector<256x128xf32>
    %dot_general3A_37 = arith.constant dense<0.000000e+00> : vector<1024x128xf32>
    %dot_general3A_38 = tpu.matmul %max3A_26, %get3A_36, %dot_general3A_37 {dimension_numbers = #tpu.dot_dimension_numbers<[1], [0], [0], [1], [0, 0, 1, 1], [], []>, transpose_lhs_hint = false} : vector<1024x256xf32>, vector<256x128xf32>, vector<1024x128xf32> -> vector<1024x128xf32>
    %get3A_39 = arith.constant 0 : index
    %get3A_40 = arith.constant 0 : index
    %get3A_41 = vector.load %arg8[%get3A_39, %get3A_40] : memref<1x128xf32, #tpu.memory_space<vmem>>, vector<1x128xf32>
    %add3A_42 = vector.broadcast %get3A_41 : vector<1x128xf32> to vector<1024x128xf32>
    %add3A_43 = arith.addf %dot_general3A_38, %add3A_42 : vector<1024x128xf32>
    %swap3A_44 = arith.constant 0 : index
    %swap3A_45 = arith.constant 0 : index
    %swap3A_46 = vector.load %arg10[%swap3A_44, %swap3A_45] : memref<1024x128xf32, #tpu.memory_space<vmem>>, vector<1024x128xf32>
    tpu.vector_store %arg10[%swap3A_44, %swap3A_45], %add3A_43 {strides = array<i32>} : memref<1024x128xf32, #tpu.memory_space<vmem>>, vector<1024x128xf32>,
    %broadcast_in_dim3A_47 = vector.shape_cast %div3A_8 : vector<1024x1xf32> to vector<1024x1xf32>
    %broadcast_in_dim3A_48 = vector.broadcast %broadcast_in_dim3A_47 : vector<1024x1xf32> to vector<1024x16xf32>
    %swap3A_49 = arith.constant 0 : index
    %swap3A_50 = arith.constant 0 : index
    %swap3A_51 = vector.load %arg11[%swap3A_49, %swap3A_50] : memref<1024x16xf32, #tpu.memory_space<vmem>>, vector<1024x16xf32>
    tpu.vector_store %arg11[%swap3A_49, %swap3A_50], %broadcast_in_dim3A_48 {strides = array<i32>} : memref<1024x16xf32, #tpu.memory_space<vmem>>, vector<1024x16xf32>,
    return
  }
  func.func @transform_0(%arg0: i32) -> (i32, i32) {
    %c0_i32 = arith.constant 0 : i32
    %c0_i32_0 = arith.constant 0 : i32
    return %arg0, %c0_i32 : i32, i32
  }
  func.func @transform_1(%arg0: i32) -> (i32, i32) {
    %c0_i32 = arith.constant 0 : i32
    %c0_i32_0 = arith.constant 0 : i32
    return %arg0, %c0_i32 : i32, i32
  }
  func.func @transform_2(%arg0: i32) -> (i32, i32) {
    %c0_i32 = arith.constant 0 : i32
    %c0_i32_0 = arith.constant 0 : i32
    return %arg0, %c0_i32 : i32, i32
  }
  func.func @transform_3(%arg0: i32) -> (i32, i32, i32) {
    %c0_i32 = arith.constant 0 : i32
    %c0_i32_0 = arith.constant 0 : i32
    %c0_i32_1 = arith.constant 0 : i32
    return %c0_i32, %c0_i32_0, %arg0 : i32, i32, i32
  }
  func.func @transform_4(%arg0: i32) -> (i32, i32) {
    %c0_i32 = arith.constant 0 : i32
    %c0_i32_0 = arith.constant 0 : i32
    %c0_i32_1 = arith.constant 0 : i32
    return %c0_i32, %c0_i32_0 : i32, i32
  }
  func.func @transform_5(%arg0: i32) -> (i32, i32) {
    %c0_i32 = arith.constant 0 : i32
    %c0_i32_0 = arith.constant 0 : i32
    %c0_i32_1 = arith.constant 0 : i32
    return %c0_i32, %c0_i32_0 : i32, i32
  }
  func.func @transform_6(%arg0: i32) -> (i32, i32) {
    %c0_i32 = arith.constant 0 : i32
    %c0_i32_0 = arith.constant 0 : i32
    %c0_i32_1 = arith.constant 0 : i32
    return %c0_i32, %c0_i32_0 : i32, i32
  }
  func.func @transform_7(%arg0: i32) -> (i32, i32) {
    %c0_i32 = arith.constant 0 : i32
    %c0_i32_0 = arith.constant 0 : i32
    %c0_i32_1 = arith.constant 0 : i32
    return %c0_i32, %c0_i32_0 : i32, i32
  }
  func.func @transform_8(%arg0: i32) -> (i32, i32) {
    %c0_i32 = arith.constant 0 : i32
    %c0_i32_0 = arith.constant 0 : i32
    return %arg0, %c0_i32 : i32, i32
  }
  func.func @transform_9(%arg0: i32) -> (i32, i32) {
    %c0_i32 = arith.constant 0 : i32
    %c0_i32_0 = arith.constant 0 : i32
    return %arg0, %c0_i32 : i32, i32
  }
  func.func @transform_10(%arg0: i32) -> (i32, i32) {
    %c0_i32 = arith.constant 0 : i32
    %c0_i32_0 = arith.constant 0 : i32
    return %arg0, %c0_i32 : i32, i32
  }
}

module attributes {stable_mosaic.version = 14 : i64} {
  func.func @_fin_body(%arg0: i32, %arg1: memref<1024x128xf32, #tpu.memory_space<vmem>>, %arg2: memref<1024x128xf32, #tpu.memory_space<vmem>>, %arg3: memref<1024x128xf32, #tpu.memory_space<vmem>>, %arg4: memref<1024x16xf32, #tpu.memory_space<vmem>>, %arg5: memref<1024x128xf32, #tpu.memory_space<vmem>>) attributes {dimension_semantics = [#tpu.dimension_semantics<arbitrary>], iteration_bounds = array<i64: 10>, scalar_prefetch = 0 : i64, scratch_operands = 0 : i64, tpu.core_type = #tpu.core_type<tc>, window_params = [{transform_indices = @transform_0, window_bounds = array<i64: 1024, 128>}, {transform_indices = @transform_1, window_bounds = array<i64: 1024, 128>}, {transform_indices = @transform_2, window_bounds = array<i64: 1024, 128>}, {transform_indices = @transform_3, window_bounds = array<i64: 1024, 16>}, {transform_indices = @transform_4, window_bounds = array<i64: 1024, 128>}]} {
    %get3A = arith.constant 0 : index
    %get3A_0 = arith.constant 0 : index
    %get3A_1 = vector.load %arg1[%get3A, %get3A_0] : memref<1024x128xf32, #tpu.memory_space<vmem>>, vector<1024x128xf32>
    %get3A_2 = arith.constant 0 : index
    %get3A_3 = arith.constant 0 : index
    %get3A_4 = vector.load %arg2[%get3A_2, %get3A_3] : memref<1024x128xf32, #tpu.memory_space<vmem>>, vector<1024x128xf32>
    %get3A_5 = arith.constant 0 : index
    %get3A_6 = arith.constant 0 : index
    %get3A_7 = vector.load %arg3[%get3A_5, %get3A_6] : memref<1024x128xf32, #tpu.memory_space<vmem>>, vector<1024x128xf32>
    %add3A = arith.addf %get3A_4, %get3A_7 : vector<1024x128xf32>
    %get3A_8 = arith.constant 0 : index
    %get3A_9 = arith.constant 0 : index
    %get3A_10 = vector.load %arg4[%get3A_8, %get3A_9] : memref<1024x16xf32, #tpu.memory_space<vmem>>, vector<1024x16xf32>
    %slice3A = vector.extract_strided_slice %get3A_10 {offsets = [0, 0], sizes = [1024, 1], strides = [1, 1]} : vector<1024x16xf32> to vector<1024x1xf32>
    %mul3A = vector.broadcast %slice3A : vector<1024x1xf32> to vector<1024x128xf32>
    %mul3A_11 = arith.mulf %add3A, %mul3A : vector<1024x128xf32>
    %add3A_12 = arith.addf %get3A_1, %mul3A_11 : vector<1024x128xf32>
    %swap3A = arith.constant 0 : index
    %swap3A_13 = arith.constant 0 : index
    %swap3A_14 = vector.load %arg5[%swap3A, %swap3A_13] : memref<1024x128xf32, #tpu.memory_space<vmem>>, vector<1024x128xf32>
    tpu.vector_store %arg5[%swap3A, %swap3A_13], %add3A_12 {strides = array<i32>} : memref<1024x128xf32, #tpu.memory_space<vmem>>, vector<1024x128xf32>,
    return
  }
  func.func @transform_0(%arg0: i32) -> (i32, i32) {
    %c0_i32 = arith.constant 0 : i32
    %c0_i32_0 = arith.constant 0 : i32
    return %arg0, %c0_i32 : i32, i32
  }
  func.func @transform_1(%arg0: i32) -> (i32, i32) {
    %c0_i32 = arith.constant 0 : i32
    %c0_i32_0 = arith.constant 0 : i32
    return %arg0, %c0_i32 : i32, i32
  }
  func.func @transform_2(%arg0: i32) -> (i32, i32) {
    %c0_i32 = arith.constant 0 : i32
    %c0_i32_0 = arith.constant 0 : i32
    return %arg0, %c0_i32 : i32, i32
  }
  func.func @transform_3(%arg0: i32) -> (i32, i32) {
    %c0_i32 = arith.constant 0 : i32
    %c0_i32_0 = arith.constant 0 : i32
    return %arg0, %c0_i32 : i32, i32
  }
  func.func @transform_4(%arg0: i32) -> (i32, i32) {
    %c0_i32 = arith.constant 0 : i32
    %c0_i32_0 = arith.constant 0 : i32
    return %arg0, %c0_i32 : i32, i32
  }
}

</mosaic_0001>

<sc_bundles>
// kernel: sage_agg.3.cloned.1.call-start
scs
__scs_entry_jumppad:
0x0: {  	(pc) =	sbr.rel $0x88, $3  }
0x1: {  	(tag) =	ssettag $0x0;
	lr =	simm.s32 $0x1  }
0x2: {  	[smem:$0x3F99] =	sst lr;
	_ =	strace $0xD0000000  }
0x3: {  	_ = 	snop  }
0x4: {  	_ = 	snop  }
0x5: {  	_ = 	snop  }
0x6: {  	_ = 	snop  }
0x7: {  	_ = 	snop  }
__scs_overlays_trampoline_lowered:
0x8: {  	[smem:$0x3FA8] =	sst s0  }
0x9: {  	[smem:$0x3FA9] =	sst s1  }
0xa: {  	[smem:$0x3FAA] =	sst s2  }
0xb: {  	[smem:$0x3FAB] =	sst s3  }
0xc: {  	[smem:$0x3FAC] =	sst s4  }
0xd: {  	[smem:$0x3FAD] =	sst s5  }
0xe: {  	[smem:$0x3FAE] =	sst s6  }
0xf: {  	[smem:$0x3FAF] =	sst s7  }
0x10: {  	[smem:$0x3FB0] =	sst s8  }
0x11: {  	[smem:$0x3FB1] =	sst s9;
	s0 =	simm.s32 @!p0 $0x0  }
0x12: {  	s1 =	sld [smem:$0x3F97];
	s0 =	simm.s32 @p0 $0x1  }
0x13: {  	[smem:$0x3FB2] =	sst s0;
	s0 =	simm.s32 @!p1 $0x0  }
0x14: {  	s2 =	sld [smem:$0x3F96];
	s0 =	simm.s32 @p1 $0x1  }
0x15: {  	[smem:$0x3FB3] =	sst s0;
	s0 =	simm.s32 @!p2 $0x0  }
0x16: {  	s3 =	sld [smem:$0x3FDB];
	s0 =	simm.s32 @p2 $0x1  }
0x17: {  	s4 =	simm.s32 $0x1BF5;
	[smem:$0x3FB5] =	sst s0  }
0x18: {  	s0 =	sld [smem:$0x3F98];
	_ =	swait.ge [sflag:s4], $0x0  }
0x19: {  	s7 =	sld [smem:$0x3F99]  }
0x1a: {  	s8 =	sadd.s32 $0xFFFFE003, lr  }
0x1b: {  	s9 =	sadd.s32 $0xFFFFFEF7, lr;
	s5 =	simm.s32 $0xFFFFFFFF;
	p2 =	slt.u32 s8, $0xFFFFF086  }
0x1c: {  	p1 =	slt.u32 s9, $0xF7A;
	s5 =	simm.s32 @!p2 $0x0  }
0x1d: {  	s5 =	simm.s32 @p1 $0x1;
	p0 =	seq.s32 s7, s2  }
0x1e: {  	s7 =	smul.u32 @!p0 $0xF7A, s2;
	p2 =	seq.s32 @!p0 s5, $0x0  }
0x1f: {  	s9 =	smul.u32 $0xF7A, s1;
	s8 =	simm.s32 @!p0 $0x1BF5;
	p2 =	por !p2, p0  }
0x20: {  	[sflag:s8] =	ssyncset.s32 @!p0 $0xFFFFF086;
	s6 =	sadd.s32 @!p0 s3, s7;
	s7 =	simm.s32 @!p0 $0x108  }
0x21: {  	s3 =	sadd.s32 s3, s9;
	s6 =	sadd.s32 @!p0 $0x88, s6;
	s7 =	simm.s32 @p2 $0x1082  }
0x22: {  	[simem:s7], [sflag:s8] =	dma.local @!p0 [hbm:s6], $0xF7A  }
0x23: {  	s9 =	sor.u32 $0xD0000000, s2;
	s6 =	simm.s32 $0x108;
	_ =	swait.ge @!p0 [sflag:s8], $0x0  }
0x24: {  	s3 =	sadd.s32 $0x88, s3;
	s6 =	simm.s32 @!p1 $0x1082;
	[sflag:s4] =	ssyncset.s32 $0xFFFFF086  }
0x25: {  	[simem:s6], [sflag:s4] =	dma.local [hbm:s3], $0xF7A  }
0x26: {  	[smem:$0x3F99] =	sst s1;
	(tag) =	ssettag s2;
	_ =	strace s9  }
0x27: {  	s1 =	sld [smem:$0x3FA9]  }
0x28: {  	s2 =	sld [smem:$0x3FAA]  }
0x29: {  	s4 =	sld [smem:$0x3FAC]  }
0x2a: {  	p0 =	seq.s32 s5, $0x0;
	s5 =	sld [smem:$0x3FAD]  }
0x2b: {  	s6 =	sld [smem:$0x3FAE]  }
0x2c: {  	s7 =	sld [smem:$0x3FAF]  }
0x2d: {  	s3 =	simm.s32 $0x108;
	s8 =	sld [smem:$0x3FB0]  }
0x2e: {  	s3 =	simm.s32 @!p0 $0x1082;
	s9 =	sld [smem:$0x3FB1]  }
0x2f: {  	lr =	sadd.s32 s0, s3;
	s0 =	sld [smem:$0x3FA8]  }
0x30: {  	s3 =	sld [smem:$0x3FAB]  }
0x31: {  	[smem:$0x3FB4] =	sst s10  }
0x32: {  	s10 =	sld [smem:$0x3FB2];
	_ =	sdelay $0x3  }
0x33: {  	p0 =	seq.s32 s10, $0x1;
	s10 =	sld [smem:$0x3FB4];
	_ =	sdelay $0x3  }
0x34: {  	[smem:$0x3FB4] =	sst s10  }
0x35: {  	s10 =	sld [smem:$0x3FB3];
	_ =	sdelay $0x3  }
0x36: {  	p1 =	seq.s32 s10, $0x1;
	s10 =	sld [smem:$0x3FB4];
	_ =	sdelay $0x3  }
0x37: {  	[smem:$0x3FB4] =	sst s10  }
0x38: {  	s10 =	sld [smem:$0x3FB5]  }
0x39: {  	_ = 	snop;
	(pc) =	sbr.ind lr, $3  }
0x3a: {  	_ = 	snop  }
0x3b: {  	_ = 	snop  }
0x3c: {  	p2 =	seq.s32 s10, $0x1;
	s10 =	sld [smem:$0x3FB4]  }
0x3d: {  	_ =	shalt  }
0x3e: {  	_ =	shalt  }
0x3f: {  	_ =	shalt  }
0x40: {  	_ =	shalt  }
0x41: {  	_ =	shalt  }
0x42: {  	_ =	shalt  }
0x43: {  	_ =	shalt  }
0x44: {  	_ =	shalt  }
0x45: {  	_ =	shalt  }
0x46: {  	_ =	shalt  }
0x47: {  	_ =	shalt  }
0x48: {  	_ =	shalt  }
0x49: {  	_ =	shalt  }
0x4a: {  	_ =	shalt  }
0x4b: {  	_ =	shalt  }
0x4c: {  	_ =	shalt  }
0x4d: {  	_ =	shalt  }
0x4e: {  	_ =	shalt  }
0x4f: {  	_ =	shalt  }
0x50: {  	_ =	shalt  }
0x51: {  	_ =	shalt  }
0x52: {  	_ =	shalt  }
0x53: {  	_ =	shalt  }
0x54: {  	_ =	shalt  }
0x55: {  	_ =	shalt  }
0x56: {  	_ =	shalt  }
0x57: {  	_ =	shalt  }
0x58: {  	_ =	shalt  }
0x59: {  	_ =	shalt  }
0x5a: {  	_ =	shalt  }
0x5b: {  	_ =	shalt  }
0x5c: {  	_ =	shalt  }
0x5d: {  	_ =	shalt  }
0x5e: {  	_ =	shalt  }
0x5f: {  	_ =	shalt  }
0x60: {  	_ =	shalt  }
0x61: {  	_ =	shalt  }
0x62: {  	_ =	shalt  }
0x63: {  	_ =	shalt  }
0x64: {  	_ =	shalt  }
0x65: {  	_ =	shalt  }
0x66: {  	_ =	shalt  }
0x67: {  	_ =	shalt  }
0x68: {  	_ =	shalt  }
0x69: {  	_ =	shalt  }
0x6a: {  	_ =	shalt  }
0x6b: {  	_ =	shalt  }
0x6c: {  	_ =	shalt  }
0x6d: {  	_ =	shalt  }
0x6e: {  	_ =	shalt  }
0x6f: {  	_ =	shalt  }
0x70: {  	_ =	shalt  }
0x71: {  	_ =	shalt  }
0x72: {  	_ =	shalt  }
0x73: {  	_ =	shalt  }
0x74: {  	_ =	shalt  }
0x75: {  	_ =	shalt  }
0x76: {  	_ =	shalt  }
0x77: {  	_ =	shalt  }
0x78: {  	_ =	shalt  }
0x79: {  	_ =	shalt  }
0x7a: {  	_ =	shalt  }
0x7b: {  	_ =	shalt  }
0x7c: {  	_ =	shalt  }
0x7d: {  	_ =	shalt  }
0x7e: {  	_ =	shalt  }
0x7f: {  	_ =	shalt  }
0x80: {  	_ =	shalt  }
0x81: {  	_ =	shalt  }
0x82: {  	_ =	shalt  }
0x83: {  	_ =	shalt  }
0x84: {  	_ =	shalt  }
0x85: {  	_ =	shalt  }
0x86: {  	_ =	shalt  }
0x87: {  	_ =	shalt  }
.Lfunc_end0:
.L_simem_size_0:
called_computation.1_lowered:
.L_overlay_start_0:
0x88: {  	s2 =	sld [smem:$0x3FD9]  }
0x89: {  	s3 =	sld [smem:$0x3FFE];
	_ =	sdelay $0x1  }
0x8a: {  	s1 =	srdreg.scid  }
0x8b: {  	s0 =	sand.u32 $0x1, s1  }
0x8c: {  	s17 =	sshll.u32 s0, $0xA;
	s2 =	sadd.s32 s3, s2  }
0x8d: {  	s2 =	sadd.s32 s2, s17  }
0x8e: {  	[smem:$0x3FC0] =	sst s2  }
0x8f: {  	_ = 	snop  }
0x90: {  	s2 =	sld [smem:$0x3FD0];
	(tm) =	ssettm $0x1  }
0x91: {  	s18 =	sld [smem:$0x3FFB];
	_ =	sdelay $0x3  }
0x92: {  	_ =	strace s18  }
0x93: {  	s3 =	sld [smem:$0x3FFC];
	_ =	sdelay $0x3  }
0x94: {  	_ =	strace s3  }
0x95: {  	s3 =	sld [smem:$0x3FFD];
	_ =	sdelay $0x3  }
0x96: {  	_ =	strace s3  }
0x97: {  	_ =	strace $0x8FFFFFFF  }
0x98: {  	s19 =	sld [smem:$0x3FDB];
	_ =	sdelay $0x1  }
0x99: {  	s4 =	simm.s32 $_scs_section_size  }
0x9a: {  	s5 =	simm.s32 $_size__tile_overlayer_lowered;
	s6 =	simm.s32 $_tile_overlayer_lowered  }
0x9b: {  	s22 =	simm.s32 $0x1BFF;
	s21 =	sshll.u32 s6, $0x1;
	s3 =	sadd.s32 s4, s19  }
0x9c: {  	s7 =	simm.s32 $0x0;
	s20 =	sshll.u32 s5, $0x1;
	s5 =	sadd.s32 s21, s3  }
0x9d: {  	[timem:s7], [sflag:s22] =	dma.local [hbm:s5], s20  }
0x9e: {  	_ =	swait.ge [sflag:s22], s20  }
0x9f: {  	s4 =	ssub.s32 $0x0, s20;
	[sflag:s22] =	ssyncset.done $0x0  }
0xa0: {  	[sflag:s22] =	ssyncadd.s32 s4;
	_ =	sdelay $0x1  }
0xa1: {  	s23 =	simm.s32 $0x1B8B  }
0xa2: {  	_ =	swait.ge [sflag:s23], $0x1  }
0xa3: {  	[sflag:s23] =	ssyncset.done $0x0  }
0xa4: {  	s25 =	simm.s32 $0x1B8E;
	s24 =	sld [smem:$0x3FFE];
	[sflag:s23] =	ssyncadd.s32 $0xFFFFFFFF  }
0xa5: {  	s26 =	simm.s32 $execute0_lowered;
	[smem:$0x3FD2] =	sst s25  }
0xa6: {  	s5 =	sshll.u32 s26, $0x1;
	_ =	strace $0x80000049;
	[dreg:$0x1] =	wrdreg $0xFFFFFFFF  }
0xa7: {  	s28 =	simm.s32 $_size_execute0_lowered;
	s3 =	sadd.s32 s3, s5;
	[dreg:$0x0] =	wrdreg $0x0  }
0xa8: {  	s5 =	sshll.u32 s28, $0x1;
	[dreg:$0x2] =	wrdreg s3  }
0xa9: {  	[dreg:$0x3] =	wrdreg s5  }
0xaa: {  	[dreg:$0x4] =	wrdreg $0xC0  }
0xab: {  	_ =	task [dreg:s7], $0x5FFFF  }
0xac: {  	[dreg:$0x1] =	wrdreg $0xFFFFFFFF  }
0xad: {  	[dreg:$0x0] =	wrdreg $0x60  }
0xae: {  	[dreg:$0x2] =	wrdreg s2  }
0xaf: {  	[dreg:$0x3] =	wrdreg s24  }
0xb0: {  	[dreg:$0x4] =	wrdreg $0x0  }
0xb1: {  	[dreg:$0x5] =	wrdreg $0x9  }
0xb2: {  	_ =	task.clear_ibuf [dreg:s7], $0x6FFFF;
	_ =	strace $0x90000049  }
0xb3: {  	s29 =	simm.s32 $0x9;
	_ =	strace $0x8000004B  }
0xb4: {  	_ =	swait.ge [sflag:s29], $0x1  }
0xb5: {  	[sflag:s29] =	ssyncadd.s32 $0xFFFFFFFF  }
0xb6: {  	_ =	strace $0x9000004B  }
0xb7: {  	_ =	sfence  }
0xb8: {  	s30 =	sld [smem:$0x0];
	_ =	sdelay $0x2  }
0xb9: {  	s31 =	sshll.u32 s1, $0xD;
	s1 =	sshrl.u32 s1, $0x2  }
0xba: {  	s3 =	sand.u32 $0x4000, s31;
	s1 =	sadd.s32 s1, s30  }
0xbb: {  	s0 =	sor.u32 s3, s0;
	s1 =	sshll.u32 s1, $0x11  }
0xbc: {  	s0 =	sor.u32 s1, s0  }
0xbd: {  	s0 =	sadd.s32 $0x8F2B, s0  }
0xbe: {  	[sflag:s0] =	ssyncadd.remote.s32 $0x1  }
0xbf: {  	_ =	sfence.sel $0xFFFF  }
0xc0: {  	[dreg:$0x0] =	wrdreg $0xFFFFFFFF;
	(pc) =	sbr.abs _section_cstart, $3  }
0xc1: {  	[dreg:$0x1] =	wrdreg $0xFFFFFFFF  }
0xc2: {  	_ =	task.clear_ibuf [dreg:s7], $0x2FFFF;
	_ =	strace $0x9FFFFFFF  }
0xc3: {  	(tm) =	ssettm $0x7FFFFFFF  }
tec
execute0_lowered:
.L_overlay_start_1:
0x0: {  	(tag) =	ssettag $0x1  }
0x1: {  	s1 =	rddreg [dreg:$0x0]  }
0x2: {  	s0 =	rddreg [dreg:$0x1]  }
0x3: {  	s2 =	rddreg [dreg:$0x2];
	s3 =	srdreg.scid  }
0x4: {  	s4 =	simm.s32 $0x0;
	s11 =	stileid.u32;
	s17 =	simm.s32 $0x13880  }
0x5: {  	s19 =	simm.s32 $0x1D200;
	s20 =	simm.s32 $0x1;
	s28 =	simm.s32 $0x18200  }
0x6: {  	s30 =	simm.s32 $0x1AA00;
	s31 =	simm.s32 $0x15880;
	s14 =	simm.s32 $0x6  }
0x7: {  	s16 =	simm.s32 $0x8;
	s3 =	sand.u32 $0x1, s3;
	[smem:$0x7FF] =	sst s4  }
0x8: {  	s5 =	sadd.s32 $0xC600, s0;
	s6 =	sadd.s32 $0x2800, s0;
	s9 =	smul.u32 $0x4E000, s11  }
0x9: {  	s0 =	sadd.s32 $0x3D600, s0;
	s23 =	smul.u32 $0x13800, s11;
	s18 =	sadd.s32 $0x138000, s2  }
0xa: {  	s24 =	sadd.s32 $0x138400, s2;
	p0 =	sne.s32 s11, $0xF;
	s21 =	sshll.u32 s3, $0x4  }
0xb: {  	_ =	strace $0x8000004A;
	s7 =	ssub.s32 $0x2, s3;
	[dreg:$0x7] =	wrdreg s24  }
0xc: {  	s3 =	smul.u32 $0x138800, s3;
	s24 =	simm.s32 $0x50;
	[dreg:$0x6] =	wrdreg s18  }
0xd: {  	s4 =	sor.u32 s11, s21;
	s8 =	sshrl.u32 s7, $0x1;
	s9 =	sshrl.u32 s9, $0x2  }
0xe: {  	s21 =	simm.s32 $0x7;
	s11 =	simm.s32 $0x15980;
	s4 =	smul.u32 $0x2710, s4  }
0xf: {  	s7 =	ssub.s32 s7, s8;
	s25 =	sadd.s32 s23, s3;
	s3 =	sshrl.u32 s3, $0x3  }
0x10: {  	s9 =	sadd.s32 s9, s2;
	s23 =	simm.s32 $0x0;
	s3 =	sadd.s32 s0, s3  }
0x11: {  	s29 =	smax.u32 s7, $0x1;
	s7 =	simm.s32 $0x5;
	s22 =	sshrl.u32 s4, $0x3  }
0x12: {  	s12 =	sadd.s32 $0x7D0, s4;
	s13 =	sadd.s32 $0xFA0, s4;
	s26 =	sadd.s32 $0x27000, s3  }
0x13: {  	[dreg:$0xa] =	wrdreg s29;
	s3 =	simm.s32 $0x2;
	s4 =	simm.s32 $0x15900  }
0x14: {  	s10 =	sadd.s32 s5, s22;
	s8 =	sadd.s32 s6, s22;
	[dreg:$0x9] =	wrdreg s26  }
0x15: {  	s22 =	simm.s32 $0x14880;
	[dreg:$0x5] =	wrdreg s8;
	s8 =	sshrl.u32 s25, $0x3  }
0x16: {  	[dreg:$0x4] =	wrdreg s10;
	s25 =	simm.s32 $0x15A00;
	s0 =	sadd.s32 s0, s8  }
0x17: {  	v0 =	vimm.f32 $0.0e+00;
	s8 =	simm.s32 $0x3;
	[dreg:$0x8] =	wrdreg s0;
	s0 =	simm.s32 $0x4  }
.LBB2_1:
0x18: {  	s10 =	simm.s32 $0x0;
	s15 =	rddreg [dreg:$0x4]  }
0x19: {  	[tilespmem:s17], [sflag:$0x7] =	stream.linear.gather [hbm4b:s15+s10], $0x7D0, $0x38;
	[tilespmem:$0x1D600] =	vst v63  }
0x1a: {  	s26 =	rddreg [dreg:$0x5];
	s29 =	simm.s32 $0x14080  }
0x1b: {  	[tilespmem:s29], [sflag:$0x7] =	stream.linear.gather [hbm4b:s26+s10], $0x7D0, $0x38;
	[tilespmem:$0x1D600] =	vst v63  }
0x1c: {  	[tilespmem:$0x1D200] =	vst v0  }
0x1d: {  	[tilespmem:$0x1D210] =	vst v0  }
0x1e: {  	[tilespmem:$0x1D220] =	vst v0  }
0x1f: {  	[tilespmem:$0x1D230] =	vst v0  }
0x20: {  	[tilespmem:$0x1D240] =	vst v0  }
0x21: {  	[tilespmem:$0x1D250] =	vst v0  }
0x22: {  	[tilespmem:$0x1D260] =	vst v0  }
0x23: {  	[tilespmem:$0x1D270] =	vst v0  }
0x24: {  	[tilespmem:$0x1D280] =	vst v0  }
0x25: {  	[tilespmem:$0x1D290] =	vst v0  }
0x26: {  	[tilespmem:$0x1D2A0] =	vst v0  }
0x27: {  	[tilespmem:$0x1D2B0] =	vst v0  }
0x28: {  	[tilespmem:$0x1D2C0] =	vst v0  }
0x29: {  	[tilespmem:$0x1D2D0] =	vst v0  }
0x2a: {  	[tilespmem:$0x1D2E0] =	vst v0  }
0x2b: {  	[tilespmem:$0x1D2F0] =	vst v0  }
0x2c: {  	[tilespmem:$0x1D300] =	vst v0  }
0x2d: {  	[tilespmem:$0x1D310] =	vst v0  }
0x2e: {  	[tilespmem:$0x1D320] =	vst v0  }
0x2f: {  	[tilespmem:$0x1D330] =	vst v0  }
0x30: {  	[tilespmem:$0x1D340] =	vst v0  }
0x31: {  	[tilespmem:$0x1D350] =	vst v0  }
0x32: {  	[tilespmem:$0x1D360] =	vst v0  }
0x33: {  	[tilespmem:$0x1D370] =	vst v0  }
0x34: {  	[tilespmem:$0x1D380] =	vst v0  }
0x35: {  	[tilespmem:$0x1D390] =	vst v0  }
0x36: {  	[tilespmem:$0x1D3A0] =	vst v0  }
0x37: {  	[tilespmem:$0x1D3B0] =	vst v0  }
0x38: {  	[tilespmem:$0x1D3C0] =	vst v0  }
0x39: {  	[tilespmem:$0x1D3D0] =	vst v0  }
0x3a: {  	[tilespmem:$0x1D3E0] =	vst v0  }
0x3b: {  	[tilespmem:$0x1D3F0] =	vst v0  }
0x3c: {  	[tilespmem:$0x1D400] =	vst v0  }
0x3d: {  	[tilespmem:$0x1D410] =	vst v0  }
0x3e: {  	[tilespmem:$0x1D420] =	vst v0  }
0x3f: {  	[tilespmem:$0x1D430] =	vst v0  }
0x40: {  	[tilespmem:$0x1D440] =	vst v0  }
0x41: {  	[tilespmem:$0x1D450] =	vst v0  }
0x42: {  	[tilespmem:$0x1D460] =	vst v0  }
0x43: {  	[tilespmem:$0x1D470] =	vst v0  }
0x44: {  	[tilespmem:$0x1D480] =	vst v0  }
0x45: {  	[tilespmem:$0x1D490] =	vst v0  }
0x46: {  	[tilespmem:$0x1D4A0] =	vst v0  }
0x47: {  	[tilespmem:$0x1D4B0] =	vst v0  }
0x48: {  	[tilespmem:$0x1D4C0] =	vst v0  }
0x49: {  	[tilespmem:$0x1D4D0] =	vst v0  }
0x4a: {  	[tilespmem:$0x1D4E0] =	vst v0  }
0x4b: {  	[tilespmem:$0x1D4F0] =	vst v0  }
0x4c: {  	[tilespmem:$0x1D500] =	vst v0  }
0x4d: {  	[tilespmem:$0x1D510] =	vst v0  }
0x4e: {  	[tilespmem:$0x1D520] =	vst v0  }
0x4f: {  	[tilespmem:$0x1D530] =	vst v0  }
0x50: {  	[tilespmem:$0x1D540] =	vst v0  }
0x51: {  	[tilespmem:$0x1D550] =	vst v0  }
0x52: {  	[tilespmem:$0x1D560] =	vst v0  }
0x53: {  	[tilespmem:$0x1D570] =	vst v0  }
0x54: {  	[tilespmem:$0x1D580] =	vst v0  }
0x55: {  	[tilespmem:$0x1D590] =	vst v0  }
0x56: {  	[tilespmem:$0x1D5A0] =	vst v0  }
0x57: {  	[tilespmem:$0x1D5B0] =	vst v0  }
0x58: {  	[tilespmem:$0x1D5C0] =	vst v0  }
0x59: {  	[tilespmem:$0x1D5D0] =	vst v0  }
0x5a: {  	[tilespmem:$0x1D5E0] =	vst v0  }
0x5b: {  	[dreg:$0xb] =	wrdreg s23;
	s15 =	sadd.s32 $0x0, s9;
	s10 =	simm.s32 $0x1000;
	[tilespmem:$0x1D5F0] =	vst v0  }
.LBB2_2:
0x5c: {  	[spmem:s15] =	stream.linear.scatter [tilespmem:s19], [sflag:$0x1], $0x400, $0x38;
	[tilespmem:$0x1D600] =	vst v63  }
0x5d: {  	s15 =	smov.u32 s10;
	p1 =	sne.s32 s10, $0x4D000  }
.Ltmp0:
0x5e: {  	s10 =	sadd.s32 $0x1000, s10;
	(pc) =	sbr.rel @p1 .LBB2_2-.Ltmp0, $3  }
0x5f: {  	_ =	sdelay $0x1  }
0x60: {  	s15 =	sshra.s32 s15, $0x2  }
0x61: {  	s15 =	sadd.s32 s15, s9  }
0x62: {  	[spmem:s15] =	stream.linear.scatter [tilespmem:s19], [sflag:$0x1], $0x400, $0x38;
	[tilespmem:$0x1D600] =	vst v63  }
0x63: {  	s10 =	simm.s32 @!p0 $0x1D200  }
0x64: {  	[spmem:s18] =	stream.linear.scatter @!p0 [tilespmem:s10], [sflag:$0x1], $0x400, $0x38;
	[tilespmem:$0x1D600] =	vst v63  }
0x65: {  	s15 =	rddreg [dreg:$0x7]  }
0x66: {  	[spmem:s15] =	stream.linear.scatter @!p0 [tilespmem:s10], [sflag:$0x1], $0x400, $0x38;
	[tilespmem:$0x1D600] =	vst v63  }
0x67: {  	_ =	swait.ge [sflag:s20], $0x400  }
0x68: {  	s10 =	simm.s32 $0x4D;
	[sflag:s20] =	ssyncset.done $0x0  }
.LBB2_4:
0x69: {  	p1 =	sne.s32 s10, $0x1;
	s10 =	sadd.s32 $0xFFFFFFFF, s10;
	[sflag:s20] =	ssyncadd.s32 $0xFFFFFC00  }
.Ltmp1:
0x6a: {  	(pc) =	sbr.rel @p1 .LBB2_4-.Ltmp1, $3  }
0x6b: {  	_ =	sdelay $0x1  }
0x6c: {  	_ =	swait.ge [sflag:s20], $0x400  }
0x6d: {  	[sflag:s20] =	ssyncset.done $0x0  }
0x6e: {  	[sflag:s20] =	ssyncadd.s32 $0xFFFFFC00;
	s10 =	simm.s32 @!p0 $0x1  }
0x6f: {  	_ =	swait.ge @!p0 [sflag:s10], $0x400  }
0x70: {  	[sflag:s10] =	ssyncset.done @!p0 $0x0  }
0x71: {  	[sflag:s10] =	ssyncadd.s32 @!p0 $0xFFFFFC00  }
0x72: {  	_ =	swait.ge @!p0 [sflag:s10], $0x400  }
0x73: {  	[sflag:s10] =	ssyncset.done @!p0 $0x0  }
0x74: {  	s23 =	simm.s32 $0x0;
	[sflag:s10] =	ssyncadd.s32 @!p0 $0xFFFFFC00  }
0x75: {  	p2 =	por $0x1, $0x1;
	s10 =	simm.s32 $0x0;
	[bflag:$0x0] =	sbarrier.arrive $0xFFFF  }
.LBB2_6:
0x76: {  	_ =	swait.ge [sflag:s21], $0x7D0  }
0x77: {  	[sflag:s21] =	ssyncset.done $0x0  }
0x78: {  	[sflag:s21] =	ssyncadd.s32 $0xFFFFF830  }
0x79: {  	s15 =	sadd.s32 s10, s12;
	_ =	swait.ge [sflag:s21], $0x7D0  }
0x7a: {  	s15 =	sshrl.u32 s15, $0x3;
	[sflag:s21] =	ssyncset.done $0x0  }
0x7b: {  	s18 =	sadd.s32 s5, s15;
	[sflag:s21] =	ssyncadd.s32 $0xFFFFF830  }
0x7c: {  	[tilespmem:s22], [sflag:$0x8] =	stream.linear.gather [hbm4b:s18+s23], $0x7D0, $0x38;
	[tilespmem:$0x1D600] =	vst v63  }
0x7d: {  	s26 =	simm.s32 $0x15080;
	s15 =	sadd.s32 s6, s15  }
0x7e: {  	[tilespmem:s26], [sflag:$0x8] =	stream.linear.gather [hbm4b:s15+s23], $0x7D0, $0x38;
	[tilespmem:$0x1D600] =	vst v63  }
0x7f: {  	v1 =	vld [tilespmem:$0x14080]  }
0x80: {  	v2 =	vld [tilespmem:$0x14090]  }
0x81: {  	v3 =	vld [tilespmem:$0x140A0]  }
0x82: {  	v4 =	vld [tilespmem:$0x140B0]  }
0x83: {  	v5 =	vld [tilespmem:$0x140C0]  }
0x84: {  	[tilespmem:$0x15880] =	vst v1  }
0x85: {  	[tilespmem:$0x15890] =	vst v2  }
0x86: {  	[tilespmem:$0x158A0] =	vst v3  }
0x87: {  	[tilespmem:$0x158B0] =	vst v4  }
0x88: {  	[tilespmem:$0x158C0] =	vst v5  }
0x89: {  	[tilespmem:s25], [sflag:$0x1] =	stream.indirect.gather [hbm4b:s1+s24], $0x80, s17, s24, $0xb8;
	[tilespmem:$0x1D600] =	vst v63  }
0x8a: {  	v1 =	vld [tilespmem:$0x140D0]  }
0x8b: {  	v2 =	vld [tilespmem:$0x140E0]  }
0x8c: {  	v3 =	vld [tilespmem:$0x140F0]  }
0x8d: {  	v60 =	vld [tilespmem:$0x14100]  }
0x8e: {  	v61 =	vld [tilespmem:$0x14110]  }
0x8f: {  	[tilespmem:$0x15900] =	vst v1  }
0x90: {  	[tilespmem:$0x15910] =	vst v2  }
0x91: {  	[tilespmem:$0x15920] =	vst v3  }
0x92: {  	[tilespmem:$0x15930] =	vst v60  }
0x93: {  	s26 =	simm.s32 $0x138D0;
	[tilespmem:$0x15940] =	vst v61  }
0x94: {  	[tilespmem:s28], [sflag:$0x2] =	stream.indirect.gather [hbm4b:s1+s24], $0x80, s26, s24, $0xb8;
	[tilespmem:$0x1D600] =	vst v63  }
0x95: {  	v1 =	vld [tilespmem:$0x14120]  }
0x96: {  	v2 =	vld [tilespmem:$0x14130]  }
0x97: {  	v3 =	vld [tilespmem:$0x14140]  }
0x98: {  	v62 =	vld [tilespmem:$0x14150]  }
0x99: {  	v63 =	vld [tilespmem:$0x14160]  }
0x9a: {  	[tilespmem:$0x15980] =	vst v1  }
0x9b: {  	[tilespmem:$0x15990] =	vst v2  }
0x9c: {  	[tilespmem:$0x159A0] =	vst v3  }
0x9d: {  	[tilespmem:$0x159B0] =	vst v62  }
0x9e: {  	s18 =	simm.s32 $0x13920;
	[tilespmem:$0x159C0] =	vst v63  }
0x9f: {  	[tilespmem:s30], [sflag:$0x3] =	stream.indirect.gather [hbm4b:s1+s24], $0x80, s18, s24, $0xb8;
	[tilespmem:$0x1D600] =	vst v63  }
0xa0: {  	_ =	swait.ge [sflag:s20], $0x2800  }
0xa1: {  	[sflag:s20] =	ssyncset.done $0x0  }
0xa2: {  	[sflag:s20] =	ssyncadd.s32 $0xFFFFD800  }
0xa3: {  	[spmem:s2] =	stream.indirect.scatter.add.f32 [tilespmem:s25], [sflag:$0x4], $0x80, s31, s24, $0xb8;
	[tilespmem:$0x1D600] =	vst v63  }
0xa4: {  	_ =	swait.ge [sflag:s0], $0x2800  }
0xa5: {  	[sflag:s0] =	ssyncset.done $0x0  }
0xa6: {  	s15 =	simm.s32 $0x14250;
	[sflag:s0] =	ssyncadd.s32 $0xFFFFD800  }
0xa7: {  	v1 =	vld [tilespmem:s15+$0xFFFFFF20];
	_ =	sdelay $0x4  }
0xa8: {  	s18 =	sand.u32 $0x7F0, s23;
	[tilespmem:$0x15880] =	vst v1  }
0xa9: {  	v1 =	vld [tilespmem:s18+$0x14180];
	_ =	sdelay $0x4  }
0xaa: {  	[tilespmem:$0x15890] =	vst v1  }
0xab: {  	v1 =	vld [tilespmem:s15+$0xFFFFFF40];
	_ =	sdelay $0x4  }
0xac: {  	[tilespmem:$0x158A0] =	vst v1  }
0xad: {  	v1 =	vld [tilespmem:s15+$0xFFFFFF50];
	_ =	sdelay $0x4  }
0xae: {  	[tilespmem:$0x158B0] =	vst v1  }
0xaf: {  	v1 =	vld [tilespmem:s15+$0xFFFFFF60];
	_ =	sdelay $0x4  }
0xb0: {  	s26 =	simm.s32 $0x13970;
	[tilespmem:$0x158C0] =	vst v1  }
0xb1: {  	[tilespmem:s25], [sflag:$0x1] =	stream.indirect.gather [hbm4b:s1+s24], $0x80, s26, s24, $0xb8;
	[tilespmem:$0x1D600] =	vst v63  }
0xb2: {  	_ =	swait.ge [sflag:s3], $0x2800  }
0xb3: {  	[sflag:s3] =	ssyncset.done $0x0  }
0xb4: {  	[sflag:s3] =	ssyncadd.s32 $0xFFFFD800  }
0xb5: {  	[spmem:s2] =	stream.indirect.scatter.add.f32 [tilespmem:s28], [sflag:$0x5], $0x80, s4, s24, $0xb8;
	[tilespmem:$0x1D600] =	vst v63  }
0xb6: {  	_ =	swait.ge [sflag:s7], $0x2800  }
0xb7: {  	[sflag:s7] =	ssyncset.done $0x0  }
0xb8: {  	[sflag:s7] =	ssyncadd.s32 $0xFFFFD800  }
0xb9: {  	v1 =	vld [tilespmem:s15+$0xFFFFFF70];
	_ =	sdelay $0x4  }
0xba: {  	[tilespmem:$0x15900] =	vst v1  }
0xbb: {  	v1 =	vld [tilespmem:s15+$0xFFFFFF80];
	_ =	sdelay $0x4  }
0xbc: {  	[tilespmem:$0x15910] =	vst v1  }
0xbd: {  	v1 =	vld [tilespmem:s15+$0xFFFFFF90];
	_ =	sdelay $0x4  }
0xbe: {  	[tilespmem:$0x15920] =	vst v1  }
0xbf: {  	v1 =	vld [tilespmem:s15+$0xFFFFFFA0];
	_ =	sdelay $0x4  }
0xc0: {  	[tilespmem:$0x15930] =	vst v1  }
0xc1: {  	v1 =	vld [tilespmem:s18+$0x14200];
	_ =	sdelay $0x4  }
0xc2: {  	s26 =	simm.s32 $0x139C0;
	[tilespmem:$0x15940] =	vst v1  }
0xc3: {  	[tilespmem:s28], [sflag:$0x2] =	stream.indirect.gather [hbm4b:s1+s24], $0x80, s26, s24, $0xb8;
	[tilespmem:$0x1D600] =	vst v63  }
0xc4: {  	_ =	swait.ge [sflag:s8], $0x2800  }
0xc5: {  	[sflag:s8] =	ssyncset.done $0x0  }
0xc6: {  	[sflag:s8] =	ssyncadd.s32 $0xFFFFD800  }
0xc7: {  	[spmem:s2] =	stream.indirect.scatter.add.f32 [tilespmem:s30], [sflag:$0x6], $0x80, s11, s24, $0xb8;
	[tilespmem:$0x1D600] =	vst v63  }
0xc8: {  	_ =	swait.ge [sflag:s14], $0x2800  }
0xc9: {  	[sflag:s14] =	ssyncset.done $0x0  }
0xca: {  	[sflag:s14] =	ssyncadd.s32 $0xFFFFD800  }
0xcb: {  	v1 =	vld [tilespmem:s15+$0xFFFFFFC0];
	_ =	sdelay $0x4  }
0xcc: {  	[tilespmem:$0x15980] =	vst v1  }
0xcd: {  	v1 =	vld [tilespmem:s15+$0xFFFFFFD0];
	_ =	sdelay $0x4  }
0xce: {  	[tilespmem:$0x15990] =	vst v1  }
0xcf: {  	v1 =	vld [tilespmem:s15+$0xFFFFFFE0];
	_ =	sdelay $0x4  }
0xd0: {  	[tilespmem:$0x159A0] =	vst v1  }
0xd1: {  	v1 =	vld [tilespmem:s15+$0xFFFFFFF0];
	_ =	sdelay $0x4  }
0xd2: {  	[tilespmem:$0x159B0] =	vst v1  }
0xd3: {  	v1 =	vld [tilespmem:s15+$0x0];
	_ =	sdelay $0x4  }
0xd4: {  	s26 =	simm.s32 $0x13A10;
	[tilespmem:$0x159C0] =	vst v1  }
0xd5: {  	[tilespmem:s30], [sflag:$0x3] =	stream.indirect.gather [hbm4b:s1+s24], $0x80, s26, s24, $0xb8;
	[tilespmem:$0x1D600] =	vst v63  }
0xd6: {  	_ =	swait.ge [sflag:s20], $0x2800  }
0xd7: {  	p1 =	por p2, p2;
	s29 =	simm.s32 $0x14340;
	[sflag:s20] =	ssyncset.done $0x0  }
0xd8: {  	s18 =	simm.s32 $0xF0;
	s26 =	simm.s32 $0x13A60;
	[sflag:s20] =	ssyncadd.s32 $0xFFFFD800  }
.LBB2_7:
0xd9: {  	[spmem:s2] =	stream.indirect.scatter.add.f32 [tilespmem:s25], [sflag:$0x4], $0x80, s31, s24, $0xb8;
	[tilespmem:$0x1D600] =	vst v63  }
0xda: {  	s15 =	smov.u32 s18  }
0xdb: {  	p2 =	sne.s32 s18, $0x5A0;
	s18 =	sadd.s32 $0xF0, s18;
	_ =	swait.ge [sflag:s0], $0x2800  }
0xdc: {  	[sflag:s0] =	ssyncset.done $0x0  }
0xdd: {  	[sflag:s0] =	ssyncadd.s32 $0xFFFFD800  }
0xde: {  	v1 =	vld [tilespmem:s29+$0xFFFFFF20];
	_ =	sdelay $0x4  }
0xdf: {  	s15 =	sand.u32 $0x7F0, s15;
	[tilespmem:$0x15880] =	vst v1  }
0xe0: {  	v1 =	vld [tilespmem:s15+$0x14180];
	_ =	sdelay $0x4  }
0xe1: {  	[tilespmem:$0x15890] =	vst v1  }
0xe2: {  	v1 =	vld [tilespmem:s29+$0xFFFFFF40];
	_ =	sdelay $0x4  }
0xe3: {  	[tilespmem:$0x158A0] =	vst v1  }
0xe4: {  	v1 =	vld [tilespmem:s29+$0xFFFFFF50];
	_ =	sdelay $0x4  }
0xe5: {  	[tilespmem:$0x158B0] =	vst v1  }
0xe6: {  	v1 =	vld [tilespmem:s29+$0xFFFFFF60];
	_ =	sdelay $0x4  }
0xe7: {  	[tilespmem:$0x158C0] =	vst v1  }
0xe8: {  	[tilespmem:s25], [sflag:$0x1] =	stream.indirect.gather [hbm4b:s1+s24], $0x80, s26, s24, $0xb8;
	[tilespmem:$0x1D600] =	vst v63  }
0xe9: {  	_ =	swait.ge [sflag:s3], $0x2800  }
0xea: {  	[sflag:s3] =	ssyncset.done $0x0  }
0xeb: {  	[sflag:s3] =	ssyncadd.s32 $0xFFFFD800  }
0xec: {  	[spmem:s2] =	stream.indirect.scatter.add.f32 [tilespmem:s28], [sflag:$0x5], $0x80, s4, s24, $0xb8;
	[tilespmem:$0x1D600] =	vst v63  }
0xed: {  	_ =	swait.ge [sflag:s7], $0x2800  }
0xee: {  	[sflag:s7] =	ssyncset.done $0x0  }
0xef: {  	[sflag:s7] =	ssyncadd.s32 $0xFFFFD800  }
0xf0: {  	v1 =	vld [tilespmem:s29+$0xFFFFFF70];
	_ =	sdelay $0x4  }
0xf1: {  	[tilespmem:$0x15900] =	vst v1  }
0xf2: {  	v1 =	vld [tilespmem:s29+$0xFFFFFF80];
	_ =	sdelay $0x4  }
0xf3: {  	[tilespmem:$0x15910] =	vst v1  }
0xf4: {  	v1 =	vld [tilespmem:s29+$0xFFFFFF90];
	_ =	sdelay $0x4  }
0xf5: {  	[tilespmem:$0x15920] =	vst v1  }
0xf6: {  	v1 =	vld [tilespmem:s29+$0xFFFFFFA0];
	_ =	sdelay $0x4  }
0xf7: {  	[tilespmem:$0x15930] =	vst v1  }
0xf8: {  	v1 =	vld [tilespmem:s15+$0x14200];
	_ =	sdelay $0x4  }
0xf9: {  	s15 =	sadd.s32 $0x50, s26;
	[tilespmem:$0x15940] =	vst v1  }
0xfa: {  	[tilespmem:s28], [sflag:$0x2] =	stream.indirect.gather [hbm4b:s1+s24], $0x80, s15, s24, $0xb8;
	[tilespmem:$0x1D600] =	vst v63  }
0xfb: {  	_ =	swait.ge [sflag:s8], $0x2800  }
0xfc: {  	[sflag:s8] =	ssyncset.done $0x0  }
0xfd: {  	[sflag:s8] =	ssyncadd.s32 $0xFFFFD800  }
0xfe: {  	[spmem:s2] =	stream.indirect.scatter.add.f32 [tilespmem:s30], [sflag:$0x6], $0x80, s11, s24, $0xb8;
	[tilespmem:$0x1D600] =	vst v63  }
0xff: {  	_ =	swait.ge [sflag:s14], $0x2800  }
0x100: {  	[sflag:s14] =	ssyncset.done $0x0  }
0x101: {  	[sflag:s14] =	ssyncadd.s32 $0xFFFFD800  }
0x102: {  	v1 =	vld [tilespmem:s29+$0xFFFFFFC0];
	_ =	sdelay $0x4  }
0x103: {  	[tilespmem:$0x15980] =	vst v1  }
0x104: {  	v1 =	vld [tilespmem:s29+$0xFFFFFFD0];
	_ =	sdelay $0x4  }
0x105: {  	[tilespmem:$0x15990] =	vst v1  }
0x106: {  	v1 =	vld [tilespmem:s29+$0xFFFFFFE0];
	_ =	sdelay $0x4  }
0x107: {  	[tilespmem:$0x159A0] =	vst v1  }
0x108: {  	v1 =	vld [tilespmem:s29+$0xFFFFFFF0];
	_ =	sdelay $0x4  }
0x109: {  	[tilespmem:$0x159B0] =	vst v1  }
0x10a: {  	v1 =	vld [tilespmem:s29+$0x0];
	_ =	sdelay $0x4  }
.Ltmp2:
0x10b: {  	s15 =	sadd.s32 $0xA0, s26;
	[tilespmem:$0x159C0] =	vst v1;
	(pc) =	sbr.rel @p2 .LBB2_7-.Ltmp2, $4  }
0x10c: {  	[tilespmem:s30], [sflag:$0x3] =	stream.indirect.gather [hbm4b:s1+s24], $0x80, s15, s24, $0xb8;
	[tilespmem:$0x1D600] =	vst v63  }
0x10d: {  	_ =	swait.ge [sflag:s20], $0x2800  }
0x10e: {  	[sflag:s20] =	ssyncset.done $0x0  }
0x10f: {  	s26 =	sadd.s32 $0xF0, s26;
	s29 =	sadd.s32 $0xF0, s29;
	[sflag:s20] =	ssyncadd.s32 $0xFFFFD800  }
0x110: {  	[spmem:s2] =	stream.indirect.scatter.add.f32 [tilespmem:s25], [sflag:$0x4], $0x80, s31, s24, $0xb8;
	[tilespmem:$0x1D600] =	vst v63  }
0x111: {  	_ =	swait.ge [sflag:s0], $0x2800  }
0x112: {  	[sflag:s0] =	ssyncset.done $0x0  }
0x113: {  	[sflag:s0] =	ssyncadd.s32 $0xFFFFD800  }
0x114: {  	v1 =	vld [tilespmem:$0x14800]  }
0x115: {  	v2 =	vld [tilespmem:$0x14810]  }
0x116: {  	v3 =	vld [tilespmem:$0x14820]  }
0x117: {  	v4 =	vld [tilespmem:$0x14830]  }
0x118: {  	v5 =	vld [tilespmem:$0x14840]  }
0x119: {  	[tilespmem:$0x15880] =	vst v1  }
0x11a: {  	[tilespmem:$0x15890] =	vst v2  }
0x11b: {  	[tilespmem:$0x158A0] =	vst v3  }
0x11c: {  	[tilespmem:$0x158B0] =	vst v4  }
0x11d: {  	s15 =	simm.s32 $0x14000;
	[tilespmem:$0x158C0] =	vst v5  }
0x11e: {  	[tilespmem:s25], [sflag:$0x1] =	stream.indirect.gather [hbm4b:s1+s24], $0x80, s15, s24, $0xb8;
	[tilespmem:$0x1D600] =	vst v63  }
0x11f: {  	_ =	swait.ge [sflag:s3], $0x2800  }
0x120: {  	[sflag:s3] =	ssyncset.done $0x0  }
0x121: {  	[sflag:s3] =	ssyncadd.s32 $0xFFFFD800  }
0x122: {  	[spmem:s2] =	stream.indirect.scatter.add.f32 [tilespmem:s28], [sflag:$0x5], $0x80, s4, s24, $0xb8;
	[tilespmem:$0x1D600] =	vst v63  }
0x123: {  	_ =	swait.ge [sflag:s8], $0x2800  }
0x124: {  	[sflag:s8] =	ssyncset.done $0x0  }
0x125: {  	[sflag:s8] =	ssyncadd.s32 $0xFFFFD800  }
0x126: {  	[spmem:s2] =	stream.indirect.scatter.add.f32 [tilespmem:s30], [sflag:$0x6], $0x80, s11, s24, $0xb8;
	[tilespmem:$0x1D600] =	vst v63  }
0x127: {  	_ =	swait.ge [sflag:s20], $0x2800  }
0x128: {  	[sflag:s20] =	ssyncset.done $0x0  }
0x129: {  	[sflag:s20] =	ssyncadd.s32 $0xFFFFD800  }
0x12a: {  	[spmem:s2] =	stream.indirect.scatter.add.f32 [tilespmem:s25], [sflag:$0x4], $0x80, s31, s24, $0xb8;
	[tilespmem:$0x1D600] =	vst v63  }
0x12b: {  	_ =	swait.ge [sflag:s0], $0x2800  }
0x12c: {  	[sflag:s0] =	ssyncset.done $0x0  }
0x12d: {  	[sflag:s0] =	ssyncadd.s32 $0xFFFFD800  }
0x12e: {  	_ =	swait.ge [sflag:s7], $0x2800  }
0x12f: {  	[sflag:s7] =	ssyncset.done $0x0  }
0x130: {  	[sflag:s7] =	ssyncadd.s32 $0xFFFFD800  }
0x131: {  	_ =	swait.ge [sflag:s14], $0x2800  }
0x132: {  	[sflag:s14] =	ssyncset.done $0x0  }
0x133: {  	[sflag:s14] =	ssyncadd.s32 $0xFFFFD800  }
0x134: {  	_ =	swait.ge [sflag:s16], $0x7D0  }
0x135: {  	[sflag:s16] =	ssyncset.done $0x0  }
0x136: {  	[sflag:s16] =	ssyncadd.s32 $0xFFFFF830  }
0x137: {  	s10 =	sadd.s32 s10, s13;
	_ =	swait.ge [sflag:s16], $0x7D0  }
0x138: {  	s10 =	sshrl.u32 s10, $0x3;
	[sflag:s16] =	ssyncset.done $0x0  }
0x139: {  	s18 =	simm.s32 $0x0;
	s29 =	sadd.s32 s5, s10;
	[sflag:s16] =	ssyncadd.s32 $0xFFFFF830  }
0x13a: {  	[tilespmem:s17], [sflag:$0x7] =	stream.linear.gather [hbm4b:s29+s18], $0x7D0, $0x38;
	[tilespmem:$0x1D600] =	vst v63  }
0x13b: {  	s26 =	simm.s32 $0x14080;
	s10 =	sadd.s32 s6, s10  }
0x13c: {  	[tilespmem:s26], [sflag:$0x7] =	stream.linear.gather [hbm4b:s10+s18], $0x7D0, $0x38;
	[tilespmem:$0x1D600] =	vst v63  }
0x13d: {  	v1 =	vld [tilespmem:$0x15080]  }
0x13e: {  	v2 =	vld [tilespmem:$0x15090]  }
0x13f: {  	v3 =	vld [tilespmem:$0x150A0]  }
0x140: {  	v58 =	vld [tilespmem:$0x150B0]  }
0x141: {  	v59 =	vld [tilespmem:$0x150C0]  }
0x142: {  	[tilespmem:$0x15880] =	vst v1  }
0x143: {  	[tilespmem:$0x15890] =	vst v2  }
0x144: {  	[tilespmem:$0x158A0] =	vst v3  }
0x145: {  	[tilespmem:$0x158B0] =	vst v58  }
0x146: {  	[tilespmem:$0x158C0] =	vst v59  }
0x147: {  	[tilespmem:s25], [sflag:$0x1] =	stream.indirect.gather [hbm4b:s1+s24], $0x80, s22, s24, $0xb8;
	[tilespmem:$0x1D600] =	vst v63  }
0x148: {  	v1 =	vld [tilespmem:$0x150D0]  }
0x149: {  	v2 =	vld [tilespmem:$0x150E0]  }
0x14a: {  	v3 =	vld [tilespmem:$0x150F0]  }
0x14b: {  	v60 =	vld [tilespmem:$0x15100]  }
0x14c: {  	v61 =	vld [tilespmem:$0x15110]  }
0x14d: {  	[tilespmem:$0x15900] =	vst v1  }
0x14e: {  	[tilespmem:$0x15910] =	vst v2  }
0x14f: {  	[tilespmem:$0x15920] =	vst v3  }
0x150: {  	[tilespmem:$0x15930] =	vst v60  }
0x151: {  	s29 =	simm.s32 $0x148D0;
	[tilespmem:$0x15940] =	vst v61  }
0x152: {  	[tilespmem:s28], [sflag:$0x2] =	stream.indirect.gather [hbm4b:s1+s24], $0x80, s29, s24, $0xb8;
	[tilespmem:$0x1D600] =	vst v63  }
0x153: {  	v1 =	vld [tilespmem:$0x15120]  }
0x154: {  	v2 =	vld [tilespmem:$0x15130]  }
0x155: {  	v3 =	vld [tilespmem:$0x15140]  }
0x156: {  	v62 =	vld [tilespmem:$0x15150]  }
0x157: {  	v63 =	vld [tilespmem:$0x15160]  }
0x158: {  	[tilespmem:$0x15980] =	vst v1  }
0x159: {  	[tilespmem:$0x15990] =	vst v2  }
0x15a: {  	[tilespmem:$0x159A0] =	vst v3  }
0x15b: {  	[tilespmem:$0x159B0] =	vst v62  }
0x15c: {  	s15 =	simm.s32 $0x14920;
	[tilespmem:$0x159C0] =	vst v63  }
0x15d: {  	[tilespmem:s30], [sflag:$0x3] =	stream.indirect.gather [hbm4b:s1+s24], $0x80, s15, s24, $0xb8;
	[tilespmem:$0x1D600] =	vst v63  }
0x15e: {  	_ =	swait.ge [sflag:s20], $0x2800  }
0x15f: {  	[sflag:s20] =	ssyncset.done $0x0  }
0x160: {  	[sflag:s20] =	ssyncadd.s32 $0xFFFFD800  }
0x161: {  	[spmem:s2] =	stream.indirect.scatter.add.f32 [tilespmem:s25], [sflag:$0x4], $0x80, s31, s24, $0xb8;
	[tilespmem:$0x1D600] =	vst v63  }
0x162: {  	_ =	swait.ge [sflag:s0], $0x2800  }
0x163: {  	[sflag:s0] =	ssyncset.done $0x0  }
0x164: {  	s10 =	simm.s32 $0x15250;
	[sflag:s0] =	ssyncadd.s32 $0xFFFFD800  }
0x165: {  	v1 =	vld [tilespmem:s10+$0xFFFFFF20];
	_ =	sdelay $0x4  }
0x166: {  	s26 =	sand.u32 $0x7F0, s18;
	[tilespmem:$0x15880] =	vst v1  }
0x167: {  	v1 =	vld [tilespmem:s26+$0x15180];
	_ =	sdelay $0x4  }
0x168: {  	[tilespmem:$0x15890] =	vst v1  }
0x169: {  	v1 =	vld [tilespmem:s10+$0xFFFFFF40];
	_ =	sdelay $0x4  }
0x16a: {  	[tilespmem:$0x158A0] =	vst v1  }
0x16b: {  	v1 =	vld [tilespmem:s10+$0xFFFFFF50];
	_ =	sdelay $0x4  }
0x16c: {  	[tilespmem:$0x158B0] =	vst v1  }
0x16d: {  	v1 =	vld [tilespmem:s10+$0xFFFFFF60];
	_ =	sdelay $0x4  }
0x16e: {  	s29 =	simm.s32 $0x14970;
	[tilespmem:$0x158C0] =	vst v1  }
0x16f: {  	[tilespmem:s25], [sflag:$0x1] =	stream.indirect.gather [hbm4b:s1+s24], $0x80, s29, s24, $0xb8;
	[tilespmem:$0x1D600] =	vst v63  }
0x170: {  	_ =	swait.ge [sflag:s3], $0x2800  }
0x171: {  	[sflag:s3] =	ssyncset.done $0x0  }
0x172: {  	[sflag:s3] =	ssyncadd.s32 $0xFFFFD800  }
0x173: {  	[spmem:s2] =	stream.indirect.scatter.add.f32 [tilespmem:s28], [sflag:$0x5], $0x80, s4, s24, $0xb8;
	[tilespmem:$0x1D600] =	vst v63  }
0x174: {  	_ =	swait.ge [sflag:s7], $0x2800  }
0x175: {  	[sflag:s7] =	ssyncset.done $0x0  }
0x176: {  	[sflag:s7] =	ssyncadd.s32 $0xFFFFD800  }
0x177: {  	v1 =	vld [tilespmem:s10+$0xFFFFFF70];
	_ =	sdelay $0x4  }
0x178: {  	[tilespmem:$0x15900] =	vst v1  }
0x179: {  	v1 =	vld [tilespmem:s10+$0xFFFFFF80];
	_ =	sdelay $0x4  }
0x17a: {  	[tilespmem:$0x15910] =	vst v1  }
0x17b: {  	v1 =	vld [tilespmem:s10+$0xFFFFFF90];
	_ =	sdelay $0x4  }
0x17c: {  	[tilespmem:$0x15920] =	vst v1  }
0x17d: {  	v1 =	vld [tilespmem:s10+$0xFFFFFFA0];
	_ =	sdelay $0x4  }
0x17e: {  	[tilespmem:$0x15930] =	vst v1  }
0x17f: {  	v1 =	vld [tilespmem:s26+$0x15200];
	_ =	sdelay $0x4  }
0x180: {  	s26 =	simm.s32 $0x149C0;
	[tilespmem:$0x15940] =	vst v1  }
0x181: {  	[tilespmem:s28], [sflag:$0x2] =	stream.indirect.gather [hbm4b:s1+s24], $0x80, s26, s24, $0xb8;
	[tilespmem:$0x1D600] =	vst v63  }
0x182: {  	_ =	swait.ge [sflag:s8], $0x2800  }
0x183: {  	[sflag:s8] =	ssyncset.done $0x0  }
0x184: {  	[sflag:s8] =	ssyncadd.s32 $0xFFFFD800  }
0x185: {  	[spmem:s2] =	stream.indirect.scatter.add.f32 [tilespmem:s30], [sflag:$0x6], $0x80, s11, s24, $0xb8;
	[tilespmem:$0x1D600] =	vst v63  }
0x186: {  	_ =	swait.ge [sflag:s14], $0x2800  }
0x187: {  	[sflag:s14] =	ssyncset.done $0x0  }
0x188: {  	[sflag:s14] =	ssyncadd.s32 $0xFFFFD800  }
0x189: {  	v1 =	vld [tilespmem:s10+$0xFFFFFFC0];
	_ =	sdelay $0x4  }
0x18a: {  	[tilespmem:$0x15980] =	vst v1  }
0x18b: {  	v1 =	vld [tilespmem:s10+$0xFFFFFFD0];
	_ =	sdelay $0x4  }
0x18c: {  	[tilespmem:$0x15990] =	vst v1  }
0x18d: {  	v1 =	vld [tilespmem:s10+$0xFFFFFFE0];
	_ =	sdelay $0x4  }
0x18e: {  	[tilespmem:$0x159A0] =	vst v1  }
0x18f: {  	v1 =	vld [tilespmem:s10+$0xFFFFFFF0];
	_ =	sdelay $0x4  }
0x190: {  	[tilespmem:$0x159B0] =	vst v1  }
0x191: {  	v1 =	vld [tilespmem:s10+$0x0];
	_ =	sdelay $0x4  }
0x192: {  	s29 =	simm.s32 $0x14A10;
	[tilespmem:$0x159C0] =	vst v1  }
0x193: {  	[tilespmem:s30], [sflag:$0x3] =	stream.indirect.gather [hbm4b:s1+s24], $0x80, s29, s24, $0xb8;
	[tilespmem:$0x1D600] =	vst v63  }
0x194: {  	_ =	swait.ge [sflag:s20], $0x2800  }
0x195: {  	s18 =	simm.s32 $0x14A60;
	[sflag:s20] =	ssyncset.done $0x0  }
0x196: {  	s26 =	simm.s32 $0x15340;
	s10 =	simm.s32 $0xF0;
	[sflag:s20] =	ssyncadd.s32 $0xFFFFD800  }
.LBB2_9:
0x197: {  	[spmem:s2] =	stream.indirect.scatter.add.f32 [tilespmem:s25], [sflag:$0x4], $0x80, s31, s24, $0xb8;
	[tilespmem:$0x1D600] =	vst v63  }
0x198: {  	s15 =	smov.u32 s10  }
0x199: {  	p2 =	sne.s32 s10, $0x5A0;
	s10 =	sadd.s32 $0xF0, s10;
	_ =	swait.ge [sflag:s0], $0x2800  }
0x19a: {  	[sflag:s0] =	ssyncset.done $0x0  }
0x19b: {  	[sflag:s0] =	ssyncadd.s32 $0xFFFFD800  }
0x19c: {  	v1 =	vld [tilespmem:s26+$0xFFFFFF20];
	_ =	sdelay $0x4  }
0x19d: {  	s15 =	sand.u32 $0x7F0, s15;
	[tilespmem:$0x15880] =	vst v1  }
0x19e: {  	v1 =	vld [tilespmem:s15+$0x15180];
	_ =	sdelay $0x4  }
0x19f: {  	[tilespmem:$0x15890] =	vst v1  }
0x1a0: {  	v1 =	vld [tilespmem:s26+$0xFFFFFF40];
	_ =	sdelay $0x4  }
0x1a1: {  	[tilespmem:$0x158A0] =	vst v1  }
0x1a2: {  	v1 =	vld [tilespmem:s26+$0xFFFFFF50];
	_ =	sdelay $0x4  }
0x1a3: {  	[tilespmem:$0x158B0] =	vst v1  }
0x1a4: {  	v1 =	vld [tilespmem:s26+$0xFFFFFF60];
	_ =	sdelay $0x4  }
0x1a5: {  	[tilespmem:$0x158C0] =	vst v1  }
0x1a6: {  	[tilespmem:s25], [sflag:$0x1] =	stream.indirect.gather [hbm4b:s1+s24], $0x80, s18, s24, $0xb8;
	[tilespmem:$0x1D600] =	vst v63  }
0x1a7: {  	_ =	swait.ge [sflag:s3], $0x2800  }
0x1a8: {  	[sflag:s3] =	ssyncset.done $0x0  }
0x1a9: {  	[sflag:s3] =	ssyncadd.s32 $0xFFFFD800  }
0x1aa: {  	[spmem:s2] =	stream.indirect.scatter.add.f32 [tilespmem:s28], [sflag:$0x5], $0x80, s4, s24, $0xb8;
	[tilespmem:$0x1D600] =	vst v63  }
0x1ab: {  	_ =	swait.ge [sflag:s7], $0x2800  }
0x1ac: {  	[sflag:s7] =	ssyncset.done $0x0  }
0x1ad: {  	[sflag:s7] =	ssyncadd.s32 $0xFFFFD800  }
0x1ae: {  	v1 =	vld [tilespmem:s26+$0xFFFFFF70];
	_ =	sdelay $0x4  }
0x1af: {  	[tilespmem:$0x15900] =	vst v1  }
0x1b0: {  	v1 =	vld [tilespmem:s26+$0xFFFFFF80];
	_ =	sdelay $0x4  }
0x1b1: {  	[tilespmem:$0x15910] =	vst v1  }
0x1b2: {  	v1 =	vld [tilespmem:s26+$0xFFFFFF90];
	_ =	sdelay $0x4  }
0x1b3: {  	[tilespmem:$0x15920] =	vst v1  }
0x1b4: {  	v1 =	vld [tilespmem:s26+$0xFFFFFFA0];
	_ =	sdelay $0x4  }
0x1b5: {  	[tilespmem:$0x15930] =	vst v1  }
0x1b6: {  	v1 =	vld [tilespmem:s15+$0x15200];
	_ =	sdelay $0x4  }
0x1b7: {  	s15 =	sadd.s32 $0x50, s18;
	[tilespmem:$0x15940] =	vst v1  }
0x1b8: {  	[tilespmem:s28], [sflag:$0x2] =	stream.indirect.gather [hbm4b:s1+s24], $0x80, s15, s24, $0xb8;
	[tilespmem:$0x1D600] =	vst v63  }
0x1b9: {  	_ =	swait.ge [sflag:s8], $0x2800  }
0x1ba: {  	[sflag:s8] =	ssyncset.done $0x0  }
0x1bb: {  	[sflag:s8] =	ssyncadd.s32 $0xFFFFD800  }
0x1bc: {  	[spmem:s2] =	stream.indirect.scatter.add.f32 [tilespmem:s30], [sflag:$0x6], $0x80, s11, s24, $0xb8;
	[tilespmem:$0x1D600] =	vst v63  }
0x1bd: {  	_ =	swait.ge [sflag:s14], $0x2800  }
0x1be: {  	[sflag:s14] =	ssyncset.done $0x0  }
0x1bf: {  	[sflag:s14] =	ssyncadd.s32 $0xFFFFD800  }
0x1c0: {  	v1 =	vld [tilespmem:s26+$0xFFFFFFC0];
	_ =	sdelay $0x4  }
0x1c1: {  	[tilespmem:$0x15980] =	vst v1  }
0x1c2: {  	v1 =	vld [tilespmem:s26+$0xFFFFFFD0];
	_ =	sdelay $0x4  }
0x1c3: {  	[tilespmem:$0x15990] =	vst v1  }
0x1c4: {  	v1 =	vld [tilespmem:s26+$0xFFFFFFE0];
	_ =	sdelay $0x4  }
0x1c5: {  	[tilespmem:$0x159A0] =	vst v1  }
0x1c6: {  	v1 =	vld [tilespmem:s26+$0xFFFFFFF0];
	_ =	sdelay $0x4  }
0x1c7: {  	[tilespmem:$0x159B0] =	vst v1  }
0x1c8: {  	v1 =	vld [tilespmem:s26+$0x0];
	_ =	sdelay $0x4  }
.Ltmp3:
0x1c9: {  	s15 =	sadd.s32 $0xA0, s18;
	[tilespmem:$0x159C0] =	vst v1;
	(pc) =	sbr.rel @p2 .LBB2_9-.Ltmp3, $4  }
0x1ca: {  	[tilespmem:s30], [sflag:$0x3] =	stream.indirect.gather [hbm4b:s1+s24], $0x80, s15, s24, $0xb8;
	[tilespmem:$0x1D600] =	vst v63  }
0x1cb: {  	_ =	swait.ge [sflag:s20], $0x2800  }
0x1cc: {  	[sflag:s20] =	ssyncset.done $0x0  }
0x1cd: {  	s18 =	sadd.s32 $0xF0, s18;
	s26 =	sadd.s32 $0xF0, s26;
	[sflag:s20] =	ssyncadd.s32 $0xFFFFD800  }
0x1ce: {  	[spmem:s2] =	stream.indirect.scatter.add.f32 [tilespmem:s25], [sflag:$0x4], $0x80, s31, s24, $0xb8;
	[tilespmem:$0x1D600] =	vst v63  }
0x1cf: {  	_ =	swait.ge [sflag:s0], $0x2800  }
0x1d0: {  	[sflag:s0] =	ssyncset.done $0x0  }
0x1d1: {  	[sflag:s0] =	ssyncadd.s32 $0xFFFFD800  }
0x1d2: {  	v1 =	vld [tilespmem:$0x15800]  }
0x1d3: {  	v2 =	vld [tilespmem:$0x15810]  }
0x1d4: {  	v3 =	vld [tilespmem:$0x15820]  }
0x1d5: {  	v4 =	vld [tilespmem:$0x15830]  }
0x1d6: {  	v5 =	vld [tilespmem:$0x15840]  }
0x1d7: {  	[tilespmem:$0x15880] =	vst v1  }
0x1d8: {  	[tilespmem:$0x15890] =	vst v2  }
0x1d9: {  	[tilespmem:$0x158A0] =	vst v3  }
0x1da: {  	[tilespmem:$0x158B0] =	vst v4  }
0x1db: {  	s10 =	simm.s32 $0x15000;
	[tilespmem:$0x158C0] =	vst v5  }
0x1dc: {  	[tilespmem:s25], [sflag:$0x1] =	stream.indirect.gather [hbm4b:s1+s24], $0x80, s10, s24, $0xb8;
	[tilespmem:$0x1D600] =	vst v63  }
0x1dd: {  	_ =	swait.ge [sflag:s3], $0x2800  }
0x1de: {  	[sflag:s3] =	ssyncset.done $0x0  }
0x1df: {  	[sflag:s3] =	ssyncadd.s32 $0xFFFFD800  }
0x1e0: {  	[spmem:s2] =	stream.indirect.scatter.add.f32 [tilespmem:s28], [sflag:$0x5], $0x80, s4, s24, $0xb8;
	[tilespmem:$0x1D600] =	vst v63  }
0x1e1: {  	_ =	swait.ge [sflag:s8], $0x2800  }
0x1e2: {  	[sflag:s8] =	ssyncset.done $0x0  }
0x1e3: {  	[sflag:s8] =	ssyncadd.s32 $0xFFFFD800  }
0x1e4: {  	[spmem:s2] =	stream.indirect.scatter.add.f32 [tilespmem:s30], [sflag:$0x6], $0x80, s11, s24, $0xb8;
	[tilespmem:$0x1D600] =	vst v63  }
0x1e5: {  	_ =	swait.ge [sflag:s20], $0x2800  }
0x1e6: {  	[sflag:s20] =	ssyncset.done $0x0  }
0x1e7: {  	[sflag:s20] =	ssyncadd.s32 $0xFFFFD800  }
0x1e8: {  	[spmem:s2] =	stream.indirect.scatter.add.f32 [tilespmem:s25], [sflag:$0x4], $0x80, s31, s24, $0xb8;
	[tilespmem:$0x1D600] =	vst v63  }
0x1e9: {  	_ =	swait.ge [sflag:s0], $0x2800  }
0x1ea: {  	[sflag:s0] =	ssyncset.done $0x0  }
0x1eb: {  	[sflag:s0] =	ssyncadd.s32 $0xFFFFD800  }
0x1ec: {  	_ =	swait.ge [sflag:s7], $0x2800  }
.Ltmp4:
0x1ed: {  	[sflag:s7] =	ssyncset.done $0x0;
	(pc) =	sbr.rel @p1 .LBB2_6-.Ltmp4, $4  }
0x1ee: {  	[sflag:s7] =	ssyncadd.s32 $0xFFFFD800  }
0x1ef: {  	_ =	swait.ge [sflag:s14], $0x2800  }
0x1f0: {  	[sflag:s14] =	ssyncset.done $0x0  }
0x1f1: {  	p2 =	por $0x0, $0x0;
	s10 =	simm.s32 $0xFA0;
	[sflag:s14] =	ssyncadd.s32 $0xFFFFD800  }
0x1f2: {  	_ =	swait.ge [sflag:s21], $0x7D0  }
0x1f3: {  	[sflag:s21] =	ssyncset.done $0x0  }
0x1f4: {  	[sflag:s21] =	ssyncadd.s32 $0xFFFFF830  }
0x1f5: {  	_ =	swait.ge [sflag:s21], $0x7D0  }
0x1f6: {  	[sflag:s21] =	ssyncset.done $0x0  }
0x1f7: {  	[sflag:s21] =	ssyncadd.s32 $0xFFFFF830  }
0x1f8: {  	v1 =	vld [tilespmem:$0x14080]  }
0x1f9: {  	v2 =	vld [tilespmem:$0x14090]  }
0x1fa: {  	v3 =	vld [tilespmem:$0x140A0]  }
0x1fb: {  	v4 =	vld [tilespmem:$0x140B0]  }
0x1fc: {  	v5 =	vld [tilespmem:$0x140C0]  }
0x1fd: {  	[tilespmem:$0x15880] =	vst v1  }
0x1fe: {  	[tilespmem:$0x15890] =	vst v2  }
0x1ff: {  	[tilespmem:$0x158A0] =	vst v3  }
0x200: {  	[tilespmem:$0x158B0] =	vst v4  }
0x201: {  	[tilespmem:$0x158C0] =	vst v5  }
0x202: {  	[tilespmem:s25], [sflag:$0x1] =	stream.indirect.gather [hbm4b:s1+s24], $0x80, s17, s24, $0xb8;
	[tilespmem:$0x1D600] =	vst v63  }
0x203: {  	v1 =	vld [tilespmem:$0x140D0]  }
0x204: {  	v2 =	vld [tilespmem:$0x140E0]  }
0x205: {  	v3 =	vld [tilespmem:$0x140F0]  }
0x206: {  	v60 =	vld [tilespmem:$0x14100]  }
0x207: {  	v61 =	vld [tilespmem:$0x14110]  }
0x208: {  	[tilespmem:$0x15900] =	vst v1  }
0x209: {  	[tilespmem:$0x15910] =	vst v2  }
0x20a: {  	[tilespmem:$0x15920] =	vst v3  }
0x20b: {  	[tilespmem:$0x15930] =	vst v60  }
0x20c: {  	s10 =	simm.s32 $0x138D0;
	[tilespmem:$0x15940] =	vst v61  }
0x20d: {  	[tilespmem:s28], [sflag:$0x2] =	stream.indirect.gather [hbm4b:s1+s24], $0x80, s10, s24, $0xb8;
	[tilespmem:$0x1D600] =	vst v63  }
0x20e: {  	v1 =	vld [tilespmem:$0x14120]  }
0x20f: {  	v2 =	vld [tilespmem:$0x14130]  }
0x210: {  	v3 =	vld [tilespmem:$0x14140]  }
0x211: {  	v62 =	vld [tilespmem:$0x14150]  }
0x212: {  	v63 =	vld [tilespmem:$0x14160]  }
0x213: {  	[tilespmem:$0x15980] =	vst v1  }
0x214: {  	[tilespmem:$0x15990] =	vst v2  }
0x215: {  	[tilespmem:$0x159A0] =	vst v3  }
0x216: {  	[tilespmem:$0x159B0] =	vst v62  }
0x217: {  	s18 =	simm.s32 $0x13920;
	[tilespmem:$0x159C0] =	vst v63  }
0x218: {  	[tilespmem:s30], [sflag:$0x3] =	stream.indirect.gather [hbm4b:s1+s24], $0x80, s18, s24, $0xb8;
	[tilespmem:$0x1D600] =	vst v63  }
0x219: {  	_ =	swait.ge [sflag:s20], $0x2800  }
0x21a: {  	[sflag:s20] =	ssyncset.done $0x0  }
0x21b: {  	[sflag:s20] =	ssyncadd.s32 $0xFFFFD800  }
0x21c: {  	[spmem:s2] =	stream.indirect.scatter.add.f32 [tilespmem:s25], [sflag:$0x4], $0x80, s31, s24, $0xb8;
	[tilespmem:$0x1D600] =	vst v63  }
0x21d: {  	_ =	swait.ge [sflag:s0], $0x2800  }
0x21e: {  	[sflag:s0] =	ssyncset.done $0x0  }
0x21f: {  	s23 =	simm.s32 $0x14250;
	[sflag:s0] =	ssyncadd.s32 $0xFFFFD800  }
0x220: {  	v1 =	vld [tilespmem:s23+$0xFFFFFF20];
	_ =	sdelay $0x3  }
0x221: {  	s15 =	simm.s32 $0x0  }
0x222: {  	s15 =	sand.u32 $0x7F0, s15;
	[tilespmem:$0x15880] =	vst v1  }
0x223: {  	v1 =	vld [tilespmem:s15+$0x14180];
	_ =	sdelay $0x4  }
0x224: {  	[tilespmem:$0x15890] =	vst v1  }
0x225: {  	v1 =	vld [tilespmem:s23+$0xFFFFFF40];
	_ =	sdelay $0x4  }
0x226: {  	[tilespmem:$0x158A0] =	vst v1  }
0x227: {  	v1 =	vld [tilespmem:s23+$0xFFFFFF50];
	_ =	sdelay $0x4  }
0x228: {  	[tilespmem:$0x158B0] =	vst v1  }
0x229: {  	v1 =	vld [tilespmem:s23+$0xFFFFFF60];
	_ =	sdelay $0x4  }
0x22a: {  	s18 =	simm.s32 $0x13970;
	[tilespmem:$0x158C0] =	vst v1  }
0x22b: {  	[tilespmem:s25], [sflag:$0x1] =	stream.indirect.gather [hbm4b:s1+s24], $0x80, s18, s24, $0xb8;
	[tilespmem:$0x1D600] =	vst v63  }
0x22c: {  	_ =	swait.ge [sflag:s3], $0x2800  }
0x22d: {  	[sflag:s3] =	ssyncset.done $0x0  }
0x22e: {  	[sflag:s3] =	ssyncadd.s32 $0xFFFFD800  }
0x22f: {  	[spmem:s2] =	stream.indirect.scatter.add.f32 [tilespmem:s28], [sflag:$0x5], $0x80, s4, s24, $0xb8;
	[tilespmem:$0x1D600] =	vst v63  }
0x230: {  	_ =	swait.ge [sflag:s7], $0x2800  }
0x231: {  	[sflag:s7] =	ssyncset.done $0x0  }
0x232: {  	[sflag:s7] =	ssyncadd.s32 $0xFFFFD800  }
0x233: {  	v1 =	vld [tilespmem:s23+$0xFFFFFF70];
	_ =	sdelay $0x4  }
0x234: {  	[tilespmem:$0x15900] =	vst v1  }
0x235: {  	v1 =	vld [tilespmem:s23+$0xFFFFFF80];
	_ =	sdelay $0x4  }
0x236: {  	[tilespmem:$0x15910] =	vst v1  }
0x237: {  	v1 =	vld [tilespmem:s23+$0xFFFFFF90];
	_ =	sdelay $0x4  }
0x238: {  	[tilespmem:$0x15920] =	vst v1  }
0x239: {  	v1 =	vld [tilespmem:s23+$0xFFFFFFA0];
	_ =	sdelay $0x4  }
0x23a: {  	[tilespmem:$0x15930] =	vst v1  }
0x23b: {  	v1 =	vld [tilespmem:s15+$0x14200];
	_ =	sdelay $0x4  }
0x23c: {  	s26 =	simm.s32 $0x139C0;
	[tilespmem:$0x15940] =	vst v1  }
0x23d: {  	[tilespmem:s28], [sflag:$0x2] =	stream.indirect.gather [hbm4b:s1+s24], $0x80, s26, s24, $0xb8;
	[tilespmem:$0x1D600] =	vst v63  }
0x23e: {  	_ =	swait.ge [sflag:s8], $0x2800  }
0x23f: {  	[sflag:s8] =	ssyncset.done $0x0  }
0x240: {  	[sflag:s8] =	ssyncadd.s32 $0xFFFFD800  }
0x241: {  	[spmem:s2] =	stream.indirect.scatter.add.f32 [tilespmem:s30], [sflag:$0x6], $0x80, s11, s24, $0xb8;
	[tilespmem:$0x1D600] =	vst v63  }
0x242: {  	_ =	swait.ge [sflag:s14], $0x2800  }
0x243: {  	[sflag:s14] =	ssyncset.done $0x0  }
0x244: {  	[sflag:s14] =	ssyncadd.s32 $0xFFFFD800  }
0x245: {  	v1 =	vld [tilespmem:s23+$0xFFFFFFC0];
	_ =	sdelay $0x4  }
0x246: {  	[tilespmem:$0x15980] =	vst v1  }
0x247: {  	v1 =	vld [tilespmem:s23+$0xFFFFFFD0];
	_ =	sdelay $0x4  }
0x248: {  	[tilespmem:$0x15990] =	vst v1  }
0x249: {  	v1 =	vld [tilespmem:s23+$0xFFFFFFE0];
	_ =	sdelay $0x4  }
0x24a: {  	[tilespmem:$0x159A0] =	vst v1  }
0x24b: {  	v1 =	vld [tilespmem:s23+$0xFFFFFFF0];
	_ =	sdelay $0x4  }
0x24c: {  	[tilespmem:$0x159B0] =	vst v1  }
0x24d: {  	v1 =	vld [tilespmem:s23+$0x0];
	_ =	sdelay $0x4  }
0x24e: {  	s29 =	simm.s32 $0x13A10;
	[tilespmem:$0x159C0] =	vst v1  }
0x24f: {  	[tilespmem:s30], [sflag:$0x3] =	stream.indirect.gather [hbm4b:s1+s24], $0x80, s29, s24, $0xb8;
	[tilespmem:$0x1D600] =	vst v63  }
0x250: {  	_ =	swait.ge [sflag:s20], $0x2800  }
0x251: {  	s10 =	simm.s32 $0xF0;
	[sflag:s20] =	ssyncset.done $0x0  }
0x252: {  	s18 =	simm.s32 $0x13A60;
	s23 =	simm.s32 $0x14340;
	[sflag:s20] =	ssyncadd.s32 $0xFFFFD800  }
.LBB2_12:
0x253: {  	[spmem:s2] =	stream.indirect.scatter.add.f32 [tilespmem:s25], [sflag:$0x4], $0x80, s31, s24, $0xb8;
	[tilespmem:$0x1D600] =	vst v63  }
0x254: {  	s15 =	smov.u32 s10  }
0x255: {  	p1 =	sne.s32 s10, $0x5A0;
	s10 =	sadd.s32 $0xF0, s10;
	_ =	swait.ge [sflag:s0], $0x2800  }
0x256: {  	[sflag:s0] =	ssyncset.done $0x0  }
0x257: {  	[sflag:s0] =	ssyncadd.s32 $0xFFFFD800  }
0x258: {  	v1 =	vld [tilespmem:s23+$0xFFFFFF20];
	_ =	sdelay $0x4  }
0x259: {  	s15 =	sand.u32 $0x7F0, s15;
	[tilespmem:$0x15880] =	vst v1  }
0x25a: {  	v1 =	vld [tilespmem:s15+$0x14180];
	_ =	sdelay $0x4  }
0x25b: {  	[tilespmem:$0x15890] =	vst v1  }
0x25c: {  	v1 =	vld [tilespmem:s23+$0xFFFFFF40];
	_ =	sdelay $0x4  }
0x25d: {  	[tilespmem:$0x158A0] =	vst v1  }
0x25e: {  	v1 =	vld [tilespmem:s23+$0xFFFFFF50];
	_ =	sdelay $0x4  }
0x25f: {  	[tilespmem:$0x158B0] =	vst v1  }
0x260: {  	v1 =	vld [tilespmem:s23+$0xFFFFFF60];
	_ =	sdelay $0x4  }
0x261: {  	[tilespmem:$0x158C0] =	vst v1  }
0x262: {  	[tilespmem:s25], [sflag:$0x1] =	stream.indirect.gather [hbm4b:s1+s24], $0x80, s18, s24, $0xb8;
	[tilespmem:$0x1D600] =	vst v63  }
0x263: {  	_ =	swait.ge [sflag:s3], $0x2800  }
0x264: {  	[sflag:s3] =	ssyncset.done $0x0  }
0x265: {  	[sflag:s3] =	ssyncadd.s32 $0xFFFFD800  }
0x266: {  	[spmem:s2] =	stream.indirect.scatter.add.f32 [tilespmem:s28], [sflag:$0x5], $0x80, s4, s24, $0xb8;
	[tilespmem:$0x1D600] =	vst v63  }
0x267: {  	_ =	swait.ge [sflag:s7], $0x2800  }
0x268: {  	[sflag:s7] =	ssyncset.done $0x0  }
0x269: {  	[sflag:s7] =	ssyncadd.s32 $0xFFFFD800  }
0x26a: {  	v1 =	vld [tilespmem:s23+$0xFFFFFF70];
	_ =	sdelay $0x4  }
0x26b: {  	[tilespmem:$0x15900] =	vst v1  }
0x26c: {  	v1 =	vld [tilespmem:s23+$0xFFFFFF80];
	_ =	sdelay $0x4  }
0x26d: {  	[tilespmem:$0x15910] =	vst v1  }
0x26e: {  	v1 =	vld [tilespmem:s23+$0xFFFFFF90];
	_ =	sdelay $0x4  }
0x26f: {  	[tilespmem:$0x15920] =	vst v1  }
0x270: {  	v1 =	vld [tilespmem:s23+$0xFFFFFFA0];
	_ =	sdelay $0x4  }
0x271: {  	[tilespmem:$0x15930] =	vst v1  }
0x272: {  	v1 =	vld [tilespmem:s15+$0x14200];
	_ =	sdelay $0x4  }
0x273: {  	s15 =	sadd.s32 $0x50, s18;
	[tilespmem:$0x15940] =	vst v1  }
0x274: {  	[tilespmem:s28], [sflag:$0x2] =	stream.indirect.gather [hbm4b:s1+s24], $0x80, s15, s24, $0xb8;
	[tilespmem:$0x1D600] =	vst v63  }
0x275: {  	_ =	swait.ge [sflag:s8], $0x2800  }
0x276: {  	[sflag:s8] =	ssyncset.done $0x0  }
0x277: {  	[sflag:s8] =	ssyncadd.s32 $0xFFFFD800  }
0x278: {  	[spmem:s2] =	stream.indirect.scatter.add.f32 [tilespmem:s30], [sflag:$0x6], $0x80, s11, s24, $0xb8;
	[tilespmem:$0x1D600] =	vst v63  }
0x279: {  	_ =	swait.ge [sflag:s14], $0x2800  }
0x27a: {  	[sflag:s14] =	ssyncset.done $0x0  }
0x27b: {  	[sflag:s14] =	ssyncadd.s32 $0xFFFFD800  }
0x27c: {  	v1 =	vld [tilespmem:s23+$0xFFFFFFC0];
	_ =	sdelay $0x4  }
0x27d: {  	[tilespmem:$0x15980] =	vst v1  }
0x27e: {  	v1 =	vld [tilespmem:s23+$0xFFFFFFD0];
	_ =	sdelay $0x4  }
0x27f: {  	[tilespmem:$0x15990] =	vst v1  }
0x280: {  	v1 =	vld [tilespmem:s23+$0xFFFFFFE0];
	_ =	sdelay $0x4  }
0x281: {  	[tilespmem:$0x159A0] =	vst v1  }
0x282: {  	v1 =	vld [tilespmem:s23+$0xFFFFFFF0];
	_ =	sdelay $0x4  }
0x283: {  	[tilespmem:$0x159B0] =	vst v1  }
0x284: {  	v1 =	vld [tilespmem:s23+$0x0];
	_ =	sdelay $0x4  }
.Ltmp5:
0x285: {  	s15 =	sadd.s32 $0xA0, s18;
	[tilespmem:$0x159C0] =	vst v1;
	(pc) =	sbr.rel @p1 .LBB2_12-.Ltmp5, $4  }
0x286: {  	[tilespmem:s30], [sflag:$0x3] =	stream.indirect.gather [hbm4b:s1+s24], $0x80, s15, s24, $0xb8;
	[tilespmem:$0x1D600] =	vst v63  }
0x287: {  	_ =	swait.ge [sflag:s20], $0x2800  }
0x288: {  	[sflag:s20] =	ssyncset.done $0x0  }
0x289: {  	s18 =	sadd.s32 $0xF0, s18;
	s23 =	sadd.s32 $0xF0, s23;
	[sflag:s20] =	ssyncadd.s32 $0xFFFFD800  }
0x28a: {  	[spmem:s2] =	stream.indirect.scatter.add.f32 [tilespmem:s25], [sflag:$0x4], $0x80, s31, s24, $0xb8;
	[tilespmem:$0x1D600] =	vst v63  }
0x28b: {  	_ =	swait.ge [sflag:s0], $0x2800  }
0x28c: {  	[sflag:s0] =	ssyncset.done $0x0  }
0x28d: {  	[sflag:s0] =	ssyncadd.s32 $0xFFFFD800  }
0x28e: {  	v1 =	vld [tilespmem:$0x14800]  }
0x28f: {  	v2 =	vld [tilespmem:$0x14810]  }
0x290: {  	v3 =	vld [tilespmem:$0x14820]  }
0x291: {  	v4 =	vld [tilespmem:$0x14830]  }
0x292: {  	v5 =	vld [tilespmem:$0x14840]  }
0x293: {  	[tilespmem:$0x15880] =	vst v1  }
0x294: {  	[tilespmem:$0x15890] =	vst v2  }
0x295: {  	[tilespmem:$0x158A0] =	vst v3  }
0x296: {  	[tilespmem:$0x158B0] =	vst v4  }
0x297: {  	s10 =	simm.s32 $0x14000;
	[tilespmem:$0x158C0] =	vst v5  }
0x298: {  	[tilespmem:s25], [sflag:$0x1] =	stream.indirect.gather [hbm4b:s1+s24], $0x80, s10, s24, $0xb8;
	[tilespmem:$0x1D600] =	vst v63  }
0x299: {  	_ =	swait.ge [sflag:s3], $0x2800  }
0x29a: {  	[sflag:s3] =	ssyncset.done $0x0  }
0x29b: {  	[sflag:s3] =	ssyncadd.s32 $0xFFFFD800  }
0x29c: {  	[spmem:s2] =	stream.indirect.scatter.add.f32 [tilespmem:s28], [sflag:$0x5], $0x80, s4, s24, $0xb8;
	[tilespmem:$0x1D600] =	vst v63  }
0x29d: {  	_ =	swait.ge [sflag:s8], $0x2800  }
0x29e: {  	[sflag:s8] =	ssyncset.done $0x0  }
0x29f: {  	[sflag:s8] =	ssyncadd.s32 $0xFFFFD800  }
0x2a0: {  	[spmem:s2] =	stream.indirect.scatter.add.f32 [tilespmem:s30], [sflag:$0x6], $0x80, s11, s24, $0xb8;
	[tilespmem:$0x1D600] =	vst v63  }
0x2a1: {  	_ =	swait.ge [sflag:s20], $0x2800  }
0x2a2: {  	[sflag:s20] =	ssyncset.done $0x0  }
0x2a3: {  	[sflag:s20] =	ssyncadd.s32 $0xFFFFD800  }
0x2a4: {  	[spmem:s2] =	stream.indirect.scatter.add.f32 [tilespmem:s25], [sflag:$0x4], $0x80, s31, s24, $0xb8;
	[tilespmem:$0x1D600] =	vst v63  }
0x2a5: {  	_ =	swait.ge [sflag:s0], $0x2800  }
0x2a6: {  	[sflag:s0] =	ssyncset.done $0x0  }
0x2a7: {  	[sflag:s0] =	ssyncadd.s32 $0xFFFFD800  }
0x2a8: {  	_ =	swait.ge [sflag:s7], $0x2800  }
0x2a9: {  	[sflag:s7] =	ssyncset.done $0x0  }
0x2aa: {  	[sflag:s7] =	ssyncadd.s32 $0xFFFFD800  }
0x2ab: {  	_ =	swait.ge [sflag:s14], $0x2800  }
0x2ac: {  	[sflag:s14] =	ssyncset.done $0x0  }
0x2ad: {  	s18 =	stileid.u32;
	[sflag:s14] =	ssyncadd.s32 $0xFFFFD800  }
0x2ae: {  	s15 =	sshrl.u32 s9, $0x3;
	s10 =	sshll.u32 s18, $0x6;
	[bflag:$0x0] =	sbarrier.arrive $0xFFFF  }
0x2af: {  	s23 =	simm.s32 $0x9;
	s10 =	sor.u32 $0x1C09, s10;
	s18 =	rddreg [dreg:$0x8]  }
0x2b0: {  	[hbm:s18], [sflag:s10] =	dma.local [spmem:s15], $0x2700  }
0x2b1: {  	_ =	swait.ge [sflag:s23], $0x2700  }
0x2b2: {  	[sflag:s23] =	ssyncset.done $0x0;
	s18 =	rddreg [dreg:$0x6]  }
0x2b3: {  	[sflag:s23] =	ssyncadd.s32 $0xFFFFD900;
	s15 =	sshrl.u32 @!p0 s18, $0x3;
	s23 =	rddreg [dreg:$0x9]  }
0x2b4: {  	[hbm:s23], [sflag:s10] =	dma.local @!p0 [spmem:s15], $0x100  }
0x2b5: {  	s10 =	simm.s32 @!p0 $0x9  }
0x2b6: {  	_ =	swait.ge @!p0 [sflag:s10], $0x100  }
0x2b7: {  	s26 =	rddreg [dreg:$0xb]  }
0x2b8: {  	s29 =	rddreg [dreg:$0xa];
	s23 =	sadd.s32 $0x1, s26  }
0x2b9: {  	p1 =	sne.s32 s23, s29  }
.Ltmp6:
0x2ba: {  	_ = 	snop;
	(pc) =	sbr.rel @p1 .LBB2_1-.Ltmp6, $3  }
0x2bb: {  	_ =	sdelay $0x1  }
0x2bc: {  	[sflag:s10] =	ssyncset.done @!p0 $0x0  }
0x2bd: {  	[sflag:s10] =	ssyncadd.s32 @!p0 $0xFFFFFF00  }
0x2be: {  	_ =	sfence.sel $0x180000  }
0x2bf: {  	[bflag:$0x0] =	sbarrier.arrive $0xFFFF  }
0x2c0: {  	_ =	strace $0x9000004A  }
0x2c1: {  	s0 =	stileid.u32;
	[bflag:$0x2] =	sbarrier.arrive $0xFFFF  }
0x2c2: {  	p0 =	sne.s32 s0, $0x0;
	s0 =	rddreg [dreg:$0x3]  }
0x2c3: {  	s0 =	sadd.s32 @!p0 $0x100000, s0  }
0x2c4: {  	[sflag:s0] =	ssyncadd.tile.s32 @!p0 $0x1;
	_ =	shalt  }
.Lfunc_end2:
_tile_overlayer_lowered:
.L_overlay_start_2:
0x2c5: {  	(tag) =	ssettag $0x2  }
0x2c6: {  	s0 =	rddreg [dreg:$0x0];
	s2 =	stileid.u32  }
0x2c7: {  	s1 =	rddreg [dreg:$0x1];
	p0 =	sne.s32 s2, $0x0  }
0x2c8: {  	s3 =	rddreg [dreg:$0x2];
	[bflag:$0x3] =	sbarrier.arrive $0xFFFF;
	s2 =	simm.s32 @!p0 $0x1C09  }
0x2c9: {  	[timem:s3], [sflag:s2] =	dma.local @!p0 [hbm:s0], s1  }
0x2ca: {  	s0 =	simm.s32 @!p0 $0x9  }
0x2cb: {  	_ =	swait.ge @!p0 [sflag:s0], s1  }
0x2cc: {  	s1 =	ssub.s32 @!p0 $0x0, s1;
	[sflag:s0] =	ssyncset.done @!p0 $0x0  }
0x2cd: {  	[sflag:s0] =	ssyncadd.s32 @!p0 s1  }
0x2ce: {  	[bflag:$0x3] =	sbarrier.arrive $0xFFFF  }
0x2cf: {  	_ =	shalt  }

// kernel: sage_agg_deg.3.cloned.1.call-start
scs
__scs_entry_jumppad:
0x0: {  	(pc) =	sbr.rel $0x88, $3  }
0x1: {  	(tag) =	ssettag $0x0;
	lr =	simm.s32 $0x1  }
0x2: {  	[smem:$0x3F99] =	sst lr;
	_ =	strace $0xD0000000  }
0x3: {  	_ = 	snop  }
0x4: {  	_ = 	snop  }
0x5: {  	_ = 	snop  }
0x6: {  	_ = 	snop  }
0x7: {  	_ = 	snop  }
__scs_overlays_trampoline_lowered:
0x8: {  	[smem:$0x3FA8] =	sst s0  }
0x9: {  	[smem:$0x3FA9] =	sst s1  }
0xa: {  	[smem:$0x3FAA] =	sst s2  }
0xb: {  	[smem:$0x3FAB] =	sst s3  }
0xc: {  	[smem:$0x3FAC] =	sst s4  }
0xd: {  	[smem:$0x3FAD] =	sst s5  }
0xe: {  	[smem:$0x3FAE] =	sst s6  }
0xf: {  	[smem:$0x3FAF] =	sst s7  }
0x10: {  	[smem:$0x3FB0] =	sst s8  }
0x11: {  	[smem:$0x3FB1] =	sst s9;
	s0 =	simm.s32 @!p0 $0x0  }
0x12: {  	s1 =	sld [smem:$0x3F97];
	s0 =	simm.s32 @p0 $0x1  }
0x13: {  	[smem:$0x3FB2] =	sst s0;
	s0 =	simm.s32 @!p1 $0x0  }
0x14: {  	s2 =	sld [smem:$0x3F96];
	s0 =	simm.s32 @p1 $0x1  }
0x15: {  	[smem:$0x3FB3] =	sst s0;
	s0 =	simm.s32 @!p2 $0x0  }
0x16: {  	s3 =	sld [smem:$0x3FDB];
	s0 =	simm.s32 @p2 $0x1  }
0x17: {  	s4 =	simm.s32 $0x1BF5;
	[smem:$0x3FB5] =	sst s0  }
0x18: {  	s0 =	sld [smem:$0x3F98];
	_ =	swait.ge [sflag:s4], $0x0  }
0x19: {  	s7 =	sld [smem:$0x3F99]  }
0x1a: {  	s8 =	sadd.s32 $0xFFFFE003, lr  }
0x1b: {  	s9 =	sadd.s32 $0xFFFFFEF7, lr;
	s5 =	simm.s32 $0xFFFFFFFF;
	p2 =	slt.u32 s8, $0xFFFFF086  }
0x1c: {  	p1 =	slt.u32 s9, $0xF7A;
	s5 =	simm.s32 @!p2 $0x0  }
0x1d: {  	s5 =	simm.s32 @p1 $0x1;
	p0 =	seq.s32 s7, s2  }
0x1e: {  	s7 =	smul.u32 @!p0 $0xF7A, s2;
	p2 =	seq.s32 @!p0 s5, $0x0  }
0x1f: {  	s9 =	smul.u32 $0xF7A, s1;
	s8 =	simm.s32 @!p0 $0x1BF5;
	p2 =	por !p2, p0  }
0x20: {  	[sflag:s8] =	ssyncset.s32 @!p0 $0xFFFFF086;
	s6 =	sadd.s32 @!p0 s3, s7;
	s7 =	simm.s32 @!p0 $0x108  }
0x21: {  	s3 =	sadd.s32 s3, s9;
	s6 =	sadd.s32 @!p0 $0x88, s6;
	s7 =	simm.s32 @p2 $0x1082  }
0x22: {  	[simem:s7], [sflag:s8] =	dma.local @!p0 [hbm:s6], $0xF7A  }
0x23: {  	s9 =	sor.u32 $0xD0000000, s2;
	s6 =	simm.s32 $0x108;
	_ =	swait.ge @!p0 [sflag:s8], $0x0  }
0x24: {  	s3 =	sadd.s32 $0x88, s3;
	s6 =	simm.s32 @!p1 $0x1082;
	[sflag:s4] =	ssyncset.s32 $0xFFFFF086  }
0x25: {  	[simem:s6], [sflag:s4] =	dma.local [hbm:s3], $0xF7A  }
0x26: {  	[smem:$0x3F99] =	sst s1;
	(tag) =	ssettag s2;
	_ =	strace s9  }
0x27: {  	s1 =	sld [smem:$0x3FA9]  }
0x28: {  	s2 =	sld [smem:$0x3FAA]  }
0x29: {  	s4 =	sld [smem:$0x3FAC]  }
0x2a: {  	p0 =	seq.s32 s5, $0x0;
	s5 =	sld [smem:$0x3FAD]  }
0x2b: {  	s6 =	sld [smem:$0x3FAE]  }
0x2c: {  	s7 =	sld [smem:$0x3FAF]  }
0x2d: {  	s3 =	simm.s32 $0x108;
	s8 =	sld [smem:$0x3FB0]  }
0x2e: {  	s3 =	simm.s32 @!p0 $0x1082;
	s9 =	sld [smem:$0x3FB1]  }
0x2f: {  	lr =	sadd.s32 s0, s3;
	s0 =	sld [smem:$0x3FA8]  }
0x30: {  	s3 =	sld [smem:$0x3FAB]  }
0x31: {  	[smem:$0x3FB4] =	sst s10  }
0x32: {  	s10 =	sld [smem:$0x3FB2];
	_ =	sdelay $0x3  }
0x33: {  	p0 =	seq.s32 s10, $0x1;
	s10 =	sld [smem:$0x3FB4];
	_ =	sdelay $0x3  }
0x34: {  	[smem:$0x3FB4] =	sst s10  }
0x35: {  	s10 =	sld [smem:$0x3FB3];
	_ =	sdelay $0x3  }
0x36: {  	p1 =	seq.s32 s10, $0x1;
	s10 =	sld [smem:$0x3FB4];
	_ =	sdelay $0x3  }
0x37: {  	[smem:$0x3FB4] =	sst s10  }
0x38: {  	s10 =	sld [smem:$0x3FB5]  }
0x39: {  	_ = 	snop;
	(pc) =	sbr.ind lr, $3  }
0x3a: {  	_ = 	snop  }
0x3b: {  	_ = 	snop  }
0x3c: {  	p2 =	seq.s32 s10, $0x1;
	s10 =	sld [smem:$0x3FB4]  }
0x3d: {  	_ =	shalt  }
0x3e: {  	_ =	shalt  }
0x3f: {  	_ =	shalt  }
0x40: {  	_ =	shalt  }
0x41: {  	_ =	shalt  }
0x42: {  	_ =	shalt  }
0x43: {  	_ =	shalt  }
0x44: {  	_ =	shalt  }
0x45: {  	_ =	shalt  }
0x46: {  	_ =	shalt  }
0x47: {  	_ =	shalt  }
0x48: {  	_ =	shalt  }
0x49: {  	_ =	shalt  }
0x4a: {  	_ =	shalt  }
0x4b: {  	_ =	shalt  }
0x4c: {  	_ =	shalt  }
0x4d: {  	_ =	shalt  }
0x4e: {  	_ =	shalt  }
0x4f: {  	_ =	shalt  }
0x50: {  	_ =	shalt  }
0x51: {  	_ =	shalt  }
0x52: {  	_ =	shalt  }
0x53: {  	_ =	shalt  }
0x54: {  	_ =	shalt  }
0x55: {  	_ =	shalt  }
0x56: {  	_ =	shalt  }
0x57: {  	_ =	shalt  }
0x58: {  	_ =	shalt  }
0x59: {  	_ =	shalt  }
0x5a: {  	_ =	shalt  }
0x5b: {  	_ =	shalt  }
0x5c: {  	_ =	shalt  }
0x5d: {  	_ =	shalt  }
0x5e: {  	_ =	shalt  }
0x5f: {  	_ =	shalt  }
0x60: {  	_ =	shalt  }
0x61: {  	_ =	shalt  }
0x62: {  	_ =	shalt  }
0x63: {  	_ =	shalt  }
0x64: {  	_ =	shalt  }
0x65: {  	_ =	shalt  }
0x66: {  	_ =	shalt  }
0x67: {  	_ =	shalt  }
0x68: {  	_ =	shalt  }
0x69: {  	_ =	shalt  }
0x6a: {  	_ =	shalt  }
0x6b: {  	_ =	shalt  }
0x6c: {  	_ =	shalt  }
0x6d: {  	_ =	shalt  }
0x6e: {  	_ =	shalt  }
0x6f: {  	_ =	shalt  }
0x70: {  	_ =	shalt  }
0x71: {  	_ =	shalt  }
0x72: {  	_ =	shalt  }
0x73: {  	_ =	shalt  }
0x74: {  	_ =	shalt  }
0x75: {  	_ =	shalt  }
0x76: {  	_ =	shalt  }
0x77: {  	_ =	shalt  }
0x78: {  	_ =	shalt  }
0x79: {  	_ =	shalt  }
0x7a: {  	_ =	shalt  }
0x7b: {  	_ =	shalt  }
0x7c: {  	_ =	shalt  }
0x7d: {  	_ =	shalt  }
0x7e: {  	_ =	shalt  }
0x7f: {  	_ =	shalt  }
0x80: {  	_ =	shalt  }
0x81: {  	_ =	shalt  }
0x82: {  	_ =	shalt  }
0x83: {  	_ =	shalt  }
0x84: {  	_ =	shalt  }
0x85: {  	_ =	shalt  }
0x86: {  	_ =	shalt  }
0x87: {  	_ =	shalt  }
.Lfunc_end0:
.L_simem_size_0:
called_computation_lowered:
.L_overlay_start_0:
0x88: {  	s2 =	sld [smem:$0x3FD9]  }
0x89: {  	s3 =	sld [smem:$0x3FFE];
	_ =	sdelay $0x1  }
0x8a: {  	s1 =	srdreg.scid  }
0x8b: {  	s0 =	sand.u32 $0x1, s1  }
0x8c: {  	s17 =	sshll.u32 s0, $0xA;
	s2 =	sadd.s32 s3, s2  }
0x8d: {  	s2 =	sadd.s32 s2, s17  }
0x8e: {  	[smem:$0x3FC0] =	sst s2  }
0x8f: {  	_ = 	snop  }
0x90: {  	s2 =	sld [smem:$0x3FC9];
	(tm) =	ssettm $0x1  }
0x91: {  	s18 =	sld [smem:$0x3FFB];
	_ =	sdelay $0x3  }
0x92: {  	_ =	strace s18  }
0x93: {  	s3 =	sld [smem:$0x3FFC];
	_ =	sdelay $0x3  }
0x94: {  	_ =	strace s3  }
0x95: {  	s3 =	sld [smem:$0x3FFD];
	_ =	sdelay $0x3  }
0x96: {  	_ =	strace s3  }
0x97: {  	_ =	strace $0x8FFFFFFF  }
0x98: {  	s19 =	sld [smem:$0x3FDB];
	_ =	sdelay $0x1  }
0x99: {  	s4 =	simm.s32 $_scs_section_size  }
0x9a: {  	s5 =	simm.s32 $_size__tile_overlayer_lowered;
	s6 =	simm.s32 $_tile_overlayer_lowered  }
0x9b: {  	s22 =	simm.s32 $0x1BFF;
	s21 =	sshll.u32 s6, $0x1;
	s3 =	sadd.s32 s4, s19  }
0x9c: {  	s7 =	simm.s32 $0x0;
	s20 =	sshll.u32 s5, $0x1;
	s5 =	sadd.s32 s21, s3  }
0x9d: {  	[timem:s7], [sflag:s22] =	dma.local [hbm:s5], s20  }
0x9e: {  	_ =	swait.ge [sflag:s22], s20  }
0x9f: {  	s4 =	ssub.s32 $0x0, s20;
	[sflag:s22] =	ssyncset.done $0x0  }
0xa0: {  	[sflag:s22] =	ssyncadd.s32 s4;
	_ =	sdelay $0x1  }
0xa1: {  	s23 =	simm.s32 $0x1B8B  }
0xa2: {  	_ =	swait.ge [sflag:s23], $0x1  }
0xa3: {  	[sflag:s23] =	ssyncset.done $0x0  }
0xa4: {  	s25 =	simm.s32 $0x1B8E;
	s24 =	sld [smem:$0x3FFE];
	[sflag:s23] =	ssyncadd.s32 $0xFFFFFFFF  }
0xa5: {  	s26 =	simm.s32 $execute0_lowered;
	[smem:$0x3FD2] =	sst s25  }
0xa6: {  	s5 =	sshll.u32 s26, $0x1;
	_ =	strace $0x80000046;
	[dreg:$0x1] =	wrdreg $0xFFFFFFFF  }
0xa7: {  	s28 =	simm.s32 $_size_execute0_lowered;
	s3 =	sadd.s32 s3, s5;
	[dreg:$0x0] =	wrdreg $0x0  }
0xa8: {  	s5 =	sshll.u32 s28, $0x1;
	[dreg:$0x2] =	wrdreg s3  }
0xa9: {  	[dreg:$0x3] =	wrdreg s5  }
0xaa: {  	[dreg:$0x4] =	wrdreg $0xC0  }
0xab: {  	_ =	task [dreg:s7], $0x5FFFF  }
0xac: {  	[dreg:$0x1] =	wrdreg $0xFFFFFFFF  }
0xad: {  	[dreg:$0x0] =	wrdreg $0x60  }
0xae: {  	[dreg:$0x2] =	wrdreg s2  }
0xaf: {  	[dreg:$0x3] =	wrdreg s24  }
0xb0: {  	[dreg:$0x4] =	wrdreg $0x0  }
0xb1: {  	[dreg:$0x5] =	wrdreg $0x9  }
0xb2: {  	_ =	task.clear_ibuf [dreg:s7], $0x6FFFF;
	_ =	strace $0x90000046  }
0xb3: {  	s29 =	simm.s32 $0x9;
	_ =	strace $0x80000048  }
0xb4: {  	_ =	swait.ge [sflag:s29], $0x1  }
0xb5: {  	[sflag:s29] =	ssyncadd.s32 $0xFFFFFFFF  }
0xb6: {  	_ =	strace $0x90000048  }
0xb7: {  	_ =	sfence  }
0xb8: {  	s30 =	sld [smem:$0x0];
	_ =	sdelay $0x2  }
0xb9: {  	s31 =	sshll.u32 s1, $0xD;
	s1 =	sshrl.u32 s1, $0x2  }
0xba: {  	s3 =	sand.u32 $0x4000, s31;
	s1 =	sadd.s32 s1, s30  }
0xbb: {  	s0 =	sor.u32 s3, s0;
	s1 =	sshll.u32 s1, $0x11  }
0xbc: {  	s0 =	sor.u32 s1, s0  }
0xbd: {  	s0 =	sadd.s32 $0x8F2B, s0  }
0xbe: {  	[sflag:s0] =	ssyncadd.remote.s32 $0x1  }
0xbf: {  	_ =	sfence.sel $0xFFFF  }
0xc0: {  	[dreg:$0x0] =	wrdreg $0xFFFFFFFF;
	(pc) =	sbr.abs _section_cstart, $3  }
0xc1: {  	[dreg:$0x1] =	wrdreg $0xFFFFFFFF  }
0xc2: {  	_ =	task.clear_ibuf [dreg:s7], $0x2FFFF;
	_ =	strace $0x9FFFFFFF  }
0xc3: {  	(tm) =	ssettm $0x7FFFFFFF  }
tec
execute0_lowered:
.L_overlay_start_1:
0x0: {  	(tag) =	ssettag $0x1  }
0x1: {  	s1 =	rddreg [dreg:$0x0]  }
0x2: {  	s0 =	rddreg [dreg:$0x1]  }
0x3: {  	s2 =	rddreg [dreg:$0x2];
	s3 =	srdreg.scid  }
0x4: {  	s19 =	simm.s32 $0x0;
	s12 =	stileid.u32;
	s29 =	simm.s32 $0x18200  }
0x5: {  	s31 =	simm.s32 $0x1AA00;
	s14 =	simm.s32 $0x5;
	s15 =	simm.s32 $0x3  }
0x6: {  	s28 =	simm.s32 $0x0;
	s3 =	sand.u32 $0x1, s3;
	[smem:$0x7FF] =	sst s19  }
0x7: {  	s5 =	sadd.s32 $0xC600, s0;
	s6 =	sadd.s32 $0x2800, s0;
	s11 =	smul.u32 $0x4E000, s12  }
0x8: {  	s10 =	sadd.s32 $0x16400, s0;
	s20 =	smul.u32 $0x13800, s12;
	s24 =	sadd.s32 $0x138000, s2  }
0x9: {  	s21 =	sadd.s32 $0x138400, s2;
	p0 =	sne.s32 s12, $0xF;
	s4 =	sshll.u32 s3, $0x4  }
0xa: {  	_ =	strace $0x80000047;
	s8 =	ssub.s32 $0x2, s3;
	s3 =	smul.u32 $0x138800, s3  }
0xb: {  	[dreg:$0x7] =	wrdreg s21;
	s21 =	simm.s32 $0x1;
	s4 =	sor.u32 s12, s4  }
0xc: {  	[dreg:$0x6] =	wrdreg s24;
	s9 =	sshrl.u32 s8, $0x1;
	s7 =	smul.u32 $0x500, s4  }
0xd: {  	s18 =	sshrl.u32 s11, $0x2;
	s11 =	simm.s32 $0x15900;
	s4 =	smul.u32 $0x2710, s4  }
0xe: {  	s16 =	ssub.s32 s8, s9;
	s9 =	sadd.s32 s18, s2;
	s22 =	sadd.s32 s20, s3  }
0xf: {  	s3 =	sshrl.u32 s3, $0x3;
	s18 =	simm.s32 $0x13880;
	s20 =	simm.s32 $0x1FA00  }
0x10: {  	s3 =	sadd.s32 s10, s3;
	s30 =	smax.u32 s16, $0x1;
	s16 =	simm.s32 $0x15980  }
0x11: {  	s0 =	sadd.s32 s7, s0;
	s17 =	sshrl.u32 s4, $0x3;
	s23 =	sadd.s32 $0x7D0, s4  }
0x12: {  	s26 =	sadd.s32 $0x27000, s3;
	[dreg:$0xc] =	wrdreg s30;
	s3 =	simm.s32 $0x15880  }
0x13: {  	s7 =	simm.s32 $0x4;
	s13 =	sadd.s32 s5, s17;
	[dreg:$0x8] =	wrdreg s23  }
0x14: {  	s8 =	sadd.s32 s6, s17;
	s0 =	sadd.s32 $0x64600, s0;
	[dreg:$0xb] =	wrdreg s26  }
0x15: {  	s23 =	simm.s32 $0x14880;
	s26 =	simm.s32 $0x15A00;
	[dreg:$0x4] =	wrdreg s13  }
0x16: {  	s17 =	simm.s32 $0x6;
	[dreg:$0x5] =	wrdreg s8;
	s8 =	sshrl.u32 s22, $0x3  }
0x17: {  	s13 =	sadd.s32 $0xFA0, s4;
	[dreg:$0xa] =	wrdreg s0;
	s22 =	simm.s32 $0x7  }
0x18: {  	s0 =	simm.s32 $0x1D200;
	s25 =	sadd.s32 s10, s8;
	s8 =	simm.s32 $0x2  }
0x19: {  	v0 =	vimm.f32 $0.0e+00;
	v1 =	vimm.f32 $1.000000000e+00;
	s10 =	simm.s32 $0x8;
	[dreg:$0x9] =	wrdreg s25;
	s25 =	simm.s32 $0x50  }
.LBB2_1:
0x1a: {  	s4 =	rddreg [dreg:$0x4]  }
0x1b: {  	[tilespmem:s18], [sflag:$0x7] =	stream.linear.gather [hbm4b:s4+s19], $0x7D0, $0x38;
	[tilespmem:$0x1FE00] =	vst v63  }
0x1c: {  	s30 =	rddreg [dreg:$0x5];
	s12 =	simm.s32 $0x14080  }
0x1d: {  	[tilespmem:s12], [sflag:$0x7] =	stream.linear.gather [hbm4b:s30+s19], $0x7D0, $0x38;
	[tilespmem:$0x1FE00] =	vst v63  }
0x1e: {  	[tilespmem:$0x1FA00] =	vst v0  }
0x1f: {  	[tilespmem:$0x1FA10] =	vst v0  }
0x20: {  	[tilespmem:$0x1FA20] =	vst v0  }
0x21: {  	[tilespmem:$0x1FA30] =	vst v0  }
0x22: {  	[tilespmem:$0x1FA40] =	vst v0  }
0x23: {  	[tilespmem:$0x1FA50] =	vst v0  }
0x24: {  	[tilespmem:$0x1FA60] =	vst v0  }
0x25: {  	[tilespmem:$0x1FA70] =	vst v0  }
0x26: {  	[tilespmem:$0x1FA80] =	vst v0  }
0x27: {  	[tilespmem:$0x1FA90] =	vst v0  }
0x28: {  	[tilespmem:$0x1FAA0] =	vst v0  }
0x29: {  	[tilespmem:$0x1FAB0] =	vst v0  }
0x2a: {  	[tilespmem:$0x1FAC0] =	vst v0  }
0x2b: {  	[tilespmem:$0x1FAD0] =	vst v0  }
0x2c: {  	[tilespmem:$0x1FAE0] =	vst v0  }
0x2d: {  	[tilespmem:$0x1FAF0] =	vst v0  }
0x2e: {  	[tilespmem:$0x1FB00] =	vst v0  }
0x2f: {  	[tilespmem:$0x1FB10] =	vst v0  }
0x30: {  	[tilespmem:$0x1FB20] =	vst v0  }
0x31: {  	[tilespmem:$0x1FB30] =	vst v0  }
0x32: {  	[tilespmem:$0x1FB40] =	vst v0  }
0x33: {  	[tilespmem:$0x1FB50] =	vst v0  }
0x34: {  	[tilespmem:$0x1FB60] =	vst v0  }
0x35: {  	[tilespmem:$0x1FB70] =	vst v0  }
0x36: {  	[tilespmem:$0x1FB80] =	vst v0  }
0x37: {  	[tilespmem:$0x1FB90] =	vst v0  }
0x38: {  	[tilespmem:$0x1FBA0] =	vst v0  }
0x39: {  	[tilespmem:$0x1FBB0] =	vst v0  }
0x3a: {  	[tilespmem:$0x1FBC0] =	vst v0  }
0x3b: {  	[tilespmem:$0x1FBD0] =	vst v0  }
0x3c: {  	[tilespmem:$0x1FBE0] =	vst v0  }
0x3d: {  	[tilespmem:$0x1FBF0] =	vst v0  }
0x3e: {  	[tilespmem:$0x1FC00] =	vst v0  }
0x3f: {  	[tilespmem:$0x1FC10] =	vst v0  }
0x40: {  	[tilespmem:$0x1FC20] =	vst v0  }
0x41: {  	[tilespmem:$0x1FC30] =	vst v0  }
0x42: {  	[tilespmem:$0x1FC40] =	vst v0  }
0x43: {  	[tilespmem:$0x1FC50] =	vst v0  }
0x44: {  	[tilespmem:$0x1FC60] =	vst v0  }
0x45: {  	[tilespmem:$0x1FC70] =	vst v0  }
0x46: {  	[tilespmem:$0x1FC80] =	vst v0  }
0x47: {  	[tilespmem:$0x1FC90] =	vst v0  }
0x48: {  	[tilespmem:$0x1FCA0] =	vst v0  }
0x49: {  	[tilespmem:$0x1FCB0] =	vst v0  }
0x4a: {  	[tilespmem:$0x1FCC0] =	vst v0  }
0x4b: {  	[tilespmem:$0x1FCD0] =	vst v0  }
0x4c: {  	[tilespmem:$0x1FCE0] =	vst v0  }
0x4d: {  	[tilespmem:$0x1FCF0] =	vst v0  }
0x4e: {  	[tilespmem:$0x1FD00] =	vst v0  }
0x4f: {  	[tilespmem:$0x1FD10] =	vst v0  }
0x50: {  	[tilespmem:$0x1FD20] =	vst v0  }
0x51: {  	[tilespmem:$0x1FD30] =	vst v0  }
0x52: {  	[tilespmem:$0x1FD40] =	vst v0  }
0x53: {  	[tilespmem:$0x1FD50] =	vst v0  }
0x54: {  	[tilespmem:$0x1FD60] =	vst v0  }
0x55: {  	[tilespmem:$0x1FD70] =	vst v0  }
0x56: {  	[tilespmem:$0x1FD80] =	vst v0  }
0x57: {  	[tilespmem:$0x1FD90] =	vst v0  }
0x58: {  	[tilespmem:$0x1FDA0] =	vst v0  }
0x59: {  	[tilespmem:$0x1FDB0] =	vst v0  }
0x5a: {  	[tilespmem:$0x1FDC0] =	vst v0  }
0x5b: {  	[tilespmem:$0x1FDD0] =	vst v0  }
0x5c: {  	[tilespmem:$0x1FDE0] =	vst v0  }
0x5d: {  	s4 =	simm.s32 $0x0;
	[tilespmem:$0x1FDF0] =	vst v0  }
.LBB2_2:
0x5e: {  	p1 =	sne.s32 s4, $0x9FC0  }
.Ltmp0:
0x5f: {  	_ = 	snop;
	(pc) =	sbr.rel @p1 .LBB2_2-.Ltmp0, $3  }
0x60: {  	_ =	sdelay $0x1  }
0x61: {  	s19 =	sshra.s32 s4, $0x2  }
0x62: {  	s4 =	sadd.s32 $0x40, s4;
	[tilespmem:s19+$0x1D200] =	vst v0  }
0x63: {  	s4 =	simm.s32 $0x1000;
	s19 =	sadd.s32 $0x0, s9  }
.LBB2_4:
0x64: {  	[spmem:s19] =	stream.linear.scatter [tilespmem:s20], [sflag:$0x1], $0x400, $0x38;
	[tilespmem:$0x1FE00] =	vst v63  }
0x65: {  	s19 =	smov.u32 s4;
	p1 =	sne.s32 s4, $0x4D000  }
.Ltmp1:
0x66: {  	s4 =	sadd.s32 $0x1000, s4;
	(pc) =	sbr.rel @p1 .LBB2_4-.Ltmp1, $3  }
0x67: {  	_ =	sdelay $0x1  }
0x68: {  	s19 =	sshra.s32 s19, $0x2  }
0x69: {  	s19 =	sadd.s32 s19, s9  }
0x6a: {  	[spmem:s19] =	stream.linear.scatter [tilespmem:s20], [sflag:$0x1], $0x400, $0x38;
	[tilespmem:$0x1FE00] =	vst v63  }
0x6b: {  	[dreg:$0xd] =	wrdreg s28;
	s4 =	simm.s32 @!p0 $0x1FA00  }
0x6c: {  	[spmem:s24] =	stream.linear.scatter @!p0 [tilespmem:s4], [sflag:$0x1], $0x400, $0x38;
	[tilespmem:$0x1FE00] =	vst v63  }
0x6d: {  	s12 =	rddreg [dreg:$0x7]  }
0x6e: {  	[spmem:s12] =	stream.linear.scatter @!p0 [tilespmem:s4], [sflag:$0x1], $0x400, $0x38;
	[tilespmem:$0x1FE00] =	vst v63  }
0x6f: {  	_ =	swait.ge [sflag:s21], $0x400  }
0x70: {  	s4 =	simm.s32 $0x4D;
	[sflag:s21] =	ssyncset.done $0x0  }
.LBB2_6:
0x71: {  	p1 =	sne.s32 s4, $0x1;
	s4 =	sadd.s32 $0xFFFFFFFF, s4;
	[sflag:s21] =	ssyncadd.s32 $0xFFFFFC00  }
.Ltmp2:
0x72: {  	(pc) =	sbr.rel @p1 .LBB2_6-.Ltmp2, $3  }
0x73: {  	_ =	sdelay $0x1  }
0x74: {  	_ =	swait.ge [sflag:s21], $0x400  }
0x75: {  	[sflag:s21] =	ssyncset.done $0x0  }
0x76: {  	[sflag:s21] =	ssyncadd.s32 $0xFFFFFC00;
	s4 =	simm.s32 @!p0 $0x1  }
0x77: {  	_ =	swait.ge @!p0 [sflag:s4], $0x400  }
0x78: {  	[sflag:s4] =	ssyncset.done @!p0 $0x0  }
0x79: {  	[sflag:s4] =	ssyncadd.s32 @!p0 $0xFFFFFC00  }
0x7a: {  	_ =	swait.ge @!p0 [sflag:s4], $0x400  }
0x7b: {  	[sflag:s4] =	ssyncset.done @!p0 $0x0  }
0x7c: {  	s19 =	simm.s32 $0x0;
	[sflag:s4] =	ssyncadd.s32 @!p0 $0xFFFFFC00  }
0x7d: {  	p2 =	por $0x1, $0x1;
	s24 =	simm.s32 $0x0;
	[bflag:$0x0] =	sbarrier.arrive $0xFFFF  }
.LBB2_8:
0x7e: {  	_ =	swait.ge [sflag:s22], $0x7D0  }
0x7f: {  	[sflag:s22] =	ssyncset.done $0x0  }
0x80: {  	[sflag:s22] =	ssyncadd.s32 $0xFFFFF830  }
0x81: {  	_ =	swait.ge [sflag:s22], $0x7D0  }
0x82: {  	s4 =	rddreg [dreg:$0x8]  }
0x83: {  	s4 =	sadd.s32 s24, s4  }
0x84: {  	[sflag:s22] =	ssyncset.done $0x0;
	s4 =	sshrl.u32 s4, $0x3  }
0x85: {  	[sflag:s22] =	ssyncadd.s32 $0xFFFFF830;
	s28 =	sadd.s32 s5, s4  }
0x86: {  	[tilespmem:s23], [sflag:$0x8] =	stream.linear.gather [hbm4b:s28+s19], $0x7D0, $0x38;
	[tilespmem:$0x1FE00] =	vst v63  }
0x87: {  	s12 =	simm.s32 $0x15080;
	s4 =	sadd.s32 s6, s4  }
0x88: {  	[tilespmem:s12], [sflag:$0x8] =	stream.linear.gather [hbm4b:s4+s19], $0x7D0, $0x38;
	[tilespmem:$0x1FE00] =	vst v63  }
0x89: {  	v2 =	vld [tilespmem:$0x14080]  }
0x8a: {  	v3 =	vld [tilespmem:$0x14090]  }
0x8b: {  	v4 =	vld [tilespmem:$0x140A0]  }
0x8c: {  	v5 =	vld [tilespmem:$0x140B0]  }
0x8d: {  	v6 =	vld [tilespmem:$0x140C0]  }
0x8e: {  	[tilespmem:$0x15880] =	vst v2  }
0x8f: {  	[tilespmem:$0x15890] =	vst v3  }
0x90: {  	[tilespmem:$0x158A0] =	vst v4  }
0x91: {  	[tilespmem:$0x158B0] =	vst v5  }
0x92: {  	[tilespmem:$0x158C0] =	vst v6  }
0x93: {  	[tilespmem:s26], [sflag:$0x1] =	stream.indirect.gather [hbm4b:s1+s25], $0x80, s18, s25, $0xb8;
	[tilespmem:$0x1FE00] =	vst v63  }
0x94: {  	v2 =	vld [tilespmem:$0x140D0]  }
0x95: {  	v3 =	vld [tilespmem:$0x140E0]  }
0x96: {  	v58 =	vld [tilespmem:$0x140F0]  }
0x97: {  	v59 =	vld [tilespmem:$0x14100]  }
0x98: {  	v60 =	vld [tilespmem:$0x14110]  }
0x99: {  	[tilespmem:$0x15900] =	vst v2  }
0x9a: {  	[tilespmem:$0x15910] =	vst v3  }
0x9b: {  	[tilespmem:$0x15920] =	vst v58  }
0x9c: {  	[tilespmem:$0x15930] =	vst v59  }
0x9d: {  	s12 =	simm.s32 $0x138D0;
	[tilespmem:$0x15940] =	vst v60  }
0x9e: {  	[tilespmem:s29], [sflag:$0x2] =	stream.indirect.gather [hbm4b:s1+s25], $0x80, s12, s25, $0xb8;
	[tilespmem:$0x1FE00] =	vst v63  }
0x9f: {  	v2 =	vld [tilespmem:$0x14120]  }
0xa0: {  	v3 =	vld [tilespmem:$0x14130]  }
0xa1: {  	v61 =	vld [tilespmem:$0x14140]  }
0xa2: {  	v62 =	vld [tilespmem:$0x14150]  }
0xa3: {  	v63 =	vld [tilespmem:$0x14160]  }
0xa4: {  	[tilespmem:$0x15980] =	vst v2  }
0xa5: {  	[tilespmem:$0x15990] =	vst v3  }
0xa6: {  	[tilespmem:$0x159A0] =	vst v61  }
0xa7: {  	[tilespmem:$0x159B0] =	vst v62  }
0xa8: {  	s12 =	simm.s32 $0x13920;
	[tilespmem:$0x159C0] =	vst v63  }
0xa9: {  	[tilespmem:s31], [sflag:$0x3] =	stream.indirect.gather [hbm4b:s1+s25], $0x80, s12, s25, $0xb8;
	[tilespmem:$0x1FE00] =	vst v63  }
0xaa: {  	v2 =	vld [tilespmem:$0x15880];
	_ =	sdelay $0x7  }
0xab: {  	[tilespmem:v2+s0+$0x0] =	vst.idx.add.f32.msk $0xffff, v1  }
0xac: {  	v2 =	vld [tilespmem:$0x15890];
	_ =	sdelay $0x7  }
0xad: {  	[tilespmem:v2+s0+$0x0] =	vst.idx.add.f32.msk $0xffff, v1  }
0xae: {  	v2 =	vld [tilespmem:$0x158A0];
	_ =	sdelay $0x7  }
0xaf: {  	[tilespmem:v2+s0+$0x0] =	vst.idx.add.f32.msk $0xffff, v1  }
0xb0: {  	v2 =	vld [tilespmem:$0x158B0];
	_ =	sdelay $0x7  }
0xb1: {  	[tilespmem:v2+s0+$0x0] =	vst.idx.add.f32.msk $0xffff, v1  }
0xb2: {  	v2 =	vld [tilespmem:$0x158C0];
	_ =	sdelay $0x7  }
0xb3: {  	[tilespmem:v2+s0+$0x0] =	vst.idx.add.f32.msk $0xffff, v1  }
0xb4: {  	_ =	swait.ge [sflag:s21], $0x2800  }
0xb5: {  	p1 =	por p2, p2;
	s30 =	simm.s32 $0x14250;
	[sflag:s21] =	ssyncset.done $0x0  }
0xb6: {  	s28 =	simm.s32 $0x13970;
	s4 =	simm.s32 $0x0;
	[sflag:s21] =	ssyncadd.s32 $0xFFFFD800  }
0xb7: {  	[spmem:s2] =	stream.indirect.scatter.add.f32 [tilespmem:s26], [sflag:$0x4], $0x80, s3, s25, $0xb8;
	[tilespmem:$0x1FE00] =	vst v63  }
.LBB2_9:
0xb8: {  	_ =	swait.ge [sflag:s7], $0x2800  }
0xb9: {  	[sflag:s7] =	ssyncset.done $0x0  }
0xba: {  	[sflag:s7] =	ssyncadd.s32 $0xFFFFD800  }
0xbb: {  	v2 =	vld [tilespmem:s30+$0xFFFFFF20];
	_ =	sdelay $0x4  }
0xbc: {  	s12 =	sand.u32 $0x7F0, s4;
	[tilespmem:$0x15880] =	vst v2  }
0xbd: {  	v2 =	vld [tilespmem:s12+$0x14180];
	_ =	sdelay $0x4  }
0xbe: {  	[tilespmem:$0x15890] =	vst v2  }
0xbf: {  	v2 =	vld [tilespmem:s30+$0xFFFFFF40];
	_ =	sdelay $0x4  }
0xc0: {  	[tilespmem:$0x158A0] =	vst v2  }
0xc1: {  	v2 =	vld [tilespmem:s30+$0xFFFFFF50];
	_ =	sdelay $0x4  }
0xc2: {  	[tilespmem:$0x158B0] =	vst v2  }
0xc3: {  	v2 =	vld [tilespmem:s30+$0xFFFFFF60];
	_ =	sdelay $0x4  }
0xc4: {  	[tilespmem:$0x158C0] =	vst v2  }
0xc5: {  	[tilespmem:s26], [sflag:$0x1] =	stream.indirect.gather [hbm4b:s1+s25], $0x80, s28, s25, $0xb8;
	[tilespmem:$0x1FE00] =	vst v63  }
0xc6: {  	v2 =	vld [tilespmem:$0x15900];
	_ =	sdelay $0x7  }
0xc7: {  	[tilespmem:v2+s0+$0x0] =	vst.idx.add.f32.msk $0xffff, v1  }
0xc8: {  	v2 =	vld [tilespmem:$0x15910];
	_ =	sdelay $0x7  }
0xc9: {  	[tilespmem:v2+s0+$0x0] =	vst.idx.add.f32.msk $0xffff, v1  }
0xca: {  	v2 =	vld [tilespmem:$0x15920];
	_ =	sdelay $0x7  }
0xcb: {  	[tilespmem:v2+s0+$0x0] =	vst.idx.add.f32.msk $0xffff, v1  }
0xcc: {  	v2 =	vld [tilespmem:$0x15930];
	_ =	sdelay $0x7  }
0xcd: {  	[tilespmem:v2+s0+$0x0] =	vst.idx.add.f32.msk $0xffff, v1  }
0xce: {  	v2 =	vld [tilespmem:$0x15940];
	_ =	sdelay $0x7  }
0xcf: {  	[tilespmem:v2+s0+$0x0] =	vst.idx.add.f32.msk $0xffff, v1  }
0xd0: {  	_ =	swait.ge [sflag:s8], $0x2800  }
0xd1: {  	[sflag:s8] =	ssyncset.done $0x0  }
0xd2: {  	[sflag:s8] =	ssyncadd.s32 $0xFFFFD800  }
0xd3: {  	[spmem:s2] =	stream.indirect.scatter.add.f32 [tilespmem:s29], [sflag:$0x5], $0x80, s11, s25, $0xb8;
	[tilespmem:$0x1FE00] =	vst v63  }
0xd4: {  	_ =	swait.ge [sflag:s14], $0x2800  }
0xd5: {  	[sflag:s14] =	ssyncset.done $0x0  }
0xd6: {  	[sflag:s14] =	ssyncadd.s32 $0xFFFFD800  }
0xd7: {  	v2 =	vld [tilespmem:s30+$0xFFFFFF70];
	_ =	sdelay $0x4  }
0xd8: {  	[tilespmem:$0x15900] =	vst v2  }
0xd9: {  	v2 =	vld [tilespmem:s30+$0xFFFFFF80];
	_ =	sdelay $0x4  }
0xda: {  	[tilespmem:$0x15910] =	vst v2  }
0xdb: {  	v2 =	vld [tilespmem:s30+$0xFFFFFF90];
	_ =	sdelay $0x4  }
0xdc: {  	[tilespmem:$0x15920] =	vst v2  }
0xdd: {  	v2 =	vld [tilespmem:s30+$0xFFFFFFA0];
	_ =	sdelay $0x4  }
0xde: {  	[tilespmem:$0x15930] =	vst v2  }
0xdf: {  	v2 =	vld [tilespmem:s12+$0x14200];
	_ =	sdelay $0x4  }
0xe0: {  	s12 =	sadd.s32 $0x50, s28;
	[tilespmem:$0x15940] =	vst v2  }
0xe1: {  	[tilespmem:s29], [sflag:$0x2] =	stream.indirect.gather [hbm4b:s1+s25], $0x80, s12, s25, $0xb8;
	[tilespmem:$0x1FE00] =	vst v63  }
0xe2: {  	v2 =	vld [tilespmem:$0x15980];
	_ =	sdelay $0x7  }
0xe3: {  	[tilespmem:v2+s0+$0x0] =	vst.idx.add.f32.msk $0xffff, v1  }
0xe4: {  	v2 =	vld [tilespmem:$0x15990];
	_ =	sdelay $0x7  }
0xe5: {  	[tilespmem:v2+s0+$0x0] =	vst.idx.add.f32.msk $0xffff, v1  }
0xe6: {  	v2 =	vld [tilespmem:$0x159A0];
	_ =	sdelay $0x7  }
0xe7: {  	[tilespmem:v2+s0+$0x0] =	vst.idx.add.f32.msk $0xffff, v1  }
0xe8: {  	v2 =	vld [tilespmem:$0x159B0];
	_ =	sdelay $0x7  }
0xe9: {  	[tilespmem:v2+s0+$0x0] =	vst.idx.add.f32.msk $0xffff, v1  }
0xea: {  	v2 =	vld [tilespmem:$0x159C0];
	_ =	sdelay $0x7  }
0xeb: {  	[tilespmem:v2+s0+$0x0] =	vst.idx.add.f32.msk $0xffff, v1  }
0xec: {  	_ =	swait.ge [sflag:s15], $0x2800  }
0xed: {  	[sflag:s15] =	ssyncset.done $0x0  }
0xee: {  	[sflag:s15] =	ssyncadd.s32 $0xFFFFD800  }
0xef: {  	[spmem:s2] =	stream.indirect.scatter.add.f32 [tilespmem:s31], [sflag:$0x6], $0x80, s16, s25, $0xb8;
	[tilespmem:$0x1FE00] =	vst v63  }
0xf0: {  	_ =	swait.ge [sflag:s17], $0x2800  }
0xf1: {  	[sflag:s17] =	ssyncset.done $0x0  }
0xf2: {  	[sflag:s17] =	ssyncadd.s32 $0xFFFFD800  }
0xf3: {  	v2 =	vld [tilespmem:s30+$0xFFFFFFC0];
	_ =	sdelay $0x4  }
0xf4: {  	[tilespmem:$0x15980] =	vst v2  }
0xf5: {  	v2 =	vld [tilespmem:s30+$0xFFFFFFD0];
	_ =	sdelay $0x4  }
0xf6: {  	[tilespmem:$0x15990] =	vst v2  }
0xf7: {  	v2 =	vld [tilespmem:s30+$0xFFFFFFE0];
	_ =	sdelay $0x4  }
0xf8: {  	[tilespmem:$0x159A0] =	vst v2  }
0xf9: {  	v2 =	vld [tilespmem:s30+$0xFFFFFFF0];
	_ =	sdelay $0x4  }
0xfa: {  	[tilespmem:$0x159B0] =	vst v2  }
0xfb: {  	v2 =	vld [tilespmem:s30+$0x0];
	_ =	sdelay $0x4  }
0xfc: {  	s12 =	sadd.s32 $0xA0, s28;
	[tilespmem:$0x159C0] =	vst v2  }
0xfd: {  	[tilespmem:s31], [sflag:$0x3] =	stream.indirect.gather [hbm4b:s1+s25], $0x80, s12, s25, $0xb8;
	[tilespmem:$0x1FE00] =	vst v63  }
0xfe: {  	v2 =	vld [tilespmem:$0x15880];
	_ =	sdelay $0x7  }
0xff: {  	[tilespmem:v2+s0+$0x0] =	vst.idx.add.f32.msk $0xffff, v1  }
0x100: {  	v2 =	vld [tilespmem:$0x15890];
	_ =	sdelay $0x7  }
0x101: {  	[tilespmem:v2+s0+$0x0] =	vst.idx.add.f32.msk $0xffff, v1  }
0x102: {  	v2 =	vld [tilespmem:$0x158A0];
	_ =	sdelay $0x7  }
0x103: {  	[tilespmem:v2+s0+$0x0] =	vst.idx.add.f32.msk $0xffff, v1  }
0x104: {  	v2 =	vld [tilespmem:$0x158B0];
	_ =	sdelay $0x7  }
0x105: {  	[tilespmem:v2+s0+$0x0] =	vst.idx.add.f32.msk $0xffff, v1  }
0x106: {  	v2 =	vld [tilespmem:$0x158C0];
	_ =	sdelay $0x6  }
0x107: {  	p2 =	sne.s32 s4, $0x5A0  }
.Ltmp3:
0x108: {  	[tilespmem:v2+s0+$0x0] =	vst.idx.add.f32.msk $0xffff, v1;
	(pc) =	sbr.rel @p2 .LBB2_9-.Ltmp3, $4  }
0x109: {  	_ =	swait.ge [sflag:s21], $0x2800  }
0x10a: {  	s4 =	sadd.s32 $0xF0, s4;
	[sflag:s21] =	ssyncset.done $0x0  }
0x10b: {  	s28 =	sadd.s32 $0xF0, s28;
	s30 =	sadd.s32 $0xF0, s30;
	[sflag:s21] =	ssyncadd.s32 $0xFFFFD800  }
0x10c: {  	[spmem:s2] =	stream.indirect.scatter.add.f32 [tilespmem:s26], [sflag:$0x4], $0x80, s3, s25, $0xb8;
	[tilespmem:$0x1FE00] =	vst v63  }
0x10d: {  	_ =	swait.ge [sflag:s7], $0x2800  }
0x10e: {  	[sflag:s7] =	ssyncset.done $0x0  }
0x10f: {  	[sflag:s7] =	ssyncadd.s32 $0xFFFFD800  }
0x110: {  	v2 =	vld [tilespmem:$0x14800]  }
0x111: {  	v3 =	vld [tilespmem:$0x14810]  }
0x112: {  	v4 =	vld [tilespmem:$0x14820]  }
0x113: {  	v5 =	vld [tilespmem:$0x14830]  }
0x114: {  	v6 =	vld [tilespmem:$0x14840]  }
0x115: {  	[tilespmem:$0x15880] =	vst v2  }
0x116: {  	[tilespmem:$0x15890] =	vst v3  }
0x117: {  	[tilespmem:$0x158A0] =	vst v4  }
0x118: {  	[tilespmem:$0x158B0] =	vst v5  }
0x119: {  	s4 =	simm.s32 $0x14000;
	[tilespmem:$0x158C0] =	vst v6  }
0x11a: {  	[tilespmem:s26], [sflag:$0x1] =	stream.indirect.gather [hbm4b:s1+s25], $0x80, s4, s25, $0xb8;
	[tilespmem:$0x1FE00] =	vst v63  }
0x11b: {  	v2 =	vld [tilespmem:$0x15900];
	_ =	sdelay $0x7  }
0x11c: {  	[tilespmem:v2+s0+$0x0] =	vst.idx.add.f32.msk $0xffff, v1  }
0x11d: {  	v2 =	vld [tilespmem:$0x15910];
	_ =	sdelay $0x7  }
0x11e: {  	[tilespmem:v2+s0+$0x0] =	vst.idx.add.f32.msk $0xffff, v1  }
0x11f: {  	v2 =	vld [tilespmem:$0x15920];
	_ =	sdelay $0x7  }
0x120: {  	[tilespmem:v2+s0+$0x0] =	vst.idx.add.f32.msk $0xffff, v1  }
0x121: {  	v2 =	vld [tilespmem:$0x15930];
	_ =	sdelay $0x7  }
0x122: {  	[tilespmem:v2+s0+$0x0] =	vst.idx.add.f32.msk $0xffff, v1  }
0x123: {  	v2 =	vld [tilespmem:$0x15940];
	_ =	sdelay $0x7  }
0x124: {  	[tilespmem:v2+s0+$0x0] =	vst.idx.add.f32.msk $0xffff, v1  }
0x125: {  	_ =	swait.ge [sflag:s8], $0x2800  }
0x126: {  	[sflag:s8] =	ssyncset.done $0x0  }
0x127: {  	[sflag:s8] =	ssyncadd.s32 $0xFFFFD800  }
0x128: {  	[spmem:s2] =	stream.indirect.scatter.add.f32 [tilespmem:s29], [sflag:$0x5], $0x80, s11, s25, $0xb8;
	[tilespmem:$0x1FE00] =	vst v63  }
0x129: {  	v2 =	vld [tilespmem:$0x15980];
	_ =	sdelay $0x7  }
0x12a: {  	[tilespmem:v2+s0+$0x0] =	vst.idx.add.f32.msk $0xffff, v1  }
0x12b: {  	v2 =	vld [tilespmem:$0x15990];
	_ =	sdelay $0x7  }
0x12c: {  	[tilespmem:v2+s0+$0x0] =	vst.idx.add.f32.msk $0xffff, v1  }
0x12d: {  	v2 =	vld [tilespmem:$0x159A0];
	_ =	sdelay $0x7  }
0x12e: {  	[tilespmem:v2+s0+$0x0] =	vst.idx.add.f32.msk $0xffff, v1  }
0x12f: {  	v2 =	vld [tilespmem:$0x159B0];
	_ =	sdelay $0x7  }
0x130: {  	[tilespmem:v2+s0+$0x0] =	vst.idx.add.f32.msk $0xffff, v1  }
0x131: {  	v2 =	vld [tilespmem:$0x159C0];
	_ =	sdelay $0x7  }
0x132: {  	[tilespmem:v2+s0+$0x0] =	vst.idx.add.f32.msk $0xffff, v1  }
0x133: {  	_ =	swait.ge [sflag:s15], $0x2800  }
0x134: {  	[sflag:s15] =	ssyncset.done $0x0  }
0x135: {  	[sflag:s15] =	ssyncadd.s32 $0xFFFFD800  }
0x136: {  	[spmem:s2] =	stream.indirect.scatter.add.f32 [tilespmem:s31], [sflag:$0x6], $0x80, s16, s25, $0xb8;
	[tilespmem:$0x1FE00] =	vst v63  }
0x137: {  	v2 =	vld [tilespmem:$0x15880];
	_ =	sdelay $0x7  }
0x138: {  	[tilespmem:v2+s0+$0x0] =	vst.idx.add.f32.msk $0xffff, v1  }
0x139: {  	v2 =	vld [tilespmem:$0x15890];
	_ =	sdelay $0x7  }
0x13a: {  	[tilespmem:v2+s0+$0x0] =	vst.idx.add.f32.msk $0xffff, v1  }
0x13b: {  	v2 =	vld [tilespmem:$0x158A0];
	_ =	sdelay $0x7  }
0x13c: {  	[tilespmem:v2+s0+$0x0] =	vst.idx.add.f32.msk $0xffff, v1  }
0x13d: {  	v2 =	vld [tilespmem:$0x158B0];
	_ =	sdelay $0x7  }
0x13e: {  	[tilespmem:v2+s0+$0x0] =	vst.idx.add.f32.msk $0xffff, v1  }
0x13f: {  	v2 =	vld [tilespmem:$0x158C0];
	_ =	sdelay $0x7  }
0x140: {  	[tilespmem:v2+s0+$0x0] =	vst.idx.add.f32.msk $0xffff, v1  }
0x141: {  	_ =	swait.ge [sflag:s21], $0x2800  }
0x142: {  	[sflag:s21] =	ssyncset.done $0x0  }
0x143: {  	[sflag:s21] =	ssyncadd.s32 $0xFFFFD800  }
0x144: {  	[spmem:s2] =	stream.indirect.scatter.add.f32 [tilespmem:s26], [sflag:$0x4], $0x80, s3, s25, $0xb8;
	[tilespmem:$0x1FE00] =	vst v63  }
0x145: {  	_ =	swait.ge [sflag:s7], $0x2800  }
0x146: {  	[sflag:s7] =	ssyncset.done $0x0  }
0x147: {  	[sflag:s7] =	ssyncadd.s32 $0xFFFFD800  }
0x148: {  	_ =	swait.ge [sflag:s14], $0x2800  }
0x149: {  	[sflag:s14] =	ssyncset.done $0x0  }
0x14a: {  	[sflag:s14] =	ssyncadd.s32 $0xFFFFD800  }
0x14b: {  	_ =	swait.ge [sflag:s17], $0x2800  }
0x14c: {  	[sflag:s17] =	ssyncset.done $0x0  }
0x14d: {  	[sflag:s17] =	ssyncadd.s32 $0xFFFFD800  }
0x14e: {  	_ =	swait.ge [sflag:s10], $0x7D0  }
0x14f: {  	[sflag:s10] =	ssyncset.done $0x0  }
0x150: {  	[sflag:s10] =	ssyncadd.s32 $0xFFFFF830  }
0x151: {  	s24 =	sadd.s32 s24, s13;
	_ =	swait.ge [sflag:s10], $0x7D0  }
0x152: {  	s4 =	sshrl.u32 s24, $0x3;
	[sflag:s10] =	ssyncset.done $0x0  }
0x153: {  	s24 =	simm.s32 $0x0;
	s12 =	sadd.s32 s5, s4;
	[sflag:s10] =	ssyncadd.s32 $0xFFFFF830  }
0x154: {  	[tilespmem:s18], [sflag:$0x7] =	stream.linear.gather [hbm4b:s12+s24], $0x7D0, $0x38;
	[tilespmem:$0x1FE00] =	vst v63  }
0x155: {  	s30 =	simm.s32 $0x14080;
	s4 =	sadd.s32 s6, s4  }
0x156: {  	[tilespmem:s30], [sflag:$0x7] =	stream.linear.gather [hbm4b:s4+s24], $0x7D0, $0x38;
	[tilespmem:$0x1FE00] =	vst v63  }
0x157: {  	v2 =	vld [tilespmem:$0x15080]  }
0x158: {  	v3 =	vld [tilespmem:$0x15090]  }
0x159: {  	v55 =	vld [tilespmem:$0x150A0]  }
0x15a: {  	v56 =	vld [tilespmem:$0x150B0]  }
0x15b: {  	v57 =	vld [tilespmem:$0x150C0]  }
0x15c: {  	[tilespmem:$0x15880] =	vst v2  }
0x15d: {  	[tilespmem:$0x15890] =	vst v3  }
0x15e: {  	[tilespmem:$0x158A0] =	vst v55  }
0x15f: {  	[tilespmem:$0x158B0] =	vst v56  }
0x160: {  	[tilespmem:$0x158C0] =	vst v57  }
0x161: {  	[tilespmem:s26], [sflag:$0x1] =	stream.indirect.gather [hbm4b:s1+s25], $0x80, s23, s25, $0xb8;
	[tilespmem:$0x1FE00] =	vst v63  }
0x162: {  	v2 =	vld [tilespmem:$0x150D0]  }
0x163: {  	v3 =	vld [tilespmem:$0x150E0]  }
0x164: {  	v58 =	vld [tilespmem:$0x150F0]  }
0x165: {  	v59 =	vld [tilespmem:$0x15100]  }
0x166: {  	v60 =	vld [tilespmem:$0x15110]  }
0x167: {  	[tilespmem:$0x15900] =	vst v2  }
0x168: {  	[tilespmem:$0x15910] =	vst v3  }
0x169: {  	[tilespmem:$0x15920] =	vst v58  }
0x16a: {  	[tilespmem:$0x15930] =	vst v59  }
0x16b: {  	s12 =	simm.s32 $0x148D0;
	[tilespmem:$0x15940] =	vst v60  }
0x16c: {  	[tilespmem:s29], [sflag:$0x2] =	stream.indirect.gather [hbm4b:s1+s25], $0x80, s12, s25, $0xb8;
	[tilespmem:$0x1FE00] =	vst v63  }
0x16d: {  	v2 =	vld [tilespmem:$0x15120]  }
0x16e: {  	v3 =	vld [tilespmem:$0x15130]  }
0x16f: {  	v61 =	vld [tilespmem:$0x15140]  }
0x170: {  	v62 =	vld [tilespmem:$0x15150]  }
0x171: {  	v63 =	vld [tilespmem:$0x15160]  }
0x172: {  	[tilespmem:$0x15980] =	vst v2  }
0x173: {  	[tilespmem:$0x15990] =	vst v3  }
0x174: {  	[tilespmem:$0x159A0] =	vst v61  }
0x175: {  	[tilespmem:$0x159B0] =	vst v62  }
0x176: {  	s30 =	simm.s32 $0x14920;
	[tilespmem:$0x159C0] =	vst v63  }
0x177: {  	[tilespmem:s31], [sflag:$0x3] =	stream.indirect.gather [hbm4b:s1+s25], $0x80, s30, s25, $0xb8;
	[tilespmem:$0x1FE00] =	vst v63  }
0x178: {  	v2 =	vld [tilespmem:$0x15880];
	_ =	sdelay $0x7  }
0x179: {  	[tilespmem:v2+s0+$0x0] =	vst.idx.add.f32.msk $0xffff, v1  }
0x17a: {  	v2 =	vld [tilespmem:$0x15890];
	_ =	sdelay $0x7  }
0x17b: {  	[tilespmem:v2+s0+$0x0] =	vst.idx.add.f32.msk $0xffff, v1  }
0x17c: {  	v2 =	vld [tilespmem:$0x158A0];
	_ =	sdelay $0x7  }
0x17d: {  	[tilespmem:v2+s0+$0x0] =	vst.idx.add.f32.msk $0xffff, v1  }
0x17e: {  	v2 =	vld [tilespmem:$0x158B0];
	_ =	sdelay $0x7  }
0x17f: {  	[tilespmem:v2+s0+$0x0] =	vst.idx.add.f32.msk $0xffff, v1  }
0x180: {  	v2 =	vld [tilespmem:$0x158C0];
	_ =	sdelay $0x7  }
0x181: {  	[tilespmem:v2+s0+$0x0] =	vst.idx.add.f32.msk $0xffff, v1  }
0x182: {  	_ =	swait.ge [sflag:s21], $0x2800  }
0x183: {  	[sflag:s21] =	ssyncset.done $0x0  }
0x184: {  	s28 =	simm.s32 $0x14970;
	s4 =	simm.s32 $0x15250;
	[sflag:s21] =	ssyncadd.s32 $0xFFFFD800  }
0x185: {  	[spmem:s2] =	stream.indirect.scatter.add.f32 [tilespmem:s26], [sflag:$0x4], $0x80, s3, s25, $0xb8;
	[tilespmem:$0x1FE00] =	vst v63  }
.LBB2_11:
0x186: {  	_ =	swait.ge [sflag:s7], $0x2800  }
0x187: {  	[sflag:s7] =	ssyncset.done $0x0  }
0x188: {  	[sflag:s7] =	ssyncadd.s32 $0xFFFFD800  }
0x189: {  	v2 =	vld [tilespmem:s4+$0xFFFFFF20];
	_ =	sdelay $0x4  }
0x18a: {  	s12 =	sand.u32 $0x7F0, s24;
	[tilespmem:$0x15880] =	vst v2  }
0x18b: {  	v2 =	vld [tilespmem:s12+$0x15180];
	_ =	sdelay $0x4  }
0x18c: {  	[tilespmem:$0x15890] =	vst v2  }
0x18d: {  	v2 =	vld [tilespmem:s4+$0xFFFFFF40];
	_ =	sdelay $0x4  }
0x18e: {  	[tilespmem:$0x158A0] =	vst v2  }
0x18f: {  	v2 =	vld [tilespmem:s4+$0xFFFFFF50];
	_ =	sdelay $0x4  }
0x190: {  	[tilespmem:$0x158B0] =	vst v2  }
0x191: {  	v2 =	vld [tilespmem:s4+$0xFFFFFF60];
	_ =	sdelay $0x4  }
0x192: {  	[tilespmem:$0x158C0] =	vst v2  }
0x193: {  	[tilespmem:s26], [sflag:$0x1] =	stream.indirect.gather [hbm4b:s1+s25], $0x80, s28, s25, $0xb8;
	[tilespmem:$0x1FE00] =	vst v63  }
0x194: {  	v2 =	vld [tilespmem:$0x15900];
	_ =	sdelay $0x7  }
0x195: {  	[tilespmem:v2+s0+$0x0] =	vst.idx.add.f32.msk $0xffff, v1  }
0x196: {  	v2 =	vld [tilespmem:$0x15910];
	_ =	sdelay $0x7  }
0x197: {  	[tilespmem:v2+s0+$0x0] =	vst.idx.add.f32.msk $0xffff, v1  }
0x198: {  	v2 =	vld [tilespmem:$0x15920];
	_ =	sdelay $0x7  }
0x199: {  	[tilespmem:v2+s0+$0x0] =	vst.idx.add.f32.msk $0xffff, v1  }
0x19a: {  	v2 =	vld [tilespmem:$0x15930];
	_ =	sdelay $0x7  }
0x19b: {  	[tilespmem:v2+s0+$0x0] =	vst.idx.add.f32.msk $0xffff, v1  }
0x19c: {  	v2 =	vld [tilespmem:$0x15940];
	_ =	sdelay $0x7  }
0x19d: {  	[tilespmem:v2+s0+$0x0] =	vst.idx.add.f32.msk $0xffff, v1  }
0x19e: {  	_ =	swait.ge [sflag:s8], $0x2800  }
0x19f: {  	[sflag:s8] =	ssyncset.done $0x0  }
0x1a0: {  	[sflag:s8] =	ssyncadd.s32 $0xFFFFD800  }
0x1a1: {  	[spmem:s2] =	stream.indirect.scatter.add.f32 [tilespmem:s29], [sflag:$0x5], $0x80, s11, s25, $0xb8;
	[tilespmem:$0x1FE00] =	vst v63  }
0x1a2: {  	_ =	swait.ge [sflag:s14], $0x2800  }
0x1a3: {  	[sflag:s14] =	ssyncset.done $0x0  }
0x1a4: {  	[sflag:s14] =	ssyncadd.s32 $0xFFFFD800  }
0x1a5: {  	v2 =	vld [tilespmem:s4+$0xFFFFFF70];
	_ =	sdelay $0x4  }
0x1a6: {  	[tilespmem:$0x15900] =	vst v2  }
0x1a7: {  	v2 =	vld [tilespmem:s4+$0xFFFFFF80];
	_ =	sdelay $0x4  }
0x1a8: {  	[tilespmem:$0x15910] =	vst v2  }
0x1a9: {  	v2 =	vld [tilespmem:s4+$0xFFFFFF90];
	_ =	sdelay $0x4  }
0x1aa: {  	[tilespmem:$0x15920] =	vst v2  }
0x1ab: {  	v2 =	vld [tilespmem:s4+$0xFFFFFFA0];
	_ =	sdelay $0x4  }
0x1ac: {  	[tilespmem:$0x15930] =	vst v2  }
0x1ad: {  	v2 =	vld [tilespmem:s12+$0x15200];
	_ =	sdelay $0x4  }
0x1ae: {  	s30 =	sadd.s32 $0x50, s28;
	[tilespmem:$0x15940] =	vst v2  }
0x1af: {  	[tilespmem:s29], [sflag:$0x2] =	stream.indirect.gather [hbm4b:s1+s25], $0x80, s30, s25, $0xb8;
	[tilespmem:$0x1FE00] =	vst v63  }
0x1b0: {  	v2 =	vld [tilespmem:$0x15980];
	_ =	sdelay $0x7  }
0x1b1: {  	[tilespmem:v2+s0+$0x0] =	vst.idx.add.f32.msk $0xffff, v1  }
0x1b2: {  	v2 =	vld [tilespmem:$0x15990];
	_ =	sdelay $0x7  }
0x1b3: {  	[tilespmem:v2+s0+$0x0] =	vst.idx.add.f32.msk $0xffff, v1  }
0x1b4: {  	v2 =	vld [tilespmem:$0x159A0];
	_ =	sdelay $0x7  }
0x1b5: {  	[tilespmem:v2+s0+$0x0] =	vst.idx.add.f32.msk $0xffff, v1  }
0x1b6: {  	v2 =	vld [tilespmem:$0x159B0];
	_ =	sdelay $0x7  }
0x1b7: {  	[tilespmem:v2+s0+$0x0] =	vst.idx.add.f32.msk $0xffff, v1  }
0x1b8: {  	v2 =	vld [tilespmem:$0x159C0];
	_ =	sdelay $0x7  }
0x1b9: {  	[tilespmem:v2+s0+$0x0] =	vst.idx.add.f32.msk $0xffff, v1  }
0x1ba: {  	_ =	swait.ge [sflag:s15], $0x2800  }
0x1bb: {  	[sflag:s15] =	ssyncset.done $0x0  }
0x1bc: {  	[sflag:s15] =	ssyncadd.s32 $0xFFFFD800  }
0x1bd: {  	[spmem:s2] =	stream.indirect.scatter.add.f32 [tilespmem:s31], [sflag:$0x6], $0x80, s16, s25, $0xb8;
	[tilespmem:$0x1FE00] =	vst v63  }
0x1be: {  	_ =	swait.ge [sflag:s17], $0x2800  }
0x1bf: {  	[sflag:s17] =	ssyncset.done $0x0  }
0x1c0: {  	[sflag:s17] =	ssyncadd.s32 $0xFFFFD800  }
0x1c1: {  	v2 =	vld [tilespmem:s4+$0xFFFFFFC0];
	_ =	sdelay $0x4  }
0x1c2: {  	[tilespmem:$0x15980] =	vst v2  }
0x1c3: {  	v2 =	vld [tilespmem:s4+$0xFFFFFFD0];
	_ =	sdelay $0x4  }
0x1c4: {  	[tilespmem:$0x15990] =	vst v2  }
0x1c5: {  	v2 =	vld [tilespmem:s4+$0xFFFFFFE0];
	_ =	sdelay $0x4  }
0x1c6: {  	[tilespmem:$0x159A0] =	vst v2  }
0x1c7: {  	v2 =	vld [tilespmem:s4+$0xFFFFFFF0];
	_ =	sdelay $0x4  }
0x1c8: {  	[tilespmem:$0x159B0] =	vst v2  }
0x1c9: {  	v2 =	vld [tilespmem:s4+$0x0];
	_ =	sdelay $0x4  }
0x1ca: {  	s30 =	sadd.s32 $0xA0, s28;
	[tilespmem:$0x159C0] =	vst v2  }
0x1cb: {  	[tilespmem:s31], [sflag:$0x3] =	stream.indirect.gather [hbm4b:s1+s25], $0x80, s30, s25, $0xb8;
	[tilespmem:$0x1FE00] =	vst v63  }
0x1cc: {  	v2 =	vld [tilespmem:$0x15880];
	_ =	sdelay $0x7  }
0x1cd: {  	[tilespmem:v2+s0+$0x0] =	vst.idx.add.f32.msk $0xffff, v1  }
0x1ce: {  	v2 =	vld [tilespmem:$0x15890];
	_ =	sdelay $0x7  }
0x1cf: {  	[tilespmem:v2+s0+$0x0] =	vst.idx.add.f32.msk $0xffff, v1  }
0x1d0: {  	v2 =	vld [tilespmem:$0x158A0];
	_ =	sdelay $0x7  }
0x1d1: {  	[tilespmem:v2+s0+$0x0] =	vst.idx.add.f32.msk $0xffff, v1  }
0x1d2: {  	v2 =	vld [tilespmem:$0x158B0];
	_ =	sdelay $0x7  }
0x1d3: {  	[tilespmem:v2+s0+$0x0] =	vst.idx.add.f32.msk $0xffff, v1  }
0x1d4: {  	v2 =	vld [tilespmem:$0x158C0];
	_ =	sdelay $0x6  }
0x1d5: {  	p2 =	sne.s32 s24, $0x5A0  }
.Ltmp4:
0x1d6: {  	[tilespmem:v2+s0+$0x0] =	vst.idx.add.f32.msk $0xffff, v1;
	(pc) =	sbr.rel @p2 .LBB2_11-.Ltmp4, $4  }
0x1d7: {  	_ =	swait.ge [sflag:s21], $0x2800  }
0x1d8: {  	s24 =	sadd.s32 $0xF0, s24;
	[sflag:s21] =	ssyncset.done $0x0  }
0x1d9: {  	s28 =	sadd.s32 $0xF0, s28;
	s4 =	sadd.s32 $0xF0, s4;
	[sflag:s21] =	ssyncadd.s32 $0xFFFFD800  }
0x1da: {  	[spmem:s2] =	stream.indirect.scatter.add.f32 [tilespmem:s26], [sflag:$0x4], $0x80, s3, s25, $0xb8;
	[tilespmem:$0x1FE00] =	vst v63  }
0x1db: {  	_ =	swait.ge [sflag:s7], $0x2800  }
0x1dc: {  	[sflag:s7] =	ssyncset.done $0x0  }
0x1dd: {  	[sflag:s7] =	ssyncadd.s32 $0xFFFFD800  }
0x1de: {  	v2 =	vld [tilespmem:$0x15800]  }
0x1df: {  	v3 =	vld [tilespmem:$0x15810]  }
0x1e0: {  	v4 =	vld [tilespmem:$0x15820]  }
0x1e1: {  	v5 =	vld [tilespmem:$0x15830]  }
0x1e2: {  	v6 =	vld [tilespmem:$0x15840]  }
0x1e3: {  	[tilespmem:$0x15880] =	vst v2  }
0x1e4: {  	[tilespmem:$0x15890] =	vst v3  }
0x1e5: {  	[tilespmem:$0x158A0] =	vst v4  }
0x1e6: {  	[tilespmem:$0x158B0] =	vst v5  }
0x1e7: {  	s4 =	simm.s32 $0x15000;
	[tilespmem:$0x158C0] =	vst v6  }
0x1e8: {  	[tilespmem:s26], [sflag:$0x1] =	stream.indirect.gather [hbm4b:s1+s25], $0x80, s4, s25, $0xb8;
	[tilespmem:$0x1FE00] =	vst v63  }
0x1e9: {  	v2 =	vld [tilespmem:$0x15900];
	_ =	sdelay $0x7  }
0x1ea: {  	[tilespmem:v2+s0+$0x0] =	vst.idx.add.f32.msk $0xffff, v1  }
0x1eb: {  	v2 =	vld [tilespmem:$0x15910];
	_ =	sdelay $0x7  }
0x1ec: {  	[tilespmem:v2+s0+$0x0] =	vst.idx.add.f32.msk $0xffff, v1  }
0x1ed: {  	v2 =	vld [tilespmem:$0x15920];
	_ =	sdelay $0x7  }
0x1ee: {  	[tilespmem:v2+s0+$0x0] =	vst.idx.add.f32.msk $0xffff, v1  }
0x1ef: {  	v2 =	vld [tilespmem:$0x15930];
	_ =	sdelay $0x7  }
0x1f0: {  	[tilespmem:v2+s0+$0x0] =	vst.idx.add.f32.msk $0xffff, v1  }
0x1f1: {  	v2 =	vld [tilespmem:$0x15940];
	_ =	sdelay $0x7  }
0x1f2: {  	[tilespmem:v2+s0+$0x0] =	vst.idx.add.f32.msk $0xffff, v1  }
0x1f3: {  	_ =	swait.ge [sflag:s8], $0x2800  }
0x1f4: {  	[sflag:s8] =	ssyncset.done $0x0  }
0x1f5: {  	[sflag:s8] =	ssyncadd.s32 $0xFFFFD800  }
0x1f6: {  	[spmem:s2] =	stream.indirect.scatter.add.f32 [tilespmem:s29], [sflag:$0x5], $0x80, s11, s25, $0xb8;
	[tilespmem:$0x1FE00] =	vst v63  }
0x1f7: {  	v2 =	vld [tilespmem:$0x15980];
	_ =	sdelay $0x7  }
0x1f8: {  	[tilespmem:v2+s0+$0x0] =	vst.idx.add.f32.msk $0xffff, v1  }
0x1f9: {  	v2 =	vld [tilespmem:$0x15990];
	_ =	sdelay $0x7  }
0x1fa: {  	[tilespmem:v2+s0+$0x0] =	vst.idx.add.f32.msk $0xffff, v1  }
0x1fb: {  	v2 =	vld [tilespmem:$0x159A0];
	_ =	sdelay $0x7  }
0x1fc: {  	[tilespmem:v2+s0+$0x0] =	vst.idx.add.f32.msk $0xffff, v1  }
0x1fd: {  	v2 =	vld [tilespmem:$0x159B0];
	_ =	sdelay $0x7  }
0x1fe: {  	[tilespmem:v2+s0+$0x0] =	vst.idx.add.f32.msk $0xffff, v1  }
0x1ff: {  	v2 =	vld [tilespmem:$0x159C0];
	_ =	sdelay $0x7  }
0x200: {  	[tilespmem:v2+s0+$0x0] =	vst.idx.add.f32.msk $0xffff, v1  }
0x201: {  	_ =	swait.ge [sflag:s15], $0x2800  }
0x202: {  	[sflag:s15] =	ssyncset.done $0x0  }
0x203: {  	[sflag:s15] =	ssyncadd.s32 $0xFFFFD800  }
0x204: {  	[spmem:s2] =	stream.indirect.scatter.add.f32 [tilespmem:s31], [sflag:$0x6], $0x80, s16, s25, $0xb8;
	[tilespmem:$0x1FE00] =	vst v63  }
0x205: {  	v2 =	vld [tilespmem:$0x15880];
	_ =	sdelay $0x7  }
0x206: {  	[tilespmem:v2+s0+$0x0] =	vst.idx.add.f32.msk $0xffff, v1  }
0x207: {  	v2 =	vld [tilespmem:$0x15890];
	_ =	sdelay $0x7  }
0x208: {  	[tilespmem:v2+s0+$0x0] =	vst.idx.add.f32.msk $0xffff, v1  }
0x209: {  	v2 =	vld [tilespmem:$0x158A0];
	_ =	sdelay $0x7  }
0x20a: {  	[tilespmem:v2+s0+$0x0] =	vst.idx.add.f32.msk $0xffff, v1  }
0x20b: {  	v2 =	vld [tilespmem:$0x158B0];
	_ =	sdelay $0x7  }
0x20c: {  	[tilespmem:v2+s0+$0x0] =	vst.idx.add.f32.msk $0xffff, v1  }
0x20d: {  	v2 =	vld [tilespmem:$0x158C0];
	_ =	sdelay $0x7  }
0x20e: {  	[tilespmem:v2+s0+$0x0] =	vst.idx.add.f32.msk $0xffff, v1  }
0x20f: {  	_ =	swait.ge [sflag:s21], $0x2800  }
0x210: {  	[sflag:s21] =	ssyncset.done $0x0  }
0x211: {  	[sflag:s21] =	ssyncadd.s32 $0xFFFFD800  }
0x212: {  	[spmem:s2] =	stream.indirect.scatter.add.f32 [tilespmem:s26], [sflag:$0x4], $0x80, s3, s25, $0xb8;
	[tilespmem:$0x1FE00] =	vst v63  }
0x213: {  	_ =	swait.ge [sflag:s7], $0x2800  }
0x214: {  	[sflag:s7] =	ssyncset.done $0x0  }
0x215: {  	[sflag:s7] =	ssyncadd.s32 $0xFFFFD800  }
0x216: {  	_ =	swait.ge [sflag:s14], $0x2800  }
.Ltmp5:
0x217: {  	[sflag:s14] =	ssyncset.done $0x0;
	(pc) =	sbr.rel @p1 .LBB2_8-.Ltmp5, $4  }
0x218: {  	[sflag:s14] =	ssyncadd.s32 $0xFFFFD800  }
0x219: {  	_ =	swait.ge [sflag:s17], $0x2800  }
0x21a: {  	[sflag:s17] =	ssyncset.done $0x0  }
0x21b: {  	s24 =	simm.s32 $0xFA0;
	p2 =	por $0x0, $0x0;
	[sflag:s17] =	ssyncadd.s32 $0xFFFFD800  }
0x21c: {  	_ =	swait.ge [sflag:s22], $0x7D0  }
0x21d: {  	[sflag:s22] =	ssyncset.done $0x0  }
0x21e: {  	[sflag:s22] =	ssyncadd.s32 $0xFFFFF830  }
0x21f: {  	_ =	swait.ge [sflag:s22], $0x7D0  }
0x220: {  	[sflag:s22] =	ssyncset.done $0x0  }
0x221: {  	[sflag:s22] =	ssyncadd.s32 $0xFFFFF830  }
0x222: {  	v2 =	vld [tilespmem:$0x14080]  }
0x223: {  	v3 =	vld [tilespmem:$0x14090]  }
0x224: {  	v4 =	vld [tilespmem:$0x140A0]  }
0x225: {  	v5 =	vld [tilespmem:$0x140B0]  }
0x226: {  	v6 =	vld [tilespmem:$0x140C0]  }
0x227: {  	[tilespmem:$0x15880] =	vst v2  }
0x228: {  	[tilespmem:$0x15890] =	vst v3  }
0x229: {  	[tilespmem:$0x158A0] =	vst v4  }
0x22a: {  	[tilespmem:$0x158B0] =	vst v5  }
0x22b: {  	[tilespmem:$0x158C0] =	vst v6  }
0x22c: {  	[tilespmem:s26], [sflag:$0x1] =	stream.indirect.gather [hbm4b:s1+s25], $0x80, s18, s25, $0xb8;
	[tilespmem:$0x1FE00] =	vst v63  }
0x22d: {  	v2 =	vld [tilespmem:$0x140D0]  }
0x22e: {  	v3 =	vld [tilespmem:$0x140E0]  }
0x22f: {  	v58 =	vld [tilespmem:$0x140F0]  }
0x230: {  	v59 =	vld [tilespmem:$0x14100]  }
0x231: {  	v60 =	vld [tilespmem:$0x14110]  }
0x232: {  	[tilespmem:$0x15900] =	vst v2  }
0x233: {  	[tilespmem:$0x15910] =	vst v3  }
0x234: {  	[tilespmem:$0x15920] =	vst v58  }
0x235: {  	[tilespmem:$0x15930] =	vst v59  }
0x236: {  	s4 =	simm.s32 $0x138D0;
	[tilespmem:$0x15940] =	vst v60  }
0x237: {  	[tilespmem:s29], [sflag:$0x2] =	stream.indirect.gather [hbm4b:s1+s25], $0x80, s4, s25, $0xb8;
	[tilespmem:$0x1FE00] =	vst v63  }
0x238: {  	v2 =	vld [tilespmem:$0x14120]  }
0x239: {  	v3 =	vld [tilespmem:$0x14130]  }
0x23a: {  	v61 =	vld [tilespmem:$0x14140]  }
0x23b: {  	v62 =	vld [tilespmem:$0x14150]  }
0x23c: {  	v63 =	vld [tilespmem:$0x14160]  }
0x23d: {  	[tilespmem:$0x15980] =	vst v2  }
0x23e: {  	[tilespmem:$0x15990] =	vst v3  }
0x23f: {  	[tilespmem:$0x159A0] =	vst v61  }
0x240: {  	[tilespmem:$0x159B0] =	vst v62  }
0x241: {  	s30 =	simm.s32 $0x13920;
	[tilespmem:$0x159C0] =	vst v63  }
0x242: {  	[tilespmem:s31], [sflag:$0x3] =	stream.indirect.gather [hbm4b:s1+s25], $0x80, s30, s25, $0xb8;
	[tilespmem:$0x1FE00] =	vst v63  }
0x243: {  	v2 =	vld [tilespmem:$0x15880];
	_ =	sdelay $0x7  }
0x244: {  	[tilespmem:v2+s0+$0x0] =	vst.idx.add.f32.msk $0xffff, v1  }
0x245: {  	v2 =	vld [tilespmem:$0x15890];
	_ =	sdelay $0x7  }
0x246: {  	[tilespmem:v2+s0+$0x0] =	vst.idx.add.f32.msk $0xffff, v1  }
0x247: {  	v2 =	vld [tilespmem:$0x158A0];
	_ =	sdelay $0x7  }
0x248: {  	[tilespmem:v2+s0+$0x0] =	vst.idx.add.f32.msk $0xffff, v1  }
0x249: {  	v2 =	vld [tilespmem:$0x158B0];
	_ =	sdelay $0x7  }
0x24a: {  	[tilespmem:v2+s0+$0x0] =	vst.idx.add.f32.msk $0xffff, v1  }
0x24b: {  	v2 =	vld [tilespmem:$0x158C0];
	_ =	sdelay $0x7  }
0x24c: {  	[tilespmem:v2+s0+$0x0] =	vst.idx.add.f32.msk $0xffff, v1  }
0x24d: {  	_ =	swait.ge [sflag:s21], $0x2800  }
0x24e: {  	s19 =	simm.s32 $0x0;
	[sflag:s21] =	ssyncset.done $0x0  }
0x24f: {  	s24 =	simm.s32 $0x13970;
	s4 =	simm.s32 $0x14250;
	[sflag:s21] =	ssyncadd.s32 $0xFFFFD800  }
0x250: {  	[spmem:s2] =	stream.indirect.scatter.add.f32 [tilespmem:s26], [sflag:$0x4], $0x80, s3, s25, $0xb8;
	[tilespmem:$0x1FE00] =	vst v63  }
.LBB2_14:
0x251: {  	_ =	swait.ge [sflag:s7], $0x2800  }
0x252: {  	[sflag:s7] =	ssyncset.done $0x0  }
0x253: {  	[sflag:s7] =	ssyncadd.s32 $0xFFFFD800  }
0x254: {  	v2 =	vld [tilespmem:s4+$0xFFFFFF20];
	_ =	sdelay $0x4  }
0x255: {  	s12 =	sand.u32 $0x7F0, s19;
	[tilespmem:$0x15880] =	vst v2  }
0x256: {  	v2 =	vld [tilespmem:s12+$0x14180];
	_ =	sdelay $0x4  }
0x257: {  	[tilespmem:$0x15890] =	vst v2  }
0x258: {  	v2 =	vld [tilespmem:s4+$0xFFFFFF40];
	_ =	sdelay $0x4  }
0x259: {  	[tilespmem:$0x158A0] =	vst v2  }
0x25a: {  	v2 =	vld [tilespmem:s4+$0xFFFFFF50];
	_ =	sdelay $0x4  }
0x25b: {  	[tilespmem:$0x158B0] =	vst v2  }
0x25c: {  	v2 =	vld [tilespmem:s4+$0xFFFFFF60];
	_ =	sdelay $0x4  }
0x25d: {  	[tilespmem:$0x158C0] =	vst v2  }
0x25e: {  	[tilespmem:s26], [sflag:$0x1] =	stream.indirect.gather [hbm4b:s1+s25], $0x80, s24, s25, $0xb8;
	[tilespmem:$0x1FE00] =	vst v63  }
0x25f: {  	v2 =	vld [tilespmem:$0x15900];
	_ =	sdelay $0x7  }
0x260: {  	[tilespmem:v2+s0+$0x0] =	vst.idx.add.f32.msk $0xffff, v1  }
0x261: {  	v2 =	vld [tilespmem:$0x15910];
	_ =	sdelay $0x7  }
0x262: {  	[tilespmem:v2+s0+$0x0] =	vst.idx.add.f32.msk $0xffff, v1  }
0x263: {  	v2 =	vld [tilespmem:$0x15920];
	_ =	sdelay $0x7  }
0x264: {  	[tilespmem:v2+s0+$0x0] =	vst.idx.add.f32.msk $0xffff, v1  }
0x265: {  	v2 =	vld [tilespmem:$0x15930];
	_ =	sdelay $0x7  }
0x266: {  	[tilespmem:v2+s0+$0x0] =	vst.idx.add.f32.msk $0xffff, v1  }
0x267: {  	v2 =	vld [tilespmem:$0x15940];
	_ =	sdelay $0x7  }
0x268: {  	[tilespmem:v2+s0+$0x0] =	vst.idx.add.f32.msk $0xffff, v1  }
0x269: {  	_ =	swait.ge [sflag:s8], $0x2800  }
0x26a: {  	[sflag:s8] =	ssyncset.done $0x0  }
0x26b: {  	[sflag:s8] =	ssyncadd.s32 $0xFFFFD800  }
0x26c: {  	[spmem:s2] =	stream.indirect.scatter.add.f32 [tilespmem:s29], [sflag:$0x5], $0x80, s11, s25, $0xb8;
	[tilespmem:$0x1FE00] =	vst v63  }
0x26d: {  	_ =	swait.ge [sflag:s14], $0x2800  }
0x26e: {  	[sflag:s14] =	ssyncset.done $0x0  }
0x26f: {  	[sflag:s14] =	ssyncadd.s32 $0xFFFFD800  }
0x270: {  	v2 =	vld [tilespmem:s4+$0xFFFFFF70];
	_ =	sdelay $0x4  }
0x271: {  	[tilespmem:$0x15900] =	vst v2  }
0x272: {  	v2 =	vld [tilespmem:s4+$0xFFFFFF80];
	_ =	sdelay $0x4  }
0x273: {  	[tilespmem:$0x15910] =	vst v2  }
0x274: {  	v2 =	vld [tilespmem:s4+$0xFFFFFF90];
	_ =	sdelay $0x4  }
0x275: {  	[tilespmem:$0x15920] =	vst v2  }
0x276: {  	v2 =	vld [tilespmem:s4+$0xFFFFFFA0];
	_ =	sdelay $0x4  }
0x277: {  	[tilespmem:$0x15930] =	vst v2  }
0x278: {  	v2 =	vld [tilespmem:s12+$0x14200];
	_ =	sdelay $0x4  }
0x279: {  	s28 =	sadd.s32 $0x50, s24;
	[tilespmem:$0x15940] =	vst v2  }
0x27a: {  	[tilespmem:s29], [sflag:$0x2] =	stream.indirect.gather [hbm4b:s1+s25], $0x80, s28, s25, $0xb8;
	[tilespmem:$0x1FE00] =	vst v63  }
0x27b: {  	v2 =	vld [tilespmem:$0x15980];
	_ =	sdelay $0x7  }
0x27c: {  	[tilespmem:v2+s0+$0x0] =	vst.idx.add.f32.msk $0xffff, v1  }
0x27d: {  	v2 =	vld [tilespmem:$0x15990];
	_ =	sdelay $0x7  }
0x27e: {  	[tilespmem:v2+s0+$0x0] =	vst.idx.add.f32.msk $0xffff, v1  }
0x27f: {  	v2 =	vld [tilespmem:$0x159A0];
	_ =	sdelay $0x7  }
0x280: {  	[tilespmem:v2+s0+$0x0] =	vst.idx.add.f32.msk $0xffff, v1  }
0x281: {  	v2 =	vld [tilespmem:$0x159B0];
	_ =	sdelay $0x7  }
0x282: {  	[tilespmem:v2+s0+$0x0] =	vst.idx.add.f32.msk $0xffff, v1  }
0x283: {  	v2 =	vld [tilespmem:$0x159C0];
	_ =	sdelay $0x7  }
0x284: {  	[tilespmem:v2+s0+$0x0] =	vst.idx.add.f32.msk $0xffff, v1  }
0x285: {  	_ =	swait.ge [sflag:s15], $0x2800  }
0x286: {  	[sflag:s15] =	ssyncset.done $0x0  }
0x287: {  	[sflag:s15] =	ssyncadd.s32 $0xFFFFD800  }
0x288: {  	[spmem:s2] =	stream.indirect.scatter.add.f32 [tilespmem:s31], [sflag:$0x6], $0x80, s16, s25, $0xb8;
	[tilespmem:$0x1FE00] =	vst v63  }
0x289: {  	_ =	swait.ge [sflag:s17], $0x2800  }
0x28a: {  	[sflag:s17] =	ssyncset.done $0x0  }
0x28b: {  	[sflag:s17] =	ssyncadd.s32 $0xFFFFD800  }
0x28c: {  	v2 =	vld [tilespmem:s4+$0xFFFFFFC0];
	_ =	sdelay $0x4  }
0x28d: {  	[tilespmem:$0x15980] =	vst v2  }
0x28e: {  	v2 =	vld [tilespmem:s4+$0xFFFFFFD0];
	_ =	sdelay $0x4  }
0x28f: {  	[tilespmem:$0x15990] =	vst v2  }
0x290: {  	v2 =	vld [tilespmem:s4+$0xFFFFFFE0];
	_ =	sdelay $0x4  }
0x291: {  	[tilespmem:$0x159A0] =	vst v2  }
0x292: {  	v2 =	vld [tilespmem:s4+$0xFFFFFFF0];
	_ =	sdelay $0x4  }
0x293: {  	[tilespmem:$0x159B0] =	vst v2  }
0x294: {  	v2 =	vld [tilespmem:s4+$0x0];
	_ =	sdelay $0x4  }
0x295: {  	s30 =	sadd.s32 $0xA0, s24;
	[tilespmem:$0x159C0] =	vst v2  }
0x296: {  	[tilespmem:s31], [sflag:$0x3] =	stream.indirect.gather [hbm4b:s1+s25], $0x80, s30, s25, $0xb8;
	[tilespmem:$0x1FE00] =	vst v63  }
0x297: {  	v2 =	vld [tilespmem:$0x15880];
	_ =	sdelay $0x7  }
0x298: {  	[tilespmem:v2+s0+$0x0] =	vst.idx.add.f32.msk $0xffff, v1  }
0x299: {  	v2 =	vld [tilespmem:$0x15890];
	_ =	sdelay $0x7  }
0x29a: {  	[tilespmem:v2+s0+$0x0] =	vst.idx.add.f32.msk $0xffff, v1  }
0x29b: {  	v2 =	vld [tilespmem:$0x158A0];
	_ =	sdelay $0x7  }
0x29c: {  	[tilespmem:v2+s0+$0x0] =	vst.idx.add.f32.msk $0xffff, v1  }
0x29d: {  	v2 =	vld [tilespmem:$0x158B0];
	_ =	sdelay $0x7  }
0x29e: {  	[tilespmem:v2+s0+$0x0] =	vst.idx.add.f32.msk $0xffff, v1  }
0x29f: {  	v2 =	vld [tilespmem:$0x158C0];
	_ =	sdelay $0x6  }
0x2a0: {  	p1 =	sne.s32 s19, $0x5A0  }
.Ltmp6:
0x2a1: {  	[tilespmem:v2+s0+$0x0] =	vst.idx.add.f32.msk $0xffff, v1;
	(pc) =	sbr.rel @p1 .LBB2_14-.Ltmp6, $4  }
0x2a2: {  	_ =	swait.ge [sflag:s21], $0x2800  }
0x2a3: {  	s19 =	sadd.s32 $0xF0, s19;
	[sflag:s21] =	ssyncset.done $0x0  }
0x2a4: {  	s24 =	sadd.s32 $0xF0, s24;
	s4 =	sadd.s32 $0xF0, s4;
	[sflag:s21] =	ssyncadd.s32 $0xFFFFD800  }
0x2a5: {  	[spmem:s2] =	stream.indirect.scatter.add.f32 [tilespmem:s26], [sflag:$0x4], $0x80, s3, s25, $0xb8;
	[tilespmem:$0x1FE00] =	vst v63  }
0x2a6: {  	_ =	swait.ge [sflag:s7], $0x2800  }
0x2a7: {  	[sflag:s7] =	ssyncset.done $0x0  }
0x2a8: {  	[sflag:s7] =	ssyncadd.s32 $0xFFFFD800  }
0x2a9: {  	v2 =	vld [tilespmem:$0x14800]  }
0x2aa: {  	v3 =	vld [tilespmem:$0x14810]  }
0x2ab: {  	v4 =	vld [tilespmem:$0x14820]  }
0x2ac: {  	v5 =	vld [tilespmem:$0x14830]  }
0x2ad: {  	v6 =	vld [tilespmem:$0x14840]  }
0x2ae: {  	[tilespmem:$0x15880] =	vst v2  }
0x2af: {  	[tilespmem:$0x15890] =	vst v3  }
0x2b0: {  	[tilespmem:$0x158A0] =	vst v4  }
0x2b1: {  	[tilespmem:$0x158B0] =	vst v5  }
0x2b2: {  	s4 =	simm.s32 $0x14000;
	[tilespmem:$0x158C0] =	vst v6  }
0x2b3: {  	[tilespmem:s26], [sflag:$0x1] =	stream.indirect.gather [hbm4b:s1+s25], $0x80, s4, s25, $0xb8;
	[tilespmem:$0x1FE00] =	vst v63  }
0x2b4: {  	v2 =	vld [tilespmem:$0x15900];
	_ =	sdelay $0x7  }
0x2b5: {  	[tilespmem:v2+s0+$0x0] =	vst.idx.add.f32.msk $0xffff, v1  }
0x2b6: {  	v2 =	vld [tilespmem:$0x15910];
	_ =	sdelay $0x7  }
0x2b7: {  	[tilespmem:v2+s0+$0x0] =	vst.idx.add.f32.msk $0xffff, v1  }
0x2b8: {  	v2 =	vld [tilespmem:$0x15920];
	_ =	sdelay $0x7  }
0x2b9: {  	[tilespmem:v2+s0+$0x0] =	vst.idx.add.f32.msk $0xffff, v1  }
0x2ba: {  	v2 =	vld [tilespmem:$0x15930];
	_ =	sdelay $0x7  }
0x2bb: {  	[tilespmem:v2+s0+$0x0] =	vst.idx.add.f32.msk $0xffff, v1  }
0x2bc: {  	v2 =	vld [tilespmem:$0x15940];
	_ =	sdelay $0x7  }
0x2bd: {  	[tilespmem:v2+s0+$0x0] =	vst.idx.add.f32.msk $0xffff, v1  }
0x2be: {  	_ =	swait.ge [sflag:s8], $0x2800  }
0x2bf: {  	[sflag:s8] =	ssyncset.done $0x0  }
0x2c0: {  	[sflag:s8] =	ssyncadd.s32 $0xFFFFD800  }
0x2c1: {  	[spmem:s2] =	stream.indirect.scatter.add.f32 [tilespmem:s29], [sflag:$0x5], $0x80, s11, s25, $0xb8;
	[tilespmem:$0x1FE00] =	vst v63  }
0x2c2: {  	v2 =	vld [tilespmem:$0x15980];
	_ =	sdelay $0x7  }
0x2c3: {  	[tilespmem:v2+s0+$0x0] =	vst.idx.add.f32.msk $0xffff, v1  }
0x2c4: {  	v2 =	vld [tilespmem:$0x15990];
	_ =	sdelay $0x7  }
0x2c5: {  	[tilespmem:v2+s0+$0x0] =	vst.idx.add.f32.msk $0xffff, v1  }
0x2c6: {  	v2 =	vld [tilespmem:$0x159A0];
	_ =	sdelay $0x7  }
0x2c7: {  	[tilespmem:v2+s0+$0x0] =	vst.idx.add.f32.msk $0xffff, v1  }
0x2c8: {  	v2 =	vld [tilespmem:$0x159B0];
	_ =	sdelay $0x7  }
0x2c9: {  	[tilespmem:v2+s0+$0x0] =	vst.idx.add.f32.msk $0xffff, v1  }
0x2ca: {  	v2 =	vld [tilespmem:$0x159C0];
	_ =	sdelay $0x7  }
0x2cb: {  	[tilespmem:v2+s0+$0x0] =	vst.idx.add.f32.msk $0xffff, v1  }
0x2cc: {  	_ =	swait.ge [sflag:s15], $0x2800  }
0x2cd: {  	[sflag:s15] =	ssyncset.done $0x0  }
0x2ce: {  	[sflag:s15] =	ssyncadd.s32 $0xFFFFD800  }
0x2cf: {  	[spmem:s2] =	stream.indirect.scatter.add.f32 [tilespmem:s31], [sflag:$0x6], $0x80, s16, s25, $0xb8;
	[tilespmem:$0x1FE00] =	vst v63  }
0x2d0: {  	v2 =	vld [tilespmem:$0x15880];
	_ =	sdelay $0x7  }
0x2d1: {  	[tilespmem:v2+s0+$0x0] =	vst.idx.add.f32.msk $0xffff, v1  }
0x2d2: {  	v2 =	vld [tilespmem:$0x15890];
	_ =	sdelay $0x7  }
0x2d3: {  	[tilespmem:v2+s0+$0x0] =	vst.idx.add.f32.msk $0xffff, v1  }
0x2d4: {  	v2 =	vld [tilespmem:$0x158A0];
	_ =	sdelay $0x7  }
0x2d5: {  	[tilespmem:v2+s0+$0x0] =	vst.idx.add.f32.msk $0xffff, v1  }
0x2d6: {  	v2 =	vld [tilespmem:$0x158B0];
	_ =	sdelay $0x7  }
0x2d7: {  	[tilespmem:v2+s0+$0x0] =	vst.idx.add.f32.msk $0xffff, v1  }
0x2d8: {  	v2 =	vld [tilespmem:$0x158C0];
	_ =	sdelay $0x7  }
0x2d9: {  	[tilespmem:v2+s0+$0x0] =	vst.idx.add.f32.msk $0xffff, v1  }
0x2da: {  	_ =	swait.ge [sflag:s21], $0x2800  }
0x2db: {  	[sflag:s21] =	ssyncset.done $0x0  }
0x2dc: {  	[sflag:s21] =	ssyncadd.s32 $0xFFFFD800  }
0x2dd: {  	[spmem:s2] =	stream.indirect.scatter.add.f32 [tilespmem:s26], [sflag:$0x4], $0x80, s3, s25, $0xb8;
	[tilespmem:$0x1FE00] =	vst v63  }
0x2de: {  	_ =	swait.ge [sflag:s7], $0x2800  }
0x2df: {  	[sflag:s7] =	ssyncset.done $0x0  }
0x2e0: {  	[sflag:s7] =	ssyncadd.s32 $0xFFFFD800  }
0x2e1: {  	_ =	swait.ge [sflag:s14], $0x2800  }
0x2e2: {  	[sflag:s14] =	ssyncset.done $0x0  }
0x2e3: {  	[sflag:s14] =	ssyncadd.s32 $0xFFFFD800  }
0x2e4: {  	_ =	swait.ge [sflag:s17], $0x2800  }
0x2e5: {  	[sflag:s17] =	ssyncset.done $0x0  }
0x2e6: {  	s24 =	stileid.u32;
	[sflag:s17] =	ssyncadd.s32 $0xFFFFD800  }
0x2e7: {  	s12 =	sshrl.u32 s9, $0x3;
	s4 =	sshll.u32 s24, $0x6;
	[bflag:$0x0] =	sbarrier.arrive $0xFFFF  }
0x2e8: {  	s24 =	simm.s32 $0x9;
	s4 =	sor.u32 $0x1C09, s4;
	s19 =	rddreg [dreg:$0x9]  }
0x2e9: {  	[hbm:s19], [sflag:s4] =	dma.local [spmem:s12], $0x2700  }
0x2ea: {  	_ =	swait.ge [sflag:s24], $0x2700  }
0x2eb: {  	[sflag:s24] =	ssyncset.done $0x0  }
0x2ec: {  	s19 =	simm.s32 $0x0;
	s30 =	rddreg [dreg:$0xa];
	[sflag:s24] =	ssyncadd.s32 $0xFFFFD900  }
0x2ed: {  	[hbm4b:s30+s19] =	stream.linear.scatter [tilespmem:s0], [sflag:$0x9], $0x2800, $0x38;
	[tilespmem:$0x1FE00] =	vst v63  }
0x2ee: {  	_ =	swait.ge [sflag:s24], $0x2800  }
0x2ef: {  	[sflag:s24] =	ssyncset.done $0x0  }
0x2f0: {  	[sflag:s24] =	ssyncadd.s32 $0xFFFFD800;
	s24 =	rddreg [dreg:$0x6]  }
0x2f1: {  	s28 =	rddreg [dreg:$0xb];
	s12 =	sshrl.u32 @!p0 s24, $0x3  }
0x2f2: {  	[hbm:s28], [sflag:s4] =	dma.local @!p0 [spmem:s12], $0x100  }
0x2f3: {  	s4 =	simm.s32 @!p0 $0x9  }
0x2f4: {  	_ =	swait.ge @!p0 [sflag:s4], $0x100  }
0x2f5: {  	s28 =	rddreg [dreg:$0xd]  }
0x2f6: {  	s30 =	rddreg [dreg:$0xc];
	s28 =	sadd.s32 $0x1, s28  }
0x2f7: {  	p1 =	sne.s32 s28, s30  }
.Ltmp7:
0x2f8: {  	_ = 	snop;
	(pc) =	sbr.rel @p1 .LBB2_1-.Ltmp7, $3  }
0x2f9: {  	_ =	sdelay $0x1  }
0x2fa: {  	[sflag:s4] =	ssyncset.done @!p0 $0x0  }
0x2fb: {  	[sflag:s4] =	ssyncadd.s32 @!p0 $0xFFFFFF00  }
0x2fc: {  	_ =	sfence.sel $0x180000  }
0x2fd: {  	[bflag:$0x0] =	sbarrier.arrive $0xFFFF  }
0x2fe: {  	_ =	strace $0x90000047  }
0x2ff: {  	s0 =	stileid.u32;
	[bflag:$0x2] =	sbarrier.arrive $0xFFFF  }
0x300: {  	p0 =	sne.s32 s0, $0x0;
	s0 =	rddreg [dreg:$0x3]  }
0x301: {  	s0 =	sadd.s32 @!p0 $0x100000, s0  }
0x302: {  	[sflag:s0] =	ssyncadd.tile.s32 @!p0 $0x1;
	_ =	shalt  }
.Lfunc_end2:
_tile_overlayer_lowered:
.L_overlay_start_2:
0x303: {  	(tag) =	ssettag $0x2  }
0x304: {  	s0 =	rddreg [dreg:$0x0];
	s2 =	stileid.u32  }
0x305: {  	s1 =	rddreg [dreg:$0x1];
	p0 =	sne.s32 s2, $0x0  }
0x306: {  	s3 =	rddreg [dreg:$0x2];
	[bflag:$0x3] =	sbarrier.arrive $0xFFFF;
	s2 =	simm.s32 @!p0 $0x1C09  }
0x307: {  	[timem:s3], [sflag:s2] =	dma.local @!p0 [hbm:s0], s1  }
0x308: {  	s0 =	simm.s32 @!p0 $0x9  }
0x309: {  	_ =	swait.ge @!p0 [sflag:s0], s1  }
0x30a: {  	s1 =	ssub.s32 @!p0 $0x0, s1;
	[sflag:s0] =	ssyncset.done @!p0 $0x0  }
0x30b: {  	[sflag:s0] =	ssyncadd.s32 @!p0 s1  }
0x30c: {  	[bflag:$0x3] =	sbarrier.arrive $0xFFFF  }
0x30d: {  	_ =	shalt  }

</sc_bundles>
